<compile_context>
chip_gen: v7x
topology: tpu7x:2x2x1
jax: 0.10.2.dev20260603
libtpu: 0.0.44.dev20260713+nightly
codegen_flags: <defaults>
</compile_context>

<pallas_src>
import functools

import jax
import jax.numpy as jnp
from jax import lax
from jax.experimental import pallas as pl
from jax.experimental.pallas import tpu as pltpu
from jax.experimental.pallas import tpu_sc as plsc

NC = 2
NS = 16
LANES = 16

NCH = 5
SCAT = 80


def _tc_transform(x, Wm, Wr, b2):
    N, DIN = x.shape
    RD = Wm.shape[1]
    DOUT = Wr.shape[1]
    R = RD // DOUT
    BN = 10000
    assert N % BN == 0

    def body(x_ref, wm_ref, wr_ref, b_ref, y_ref, r_ref):
        xb = x_ref[...]
        y_ref[...] = jnp.dot(xb, wm_ref[...], preferred_element_type=jnp.float32)
        r_ref[0] = (
            jnp.dot(xb, wr_ref[...], preferred_element_type=jnp.float32)
            + b_ref[...]
        )
        r_ref[1] = jnp.zeros((BN, DOUT), jnp.float32)

    return pl.pallas_call(
        body,
        grid=(N // BN,),
        in_specs=[
            pl.BlockSpec((BN, DIN), lambda i: (i, 0)),
            pl.BlockSpec((DIN, RD), lambda i: (0, 0)),
            pl.BlockSpec((DIN, DOUT), lambda i: (0, 0)),
            pl.BlockSpec((1, DOUT), lambda i: (0, 0)),
        ],
        out_specs=[
            pl.BlockSpec((BN, RD), lambda i: (i, 0)),
            pl.BlockSpec((2, BN, DOUT), lambda i: (0, i, 0)),
        ],
        out_shape=[
            jax.ShapeDtypeStruct((N, RD), jnp.float32),
            jax.ShapeDtypeStruct((2, N, DOUT), jnp.float32),
        ],
    )(x, Wm, Wr, b2)


def _make_sc_scatter(DOUT, EW, N_acc, R):
    CH = EW // NCH
    NSC = CH // SCAT
    RPT = N_acc // NS
    mesh = plsc.VectorSubcoreMesh(core_axis_name="c", subcore_axis_name="s")

    @functools.partial(
        pl.kernel,
        out_type=jax.ShapeDtypeStruct((NC, N_acc, DOUT), jnp.float32),
        mesh=mesh,
        compiler_params=pltpu.CompilerParams(use_tc_tiling_on_sc=False),
        scratch_types=[
            pltpu.VMEM((EW,), jnp.int32),
            pltpu.VMEM((EW,), jnp.int32),
            pltpu.VMEM((EW,), jnp.int32),
            pltpu.VMEM((CH, DOUT), jnp.float32),
            pltpu.VMEM((CH, DOUT), jnp.float32),
            pltpu.VMEM_SHARED((N_acc, DOUT), jnp.float32),
            pltpu.SemaphoreType.DMA,
            pltpu.SemaphoreType.DMA,
            pltpu.SemaphoreType.DMA,
        ],
    )
    def sc_kernel(table_hbm, src_hbm, type_hbm, dst_hbm, init_hbm, out_hbm,
                  sbuf, tbuf, dbuf, rows_a, rows_b, acc, sem_a, sem_b, sem_s):
        cid = lax.axis_index("c")
        sid = lax.axis_index("s")
        wid = sid * NC + cid
        base = wid * EW

        r0 = sid * RPT
        pltpu.sync_copy(init_hbm.at[cid].at[pl.ds(r0, RPT)],
                        acc.at[pl.ds(r0, RPT)])

        pltpu.sync_copy(src_hbm.at[pl.ds(base, EW)], sbuf)
        pltpu.sync_copy(type_hbm.at[pl.ds(base, EW)], tbuf)
        pltpu.sync_copy(dst_hbm.at[pl.ds(base, EW)], dbuf)

        def idx_body(i, _):
            s = sbuf[pl.ds(i * LANES, LANES)]
            t = tbuf[pl.ds(i * LANES, LANES)]
            sbuf[pl.ds(i * LANES, LANES)] = s * R + t
            return 0

        lax.fori_loop(0, EW // LANES, idx_body, 0)

        plsc.subcore_barrier()

        bufs = (rows_a, rows_b)
        sems = (sem_a, sem_b)
        cps = [None, None]
        cps[0] = pltpu.async_copy(
            table_hbm.at[sbuf.at[pl.ds(0, CH)]], rows_a, sem_a)
        for h in range(NCH):
            cur = bufs[h % 2]
            if h + 1 < NCH:
                cps[(h + 1) % 2] = pltpu.async_copy(
                    table_hbm.at[sbuf.at[pl.ds((h + 1) * CH, CH)]],
                    bufs[(h + 1) % 2], sems[(h + 1) % 2])
            cps[h % 2].wait()
            scs = []
            for j in range(NSC):
                scs.append(pltpu.async_copy(
                    cur.at[pl.ds(j * SCAT, SCAT)],
                    acc.at[dbuf.at[pl.ds(h * CH + j * SCAT, SCAT)]],
                    sem_s, add=True))
            for cp in scs:
                cp.wait()

        plsc.subcore_barrier()

        r0 = sid * RPT
        pltpu.sync_copy(acc.at[pl.ds(r0, RPT)],
                        out_hbm.at[cid].at[pl.ds(r0, RPT)])

    return sc_kernel


def kernel(x, edge_index, edge_type, edge_ptr, W, W_root, bias):
    N, DIN = x.shape
    R, _, DOUT = W.shape
    E = edge_type.shape[0]
    NW = NC * NS

    Wm = jnp.transpose(W, (1, 0, 2)).reshape(DIN, R * DOUT)
    y_msg, init = _tc_transform(x, Wm, W_root, bias.reshape(1, DOUT))
    table = y_msg.reshape(N * R, DOUT)

    assert E % (NW * NCH * SCAT) == 0
    EW = E // NW

    N_acc = ((N + NS - 1) // NS) * NS
    assert N_acc == N

    sc = _make_sc_scatter(DOUT, EW, N_acc, R)
    parts = sc(table, edge_index[0], edge_type, edge_index[1], init)
    return parts[0] + parts[1]

# --- scband reference (transcript-rebuilt; emitter-appended) ---
"""Pipeline reference for scband-net-88510686036594 (READ-ONLY COPY).

The authoritative reference and input builder live on the scoring server;
editing this copy changes nothing except your own understanding.
"""

import jax, jax.numpy as jnp
import numpy as np

N, E, R, DIN, DOUT = 10000, 320000, 8, 128, 16


def setup_inputs(seed: int = 0) -> dict:
    key = jax.random.key(seed)
    ks = jax.random.split(key, 6)
    x = jax.random.normal(ks[0], (N, DIN), dtype=jnp.float32)
    edge_index = jax.random.randint(ks[1], (2, E), 0, N, dtype=jnp.int32)
    edge_type = jnp.sort(jax.random.randint(ks[2], (E,), 0, R, dtype=jnp.int32))
    edge_ptr = jnp.searchsorted(edge_type, jnp.arange(R + 1, dtype=jnp.int32)).astype(jnp.int32)
    W = jax.random.normal(ks[3], (R, DIN, DOUT), dtype=jnp.float32) * (1.0 / np.sqrt(DIN))
    W_root = jax.random.normal(ks[4], (DIN, DOUT), dtype=jnp.float32) * (1.0 / np.sqrt(DIN))
    bias = jnp.zeros((DOUT,), dtype=jnp.float32)
    return {"x": x, "edge_index": edge_index, "edge_type": edge_type,
            "edge_ptr": edge_ptr, "W": W, "W_root": W_root, "bias": bias}


def reference(x, edge_index, edge_type, edge_ptr, W, W_root, bias):
    # RGCNConv: out[i] = sum over incoming edges e (type r): x[src(e)] @ W[r],
    # plus root transform x @ W_root + bias.
    src = edge_index[0]
    dst = edge_index[1]
    # Precompute per-relation node transforms: [R, N, DOUT]
    xW = jnp.einsum('nd,rdo->rno', x, W)
    # Gather per-edge message by (relation, source node)
    msg = xW[edge_type, src]  # [E, DOUT]
    agg = jax.ops.segment_sum(msg, dst, num_segments=x.shape[0])  # [N, DOUT]
    out = agg + x @ W_root + bias
    return out

if __name__ == "__main__":
    import jax
    _d = setup_inputs()
    print(jax.jit(kernel)(*tuple(_d.values())))

</pallas_src>

<mosaic_0001>
#map = affine_map<(d0, d1) -> (0, 0)>
#map1 = affine_map<(d0, d1) -> (0)>
#map2 = affine_map<(d0, d1) -> (0, 0, 0)>
module attributes {stable_mosaic.version = 14 : i64} {
  func.func @sc_kernel(%arg0: i32, %arg1: i32, %arg2: memref<80000x16xf32, #tpu.memory_space<hbm>>, %arg3: memref<320000xi32, #tpu.memory_space<hbm>>, %arg4: memref<320000xi32, #tpu.memory_space<hbm>>, %arg5: memref<320000xi32, #tpu.memory_space<hbm>>, %arg6: memref<2x10000x16xf32, #tpu.memory_space<hbm>>, %arg7: memref<2x10000x16xf32, #tpu.memory_space<hbm>>, %arg8: memref<10000xi32, #tpu.memory_space<vmem>>, %arg9: memref<10000xi32, #tpu.memory_space<vmem>>, %arg10: memref<10000xi32, #tpu.memory_space<vmem>>, %arg11: memref<2000x16xf32, #tpu.memory_space<vmem>>, %arg12: memref<2000x16xf32, #tpu.memory_space<vmem>>, %arg13: memref<10000x16xf32, #tpu.memory_space<vmem_shared>>, %arg14: memref<!tpu.dma_semaphore, #tpu.memory_space<semaphore_mem>>, %arg15: memref<!tpu.dma_semaphore, #tpu.memory_space<semaphore_mem>>, %arg16: memref<!tpu.dma_semaphore, #tpu.memory_space<semaphore_mem>>) attributes {dimension_semantics = [#tpu.dimension_semantics<core_parallel>, #tpu.dimension_semantics<subcore_parallel>], iteration_bounds = array<i64: 2, 16>, scalar_prefetch = 0 : i64, scratch_operands = 9 : i64, tpu.core_type = #tpu.core_type<sc_vector_subcore>, window_params = [{transform_indices = #map}, {transform_indices = #map1}, {transform_indices = #map1}, {transform_indices = #map1}, {transform_indices = #map2}, {transform_indices = #map2}]} {
    %mul3A = arith.constant 2 : i32
    %mul3A_0 = arith.muli %arg1, %mul3A : i32
    %add3A = arith.addi %mul3A_0, %arg0 : i32
    %mul3A_1 = arith.constant 10000 : i32
    %mul3A_2 = arith.muli %add3A, %mul3A_1 : i32
    %mul3A_3 = arith.constant 625 : i32
    %mul3A_4 = arith.muli %arg1, %mul3A_3 : i32
    "tpu.region"() ({
      %run_scoped3A = tpu.sem_alloc : memref<!tpu.dma_semaphore, #tpu.memory_space<semaphore_mem>>
      %dma_start3A_2062 = arith.constant 0 : i32
      %dma_start3A_2063 = tpu.memref_slice %arg13[%mul3A_4, %dma_start3A_2062] : memref<10000x16xf32, #tpu.memory_space<vmem_shared>> -> memref<625x16xf32, #tpu.memory_space<vmem_shared>>
      %dma_start3A_2064 = arith.constant 0 : i32
      %dma_start3A_2065 = arith.constant 0 : i32
      %dma_start3A_2066 = tpu.memref_slice %arg6[%arg0, %dma_start3A_2064, %dma_start3A_2065] : memref<2x10000x16xf32, #tpu.memory_space<hbm>> -> memref<1x10000x16xf32, #tpu.memory_space<hbm>>
      %dma_start3A_2067 = tpu.memref_squeeze %dma_start3A_2066 : memref<1x10000x16xf32, #tpu.memory_space<hbm>> -> memref<10000x16xf32, #tpu.memory_space<hbm>>
      %dma_start3A_2068 = arith.constant 0 : i32
      %dma_start3A_2069 = tpu.memref_slice %dma_start3A_2067[%mul3A_4, %dma_start3A_2068] : memref<10000x16xf32, #tpu.memory_space<hbm>> -> memref<625x16xf32, #tpu.memory_space<hbm>>
      tpu.enqueue_dma source(%dma_start3A_2069 : memref<625x16xf32, #tpu.memory_space<hbm>>) target(%dma_start3A_2063 : memref<625x16xf32, #tpu.memory_space<vmem_shared>>) target_semaphore(%run_scoped3A : memref<!tpu.dma_semaphore, #tpu.memory_space<semaphore_mem>>)
      %dma_wait3A_2070 = arith.constant 0 : i32
      %dma_wait3A_2071 = tpu.memref_slice %arg13[%mul3A_4, %dma_wait3A_2070] : memref<10000x16xf32, #tpu.memory_space<vmem_shared>> -> memref<625x16xf32, #tpu.memory_space<vmem_shared>>
      %dma_wait3A_2072 = arith.constant 0 : i32
      %dma_wait3A_2073 = arith.constant 0 : i32
      %dma_wait3A_2074 = tpu.memref_slice %arg6[%arg0, %dma_wait3A_2072, %dma_wait3A_2073] : memref<2x10000x16xf32, #tpu.memory_space<hbm>> -> memref<1x10000x16xf32, #tpu.memory_space<hbm>>
      %dma_wait3A_2075 = tpu.memref_squeeze %dma_wait3A_2074 : memref<1x10000x16xf32, #tpu.memory_space<hbm>> -> memref<10000x16xf32, #tpu.memory_space<hbm>>
      %dma_wait3A_2076 = arith.constant 0 : i32
      %dma_wait3A_2077 = tpu.memref_slice %dma_wait3A_2075[%mul3A_4, %dma_wait3A_2076] : memref<10000x16xf32, #tpu.memory_space<hbm>> -> memref<625x16xf32, #tpu.memory_space<hbm>>
      tpu.wait_dma2 semaphore(%run_scoped3A : memref<!tpu.dma_semaphore, #tpu.memory_space<semaphore_mem>>) src(%dma_wait3A_2077 : memref<625x16xf32, #tpu.memory_space<hbm>>) dst(%dma_wait3A_2071 : memref<625x16xf32, #tpu.memory_space<vmem_shared>>)
      tpu.yield
    }) : () -> ()
    "tpu.region"() ({
      %run_scoped3A = tpu.sem_alloc : memref<!tpu.dma_semaphore, #tpu.memory_space<semaphore_mem>>
      %dma_start3A_2062 = tpu.memref_slice %arg3[%mul3A_2] : memref<320000xi32, #tpu.memory_space<hbm>> -> memref<10000xi32, #tpu.memory_space<hbm>>
      %dma_start3A_2063 = tpu.memref_slice %arg3[%mul3A_2] : memref<320000xi32, #tpu.memory_space<hbm>> -> memref<10000xi32, #tpu.memory_space<hbm>>
      tpu.enqueue_dma source(%dma_start3A_2063 : memref<10000xi32, #tpu.memory_space<hbm>>) target(%arg8 : memref<10000xi32, #tpu.memory_space<vmem>>) target_semaphore(%run_scoped3A : memref<!tpu.dma_semaphore, #tpu.memory_space<semaphore_mem>>)
      %dma_wait3A_2064 = tpu.memref_slice %arg3[%mul3A_2] : memref<320000xi32, #tpu.memory_space<hbm>> -> memref<10000xi32, #tpu.memory_space<hbm>>
      %dma_wait3A_2065 = tpu.memref_slice %arg3[%mul3A_2] : memref<320000xi32, #tpu.memory_space<hbm>> -> memref<10000xi32, #tpu.memory_space<hbm>>
      tpu.wait_dma2 semaphore(%run_scoped3A : memref<!tpu.dma_semaphore, #tpu.memory_space<semaphore_mem>>) src(%dma_wait3A_2065 : memref<10000xi32, #tpu.memory_space<hbm>>) dst(%arg8 : memref<10000xi32, #tpu.memory_space<vmem>>)
      tpu.yield
    }) : () -> ()
    "tpu.region"() ({
      %run_scoped3A = tpu.sem_alloc : memref<!tpu.dma_semaphore, #tpu.memory_space<semaphore_mem>>
      %dma_start3A_2062 = tpu.memref_slice %arg4[%mul3A_2] : memref<320000xi32, #tpu.memory_space<hbm>> -> memref<10000xi32, #tpu.memory_space<hbm>>
      %dma_start3A_2063 = tpu.memref_slice %arg4[%mul3A_2] : memref<320000xi32, #tpu.memory_space<hbm>> -> memref<10000xi32, #tpu.memory_space<hbm>>
      tpu.enqueue_dma source(%dma_start3A_2063 : memref<10000xi32, #tpu.memory_space<hbm>>) target(%arg9 : memref<10000xi32, #tpu.memory_space<vmem>>) target_semaphore(%run_scoped3A : memref<!tpu.dma_semaphore, #tpu.memory_space<semaphore_mem>>)
      %dma_wait3A_2064 = tpu.memref_slice %arg4[%mul3A_2] : memref<320000xi32, #tpu.memory_space<hbm>> -> memref<10000xi32, #tpu.memory_space<hbm>>
      %dma_wait3A_2065 = tpu.memref_slice %arg4[%mul3A_2] : memref<320000xi32, #tpu.memory_space<hbm>> -> memref<10000xi32, #tpu.memory_space<hbm>>
      tpu.wait_dma2 semaphore(%run_scoped3A : memref<!tpu.dma_semaphore, #tpu.memory_space<semaphore_mem>>) src(%dma_wait3A_2065 : memref<10000xi32, #tpu.memory_space<hbm>>) dst(%arg9 : memref<10000xi32, #tpu.memory_space<vmem>>)
      tpu.yield
    }) : () -> ()
    "tpu.region"() ({
      %run_scoped3A = tpu.sem_alloc : memref<!tpu.dma_semaphore, #tpu.memory_space<semaphore_mem>>
      %dma_start3A_2062 = tpu.memref_slice %arg5[%mul3A_2] : memref<320000xi32, #tpu.memory_space<hbm>> -> memref<10000xi32, #tpu.memory_space<hbm>>
      %dma_start3A_2063 = tpu.memref_slice %arg5[%mul3A_2] : memref<320000xi32, #tpu.memory_space<hbm>> -> memref<10000xi32, #tpu.memory_space<hbm>>
      tpu.enqueue_dma source(%dma_start3A_2063 : memref<10000xi32, #tpu.memory_space<hbm>>) target(%arg10 : memref<10000xi32, #tpu.memory_space<vmem>>) target_semaphore(%run_scoped3A : memref<!tpu.dma_semaphore, #tpu.memory_space<semaphore_mem>>)
      %dma_wait3A_2064 = tpu.memref_slice %arg5[%mul3A_2] : memref<320000xi32, #tpu.memory_space<hbm>> -> memref<10000xi32, #tpu.memory_space<hbm>>
      %dma_wait3A_2065 = tpu.memref_slice %arg5[%mul3A_2] : memref<320000xi32, #tpu.memory_space<hbm>> -> memref<10000xi32, #tpu.memory_space<hbm>>
      tpu.wait_dma2 semaphore(%run_scoped3A : memref<!tpu.dma_semaphore, #tpu.memory_space<semaphore_mem>>) src(%dma_wait3A_2065 : memref<10000xi32, #tpu.memory_space<hbm>>) dst(%arg10 : memref<10000xi32, #tpu.memory_space<vmem>>)
      tpu.yield
    }) : () -> ()
    %scan3A = arith.constant 0 : i32
    %scan3A_5 = arith.constant 0 : i32
    %scan3A_6 = arith.constant 625 : i32
    %scan3A_7 = arith.addi %scan3A_5, %scan3A_6 : i32
    %scan3A_8 = arith.constant 1 : i32
    %scan3A_9 = scf.for %scan3A_2062 = %scan3A_5 to %scan3A_7 step %scan3A_8 iter_args(%scan3A_2063 = %scan3A) -> (i32)  : i32 {
      %mul3A_2064 = arith.constant 16 : i32
      %mul3A_2065 = arith.muli %scan3A_2062, %mul3A_2064 : i32
      %get3A = arith.index_cast %mul3A_2065 : i32 to index
      %get3A_2066 = tpu.vector_load %arg8[%get3A] {strides = array<i32>} : memref<10000xi32, #tpu.memory_space<vmem>>, vector<16xi32>,
      %get3A_2067 = vector.shape_cast %get3A_2066 : vector<16xi32> to vector<16xi32>
      %mul3A_2068 = arith.constant 16 : i32
      %mul3A_2069 = arith.muli %scan3A_2062, %mul3A_2068 : i32
      %get3A_2070 = arith.index_cast %mul3A_2069 : i32 to index
      %get3A_2071 = tpu.vector_load %arg9[%get3A_2070] {strides = array<i32>} : memref<10000xi32, #tpu.memory_space<vmem>>, vector<16xi32>,
      %get3A_2072 = vector.shape_cast %get3A_2071 : vector<16xi32> to vector<16xi32>
      %mul3A_2073 = arith.constant 8 : i32
      %mul3A_2074 = vector.broadcast %mul3A_2073 : i32 to vector<16xi32>
      %mul3A_2075 = arith.muli %get3A_2067, %mul3A_2074 : vector<16xi32>
      %add3A_2076 = arith.addi %mul3A_2075, %get3A_2072 : vector<16xi32>
      %mul3A_2077 = arith.constant 16 : i32
      %mul3A_2078 = arith.muli %scan3A_2062, %mul3A_2077 : i32
      %swap3A = arith.index_cast %mul3A_2078 : i32 to index
      %swap3A_2079 = tpu.vector_load %arg8[%swap3A] {strides = array<i32>} : memref<10000xi32, #tpu.memory_space<vmem>>, vector<16xi32>,
      %swap3A_2080 = vector.shape_cast %swap3A_2079 : vector<16xi32> to vector<16xi32>
      %swap3A_2081 = vector.shape_cast %add3A_2076 : vector<16xi32> to vector<16xi32>
      tpu.vector_store %arg8[%swap3A], %swap3A_2081 {strides = array<i32>} : memref<10000xi32, #tpu.memory_space<vmem>>, vector<16xi32>,
      %scan3A_2082 = arith.constant 0 : i32
      scf.yield %scan3A_2082 : i32
    }
    %scan3A_10 = arith.constant 625 : i32
    %barrier3A = arith.constant 0 : index
    tpu.barrier barrier_id(%barrier3A)
    %dma_start3A = arith.constant 0 : i32
    %dma_start3A_11 = tpu.memref_slice %arg8[%dma_start3A] : memref<10000xi32, #tpu.memory_space<vmem>> -> memref<2000xi32, #tpu.memory_space<vmem>>
    %dma_start3A_12 = arith.constant 0 : i32
    %dma_start3A_13 = arith.constant 0 : i32
    %dma_start3A_14 = tpu.memref_slice %arg2[%dma_start3A_12, %dma_start3A_13] : memref<80000x16xf32, #tpu.memory_space<hbm>> -> memref<80000x16xf32, #tpu.memory_space<hbm>>
    tpu.enqueue_indirect_dma source(%dma_start3A_14 : memref<80000x16xf32, #tpu.memory_space<hbm>>) target(%arg11 : memref<2000x16xf32, #tpu.memory_space<vmem>>) offsets(%dma_start3A_11 : memref<2000xi32, #tpu.memory_space<vmem>>) semaphore(%arg14 : memref<!tpu.dma_semaphore, #tpu.memory_space<semaphore_mem>>)
    %dma_start3A_15 = arith.constant 2000 : i32
    %dma_start3A_16 = tpu.memref_slice %arg8[%dma_start3A_15] : memref<10000xi32, #tpu.memory_space<vmem>> -> memref<2000xi32, #tpu.memory_space<vmem>>
    %dma_start3A_17 = arith.constant 0 : i32
    %dma_start3A_18 = arith.constant 0 : i32
    %dma_start3A_19 = tpu.memref_slice %arg2[%dma_start3A_17, %dma_start3A_18] : memref<80000x16xf32, #tpu.memory_space<hbm>> -> memref<80000x16xf32, #tpu.memory_space<hbm>>
    tpu.enqueue_indirect_dma source(%dma_start3A_19 : memref<80000x16xf32, #tpu.memory_space<hbm>>) target(%arg12 : memref<2000x16xf32, #tpu.memory_space<vmem>>) offsets(%dma_start3A_16 : memref<2000xi32, #tpu.memory_space<vmem>>) semaphore(%arg15 : memref<!tpu.dma_semaphore, #tpu.memory_space<semaphore_mem>>)
    %dma_wait3A = arith.constant 0 : i32
    %dma_wait3A_20 = tpu.memref_slice %arg8[%dma_wait3A] : memref<10000xi32, #tpu.memory_space<vmem>> -> memref<2000xi32, #tpu.memory_space<vmem>>
    %dma_wait3A_21 = arith.constant 0 : i32
    %dma_wait3A_22 = arith.constant 0 : i32
    %dma_wait3A_23 = tpu.memref_slice %arg2[%dma_wait3A_21, %dma_wait3A_22] : memref<80000x16xf32, #tpu.memory_space<hbm>> -> memref<80000x16xf32, #tpu.memory_space<hbm>>
    tpu.wait_indirect_dma semaphore(%arg14 : memref<!tpu.dma_semaphore, #tpu.memory_space<semaphore_mem>>) src(%dma_wait3A_23 : memref<80000x16xf32, #tpu.memory_space<hbm>>) dst(%arg11 : memref<2000x16xf32, #tpu.memory_space<vmem>>)
    %dma_start3A_24 = arith.constant 0 : i32
    %dma_start3A_25 = arith.constant 0 : i32
    %dma_start3A_26 = tpu.memref_slice %arg11[%dma_start3A_24, %dma_start3A_25] : memref<2000x16xf32, #tpu.memory_space<vmem>> -> memref<80x16xf32, #tpu.memory_space<vmem>>
    %dma_start3A_27 = arith.constant 0 : i32
    %dma_start3A_28 = tpu.memref_slice %arg10[%dma_start3A_27] : memref<10000xi32, #tpu.memory_space<vmem>> -> memref<80xi32, #tpu.memory_space<vmem>>
    %dma_start3A_29 = arith.constant 0 : i32
    %dma_start3A_30 = arith.constant 0 : i32
    %dma_start3A_31 = tpu.memref_slice %arg13[%dma_start3A_29, %dma_start3A_30] : memref<10000x16xf32, #tpu.memory_space<vmem_shared>> -> memref<10000x16xf32, #tpu.memory_space<vmem_shared>>
    tpu.enqueue_indirect_dma source(%dma_start3A_26 : memref<80x16xf32, #tpu.memory_space<vmem>>) target(%dma_start3A_31 : memref<10000x16xf32, #tpu.memory_space<vmem_shared>>) offsets(%dma_start3A_28 : memref<80xi32, #tpu.memory_space<vmem>>) semaphore(%arg16 : memref<!tpu.dma_semaphore, #tpu.memory_space<semaphore_mem>>) {add = true}
    %dma_start3A_32 = arith.constant 80 : i32
    %dma_start3A_33 = arith.constant 0 : i32
    %dma_start3A_34 = tpu.memref_slice %arg11[%dma_start3A_32, %dma_start3A_33] : memref<2000x16xf32, #tpu.memory_space<vmem>> -> memref<80x16xf32, #tpu.memory_space<vmem>>
    %dma_start3A_35 = arith.constant 80 : i32
    %dma_start3A_36 = tpu.memref_slice %arg10[%dma_start3A_35] : memref<10000xi32, #tpu.memory_space<vmem>> -> memref<80xi32, #tpu.memory_space<vmem>>
    %dma_start3A_37 = arith.constant 0 : i32
    %dma_start3A_38 = arith.constant 0 : i32
    %dma_start3A_39 = tpu.memref_slice %arg13[%dma_start3A_37, %dma_start3A_38] : memref<10000x16xf32, #tpu.memory_space<vmem_shared>> -> memref<10000x16xf32, #tpu.memory_space<vmem_shared>>
    tpu.enqueue_indirect_dma source(%dma_start3A_34 : memref<80x16xf32, #tpu.memory_space<vmem>>) target(%dma_start3A_39 : memref<10000x16xf32, #tpu.memory_space<vmem_shared>>) offsets(%dma_start3A_36 : memref<80xi32, #tpu.memory_space<vmem>>) semaphore(%arg16 : memref<!tpu.dma_semaphore, #tpu.memory_space<semaphore_mem>>) {add = true}
    %dma_start3A_40 = arith.constant 160 : i32
    %dma_start3A_41 = arith.constant 0 : i32
    %dma_start3A_42 = tpu.memref_slice %arg11[%dma_start3A_40, %dma_start3A_41] : memref<2000x16xf32, #tpu.memory_space<vmem>> -> memref<80x16xf32, #tpu.memory_space<vmem>>
    %dma_start3A_43 = arith.constant 160 : i32
    %dma_start3A_44 = tpu.memref_slice %arg10[%dma_start3A_43] : memref<10000xi32, #tpu.memory_space<vmem>> -> memref<80xi32, #tpu.memory_space<vmem>>
    %dma_start3A_45 = arith.constant 0 : i32
    %dma_start3A_46 = arith.constant 0 : i32
    %dma_start3A_47 = tpu.memref_slice %arg13[%dma_start3A_45, %dma_start3A_46] : memref<10000x16xf32, #tpu.memory_space<vmem_shared>> -> memref<10000x16xf32, #tpu.memory_space<vmem_shared>>
    tpu.enqueue_indirect_dma source(%dma_start3A_42 : memref<80x16xf32, #tpu.memory_space<vmem>>) target(%dma_start3A_47 : memref<10000x16xf32, #tpu.memory_space<vmem_shared>>) offsets(%dma_start3A_44 : memref<80xi32, #tpu.memory_space<vmem>>) semaphore(%arg16 : memref<!tpu.dma_semaphore, #tpu.memory_space<semaphore_mem>>) {add = true}
    %dma_start3A_48 = arith.constant 240 : i32
    %dma_start3A_49 = arith.constant 0 : i32
    %dma_start3A_50 = tpu.memref_slice %arg11[%dma_start3A_48, %dma_start3A_49] : memref<2000x16xf32, #tpu.memory_space<vmem>> -> memref<80x16xf32, #tpu.memory_space<vmem>>
    %dma_start3A_51 = arith.constant 240 : i32
    %dma_start3A_52 = tpu.memref_slice %arg10[%dma_start3A_51] : memref<10000xi32, #tpu.memory_space<vmem>> -> memref<80xi32, #tpu.memory_space<vmem>>
    %dma_start3A_53 = arith.constant 0 : i32
    %dma_start3A_54 = arith.constant 0 : i32
    %dma_start3A_55 = tpu.memref_slice %arg13[%dma_start3A_53, %dma_start3A_54] : memref<10000x16xf32, #tpu.memory_space<vmem_shared>> -> memref<10000x16xf32, #tpu.memory_space<vmem_shared>>
    tpu.enqueue_indirect_dma source(%dma_start3A_50 : memref<80x16xf32, #tpu.memory_space<vmem>>) target(%dma_start3A_55 : memref<10000x16xf32, #tpu.memory_space<vmem_shared>>) offsets(%dma_start3A_52 : memref<80xi32, #tpu.memory_space<vmem>>) semaphore(%arg16 : memref<!tpu.dma_semaphore, #tpu.memory_space<semaphore_mem>>) {add = true}
    %dma_start3A_56 = arith.constant 320 : i32
    %dma_start3A_57 = arith.constant 0 : i32
    %dma_start3A_58 = tpu.memref_slice %arg11[%dma_start3A_56, %dma_start3A_57] : memref<2000x16xf32, #tpu.memory_space<vmem>> -> memref<80x16xf32, #tpu.memory_space<vmem>>
    %dma_start3A_59 = arith.constant 320 : i32
    %dma_start3A_60 = tpu.memref_slice %arg10[%dma_start3A_59] : memref<10000xi32, #tpu.memory_space<vmem>> -> memref<80xi32, #tpu.memory_space<vmem>>
    %dma_start3A_61 = arith.constant 0 : i32
    %dma_start3A_62 = arith.constant 0 : i32
    %dma_start3A_63 = tpu.memref_slice %arg13[%dma_start3A_61, %dma_start3A_62] : memref<10000x16xf32, #tpu.memory_space<vmem_shared>> -> memref<10000x16xf32, #tpu.memory_space<vmem_shared>>
    tpu.enqueue_indirect_dma source(%dma_start3A_58 : memref<80x16xf32, #tpu.memory_space<vmem>>) target(%dma_start3A_63 : memref<10000x16xf32, #tpu.memory_space<vmem_shared>>) offsets(%dma_start3A_60 : memref<80xi32, #tpu.memory_space<vmem>>) semaphore(%arg16 : memref<!tpu.dma_semaphore, #tpu.memory_space<semaphore_mem>>) {add = true}
    %dma_start3A_64 = arith.constant 400 : i32
    %dma_start3A_65 = arith.constant 0 : i32
    %dma_start3A_66 = tpu.memref_slice %arg11[%dma_start3A_64, %dma_start3A_65] : memref<2000x16xf32, #tpu.memory_space<vmem>> -> memref<80x16xf32, #tpu.memory_space<vmem>>
    %dma_start3A_67 = arith.constant 400 : i32
    %dma_start3A_68 = tpu.memref_slice %arg10[%dma_start3A_67] : memref<10000xi32, #tpu.memory_space<vmem>> -> memref<80xi32, #tpu.memory_space<vmem>>
    %dma_start3A_69 = arith.constant 0 : i32
    %dma_start3A_70 = arith.constant 0 : i32
    %dma_start3A_71 = tpu.memref_slice %arg13[%dma_start3A_69, %dma_start3A_70] : memref<10000x16xf32, #tpu.memory_space<vmem_shared>> -> memref<10000x16xf32, #tpu.memory_space<vmem_shared>>
    tpu.enqueue_indirect_dma source(%dma_start3A_66 : memref<80x16xf32, #tpu.memory_space<vmem>>) target(%dma_start3A_71 : memref<10000x16xf32, #tpu.memory_space<vmem_shared>>) offsets(%dma_start3A_68 : memref<80xi32, #tpu.memory_space<vmem>>) semaphore(%arg16 : memref<!tpu.dma_semaphore, #tpu.memory_space<semaphore_mem>>) {add = true}
    %dma_start3A_72 = arith.constant 480 : i32
    %dma_start3A_73 = arith.constant 0 : i32
    %dma_start3A_74 = tpu.memref_slice %arg11[%dma_start3A_72, %dma_start3A_73] : memref<2000x16xf32, #tpu.memory_space<vmem>> -> memref<80x16xf32, #tpu.memory_space<vmem>>
    %dma_start3A_75 = arith.constant 480 : i32
    %dma_start3A_76 = tpu.memref_slice %arg10[%dma_start3A_75] : memref<10000xi32, #tpu.memory_space<vmem>> -> memref<80xi32, #tpu.memory_space<vmem>>
    %dma_start3A_77 = arith.constant 0 : i32
    %dma_start3A_78 = arith.constant 0 : i32
    %dma_start3A_79 = tpu.memref_slice %arg13[%dma_start3A_77, %dma_start3A_78] : memref<10000x16xf32, #tpu.memory_space<vmem_shared>> -> memref<10000x16xf32, #tpu.memory_space<vmem_shared>>
    tpu.enqueue_indirect_dma source(%dma_start3A_74 : memref<80x16xf32, #tpu.memory_space<vmem>>) target(%dma_start3A_79 : memref<10000x16xf32, #tpu.memory_space<vmem_shared>>) offsets(%dma_start3A_76 : memref<80xi32, #tpu.memory_space<vmem>>) semaphore(%arg16 : memref<!tpu.dma_semaphore, #tpu.memory_space<semaphore_mem>>) {add = true}
    %dma_start3A_80 = arith.constant 560 : i32
    %dma_start3A_81 = arith.constant 0 : i32
    %dma_start3A_82 = tpu.memref_slice %arg11[%dma_start3A_80, %dma_start3A_81] : memref<2000x16xf32, #tpu.memory_space<vmem>> -> memref<80x16xf32, #tpu.memory_space<vmem>>
    %dma_start3A_83 = arith.constant 560 : i32
    %dma_start3A_84 = tpu.memref_slice %arg10[%dma_start3A_83] : memref<10000xi32, #tpu.memory_space<vmem>> -> memref<80xi32, #tpu.memory_space<vmem>>
    %dma_start3A_85 = arith.constant 0 : i32
    %dma_start3A_86 = arith.constant 0 : i32
    %dma_start3A_87 = tpu.memref_slice %arg13[%dma_start3A_85, %dma_start3A_86] : memref<10000x16xf32, #tpu.memory_space<vmem_shared>> -> memref<10000x16xf32, #tpu.memory_space<vmem_shared>>
    tpu.enqueue_indirect_dma source(%dma_start3A_82 : memref<80x16xf32, #tpu.memory_space<vmem>>) target(%dma_start3A_87 : memref<10000x16xf32, #tpu.memory_space<vmem_shared>>) offsets(%dma_start3A_84 : memref<80xi32, #tpu.memory_space<vmem>>) semaphore(%arg16 : memref<!tpu.dma_semaphore, #tpu.memory_space<semaphore_mem>>) {add = true}
    %dma_start3A_88 = arith.constant 640 : i32
    %dma_start3A_89 = arith.constant 0 : i32
    %dma_start3A_90 = tpu.memref_slice %arg11[%dma_start3A_88, %dma_start3A_89] : memref<2000x16xf32, #tpu.memory_space<vmem>> -> memref<80x16xf32, #tpu.memory_space<vmem>>
    %dma_start3A_91 = arith.constant 640 : i32
    %dma_start3A_92 = tpu.memref_slice %arg10[%dma_start3A_91] : memref<10000xi32, #tpu.memory_space<vmem>> -> memref<80xi32, #tpu.memory_space<vmem>>
    %dma_start3A_93 = arith.constant 0 : i32
    %dma_start3A_94 = arith.constant 0 : i32
    %dma_start3A_95 = tpu.memref_slice %arg13[%dma_start3A_93, %dma_start3A_94] : memref<10000x16xf32, #tpu.memory_space<vmem_shared>> -> memref<10000x16xf32, #tpu.memory_space<vmem_shared>>
    tpu.enqueue_indirect_dma source(%dma_start3A_90 : memref<80x16xf32, #tpu.memory_space<vmem>>) target(%dma_start3A_95 : memref<10000x16xf32, #tpu.memory_space<vmem_shared>>) offsets(%dma_start3A_92 : memref<80xi32, #tpu.memory_space<vmem>>) semaphore(%arg16 : memref<!tpu.dma_semaphore, #tpu.memory_space<semaphore_mem>>) {add = true}
    %dma_start3A_96 = arith.constant 720 : i32
    %dma_start3A_97 = arith.constant 0 : i32
    %dma_start3A_98 = tpu.memref_slice %arg11[%dma_start3A_96, %dma_start3A_97] : memref<2000x16xf32, #tpu.memory_space<vmem>> -> memref<80x16xf32, #tpu.memory_space<vmem>>
    %dma_start3A_99 = arith.constant 720 : i32
    %dma_start3A_100 = tpu.memref_slice %arg10[%dma_start3A_99] : memref<10000xi32, #tpu.memory_space<vmem>> -> memref<80xi32, #tpu.memory_space<vmem>>
    %dma_start3A_101 = arith.constant 0 : i32
    %dma_start3A_102 = arith.constant 0 : i32
    %dma_start3A_103 = tpu.memref_slice %arg13[%dma_start3A_101, %dma_start3A_102] : memref<10000x16xf32, #tpu.memory_space<vmem_shared>> -> memref<10000x16xf32, #tpu.memory_space<vmem_shared>>
    tpu.enqueue_indirect_dma source(%dma_start3A_98 : memref<80x16xf32, #tpu.memory_space<vmem>>) target(%dma_start3A_103 : memref<10000x16xf32, #tpu.memory_space<vmem_shared>>) offsets(%dma_start3A_100 : memref<80xi32, #tpu.memory_space<vmem>>) semaphore(%arg16 : memref<!tpu.dma_semaphore, #tpu.memory_space<semaphore_mem>>) {add = true}
    %dma_start3A_104 = arith.constant 800 : i32
    %dma_start3A_105 = arith.constant 0 : i32
    %dma_start3A_106 = tpu.memref_slice %arg11[%dma_start3A_104, %dma_start3A_105] : memref<2000x16xf32, #tpu.memory_space<vmem>> -> memref<80x16xf32, #tpu.memory_space<vmem>>
    %dma_start3A_107 = arith.constant 800 : i32
    %dma_start3A_108 = tpu.memref_slice %arg10[%dma_start3A_107] : memref<10000xi32, #tpu.memory_space<vmem>> -> memref<80xi32, #tpu.memory_space<vmem>>
    %dma_start3A_109 = arith.constant 0 : i32
    %dma_start3A_110 = arith.constant 0 : i32
    %dma_start3A_111 = tpu.memref_slice %arg13[%dma_start3A_109, %dma_start3A_110] : memref<10000x16xf32, #tpu.memory_space<vmem_shared>> -> memref<10000x16xf32, #tpu.memory_space<vmem_shared>>
    tpu.enqueue_indirect_dma source(%dma_start3A_106 : memref<80x16xf32, #tpu.memory_space<vmem>>) target(%dma_start3A_111 : memref<10000x16xf32, #tpu.memory_space<vmem_shared>>) offsets(%dma_start3A_108 : memref<80xi32, #tpu.memory_space<vmem>>) semaphore(%arg16 : memref<!tpu.dma_semaphore, #tpu.memory_space<semaphore_mem>>) {add = true}
    %dma_start3A_112 = arith.constant 880 : i32
    %dma_start3A_113 = arith.constant 0 : i32
    %dma_start3A_114 = tpu.memref_slice %arg11[%dma_start3A_112, %dma_start3A_113] : memref<2000x16xf32, #tpu.memory_space<vmem>> -> memref<80x16xf32, #tpu.memory_space<vmem>>
    %dma_start3A_115 = arith.constant 880 : i32
    %dma_start3A_116 = tpu.memref_slice %arg10[%dma_start3A_115] : memref<10000xi32, #tpu.memory_space<vmem>> -> memref<80xi32, #tpu.memory_space<vmem>>
    %dma_start3A_117 = arith.constant 0 : i32
    %dma_start3A_118 = arith.constant 0 : i32
    %dma_start3A_119 = tpu.memref_slice %arg13[%dma_start3A_117, %dma_start3A_118] : memref<10000x16xf32, #tpu.memory_space<vmem_shared>> -> memref<10000x16xf32, #tpu.memory_space<vmem_shared>>
    tpu.enqueue_indirect_dma source(%dma_start3A_114 : memref<80x16xf32, #tpu.memory_space<vmem>>) target(%dma_start3A_119 : memref<10000x16xf32, #tpu.memory_space<vmem_shared>>) offsets(%dma_start3A_116 : memref<80xi32, #tpu.memory_space<vmem>>) semaphore(%arg16 : memref<!tpu.dma_semaphore, #tpu.memory_space<semaphore_mem>>) {add = true}
    %dma_start3A_120 = arith.constant 960 : i32
    %dma_start3A_121 = arith.constant 0 : i32
    %dma_start3A_122 = tpu.memref_slice %arg11[%dma_start3A_120, %dma_start3A_121] : memref<2000x16xf32, #tpu.memory_space<vmem>> -> memref<80x16xf32, #tpu.memory_space<vmem>>
    %dma_start3A_123 = arith.constant 960 : i32
    %dma_start3A_124 = tpu.memref_slice %arg10[%dma_start3A_123] : memref<10000xi32, #tpu.memory_space<vmem>> -> memref<80xi32, #tpu.memory_space<vmem>>
    %dma_start3A_125 = arith.constant 0 : i32
    %dma_start3A_126 = arith.constant 0 : i32
    %dma_start3A_127 = tpu.memref_slice %arg13[%dma_start3A_125, %dma_start3A_126] : memref<10000x16xf32, #tpu.memory_space<vmem_shared>> -> memref<10000x16xf32, #tpu.memory_space<vmem_shared>>
    tpu.enqueue_indirect_dma source(%dma_start3A_122 : memref<80x16xf32, #tpu.memory_space<vmem>>) target(%dma_start3A_127 : memref<10000x16xf32, #tpu.memory_space<vmem_shared>>) offsets(%dma_start3A_124 : memref<80xi32, #tpu.memory_space<vmem>>) semaphore(%arg16 : memref<!tpu.dma_semaphore, #tpu.memory_space<semaphore_mem>>) {add = true}
    %dma_start3A_128 = arith.constant 1040 : i32
    %dma_start3A_129 = arith.constant 0 : i32
    %dma_start3A_130 = tpu.memref_slice %arg11[%dma_start3A_128, %dma_start3A_129] : memref<2000x16xf32, #tpu.memory_space<vmem>> -> memref<80x16xf32, #tpu.memory_space<vmem>>
    %dma_start3A_131 = arith.constant 1040 : i32
    %dma_start3A_132 = tpu.memref_slice %arg10[%dma_start3A_131] : memref<10000xi32, #tpu.memory_space<vmem>> -> memref<80xi32, #tpu.memory_space<vmem>>
    %dma_start3A_133 = arith.constant 0 : i32
    %dma_start3A_134 = arith.constant 0 : i32
    %dma_start3A_135 = tpu.memref_slice %arg13[%dma_start3A_133, %dma_start3A_134] : memref<10000x16xf32, #tpu.memory_space<vmem_shared>> -> memref<10000x16xf32, #tpu.memory_space<vmem_shared>>
    tpu.enqueue_indirect_dma source(%dma_start3A_130 : memref<80x16xf32, #tpu.memory_space<vmem>>) target(%dma_start3A_135 : memref<10000x16xf32, #tpu.memory_space<vmem_shared>>) offsets(%dma_start3A_132 : memref<80xi32, #tpu.memory_space<vmem>>) semaphore(%arg16 : memref<!tpu.dma_semaphore, #tpu.memory_space<semaphore_mem>>) {add = true}
    %dma_start3A_136 = arith.constant 1120 : i32
    %dma_start3A_137 = arith.constant 0 : i32
    %dma_start3A_138 = tpu.memref_slice %arg11[%dma_start3A_136, %dma_start3A_137] : memref<2000x16xf32, #tpu.memory_space<vmem>> -> memref<80x16xf32, #tpu.memory_space<vmem>>
    %dma_start3A_139 = arith.constant 1120 : i32
    %dma_start3A_140 = tpu.memref_slice %arg10[%dma_start3A_139] : memref<10000xi32, #tpu.memory_space<vmem>> -> memref<80xi32, #tpu.memory_space<vmem>>
    %dma_start3A_141 = arith.constant 0 : i32
    %dma_start3A_142 = arith.constant 0 : i32
    %dma_start3A_143 = tpu.memref_slice %arg13[%dma_start3A_141, %dma_start3A_142] : memref<10000x16xf32, #tpu.memory_space<vmem_shared>> -> memref<10000x16xf32, #tpu.memory_space<vmem_shared>>
    tpu.enqueue_indirect_dma source(%dma_start3A_138 : memref<80x16xf32, #tpu.memory_space<vmem>>) target(%dma_start3A_143 : memref<10000x16xf32, #tpu.memory_space<vmem_shared>>) offsets(%dma_start3A_140 : memref<80xi32, #tpu.memory_space<vmem>>) semaphore(%arg16 : memref<!tpu.dma_semaphore, #tpu.memory_space<semaphore_mem>>) {add = true}
    %dma_start3A_144 = arith.constant 1200 : i32
    %dma_start3A_145 = arith.constant 0 : i32
    %dma_start3A_146 = tpu.memref_slice %arg11[%dma_start3A_144, %dma_start3A_145] : memref<2000x16xf32, #tpu.memory_space<vmem>> -> memref<80x16xf32, #tpu.memory_space<vmem>>
    %dma_start3A_147 = arith.constant 1200 : i32
    %dma_start3A_148 = tpu.memref_slice %arg10[%dma_start3A_147] : memref<10000xi32, #tpu.memory_space<vmem>> -> memref<80xi32, #tpu.memory_space<vmem>>
    %dma_start3A_149 = arith.constant 0 : i32
    %dma_start3A_150 = arith.constant 0 : i32
    %dma_start3A_151 = tpu.memref_slice %arg13[%dma_start3A_149, %dma_start3A_150] : memref<10000x16xf32, #tpu.memory_space<vmem_shared>> -> memref<10000x16xf32, #tpu.memory_space<vmem_shared>>
    tpu.enqueue_indirect_dma source(%dma_start3A_146 : memref<80x16xf32, #tpu.memory_space<vmem>>) target(%dma_start3A_151 : memref<10000x16xf32, #tpu.memory_space<vmem_shared>>) offsets(%dma_start3A_148 : memref<80xi32, #tpu.memory_space<vmem>>) semaphore(%arg16 : memref<!tpu.dma_semaphore, #tpu.memory_space<semaphore_mem>>) {add = true}
    %dma_start3A_152 = arith.constant 1280 : i32
    %dma_start3A_153 = arith.constant 0 : i32
    %dma_start3A_154 = tpu.memref_slice %arg11[%dma_start3A_152, %dma_start3A_153] : memref<2000x16xf32, #tpu.memory_space<vmem>> -> memref<80x16xf32, #tpu.memory_space<vmem>>
    %dma_start3A_155 = arith.constant 1280 : i32
    %dma_start3A_156 = tpu.memref_slice %arg10[%dma_start3A_155] : memref<10000xi32, #tpu.memory_space<vmem>> -> memref<80xi32, #tpu.memory_space<vmem>>
    %dma_start3A_157 = arith.constant 0 : i32
    %dma_start3A_158 = arith.constant 0 : i32
    %dma_start3A_159 = tpu.memref_slice %arg13[%dma_start3A_157, %dma_start3A_158] : memref<10000x16xf32, #tpu.memory_space<vmem_shared>> -> memref<10000x16xf32, #tpu.memory_space<vmem_shared>>
    tpu.enqueue_indirect_dma source(%dma_start3A_154 : memref<80x16xf32, #tpu.memory_space<vmem>>) target(%dma_start3A_159 : memref<10000x16xf32, #tpu.memory_space<vmem_shared>>) offsets(%dma_start3A_156 : memref<80xi32, #tpu.memory_space<vmem>>) semaphore(%arg16 : memref<!tpu.dma_semaphore, #tpu.memory_space<semaphore_mem>>) {add = true}
    %dma_start3A_160 = arith.constant 1360 : i32
    %dma_start3A_161 = arith.constant 0 : i32
    %dma_start3A_162 = tpu.memref_slice %arg11[%dma_start3A_160, %dma_start3A_161] : memref<2000x16xf32, #tpu.memory_space<vmem>> -> memref<80x16xf32, #tpu.memory_space<vmem>>
    %dma_start3A_163 = arith.constant 1360 : i32
    %dma_start3A_164 = tpu.memref_slice %arg10[%dma_start3A_163] : memref<10000xi32, #tpu.memory_space<vmem>> -> memref<80xi32, #tpu.memory_space<vmem>>
    %dma_start3A_165 = arith.constant 0 : i32
    %dma_start3A_166 = arith.constant 0 : i32
    %dma_start3A_167 = tpu.memref_slice %arg13[%dma_start3A_165, %dma_start3A_166] : memref<10000x16xf32, #tpu.memory_space<vmem_shared>> -> memref<10000x16xf32, #tpu.memory_space<vmem_shared>>
    tpu.enqueue_indirect_dma source(%dma_start3A_162 : memref<80x16xf32, #tpu.memory_space<vmem>>) target(%dma_start3A_167 : memref<10000x16xf32, #tpu.memory_space<vmem_shared>>) offsets(%dma_start3A_164 : memref<80xi32, #tpu.memory_space<vmem>>) semaphore(%arg16 : memref<!tpu.dma_semaphore, #tpu.memory_space<semaphore_mem>>) {add = true}
    %dma_start3A_168 = arith.constant 1440 : i32
    %dma_start3A_169 = arith.constant 0 : i32
    %dma_start3A_170 = tpu.memref_slice %arg11[%dma_start3A_168, %dma_start3A_169] : memref<2000x16xf32, #tpu.memory_space<vmem>> -> memref<80x16xf32, #tpu.memory_space<vmem>>
    %dma_start3A_171 = arith.constant 1440 : i32
    %dma_start3A_172 = tpu.memref_slice %arg10[%dma_start3A_171] : memref<10000xi32, #tpu.memory_space<vmem>> -> memref<80xi32, #tpu.memory_space<vmem>>
    %dma_start3A_173 = arith.constant 0 : i32
    %dma_start3A_174 = arith.constant 0 : i32
    %dma_start3A_175 = tpu.memref_slice %arg13[%dma_start3A_173, %dma_start3A_174] : memref<10000x16xf32, #tpu.memory_space<vmem_shared>> -> memref<10000x16xf32, #tpu.memory_space<vmem_shared>>
    tpu.enqueue_indirect_dma source(%dma_start3A_170 : memref<80x16xf32, #tpu.memory_space<vmem>>) target(%dma_start3A_175 : memref<10000x16xf32, #tpu.memory_space<vmem_shared>>) offsets(%dma_start3A_172 : memref<80xi32, #tpu.memory_space<vmem>>) semaphore(%arg16 : memref<!tpu.dma_semaphore, #tpu.memory_space<semaphore_mem>>) {add = true}
    %dma_start3A_176 = arith.constant 1520 : i32
    %dma_start3A_177 = arith.constant 0 : i32
    %dma_start3A_178 = tpu.memref_slice %arg11[%dma_start3A_176, %dma_start3A_177] : memref<2000x16xf32, #tpu.memory_space<vmem>> -> memref<80x16xf32, #tpu.memory_space<vmem>>
    %dma_start3A_179 = arith.constant 1520 : i32
    %dma_start3A_180 = tpu.memref_slice %arg10[%dma_start3A_179] : memref<10000xi32, #tpu.memory_space<vmem>> -> memref<80xi32, #tpu.memory_space<vmem>>
    %dma_start3A_181 = arith.constant 0 : i32
    %dma_start3A_182 = arith.constant 0 : i32
    %dma_start3A_183 = tpu.memref_slice %arg13[%dma_start3A_181, %dma_start3A_182] : memref<10000x16xf32, #tpu.memory_space<vmem_shared>> -> memref<10000x16xf32, #tpu.memory_space<vmem_shared>>
    tpu.enqueue_indirect_dma source(%dma_start3A_178 : memref<80x16xf32, #tpu.memory_space<vmem>>) target(%dma_start3A_183 : memref<10000x16xf32, #tpu.memory_space<vmem_shared>>) offsets(%dma_start3A_180 : memref<80xi32, #tpu.memory_space<vmem>>) semaphore(%arg16 : memref<!tpu.dma_semaphore, #tpu.memory_space<semaphore_mem>>) {add = true}
    %dma_start3A_184 = arith.constant 1600 : i32
    %dma_start3A_185 = arith.constant 0 : i32
    %dma_start3A_186 = tpu.memref_slice %arg11[%dma_start3A_184, %dma_start3A_185] : memref<2000x16xf32, #tpu.memory_space<vmem>> -> memref<80x16xf32, #tpu.memory_space<vmem>>
    %dma_start3A_187 = arith.constant 1600 : i32
    %dma_start3A_188 = tpu.memref_slice %arg10[%dma_start3A_187] : memref<10000xi32, #tpu.memory_space<vmem>> -> memref<80xi32, #tpu.memory_space<vmem>>
    %dma_start3A_189 = arith.constant 0 : i32
    %dma_start3A_190 = arith.constant 0 : i32
    %dma_start3A_191 = tpu.memref_slice %arg13[%dma_start3A_189, %dma_start3A_190] : memref<10000x16xf32, #tpu.memory_space<vmem_shared>> -> memref<10000x16xf32, #tpu.memory_space<vmem_shared>>
    tpu.enqueue_indirect_dma source(%dma_start3A_186 : memref<80x16xf32, #tpu.memory_space<vmem>>) target(%dma_start3A_191 : memref<10000x16xf32, #tpu.memory_space<vmem_shared>>) offsets(%dma_start3A_188 : memref<80xi32, #tpu.memory_space<vmem>>) semaphore(%arg16 : memref<!tpu.dma_semaphore, #tpu.memory_space<semaphore_mem>>) {add = true}
    %dma_start3A_192 = arith.constant 1680 : i32
    %dma_start3A_193 = arith.constant 0 : i32
    %dma_start3A_194 = tpu.memref_slice %arg11[%dma_start3A_192, %dma_start3A_193] : memref<2000x16xf32, #tpu.memory_space<vmem>> -> memref<80x16xf32, #tpu.memory_space<vmem>>
    %dma_start3A_195 = arith.constant 1680 : i32
    %dma_start3A_196 = tpu.memref_slice %arg10[%dma_start3A_195] : memref<10000xi32, #tpu.memory_space<vmem>> -> memref<80xi32, #tpu.memory_space<vmem>>
    %dma_start3A_197 = arith.constant 0 : i32
    %dma_start3A_198 = arith.constant 0 : i32
    %dma_start3A_199 = tpu.memref_slice %arg13[%dma_start3A_197, %dma_start3A_198] : memref<10000x16xf32, #tpu.memory_space<vmem_shared>> -> memref<10000x16xf32, #tpu.memory_space<vmem_shared>>
    tpu.enqueue_indirect_dma source(%dma_start3A_194 : memref<80x16xf32, #tpu.memory_space<vmem>>) target(%dma_start3A_199 : memref<10000x16xf32, #tpu.memory_space<vmem_shared>>) offsets(%dma_start3A_196 : memref<80xi32, #tpu.memory_space<vmem>>) semaphore(%arg16 : memref<!tpu.dma_semaphore, #tpu.memory_space<semaphore_mem>>) {add = true}
    %dma_start3A_200 = arith.constant 1760 : i32
    %dma_start3A_201 = arith.constant 0 : i32
    %dma_start3A_202 = tpu.memref_slice %arg11[%dma_start3A_200, %dma_start3A_201] : memref<2000x16xf32, #tpu.memory_space<vmem>> -> memref<80x16xf32, #tpu.memory_space<vmem>>
    %dma_start3A_203 = arith.constant 1760 : i32
    %dma_start3A_204 = tpu.memref_slice %arg10[%dma_start3A_203] : memref<10000xi32, #tpu.memory_space<vmem>> -> memref<80xi32, #tpu.memory_space<vmem>>
    %dma_start3A_205 = arith.constant 0 : i32
    %dma_start3A_206 = arith.constant 0 : i32
    %dma_start3A_207 = tpu.memref_slice %arg13[%dma_start3A_205, %dma_start3A_206] : memref<10000x16xf32, #tpu.memory_space<vmem_shared>> -> memref<10000x16xf32, #tpu.memory_space<vmem_shared>>
    tpu.enqueue_indirect_dma source(%dma_start3A_202 : memref<80x16xf32, #tpu.memory_space<vmem>>) target(%dma_start3A_207 : memref<10000x16xf32, #tpu.memory_space<vmem_shared>>) offsets(%dma_start3A_204 : memref<80xi32, #tpu.memory_space<vmem>>) semaphore(%arg16 : memref<!tpu.dma_semaphore, #tpu.memory_space<semaphore_mem>>) {add = true}
    %dma_start3A_208 = arith.constant 1840 : i32
    %dma_start3A_209 = arith.constant 0 : i32
    %dma_start3A_210 = tpu.memref_slice %arg11[%dma_start3A_208, %dma_start3A_209] : memref<2000x16xf32, #tpu.memory_space<vmem>> -> memref<80x16xf32, #tpu.memory_space<vmem>>
    %dma_start3A_211 = arith.constant 1840 : i32
    %dma_start3A_212 = tpu.memref_slice %arg10[%dma_start3A_211] : memref<10000xi32, #tpu.memory_space<vmem>> -> memref<80xi32, #tpu.memory_space<vmem>>
    %dma_start3A_213 = arith.constant 0 : i32
    %dma_start3A_214 = arith.constant 0 : i32
    %dma_start3A_215 = tpu.memref_slice %arg13[%dma_start3A_213, %dma_start3A_214] : memref<10000x16xf32, #tpu.memory_space<vmem_shared>> -> memref<10000x16xf32, #tpu.memory_space<vmem_shared>>
    tpu.enqueue_indirect_dma source(%dma_start3A_210 : memref<80x16xf32, #tpu.memory_space<vmem>>) target(%dma_start3A_215 : memref<10000x16xf32, #tpu.memory_space<vmem_shared>>) offsets(%dma_start3A_212 : memref<80xi32, #tpu.memory_space<vmem>>) semaphore(%arg16 : memref<!tpu.dma_semaphore, #tpu.memory_space<semaphore_mem>>) {add = true}
    %dma_start3A_216 = arith.constant 1920 : i32
    %dma_start3A_217 = arith.constant 0 : i32
    %dma_start3A_218 = tpu.memref_slice %arg11[%dma_start3A_216, %dma_start3A_217] : memref<2000x16xf32, #tpu.memory_space<vmem>> -> memref<80x16xf32, #tpu.memory_space<vmem>>
    %dma_start3A_219 = arith.constant 1920 : i32
    %dma_start3A_220 = tpu.memref_slice %arg10[%dma_start3A_219] : memref<10000xi32, #tpu.memory_space<vmem>> -> memref<80xi32, #tpu.memory_space<vmem>>
    %dma_start3A_221 = arith.constant 0 : i32
    %dma_start3A_222 = arith.constant 0 : i32
    %dma_start3A_223 = tpu.memref_slice %arg13[%dma_start3A_221, %dma_start3A_222] : memref<10000x16xf32, #tpu.memory_space<vmem_shared>> -> memref<10000x16xf32, #tpu.memory_space<vmem_shared>>
    tpu.enqueue_indirect_dma source(%dma_start3A_218 : memref<80x16xf32, #tpu.memory_space<vmem>>) target(%dma_start3A_223 : memref<10000x16xf32, #tpu.memory_space<vmem_shared>>) offsets(%dma_start3A_220 : memref<80xi32, #tpu.memory_space<vmem>>) semaphore(%arg16 : memref<!tpu.dma_semaphore, #tpu.memory_space<semaphore_mem>>) {add = true}
    %dma_wait3A_224 = arith.constant 0 : i32
    %dma_wait3A_225 = arith.constant 0 : i32
    %dma_wait3A_226 = tpu.memref_slice %arg11[%dma_wait3A_224, %dma_wait3A_225] : memref<2000x16xf32, #tpu.memory_space<vmem>> -> memref<80x16xf32, #tpu.memory_space<vmem>>
    %dma_wait3A_227 = arith.constant 0 : i32
    %dma_wait3A_228 = tpu.memref_slice %arg10[%dma_wait3A_227] : memref<10000xi32, #tpu.memory_space<vmem>> -> memref<80xi32, #tpu.memory_space<vmem>>
    %dma_wait3A_229 = arith.constant 0 : i32
    %dma_wait3A_230 = arith.constant 0 : i32
    %dma_wait3A_231 = tpu.memref_slice %arg13[%dma_wait3A_229, %dma_wait3A_230] : memref<10000x16xf32, #tpu.memory_space<vmem_shared>> -> memref<10000x16xf32, #tpu.memory_space<vmem_shared>>
    tpu.wait_indirect_dma semaphore(%arg16 : memref<!tpu.dma_semaphore, #tpu.memory_space<semaphore_mem>>) src(%dma_wait3A_226 : memref<80x16xf32, #tpu.memory_space<vmem>>) dst(%dma_wait3A_231 : memref<10000x16xf32, #tpu.memory_space<vmem_shared>>)
    %dma_wait3A_232 = arith.constant 80 : i32
    %dma_wait3A_233 = arith.constant 0 : i32
    %dma_wait3A_234 = tpu.memref_slice %arg11[%dma_wait3A_232, %dma_wait3A_233] : memref<2000x16xf32, #tpu.memory_space<vmem>> -> memref<80x16xf32, #tpu.memory_space<vmem>>
    %dma_wait3A_235 = arith.constant 80 : i32
    %dma_wait3A_236 = tpu.memref_slice %arg10[%dma_wait3A_235] : memref<10000xi32, #tpu.memory_space<vmem>> -> memref<80xi32, #tpu.memory_space<vmem>>
    %dma_wait3A_237 = arith.constant 0 : i32
    %dma_wait3A_238 = arith.constant 0 : i32
    %dma_wait3A_239 = tpu.memref_slice %arg13[%dma_wait3A_237, %dma_wait3A_238] : memref<10000x16xf32, #tpu.memory_space<vmem_shared>> -> memref<10000x16xf32, #tpu.memory_space<vmem_shared>>
    tpu.wait_indirect_dma semaphore(%arg16 : memref<!tpu.dma_semaphore, #tpu.memory_space<semaphore_mem>>) src(%dma_wait3A_234 : memref<80x16xf32, #tpu.memory_space<vmem>>) dst(%dma_wait3A_239 : memref<10000x16xf32, #tpu.memory_space<vmem_shared>>)
    %dma_wait3A_240 = arith.constant 160 : i32
    %dma_wait3A_241 = arith.constant 0 : i32
    %dma_wait3A_242 = tpu.memref_slice %arg11[%dma_wait3A_240, %dma_wait3A_241] : memref<2000x16xf32, #tpu.memory_space<vmem>> -> memref<80x16xf32, #tpu.memory_space<vmem>>
    %dma_wait3A_243 = arith.constant 160 : i32
    %dma_wait3A_244 = tpu.memref_slice %arg10[%dma_wait3A_243] : memref<10000xi32, #tpu.memory_space<vmem>> -> memref<80xi32, #tpu.memory_space<vmem>>
    %dma_wait3A_245 = arith.constant 0 : i32
    %dma_wait3A_246 = arith.constant 0 : i32
    %dma_wait3A_247 = tpu.memref_slice %arg13[%dma_wait3A_245, %dma_wait3A_246] : memref<10000x16xf32, #tpu.memory_space<vmem_shared>> -> memref<10000x16xf32, #tpu.memory_space<vmem_shared>>
    tpu.wait_indirect_dma semaphore(%arg16 : memref<!tpu.dma_semaphore, #tpu.memory_space<semaphore_mem>>) src(%dma_wait3A_242 : memref<80x16xf32, #tpu.memory_space<vmem>>) dst(%dma_wait3A_247 : memref<10000x16xf32, #tpu.memory_space<vmem_shared>>)
    %dma_wait3A_248 = arith.constant 240 : i32
    %dma_wait3A_249 = arith.constant 0 : i32
    %dma_wait3A_250 = tpu.memref_slice %arg11[%dma_wait3A_248, %dma_wait3A_249] : memref<2000x16xf32, #tpu.memory_space<vmem>> -> memref<80x16xf32, #tpu.memory_space<vmem>>
    %dma_wait3A_251 = arith.constant 240 : i32
    %dma_wait3A_252 = tpu.memref_slice %arg10[%dma_wait3A_251] : memref<10000xi32, #tpu.memory_space<vmem>> -> memref<80xi32, #tpu.memory_space<vmem>>
    %dma_wait3A_253 = arith.constant 0 : i32
    %dma_wait3A_254 = arith.constant 0 : i32
    %dma_wait3A_255 = tpu.memref_slice %arg13[%dma_wait3A_253, %dma_wait3A_254] : memref<10000x16xf32, #tpu.memory_space<vmem_shared>> -> memref<10000x16xf32, #tpu.memory_space<vmem_shared>>
    tpu.wait_indirect_dma semaphore(%arg16 : memref<!tpu.dma_semaphore, #tpu.memory_space<semaphore_mem>>) src(%dma_wait3A_250 : memref<80x16xf32, #tpu.memory_space<vmem>>) dst(%dma_wait3A_255 : memref<10000x16xf32, #tpu.memory_space<vmem_shared>>)
    %dma_wait3A_256 = arith.constant 320 : i32
    %dma_wait3A_257 = arith.constant 0 : i32
    %dma_wait3A_258 = tpu.memref_slice %arg11[%dma_wait3A_256, %dma_wait3A_257] : memref<2000x16xf32, #tpu.memory_space<vmem>> -> memref<80x16xf32, #tpu.memory_space<vmem>>
    %dma_wait3A_259 = arith.constant 320 : i32
    %dma_wait3A_260 = tpu.memref_slice %arg10[%dma_wait3A_259] : memref<10000xi32, #tpu.memory_space<vmem>> -> memref<80xi32, #tpu.memory_space<vmem>>
    %dma_wait3A_261 = arith.constant 0 : i32
    %dma_wait3A_262 = arith.constant 0 : i32
    %dma_wait3A_263 = tpu.memref_slice %arg13[%dma_wait3A_261, %dma_wait3A_262] : memref<10000x16xf32, #tpu.memory_space<vmem_shared>> -> memref<10000x16xf32, #tpu.memory_space<vmem_shared>>
    tpu.wait_indirect_dma semaphore(%arg16 : memref<!tpu.dma_semaphore, #tpu.memory_space<semaphore_mem>>) src(%dma_wait3A_258 : memref<80x16xf32, #tpu.memory_space<vmem>>) dst(%dma_wait3A_263 : memref<10000x16xf32, #tpu.memory_space<vmem_shared>>)
    %dma_wait3A_264 = arith.constant 400 : i32
    %dma_wait3A_265 = arith.constant 0 : i32
    %dma_wait3A_266 = tpu.memref_slice %arg11[%dma_wait3A_264, %dma_wait3A_265] : memref<2000x16xf32, #tpu.memory_space<vmem>> -> memref<80x16xf32, #tpu.memory_space<vmem>>
    %dma_wait3A_267 = arith.constant 400 : i32
    %dma_wait3A_268 = tpu.memref_slice %arg10[%dma_wait3A_267] : memref<10000xi32, #tpu.memory_space<vmem>> -> memref<80xi32, #tpu.memory_space<vmem>>
    %dma_wait3A_269 = arith.constant 0 : i32
    %dma_wait3A_270 = arith.constant 0 : i32
    %dma_wait3A_271 = tpu.memref_slice %arg13[%dma_wait3A_269, %dma_wait3A_270] : memref<10000x16xf32, #tpu.memory_space<vmem_shared>> -> memref<10000x16xf32, #tpu.memory_space<vmem_shared>>
    tpu.wait_indirect_dma semaphore(%arg16 : memref<!tpu.dma_semaphore, #tpu.memory_space<semaphore_mem>>) src(%dma_wait3A_266 : memref<80x16xf32, #tpu.memory_space<vmem>>) dst(%dma_wait3A_271 : memref<10000x16xf32, #tpu.memory_space<vmem_shared>>)
    %dma_wait3A_272 = arith.constant 480 : i32
    %dma_wait3A_273 = arith.constant 0 : i32
    %dma_wait3A_274 = tpu.memref_slice %arg11[%dma_wait3A_272, %dma_wait3A_273] : memref<2000x16xf32, #tpu.memory_space<vmem>> -> memref<80x16xf32, #tpu.memory_space<vmem>>
    %dma_wait3A_275 = arith.constant 480 : i32
    %dma_wait3A_276 = tpu.memref_slice %arg10[%dma_wait3A_275] : memref<10000xi32, #tpu.memory_space<vmem>> -> memref<80xi32, #tpu.memory_space<vmem>>
    %dma_wait3A_277 = arith.constant 0 : i32
    %dma_wait3A_278 = arith.constant 0 : i32
    %dma_wait3A_279 = tpu.memref_slice %arg13[%dma_wait3A_277, %dma_wait3A_278] : memref<10000x16xf32, #tpu.memory_space<vmem_shared>> -> memref<10000x16xf32, #tpu.memory_space<vmem_shared>>
    tpu.wait_indirect_dma semaphore(%arg16 : memref<!tpu.dma_semaphore, #tpu.memory_space<semaphore_mem>>) src(%dma_wait3A_274 : memref<80x16xf32, #tpu.memory_space<vmem>>) dst(%dma_wait3A_279 : memref<10000x16xf32, #tpu.memory_space<vmem_shared>>)
    %dma_wait3A_280 = arith.constant 560 : i32
    %dma_wait3A_281 = arith.constant 0 : i32
    %dma_wait3A_282 = tpu.memref_slice %arg11[%dma_wait3A_280, %dma_wait3A_281] : memref<2000x16xf32, #tpu.memory_space<vmem>> -> memref<80x16xf32, #tpu.memory_space<vmem>>
    %dma_wait3A_283 = arith.constant 560 : i32
    %dma_wait3A_284 = tpu.memref_slice %arg10[%dma_wait3A_283] : memref<10000xi32, #tpu.memory_space<vmem>> -> memref<80xi32, #tpu.memory_space<vmem>>
    %dma_wait3A_285 = arith.constant 0 : i32
    %dma_wait3A_286 = arith.constant 0 : i32
    %dma_wait3A_287 = tpu.memref_slice %arg13[%dma_wait3A_285, %dma_wait3A_286] : memref<10000x16xf32, #tpu.memory_space<vmem_shared>> -> memref<10000x16xf32, #tpu.memory_space<vmem_shared>>
    tpu.wait_indirect_dma semaphore(%arg16 : memref<!tpu.dma_semaphore, #tpu.memory_space<semaphore_mem>>) src(%dma_wait3A_282 : memref<80x16xf32, #tpu.memory_space<vmem>>) dst(%dma_wait3A_287 : memref<10000x16xf32, #tpu.memory_space<vmem_shared>>)
    %dma_wait3A_288 = arith.constant 640 : i32
    %dma_wait3A_289 = arith.constant 0 : i32
    %dma_wait3A_290 = tpu.memref_slice %arg11[%dma_wait3A_288, %dma_wait3A_289] : memref<2000x16xf32, #tpu.memory_space<vmem>> -> memref<80x16xf32, #tpu.memory_space<vmem>>
    %dma_wait3A_291 = arith.constant 640 : i32
    %dma_wait3A_292 = tpu.memref_slice %arg10[%dma_wait3A_291] : memref<10000xi32, #tpu.memory_space<vmem>> -> memref<80xi32, #tpu.memory_space<vmem>>
    %dma_wait3A_293 = arith.constant 0 : i32
    %dma_wait3A_294 = arith.constant 0 : i32
    %dma_wait3A_295 = tpu.memref_slice %arg13[%dma_wait3A_293, %dma_wait3A_294] : memref<10000x16xf32, #tpu.memory_space<vmem_shared>> -> memref<10000x16xf32, #tpu.memory_space<vmem_shared>>
    tpu.wait_indirect_dma semaphore(%arg16 : memref<!tpu.dma_semaphore, #tpu.memory_space<semaphore_mem>>) src(%dma_wait3A_290 : memref<80x16xf32, #tpu.memory_space<vmem>>) dst(%dma_wait3A_295 : memref<10000x16xf32, #tpu.memory_space<vmem_shared>>)
    %dma_wait3A_296 = arith.constant 720 : i32
    %dma_wait3A_297 = arith.constant 0 : i32
    %dma_wait3A_298 = tpu.memref_slice %arg11[%dma_wait3A_296, %dma_wait3A_297] : memref<2000x16xf32, #tpu.memory_space<vmem>> -> memref<80x16xf32, #tpu.memory_space<vmem>>
    %dma_wait3A_299 = arith.constant 720 : i32
    %dma_wait3A_300 = tpu.memref_slice %arg10[%dma_wait3A_299] : memref<10000xi32, #tpu.memory_space<vmem>> -> memref<80xi32, #tpu.memory_space<vmem>>
    %dma_wait3A_301 = arith.constant 0 : i32
    %dma_wait3A_302 = arith.constant 0 : i32
    %dma_wait3A_303 = tpu.memref_slice %arg13[%dma_wait3A_301, %dma_wait3A_302] : memref<10000x16xf32, #tpu.memory_space<vmem_shared>> -> memref<10000x16xf32, #tpu.memory_space<vmem_shared>>
    tpu.wait_indirect_dma semaphore(%arg16 : memref<!tpu.dma_semaphore, #tpu.memory_space<semaphore_mem>>) src(%dma_wait3A_298 : memref<80x16xf32, #tpu.memory_space<vmem>>) dst(%dma_wait3A_303 : memref<10000x16xf32, #tpu.memory_space<vmem_shared>>)
    %dma_wait3A_304 = arith.constant 800 : i32
    %dma_wait3A_305 = arith.constant 0 : i32
    %dma_wait3A_306 = tpu.memref_slice %arg11[%dma_wait3A_304, %dma_wait3A_305] : memref<2000x16xf32, #tpu.memory_space<vmem>> -> memref<80x16xf32, #tpu.memory_space<vmem>>
    %dma_wait3A_307 = arith.constant 800 : i32
    %dma_wait3A_308 = tpu.memref_slice %arg10[%dma_wait3A_307] : memref<10000xi32, #tpu.memory_space<vmem>> -> memref<80xi32, #tpu.memory_space<vmem>>
    %dma_wait3A_309 = arith.constant 0 : i32
    %dma_wait3A_310 = arith.constant 0 : i32
    %dma_wait3A_311 = tpu.memref_slice %arg13[%dma_wait3A_309, %dma_wait3A_310] : memref<10000x16xf32, #tpu.memory_space<vmem_shared>> -> memref<10000x16xf32, #tpu.memory_space<vmem_shared>>
    tpu.wait_indirect_dma semaphore(%arg16 : memref<!tpu.dma_semaphore, #tpu.memory_space<semaphore_mem>>) src(%dma_wait3A_306 : memref<80x16xf32, #tpu.memory_space<vmem>>) dst(%dma_wait3A_311 : memref<10000x16xf32, #tpu.memory_space<vmem_shared>>)
    %dma_wait3A_312 = arith.constant 880 : i32
    %dma_wait3A_313 = arith.constant 0 : i32
    %dma_wait3A_314 = tpu.memref_slice %arg11[%dma_wait3A_312, %dma_wait3A_313] : memref<2000x16xf32, #tpu.memory_space<vmem>> -> memref<80x16xf32, #tpu.memory_space<vmem>>
    %dma_wait3A_315 = arith.constant 880 : i32
    %dma_wait3A_316 = tpu.memref_slice %arg10[%dma_wait3A_315] : memref<10000xi32, #tpu.memory_space<vmem>> -> memref<80xi32, #tpu.memory_space<vmem>>
    %dma_wait3A_317 = arith.constant 0 : i32
    %dma_wait3A_318 = arith.constant 0 : i32
    %dma_wait3A_319 = tpu.memref_slice %arg13[%dma_wait3A_317, %dma_wait3A_318] : memref<10000x16xf32, #tpu.memory_space<vmem_shared>> -> memref<10000x16xf32, #tpu.memory_space<vmem_shared>>
    tpu.wait_indirect_dma semaphore(%arg16 : memref<!tpu.dma_semaphore, #tpu.memory_space<semaphore_mem>>) src(%dma_wait3A_314 : memref<80x16xf32, #tpu.memory_space<vmem>>) dst(%dma_wait3A_319 : memref<10000x16xf32, #tpu.memory_space<vmem_shared>>)
    %dma_wait3A_320 = arith.constant 960 : i32
    %dma_wait3A_321 = arith.constant 0 : i32
    %dma_wait3A_322 = tpu.memref_slice %arg11[%dma_wait3A_320, %dma_wait3A_321] : memref<2000x16xf32, #tpu.memory_space<vmem>> -> memref<80x16xf32, #tpu.memory_space<vmem>>
    %dma_wait3A_323 = arith.constant 960 : i32
    %dma_wait3A_324 = tpu.memref_slice %arg10[%dma_wait3A_323] : memref<10000xi32, #tpu.memory_space<vmem>> -> memref<80xi32, #tpu.memory_space<vmem>>
    %dma_wait3A_325 = arith.constant 0 : i32
    %dma_wait3A_326 = arith.constant 0 : i32
    %dma_wait3A_327 = tpu.memref_slice %arg13[%dma_wait3A_325, %dma_wait3A_326] : memref<10000x16xf32, #tpu.memory_space<vmem_shared>> -> memref<10000x16xf32, #tpu.memory_space<vmem_shared>>
    tpu.wait_indirect_dma semaphore(%arg16 : memref<!tpu.dma_semaphore, #tpu.memory_space<semaphore_mem>>) src(%dma_wait3A_322 : memref<80x16xf32, #tpu.memory_space<vmem>>) dst(%dma_wait3A_327 : memref<10000x16xf32, #tpu.memory_space<vmem_shared>>)
    %dma_wait3A_328 = arith.constant 1040 : i32
    %dma_wait3A_329 = arith.constant 0 : i32
    %dma_wait3A_330 = tpu.memref_slice %arg11[%dma_wait3A_328, %dma_wait3A_329] : memref<2000x16xf32, #tpu.memory_space<vmem>> -> memref<80x16xf32, #tpu.memory_space<vmem>>
    %dma_wait3A_331 = arith.constant 1040 : i32
    %dma_wait3A_332 = tpu.memref_slice %arg10[%dma_wait3A_331] : memref<10000xi32, #tpu.memory_space<vmem>> -> memref<80xi32, #tpu.memory_space<vmem>>
    %dma_wait3A_333 = arith.constant 0 : i32
    %dma_wait3A_334 = arith.constant 0 : i32
    %dma_wait3A_335 = tpu.memref_slice %arg13[%dma_wait3A_333, %dma_wait3A_334] : memref<10000x16xf32, #tpu.memory_space<vmem_shared>> -> memref<10000x16xf32, #tpu.memory_space<vmem_shared>>
    tpu.wait_indirect_dma semaphore(%arg16 : memref<!tpu.dma_semaphore, #tpu.memory_space<semaphore_mem>>) src(%dma_wait3A_330 : memref<80x16xf32, #tpu.memory_space<vmem>>) dst(%dma_wait3A_335 : memref<10000x16xf32, #tpu.memory_space<vmem_shared>>)
    %dma_wait3A_336 = arith.constant 1120 : i32
    %dma_wait3A_337 = arith.constant 0 : i32
    %dma_wait3A_338 = tpu.memref_slice %arg11[%dma_wait3A_336, %dma_wait3A_337] : memref<2000x16xf32, #tpu.memory_space<vmem>> -> memref<80x16xf32, #tpu.memory_space<vmem>>
    %dma_wait3A_339 = arith.constant 1120 : i32
    %dma_wait3A_340 = tpu.memref_slice %arg10[%dma_wait3A_339] : memref<10000xi32, #tpu.memory_space<vmem>> -> memref<80xi32, #tpu.memory_space<vmem>>
    %dma_wait3A_341 = arith.constant 0 : i32
    %dma_wait3A_342 = arith.constant 0 : i32
    %dma_wait3A_343 = tpu.memref_slice %arg13[%dma_wait3A_341, %dma_wait3A_342] : memref<10000x16xf32, #tpu.memory_space<vmem_shared>> -> memref<10000x16xf32, #tpu.memory_space<vmem_shared>>
    tpu.wait_indirect_dma semaphore(%arg16 : memref<!tpu.dma_semaphore, #tpu.memory_space<semaphore_mem>>) src(%dma_wait3A_338 : memref<80x16xf32, #tpu.memory_space<vmem>>) dst(%dma_wait3A_343 : memref<10000x16xf32, #tpu.memory_space<vmem_shared>>)
    %dma_wait3A_344 = arith.constant 1200 : i32
    %dma_wait3A_345 = arith.constant 0 : i32
    %dma_wait3A_346 = tpu.memref_slice %arg11[%dma_wait3A_344, %dma_wait3A_345] : memref<2000x16xf32, #tpu.memory_space<vmem>> -> memref<80x16xf32, #tpu.memory_space<vmem>>
    %dma_wait3A_347 = arith.constant 1200 : i32
    %dma_wait3A_348 = tpu.memref_slice %arg10[%dma_wait3A_347] : memref<10000xi32, #tpu.memory_space<vmem>> -> memref<80xi32, #tpu.memory_space<vmem>>
    %dma_wait3A_349 = arith.constant 0 : i32
    %dma_wait3A_350 = arith.constant 0 : i32
    %dma_wait3A_351 = tpu.memref_slice %arg13[%dma_wait3A_349, %dma_wait3A_350] : memref<10000x16xf32, #tpu.memory_space<vmem_shared>> -> memref<10000x16xf32, #tpu.memory_space<vmem_shared>>
    tpu.wait_indirect_dma semaphore(%arg16 : memref<!tpu.dma_semaphore, #tpu.memory_space<semaphore_mem>>) src(%dma_wait3A_346 : memref<80x16xf32, #tpu.memory_space<vmem>>) dst(%dma_wait3A_351 : memref<10000x16xf32, #tpu.memory_space<vmem_shared>>)
    %dma_wait3A_352 = arith.constant 1280 : i32
    %dma_wait3A_353 = arith.constant 0 : i32
    %dma_wait3A_354 = tpu.memref_slice %arg11[%dma_wait3A_352, %dma_wait3A_353] : memref<2000x16xf32, #tpu.memory_space<vmem>> -> memref<80x16xf32, #tpu.memory_space<vmem>>
    %dma_wait3A_355 = arith.constant 1280 : i32
    %dma_wait3A_356 = tpu.memref_slice %arg10[%dma_wait3A_355] : memref<10000xi32, #tpu.memory_space<vmem>> -> memref<80xi32, #tpu.memory_space<vmem>>
    %dma_wait3A_357 = arith.constant 0 : i32
    %dma_wait3A_358 = arith.constant 0 : i32
    %dma_wait3A_359 = tpu.memref_slice %arg13[%dma_wait3A_357, %dma_wait3A_358] : memref<10000x16xf32, #tpu.memory_space<vmem_shared>> -> memref<10000x16xf32, #tpu.memory_space<vmem_shared>>
    tpu.wait_indirect_dma semaphore(%arg16 : memref<!tpu.dma_semaphore, #tpu.memory_space<semaphore_mem>>) src(%dma_wait3A_354 : memref<80x16xf32, #tpu.memory_space<vmem>>) dst(%dma_wait3A_359 : memref<10000x16xf32, #tpu.memory_space<vmem_shared>>)
    %dma_wait3A_360 = arith.constant 1360 : i32
    %dma_wait3A_361 = arith.constant 0 : i32
    %dma_wait3A_362 = tpu.memref_slice %arg11[%dma_wait3A_360, %dma_wait3A_361] : memref<2000x16xf32, #tpu.memory_space<vmem>> -> memref<80x16xf32, #tpu.memory_space<vmem>>
    %dma_wait3A_363 = arith.constant 1360 : i32
    %dma_wait3A_364 = tpu.memref_slice %arg10[%dma_wait3A_363] : memref<10000xi32, #tpu.memory_space<vmem>> -> memref<80xi32, #tpu.memory_space<vmem>>
    %dma_wait3A_365 = arith.constant 0 : i32
    %dma_wait3A_366 = arith.constant 0 : i32
    %dma_wait3A_367 = tpu.memref_slice %arg13[%dma_wait3A_365, %dma_wait3A_366] : memref<10000x16xf32, #tpu.memory_space<vmem_shared>> -> memref<10000x16xf32, #tpu.memory_space<vmem_shared>>
    tpu.wait_indirect_dma semaphore(%arg16 : memref<!tpu.dma_semaphore, #tpu.memory_space<semaphore_mem>>) src(%dma_wait3A_362 : memref<80x16xf32, #tpu.memory_space<vmem>>) dst(%dma_wait3A_367 : memref<10000x16xf32, #tpu.memory_space<vmem_shared>>)
    %dma_wait3A_368 = arith.constant 1440 : i32
    %dma_wait3A_369 = arith.constant 0 : i32
    %dma_wait3A_370 = tpu.memref_slice %arg11[%dma_wait3A_368, %dma_wait3A_369] : memref<2000x16xf32, #tpu.memory_space<vmem>> -> memref<80x16xf32, #tpu.memory_space<vmem>>
    %dma_wait3A_371 = arith.constant 1440 : i32
    %dma_wait3A_372 = tpu.memref_slice %arg10[%dma_wait3A_371] : memref<10000xi32, #tpu.memory_space<vmem>> -> memref<80xi32, #tpu.memory_space<vmem>>
    %dma_wait3A_373 = arith.constant 0 : i32
    %dma_wait3A_374 = arith.constant 0 : i32
    %dma_wait3A_375 = tpu.memref_slice %arg13[%dma_wait3A_373, %dma_wait3A_374] : memref<10000x16xf32, #tpu.memory_space<vmem_shared>> -> memref<10000x16xf32, #tpu.memory_space<vmem_shared>>
    tpu.wait_indirect_dma semaphore(%arg16 : memref<!tpu.dma_semaphore, #tpu.memory_space<semaphore_mem>>) src(%dma_wait3A_370 : memref<80x16xf32, #tpu.memory_space<vmem>>) dst(%dma_wait3A_375 : memref<10000x16xf32, #tpu.memory_space<vmem_shared>>)
    %dma_wait3A_376 = arith.constant 1520 : i32
    %dma_wait3A_377 = arith.constant 0 : i32
    %dma_wait3A_378 = tpu.memref_slice %arg11[%dma_wait3A_376, %dma_wait3A_377] : memref<2000x16xf32, #tpu.memory_space<vmem>> -> memref<80x16xf32, #tpu.memory_space<vmem>>
    %dma_wait3A_379 = arith.constant 1520 : i32
    %dma_wait3A_380 = tpu.memref_slice %arg10[%dma_wait3A_379] : memref<10000xi32, #tpu.memory_space<vmem>> -> memref<80xi32, #tpu.memory_space<vmem>>
    %dma_wait3A_381 = arith.constant 0 : i32
    %dma_wait3A_382 = arith.constant 0 : i32
    %dma_wait3A_383 = tpu.memref_slice %arg13[%dma_wait3A_381, %dma_wait3A_382] : memref<10000x16xf32, #tpu.memory_space<vmem_shared>> -> memref<10000x16xf32, #tpu.memory_space<vmem_shared>>
    tpu.wait_indirect_dma semaphore(%arg16 : memref<!tpu.dma_semaphore, #tpu.memory_space<semaphore_mem>>) src(%dma_wait3A_378 : memref<80x16xf32, #tpu.memory_space<vmem>>) dst(%dma_wait3A_383 : memref<10000x16xf32, #tpu.memory_space<vmem_shared>>)
    %dma_wait3A_384 = arith.constant 1600 : i32
    %dma_wait3A_385 = arith.constant 0 : i32
    %dma_wait3A_386 = tpu.memref_slice %arg11[%dma_wait3A_384, %dma_wait3A_385] : memref<2000x16xf32, #tpu.memory_space<vmem>> -> memref<80x16xf32, #tpu.memory_space<vmem>>
    %dma_wait3A_387 = arith.constant 1600 : i32
    %dma_wait3A_388 = tpu.memref_slice %arg10[%dma_wait3A_387] : memref<10000xi32, #tpu.memory_space<vmem>> -> memref<80xi32, #tpu.memory_space<vmem>>
    %dma_wait3A_389 = arith.constant 0 : i32
    %dma_wait3A_390 = arith.constant 0 : i32
    %dma_wait3A_391 = tpu.memref_slice %arg13[%dma_wait3A_389, %dma_wait3A_390] : memref<10000x16xf32, #tpu.memory_space<vmem_shared>> -> memref<10000x16xf32, #tpu.memory_space<vmem_shared>>
    tpu.wait_indirect_dma semaphore(%arg16 : memref<!tpu.dma_semaphore, #tpu.memory_space<semaphore_mem>>) src(%dma_wait3A_386 : memref<80x16xf32, #tpu.memory_space<vmem>>) dst(%dma_wait3A_391 : memref<10000x16xf32, #tpu.memory_space<vmem_shared>>)
    %dma_wait3A_392 = arith.constant 1680 : i32
    %dma_wait3A_393 = arith.constant 0 : i32
    %dma_wait3A_394 = tpu.memref_slice %arg11[%dma_wait3A_392, %dma_wait3A_393] : memref<2000x16xf32, #tpu.memory_space<vmem>> -> memref<80x16xf32, #tpu.memory_space<vmem>>
    %dma_wait3A_395 = arith.constant 1680 : i32
    %dma_wait3A_396 = tpu.memref_slice %arg10[%dma_wait3A_395] : memref<10000xi32, #tpu.memory_space<vmem>> -> memref<80xi32, #tpu.memory_space<vmem>>
    %dma_wait3A_397 = arith.constant 0 : i32
    %dma_wait3A_398 = arith.constant 0 : i32
    %dma_wait3A_399 = tpu.memref_slice %arg13[%dma_wait3A_397, %dma_wait3A_398] : memref<10000x16xf32, #tpu.memory_space<vmem_shared>> -> memref<10000x16xf32, #tpu.memory_space<vmem_shared>>
    tpu.wait_indirect_dma semaphore(%arg16 : memref<!tpu.dma_semaphore, #tpu.memory_space<semaphore_mem>>) src(%dma_wait3A_394 : memref<80x16xf32, #tpu.memory_space<vmem>>) dst(%dma_wait3A_399 : memref<10000x16xf32, #tpu.memory_space<vmem_shared>>)
    %dma_wait3A_400 = arith.constant 1760 : i32
    %dma_wait3A_401 = arith.constant 0 : i32
    %dma_wait3A_402 = tpu.memref_slice %arg11[%dma_wait3A_400, %dma_wait3A_401] : memref<2000x16xf32, #tpu.memory_space<vmem>> -> memref<80x16xf32, #tpu.memory_space<vmem>>
    %dma_wait3A_403 = arith.constant 1760 : i32
    %dma_wait3A_404 = tpu.memref_slice %arg10[%dma_wait3A_403] : memref<10000xi32, #tpu.memory_space<vmem>> -> memref<80xi32, #tpu.memory_space<vmem>>
    %dma_wait3A_405 = arith.constant 0 : i32
    %dma_wait3A_406 = arith.constant 0 : i32
    %dma_wait3A_407 = tpu.memref_slice %arg13[%dma_wait3A_405, %dma_wait3A_406] : memref<10000x16xf32, #tpu.memory_space<vmem_shared>> -> memref<10000x16xf32, #tpu.memory_space<vmem_shared>>
    tpu.wait_indirect_dma semaphore(%arg16 : memref<!tpu.dma_semaphore, #tpu.memory_space<semaphore_mem>>) src(%dma_wait3A_402 : memref<80x16xf32, #tpu.memory_space<vmem>>) dst(%dma_wait3A_407 : memref<10000x16xf32, #tpu.memory_space<vmem_shared>>)
    %dma_wait3A_408 = arith.constant 1840 : i32
    %dma_wait3A_409 = arith.constant 0 : i32
    %dma_wait3A_410 = tpu.memref_slice %arg11[%dma_wait3A_408, %dma_wait3A_409] : memref<2000x16xf32, #tpu.memory_space<vmem>> -> memref<80x16xf32, #tpu.memory_space<vmem>>
    %dma_wait3A_411 = arith.constant 1840 : i32
    %dma_wait3A_412 = tpu.memref_slice %arg10[%dma_wait3A_411] : memref<10000xi32, #tpu.memory_space<vmem>> -> memref<80xi32, #tpu.memory_space<vmem>>
    %dma_wait3A_413 = arith.constant 0 : i32
    %dma_wait3A_414 = arith.constant 0 : i32
    %dma_wait3A_415 = tpu.memref_slice %arg13[%dma_wait3A_413, %dma_wait3A_414] : memref<10000x16xf32, #tpu.memory_space<vmem_shared>> -> memref<10000x16xf32, #tpu.memory_space<vmem_shared>>
    tpu.wait_indirect_dma semaphore(%arg16 : memref<!tpu.dma_semaphore, #tpu.memory_space<semaphore_mem>>) src(%dma_wait3A_410 : memref<80x16xf32, #tpu.memory_space<vmem>>) dst(%dma_wait3A_415 : memref<10000x16xf32, #tpu.memory_space<vmem_shared>>)
    %dma_wait3A_416 = arith.constant 1920 : i32
    %dma_wait3A_417 = arith.constant 0 : i32
    %dma_wait3A_418 = tpu.memref_slice %arg11[%dma_wait3A_416, %dma_wait3A_417] : memref<2000x16xf32, #tpu.memory_space<vmem>> -> memref<80x16xf32, #tpu.memory_space<vmem>>
    %dma_wait3A_419 = arith.constant 1920 : i32
    %dma_wait3A_420 = tpu.memref_slice %arg10[%dma_wait3A_419] : memref<10000xi32, #tpu.memory_space<vmem>> -> memref<80xi32, #tpu.memory_space<vmem>>
    %dma_wait3A_421 = arith.constant 0 : i32
    %dma_wait3A_422 = arith.constant 0 : i32
    %dma_wait3A_423 = tpu.memref_slice %arg13[%dma_wait3A_421, %dma_wait3A_422] : memref<10000x16xf32, #tpu.memory_space<vmem_shared>> -> memref<10000x16xf32, #tpu.memory_space<vmem_shared>>
    tpu.wait_indirect_dma semaphore(%arg16 : memref<!tpu.dma_semaphore, #tpu.memory_space<semaphore_mem>>) src(%dma_wait3A_418 : memref<80x16xf32, #tpu.memory_space<vmem>>) dst(%dma_wait3A_423 : memref<10000x16xf32, #tpu.memory_space<vmem_shared>>)
    %dma_start3A_424 = arith.constant 4000 : i32
    %dma_start3A_425 = tpu.memref_slice %arg8[%dma_start3A_424] : memref<10000xi32, #tpu.memory_space<vmem>> -> memref<2000xi32, #tpu.memory_space<vmem>>
    %dma_start3A_426 = arith.constant 0 : i32
    %dma_start3A_427 = arith.constant 0 : i32
    %dma_start3A_428 = tpu.memref_slice %arg2[%dma_start3A_426, %dma_start3A_427] : memref<80000x16xf32, #tpu.memory_space<hbm>> -> memref<80000x16xf32, #tpu.memory_space<hbm>>
    tpu.enqueue_indirect_dma source(%dma_start3A_428 : memref<80000x16xf32, #tpu.memory_space<hbm>>) target(%arg11 : memref<2000x16xf32, #tpu.memory_space<vmem>>) offsets(%dma_start3A_425 : memref<2000xi32, #tpu.memory_space<vmem>>) semaphore(%arg14 : memref<!tpu.dma_semaphore, #tpu.memory_space<semaphore_mem>>)
    %dma_wait3A_429 = arith.constant 2000 : i32
    %dma_wait3A_430 = tpu.memref_slice %arg8[%dma_wait3A_429] : memref<10000xi32, #tpu.memory_space<vmem>> -> memref<2000xi32, #tpu.memory_space<vmem>>
    %dma_wait3A_431 = arith.constant 0 : i32
    %dma_wait3A_432 = arith.constant 0 : i32
    %dma_wait3A_433 = tpu.memref_slice %arg2[%dma_wait3A_431, %dma_wait3A_432] : memref<80000x16xf32, #tpu.memory_space<hbm>> -> memref<80000x16xf32, #tpu.memory_space<hbm>>
    tpu.wait_indirect_dma semaphore(%arg15 : memref<!tpu.dma_semaphore, #tpu.memory_space<semaphore_mem>>) src(%dma_wait3A_433 : memref<80000x16xf32, #tpu.memory_space<hbm>>) dst(%arg12 : memref<2000x16xf32, #tpu.memory_space<vmem>>)
    %dma_start3A_434 = arith.constant 0 : i32
    %dma_start3A_435 = arith.constant 0 : i32
    %dma_start3A_436 = tpu.memref_slice %arg12[%dma_start3A_434, %dma_start3A_435] : memref<2000x16xf32, #tpu.memory_space<vmem>> -> memref<80x16xf32, #tpu.memory_space<vmem>>
    %dma_start3A_437 = arith.constant 2000 : i32
    %dma_start3A_438 = tpu.memref_slice %arg10[%dma_start3A_437] : memref<10000xi32, #tpu.memory_space<vmem>> -> memref<80xi32, #tpu.memory_space<vmem>>
    %dma_start3A_439 = arith.constant 0 : i32
    %dma_start3A_440 = arith.constant 0 : i32
    %dma_start3A_441 = tpu.memref_slice %arg13[%dma_start3A_439, %dma_start3A_440] : memref<10000x16xf32, #tpu.memory_space<vmem_shared>> -> memref<10000x16xf32, #tpu.memory_space<vmem_shared>>
    tpu.enqueue_indirect_dma source(%dma_start3A_436 : memref<80x16xf32, #tpu.memory_space<vmem>>) target(%dma_start3A_441 : memref<10000x16xf32, #tpu.memory_space<vmem_shared>>) offsets(%dma_start3A_438 : memref<80xi32, #tpu.memory_space<vmem>>) semaphore(%arg16 : memref<!tpu.dma_semaphore, #tpu.memory_space<semaphore_mem>>) {add = true}
    %dma_start3A_442 = arith.constant 80 : i32
    %dma_start3A_443 = arith.constant 0 : i32
    %dma_start3A_444 = tpu.memref_slice %arg12[%dma_start3A_442, %dma_start3A_443] : memref<2000x16xf32, #tpu.memory_space<vmem>> -> memref<80x16xf32, #tpu.memory_space<vmem>>
    %dma_start3A_445 = arith.constant 2080 : i32
    %dma_start3A_446 = tpu.memref_slice %arg10[%dma_start3A_445] : memref<10000xi32, #tpu.memory_space<vmem>> -> memref<80xi32, #tpu.memory_space<vmem>>
    %dma_start3A_447 = arith.constant 0 : i32
    %dma_start3A_448 = arith.constant 0 : i32
    %dma_start3A_449 = tpu.memref_slice %arg13[%dma_start3A_447, %dma_start3A_448] : memref<10000x16xf32, #tpu.memory_space<vmem_shared>> -> memref<10000x16xf32, #tpu.memory_space<vmem_shared>>
    tpu.enqueue_indirect_dma source(%dma_start3A_444 : memref<80x16xf32, #tpu.memory_space<vmem>>) target(%dma_start3A_449 : memref<10000x16xf32, #tpu.memory_space<vmem_shared>>) offsets(%dma_start3A_446 : memref<80xi32, #tpu.memory_space<vmem>>) semaphore(%arg16 : memref<!tpu.dma_semaphore, #tpu.memory_space<semaphore_mem>>) {add = true}
    %dma_start3A_450 = arith.constant 160 : i32
    %dma_start3A_451 = arith.constant 0 : i32
    %dma_start3A_452 = tpu.memref_slice %arg12[%dma_start3A_450, %dma_start3A_451] : memref<2000x16xf32, #tpu.memory_space<vmem>> -> memref<80x16xf32, #tpu.memory_space<vmem>>
    %dma_start3A_453 = arith.constant 2160 : i32
    %dma_start3A_454 = tpu.memref_slice %arg10[%dma_start3A_453] : memref<10000xi32, #tpu.memory_space<vmem>> -> memref<80xi32, #tpu.memory_space<vmem>>
    %dma_start3A_455 = arith.constant 0 : i32
    %dma_start3A_456 = arith.constant 0 : i32
    %dma_start3A_457 = tpu.memref_slice %arg13[%dma_start3A_455, %dma_start3A_456] : memref<10000x16xf32, #tpu.memory_space<vmem_shared>> -> memref<10000x16xf32, #tpu.memory_space<vmem_shared>>
    tpu.enqueue_indirect_dma source(%dma_start3A_452 : memref<80x16xf32, #tpu.memory_space<vmem>>) target(%dma_start3A_457 : memref<10000x16xf32, #tpu.memory_space<vmem_shared>>) offsets(%dma_start3A_454 : memref<80xi32, #tpu.memory_space<vmem>>) semaphore(%arg16 : memref<!tpu.dma_semaphore, #tpu.memory_space<semaphore_mem>>) {add = true}
    %dma_start3A_458 = arith.constant 240 : i32
    %dma_start3A_459 = arith.constant 0 : i32
    %dma_start3A_460 = tpu.memref_slice %arg12[%dma_start3A_458, %dma_start3A_459] : memref<2000x16xf32, #tpu.memory_space<vmem>> -> memref<80x16xf32, #tpu.memory_space<vmem>>
    %dma_start3A_461 = arith.constant 2240 : i32
    %dma_start3A_462 = tpu.memref_slice %arg10[%dma_start3A_461] : memref<10000xi32, #tpu.memory_space<vmem>> -> memref<80xi32, #tpu.memory_space<vmem>>
    %dma_start3A_463 = arith.constant 0 : i32
    %dma_start3A_464 = arith.constant 0 : i32
    %dma_start3A_465 = tpu.memref_slice %arg13[%dma_start3A_463, %dma_start3A_464] : memref<10000x16xf32, #tpu.memory_space<vmem_shared>> -> memref<10000x16xf32, #tpu.memory_space<vmem_shared>>
    tpu.enqueue_indirect_dma source(%dma_start3A_460 : memref<80x16xf32, #tpu.memory_space<vmem>>) target(%dma_start3A_465 : memref<10000x16xf32, #tpu.memory_space<vmem_shared>>) offsets(%dma_start3A_462 : memref<80xi32, #tpu.memory_space<vmem>>) semaphore(%arg16 : memref<!tpu.dma_semaphore, #tpu.memory_space<semaphore_mem>>) {add = true}
    %dma_start3A_466 = arith.constant 320 : i32
    %dma_start3A_467 = arith.constant 0 : i32
    %dma_start3A_468 = tpu.memref_slice %arg12[%dma_start3A_466, %dma_start3A_467] : memref<2000x16xf32, #tpu.memory_space<vmem>> -> memref<80x16xf32, #tpu.memory_space<vmem>>
    %dma_start3A_469 = arith.constant 2320 : i32
    %dma_start3A_470 = tpu.memref_slice %arg10[%dma_start3A_469] : memref<10000xi32, #tpu.memory_space<vmem>> -> memref<80xi32, #tpu.memory_space<vmem>>
    %dma_start3A_471 = arith.constant 0 : i32
    %dma_start3A_472 = arith.constant 0 : i32
    %dma_start3A_473 = tpu.memref_slice %arg13[%dma_start3A_471, %dma_start3A_472] : memref<10000x16xf32, #tpu.memory_space<vmem_shared>> -> memref<10000x16xf32, #tpu.memory_space<vmem_shared>>
    tpu.enqueue_indirect_dma source(%dma_start3A_468 : memref<80x16xf32, #tpu.memory_space<vmem>>) target(%dma_start3A_473 : memref<10000x16xf32, #tpu.memory_space<vmem_shared>>) offsets(%dma_start3A_470 : memref<80xi32, #tpu.memory_space<vmem>>) semaphore(%arg16 : memref<!tpu.dma_semaphore, #tpu.memory_space<semaphore_mem>>) {add = true}
    %dma_start3A_474 = arith.constant 400 : i32
    %dma_start3A_475 = arith.constant 0 : i32
    %dma_start3A_476 = tpu.memref_slice %arg12[%dma_start3A_474, %dma_start3A_475] : memref<2000x16xf32, #tpu.memory_space<vmem>> -> memref<80x16xf32, #tpu.memory_space<vmem>>
    %dma_start3A_477 = arith.constant 2400 : i32
    %dma_start3A_478 = tpu.memref_slice %arg10[%dma_start3A_477] : memref<10000xi32, #tpu.memory_space<vmem>> -> memref<80xi32, #tpu.memory_space<vmem>>
    %dma_start3A_479 = arith.constant 0 : i32
    %dma_start3A_480 = arith.constant 0 : i32
    %dma_start3A_481 = tpu.memref_slice %arg13[%dma_start3A_479, %dma_start3A_480] : memref<10000x16xf32, #tpu.memory_space<vmem_shared>> -> memref<10000x16xf32, #tpu.memory_space<vmem_shared>>
    tpu.enqueue_indirect_dma source(%dma_start3A_476 : memref<80x16xf32, #tpu.memory_space<vmem>>) target(%dma_start3A_481 : memref<10000x16xf32, #tpu.memory_space<vmem_shared>>) offsets(%dma_start3A_478 : memref<80xi32, #tpu.memory_space<vmem>>) semaphore(%arg16 : memref<!tpu.dma_semaphore, #tpu.memory_space<semaphore_mem>>) {add = true}
    %dma_start3A_482 = arith.constant 480 : i32
    %dma_start3A_483 = arith.constant 0 : i32
    %dma_start3A_484 = tpu.memref_slice %arg12[%dma_start3A_482, %dma_start3A_483] : memref<2000x16xf32, #tpu.memory_space<vmem>> -> memref<80x16xf32, #tpu.memory_space<vmem>>
    %dma_start3A_485 = arith.constant 2480 : i32
    %dma_start3A_486 = tpu.memref_slice %arg10[%dma_start3A_485] : memref<10000xi32, #tpu.memory_space<vmem>> -> memref<80xi32, #tpu.memory_space<vmem>>
    %dma_start3A_487 = arith.constant 0 : i32
    %dma_start3A_488 = arith.constant 0 : i32
    %dma_start3A_489 = tpu.memref_slice %arg13[%dma_start3A_487, %dma_start3A_488] : memref<10000x16xf32, #tpu.memory_space<vmem_shared>> -> memref<10000x16xf32, #tpu.memory_space<vmem_shared>>
    tpu.enqueue_indirect_dma source(%dma_start3A_484 : memref<80x16xf32, #tpu.memory_space<vmem>>) target(%dma_start3A_489 : memref<10000x16xf32, #tpu.memory_space<vmem_shared>>) offsets(%dma_start3A_486 : memref<80xi32, #tpu.memory_space<vmem>>) semaphore(%arg16 : memref<!tpu.dma_semaphore, #tpu.memory_space<semaphore_mem>>) {add = true}
    %dma_start3A_490 = arith.constant 560 : i32
    %dma_start3A_491 = arith.constant 0 : i32
    %dma_start3A_492 = tpu.memref_slice %arg12[%dma_start3A_490, %dma_start3A_491] : memref<2000x16xf32, #tpu.memory_space<vmem>> -> memref<80x16xf32, #tpu.memory_space<vmem>>
    %dma_start3A_493 = arith.constant 2560 : i32
    %dma_start3A_494 = tpu.memref_slice %arg10[%dma_start3A_493] : memref<10000xi32, #tpu.memory_space<vmem>> -> memref<80xi32, #tpu.memory_space<vmem>>
    %dma_start3A_495 = arith.constant 0 : i32
    %dma_start3A_496 = arith.constant 0 : i32
    %dma_start3A_497 = tpu.memref_slice %arg13[%dma_start3A_495, %dma_start3A_496] : memref<10000x16xf32, #tpu.memory_space<vmem_shared>> -> memref<10000x16xf32, #tpu.memory_space<vmem_shared>>
    tpu.enqueue_indirect_dma source(%dma_start3A_492 : memref<80x16xf32, #tpu.memory_space<vmem>>) target(%dma_start3A_497 : memref<10000x16xf32, #tpu.memory_space<vmem_shared>>) offsets(%dma_start3A_494 : memref<80xi32, #tpu.memory_space<vmem>>) semaphore(%arg16 : memref<!tpu.dma_semaphore, #tpu.memory_space<semaphore_mem>>) {add = true}
    %dma_start3A_498 = arith.constant 640 : i32
    %dma_start3A_499 = arith.constant 0 : i32
    %dma_start3A_500 = tpu.memref_slice %arg12[%dma_start3A_498, %dma_start3A_499] : memref<2000x16xf32, #tpu.memory_space<vmem>> -> memref<80x16xf32, #tpu.memory_space<vmem>>
    %dma_start3A_501 = arith.constant 2640 : i32
    %dma_start3A_502 = tpu.memref_slice %arg10[%dma_start3A_501] : memref<10000xi32, #tpu.memory_space<vmem>> -> memref<80xi32, #tpu.memory_space<vmem>>
    %dma_start3A_503 = arith.constant 0 : i32
    %dma_start3A_504 = arith.constant 0 : i32
    %dma_start3A_505 = tpu.memref_slice %arg13[%dma_start3A_503, %dma_start3A_504] : memref<10000x16xf32, #tpu.memory_space<vmem_shared>> -> memref<10000x16xf32, #tpu.memory_space<vmem_shared>>
    tpu.enqueue_indirect_dma source(%dma_start3A_500 : memref<80x16xf32, #tpu.memory_space<vmem>>) target(%dma_start3A_505 : memref<10000x16xf32, #tpu.memory_space<vmem_shared>>) offsets(%dma_start3A_502 : memref<80xi32, #tpu.memory_space<vmem>>) semaphore(%arg16 : memref<!tpu.dma_semaphore, #tpu.memory_space<semaphore_mem>>) {add = true}
    %dma_start3A_506 = arith.constant 720 : i32
    %dma_start3A_507 = arith.constant 0 : i32
    %dma_start3A_508 = tpu.memref_slice %arg12[%dma_start3A_506, %dma_start3A_507] : memref<2000x16xf32, #tpu.memory_space<vmem>> -> memref<80x16xf32, #tpu.memory_space<vmem>>
    %dma_start3A_509 = arith.constant 2720 : i32
    %dma_start3A_510 = tpu.memref_slice %arg10[%dma_start3A_509] : memref<10000xi32, #tpu.memory_space<vmem>> -> memref<80xi32, #tpu.memory_space<vmem>>
    %dma_start3A_511 = arith.constant 0 : i32
    %dma_start3A_512 = arith.constant 0 : i32
    %dma_start3A_513 = tpu.memref_slice %arg13[%dma_start3A_511, %dma_start3A_512] : memref<10000x16xf32, #tpu.memory_space<vmem_shared>> -> memref<10000x16xf32, #tpu.memory_space<vmem_shared>>
    tpu.enqueue_indirect_dma source(%dma_start3A_508 : memref<80x16xf32, #tpu.memory_space<vmem>>) target(%dma_start3A_513 : memref<10000x16xf32, #tpu.memory_space<vmem_shared>>) offsets(%dma_start3A_510 : memref<80xi32, #tpu.memory_space<vmem>>) semaphore(%arg16 : memref<!tpu.dma_semaphore, #tpu.memory_space<semaphore_mem>>) {add = true}
    %dma_start3A_514 = arith.constant 800 : i32
    %dma_start3A_515 = arith.constant 0 : i32
    %dma_start3A_516 = tpu.memref_slice %arg12[%dma_start3A_514, %dma_start3A_515] : memref<2000x16xf32, #tpu.memory_space<vmem>> -> memref<80x16xf32, #tpu.memory_space<vmem>>
    %dma_start3A_517 = arith.constant 2800 : i32
    %dma_start3A_518 = tpu.memref_slice %arg10[%dma_start3A_517] : memref<10000xi32, #tpu.memory_space<vmem>> -> memref<80xi32, #tpu.memory_space<vmem>>
    %dma_start3A_519 = arith.constant 0 : i32
    %dma_start3A_520 = arith.constant 0 : i32
    %dma_start3A_521 = tpu.memref_slice %arg13[%dma_start3A_519, %dma_start3A_520] : memref<10000x16xf32, #tpu.memory_space<vmem_shared>> -> memref<10000x16xf32, #tpu.memory_space<vmem_shared>>
    tpu.enqueue_indirect_dma source(%dma_start3A_516 : memref<80x16xf32, #tpu.memory_space<vmem>>) target(%dma_start3A_521 : memref<10000x16xf32, #tpu.memory_space<vmem_shared>>) offsets(%dma_start3A_518 : memref<80xi32, #tpu.memory_space<vmem>>) semaphore(%arg16 : memref<!tpu.dma_semaphore, #tpu.memory_space<semaphore_mem>>) {add = true}
    %dma_start3A_522 = arith.constant 880 : i32
    %dma_start3A_523 = arith.constant 0 : i32
    %dma_start3A_524 = tpu.memref_slice %arg12[%dma_start3A_522, %dma_start3A_523] : memref<2000x16xf32, #tpu.memory_space<vmem>> -> memref<80x16xf32, #tpu.memory_space<vmem>>
    %dma_start3A_525 = arith.constant 2880 : i32
    %dma_start3A_526 = tpu.memref_slice %arg10[%dma_start3A_525] : memref<10000xi32, #tpu.memory_space<vmem>> -> memref<80xi32, #tpu.memory_space<vmem>>
    %dma_start3A_527 = arith.constant 0 : i32
    %dma_start3A_528 = arith.constant 0 : i32
    %dma_start3A_529 = tpu.memref_slice %arg13[%dma_start3A_527, %dma_start3A_528] : memref<10000x16xf32, #tpu.memory_space<vmem_shared>> -> memref<10000x16xf32, #tpu.memory_space<vmem_shared>>
    tpu.enqueue_indirect_dma source(%dma_start3A_524 : memref<80x16xf32, #tpu.memory_space<vmem>>) target(%dma_start3A_529 : memref<10000x16xf32, #tpu.memory_space<vmem_shared>>) offsets(%dma_start3A_526 : memref<80xi32, #tpu.memory_space<vmem>>) semaphore(%arg16 : memref<!tpu.dma_semaphore, #tpu.memory_space<semaphore_mem>>) {add = true}
    %dma_start3A_530 = arith.constant 960 : i32
    %dma_start3A_531 = arith.constant 0 : i32
    %dma_start3A_532 = tpu.memref_slice %arg12[%dma_start3A_530, %dma_start3A_531] : memref<2000x16xf32, #tpu.memory_space<vmem>> -> memref<80x16xf32, #tpu.memory_space<vmem>>
    %dma_start3A_533 = arith.constant 2960 : i32
    %dma_start3A_534 = tpu.memref_slice %arg10[%dma_start3A_533] : memref<10000xi32, #tpu.memory_space<vmem>> -> memref<80xi32, #tpu.memory_space<vmem>>
    %dma_start3A_535 = arith.constant 0 : i32
    %dma_start3A_536 = arith.constant 0 : i32
    %dma_start3A_537 = tpu.memref_slice %arg13[%dma_start3A_535, %dma_start3A_536] : memref<10000x16xf32, #tpu.memory_space<vmem_shared>> -> memref<10000x16xf32, #tpu.memory_space<vmem_shared>>
    tpu.enqueue_indirect_dma source(%dma_start3A_532 : memref<80x16xf32, #tpu.memory_space<vmem>>) target(%dma_start3A_537 : memref<10000x16xf32, #tpu.memory_space<vmem_shared>>) offsets(%dma_start3A_534 : memref<80xi32, #tpu.memory_space<vmem>>) semaphore(%arg16 : memref<!tpu.dma_semaphore, #tpu.memory_space<semaphore_mem>>) {add = true}
    %dma_start3A_538 = arith.constant 1040 : i32
    %dma_start3A_539 = arith.constant 0 : i32
    %dma_start3A_540 = tpu.memref_slice %arg12[%dma_start3A_538, %dma_start3A_539] : memref<2000x16xf32, #tpu.memory_space<vmem>> -> memref<80x16xf32, #tpu.memory_space<vmem>>
    %dma_start3A_541 = arith.constant 3040 : i32
    %dma_start3A_542 = tpu.memref_slice %arg10[%dma_start3A_541] : memref<10000xi32, #tpu.memory_space<vmem>> -> memref<80xi32, #tpu.memory_space<vmem>>
    %dma_start3A_543 = arith.constant 0 : i32
    %dma_start3A_544 = arith.constant 0 : i32
    %dma_start3A_545 = tpu.memref_slice %arg13[%dma_start3A_543, %dma_start3A_544] : memref<10000x16xf32, #tpu.memory_space<vmem_shared>> -> memref<10000x16xf32, #tpu.memory_space<vmem_shared>>
    tpu.enqueue_indirect_dma source(%dma_start3A_540 : memref<80x16xf32, #tpu.memory_space<vmem>>) target(%dma_start3A_545 : memref<10000x16xf32, #tpu.memory_space<vmem_shared>>) offsets(%dma_start3A_542 : memref<80xi32, #tpu.memory_space<vmem>>) semaphore(%arg16 : memref<!tpu.dma_semaphore, #tpu.memory_space<semaphore_mem>>) {add = true}
    %dma_start3A_546 = arith.constant 1120 : i32
    %dma_start3A_547 = arith.constant 0 : i32
    %dma_start3A_548 = tpu.memref_slice %arg12[%dma_start3A_546, %dma_start3A_547] : memref<2000x16xf32, #tpu.memory_space<vmem>> -> memref<80x16xf32, #tpu.memory_space<vmem>>
    %dma_start3A_549 = arith.constant 3120 : i32
    %dma_start3A_550 = tpu.memref_slice %arg10[%dma_start3A_549] : memref<10000xi32, #tpu.memory_space<vmem>> -> memref<80xi32, #tpu.memory_space<vmem>>
    %dma_start3A_551 = arith.constant 0 : i32
    %dma_start3A_552 = arith.constant 0 : i32
    %dma_start3A_553 = tpu.memref_slice %arg13[%dma_start3A_551, %dma_start3A_552] : memref<10000x16xf32, #tpu.memory_space<vmem_shared>> -> memref<10000x16xf32, #tpu.memory_space<vmem_shared>>
    tpu.enqueue_indirect_dma source(%dma_start3A_548 : memref<80x16xf32, #tpu.memory_space<vmem>>) target(%dma_start3A_553 : memref<10000x16xf32, #tpu.memory_space<vmem_shared>>) offsets(%dma_start3A_550 : memref<80xi32, #tpu.memory_space<vmem>>) semaphore(%arg16 : memref<!tpu.dma_semaphore, #tpu.memory_space<semaphore_mem>>) {add = true}
    %dma_start3A_554 = arith.constant 1200 : i32
    %dma_start3A_555 = arith.constant 0 : i32
    %dma_start3A_556 = tpu.memref_slice %arg12[%dma_start3A_554, %dma_start3A_555] : memref<2000x16xf32, #tpu.memory_space<vmem>> -> memref<80x16xf32, #tpu.memory_space<vmem>>
    %dma_start3A_557 = arith.constant 3200 : i32
    %dma_start3A_558 = tpu.memref_slice %arg10[%dma_start3A_557] : memref<10000xi32, #tpu.memory_space<vmem>> -> memref<80xi32, #tpu.memory_space<vmem>>
    %dma_start3A_559 = arith.constant 0 : i32
    %dma_start3A_560 = arith.constant 0 : i32
    %dma_start3A_561 = tpu.memref_slice %arg13[%dma_start3A_559, %dma_start3A_560] : memref<10000x16xf32, #tpu.memory_space<vmem_shared>> -> memref<10000x16xf32, #tpu.memory_space<vmem_shared>>
    tpu.enqueue_indirect_dma source(%dma_start3A_556 : memref<80x16xf32, #tpu.memory_space<vmem>>) target(%dma_start3A_561 : memref<10000x16xf32, #tpu.memory_space<vmem_shared>>) offsets(%dma_start3A_558 : memref<80xi32, #tpu.memory_space<vmem>>) semaphore(%arg16 : memref<!tpu.dma_semaphore, #tpu.memory_space<semaphore_mem>>) {add = true}
    %dma_start3A_562 = arith.constant 1280 : i32
    %dma_start3A_563 = arith.constant 0 : i32
    %dma_start3A_564 = tpu.memref_slice %arg12[%dma_start3A_562, %dma_start3A_563] : memref<2000x16xf32, #tpu.memory_space<vmem>> -> memref<80x16xf32, #tpu.memory_space<vmem>>
    %dma_start3A_565 = arith.constant 3280 : i32
    %dma_start3A_566 = tpu.memref_slice %arg10[%dma_start3A_565] : memref<10000xi32, #tpu.memory_space<vmem>> -> memref<80xi32, #tpu.memory_space<vmem>>
    %dma_start3A_567 = arith.constant 0 : i32
    %dma_start3A_568 = arith.constant 0 : i32
    %dma_start3A_569 = tpu.memref_slice %arg13[%dma_start3A_567, %dma_start3A_568] : memref<10000x16xf32, #tpu.memory_space<vmem_shared>> -> memref<10000x16xf32, #tpu.memory_space<vmem_shared>>
    tpu.enqueue_indirect_dma source(%dma_start3A_564 : memref<80x16xf32, #tpu.memory_space<vmem>>) target(%dma_start3A_569 : memref<10000x16xf32, #tpu.memory_space<vmem_shared>>) offsets(%dma_start3A_566 : memref<80xi32, #tpu.memory_space<vmem>>) semaphore(%arg16 : memref<!tpu.dma_semaphore, #tpu.memory_space<semaphore_mem>>) {add = true}
    %dma_start3A_570 = arith.constant 1360 : i32
    %dma_start3A_571 = arith.constant 0 : i32
    %dma_start3A_572 = tpu.memref_slice %arg12[%dma_start3A_570, %dma_start3A_571] : memref<2000x16xf32, #tpu.memory_space<vmem>> -> memref<80x16xf32, #tpu.memory_space<vmem>>
    %dma_start3A_573 = arith.constant 3360 : i32
    %dma_start3A_574 = tpu.memref_slice %arg10[%dma_start3A_573] : memref<10000xi32, #tpu.memory_space<vmem>> -> memref<80xi32, #tpu.memory_space<vmem>>
    %dma_start3A_575 = arith.constant 0 : i32
    %dma_start3A_576 = arith.constant 0 : i32
    %dma_start3A_577 = tpu.memref_slice %arg13[%dma_start3A_575, %dma_start3A_576] : memref<10000x16xf32, #tpu.memory_space<vmem_shared>> -> memref<10000x16xf32, #tpu.memory_space<vmem_shared>>
    tpu.enqueue_indirect_dma source(%dma_start3A_572 : memref<80x16xf32, #tpu.memory_space<vmem>>) target(%dma_start3A_577 : memref<10000x16xf32, #tpu.memory_space<vmem_shared>>) offsets(%dma_start3A_574 : memref<80xi32, #tpu.memory_space<vmem>>) semaphore(%arg16 : memref<!tpu.dma_semaphore, #tpu.memory_space<semaphore_mem>>) {add = true}
    %dma_start3A_578 = arith.constant 1440 : i32
    %dma_start3A_579 = arith.constant 0 : i32
    %dma_start3A_580 = tpu.memref_slice %arg12[%dma_start3A_578, %dma_start3A_579] : memref<2000x16xf32, #tpu.memory_space<vmem>> -> memref<80x16xf32, #tpu.memory_space<vmem>>
    %dma_start3A_581 = arith.constant 3440 : i32
    %dma_start3A_582 = tpu.memref_slice %arg10[%dma_start3A_581] : memref<10000xi32, #tpu.memory_space<vmem>> -> memref<80xi32, #tpu.memory_space<vmem>>
    %dma_start3A_583 = arith.constant 0 : i32
    %dma_start3A_584 = arith.constant 0 : i32
    %dma_start3A_585 = tpu.memref_slice %arg13[%dma_start3A_583, %dma_start3A_584] : memref<10000x16xf32, #tpu.memory_space<vmem_shared>> -> memref<10000x16xf32, #tpu.memory_space<vmem_shared>>
    tpu.enqueue_indirect_dma source(%dma_start3A_580 : memref<80x16xf32, #tpu.memory_space<vmem>>) target(%dma_start3A_585 : memref<10000x16xf32, #tpu.memory_space<vmem_shared>>) offsets(%dma_start3A_582 : memref<80xi32, #tpu.memory_space<vmem>>) semaphore(%arg16 : memref<!tpu.dma_semaphore, #tpu.memory_space<semaphore_mem>>) {add = true}
    %dma_start3A_586 = arith.constant 1520 : i32
    %dma_start3A_587 = arith.constant 0 : i32
    %dma_start3A_588 = tpu.memref_slice %arg12[%dma_start3A_586, %dma_start3A_587] : memref<2000x16xf32, #tpu.memory_space<vmem>> -> memref<80x16xf32, #tpu.memory_space<vmem>>
    %dma_start3A_589 = arith.constant 3520 : i32
    %dma_start3A_590 = tpu.memref_slice %arg10[%dma_start3A_589] : memref<10000xi32, #tpu.memory_space<vmem>> -> memref<80xi32, #tpu.memory_space<vmem>>
    %dma_start3A_591 = arith.constant 0 : i32
    %dma_start3A_592 = arith.constant 0 : i32
    %dma_start3A_593 = tpu.memref_slice %arg13[%dma_start3A_591, %dma_start3A_592] : memref<10000x16xf32, #tpu.memory_space<vmem_shared>> -> memref<10000x16xf32, #tpu.memory_space<vmem_shared>>
    tpu.enqueue_indirect_dma source(%dma_start3A_588 : memref<80x16xf32, #tpu.memory_space<vmem>>) target(%dma_start3A_593 : memref<10000x16xf32, #tpu.memory_space<vmem_shared>>) offsets(%dma_start3A_590 : memref<80xi32, #tpu.memory_space<vmem>>) semaphore(%arg16 : memref<!tpu.dma_semaphore, #tpu.memory_space<semaphore_mem>>) {add = true}
    %dma_start3A_594 = arith.constant 1600 : i32
    %dma_start3A_595 = arith.constant 0 : i32
    %dma_start3A_596 = tpu.memref_slice %arg12[%dma_start3A_594, %dma_start3A_595] : memref<2000x16xf32, #tpu.memory_space<vmem>> -> memref<80x16xf32, #tpu.memory_space<vmem>>
    %dma_start3A_597 = arith.constant 3600 : i32
    %dma_start3A_598 = tpu.memref_slice %arg10[%dma_start3A_597] : memref<10000xi32, #tpu.memory_space<vmem>> -> memref<80xi32, #tpu.memory_space<vmem>>
    %dma_start3A_599 = arith.constant 0 : i32
    %dma_start3A_600 = arith.constant 0 : i32
    %dma_start3A_601 = tpu.memref_slice %arg13[%dma_start3A_599, %dma_start3A_600] : memref<10000x16xf32, #tpu.memory_space<vmem_shared>> -> memref<10000x16xf32, #tpu.memory_space<vmem_shared>>
    tpu.enqueue_indirect_dma source(%dma_start3A_596 : memref<80x16xf32, #tpu.memory_space<vmem>>) target(%dma_start3A_601 : memref<10000x16xf32, #tpu.memory_space<vmem_shared>>) offsets(%dma_start3A_598 : memref<80xi32, #tpu.memory_space<vmem>>) semaphore(%arg16 : memref<!tpu.dma_semaphore, #tpu.memory_space<semaphore_mem>>) {add = true}
    %dma_start3A_602 = arith.constant 1680 : i32
    %dma_start3A_603 = arith.constant 0 : i32
    %dma_start3A_604 = tpu.memref_slice %arg12[%dma_start3A_602, %dma_start3A_603] : memref<2000x16xf32, #tpu.memory_space<vmem>> -> memref<80x16xf32, #tpu.memory_space<vmem>>
    %dma_start3A_605 = arith.constant 3680 : i32
    %dma_start3A_606 = tpu.memref_slice %arg10[%dma_start3A_605] : memref<10000xi32, #tpu.memory_space<vmem>> -> memref<80xi32, #tpu.memory_space<vmem>>
    %dma_start3A_607 = arith.constant 0 : i32
    %dma_start3A_608 = arith.constant 0 : i32
    %dma_start3A_609 = tpu.memref_slice %arg13[%dma_start3A_607, %dma_start3A_608] : memref<10000x16xf32, #tpu.memory_space<vmem_shared>> -> memref<10000x16xf32, #tpu.memory_space<vmem_shared>>
    tpu.enqueue_indirect_dma source(%dma_start3A_604 : memref<80x16xf32, #tpu.memory_space<vmem>>) target(%dma_start3A_609 : memref<10000x16xf32, #tpu.memory_space<vmem_shared>>) offsets(%dma_start3A_606 : memref<80xi32, #tpu.memory_space<vmem>>) semaphore(%arg16 : memref<!tpu.dma_semaphore, #tpu.memory_space<semaphore_mem>>) {add = true}
    %dma_start3A_610 = arith.constant 1760 : i32
    %dma_start3A_611 = arith.constant 0 : i32
    %dma_start3A_612 = tpu.memref_slice %arg12[%dma_start3A_610, %dma_start3A_611] : memref<2000x16xf32, #tpu.memory_space<vmem>> -> memref<80x16xf32, #tpu.memory_space<vmem>>
    %dma_start3A_613 = arith.constant 3760 : i32
    %dma_start3A_614 = tpu.memref_slice %arg10[%dma_start3A_613] : memref<10000xi32, #tpu.memory_space<vmem>> -> memref<80xi32, #tpu.memory_space<vmem>>
    %dma_start3A_615 = arith.constant 0 : i32
    %dma_start3A_616 = arith.constant 0 : i32
    %dma_start3A_617 = tpu.memref_slice %arg13[%dma_start3A_615, %dma_start3A_616] : memref<10000x16xf32, #tpu.memory_space<vmem_shared>> -> memref<10000x16xf32, #tpu.memory_space<vmem_shared>>
    tpu.enqueue_indirect_dma source(%dma_start3A_612 : memref<80x16xf32, #tpu.memory_space<vmem>>) target(%dma_start3A_617 : memref<10000x16xf32, #tpu.memory_space<vmem_shared>>) offsets(%dma_start3A_614 : memref<80xi32, #tpu.memory_space<vmem>>) semaphore(%arg16 : memref<!tpu.dma_semaphore, #tpu.memory_space<semaphore_mem>>) {add = true}
    %dma_start3A_618 = arith.constant 1840 : i32
    %dma_start3A_619 = arith.constant 0 : i32
    %dma_start3A_620 = tpu.memref_slice %arg12[%dma_start3A_618, %dma_start3A_619] : memref<2000x16xf32, #tpu.memory_space<vmem>> -> memref<80x16xf32, #tpu.memory_space<vmem>>
    %dma_start3A_621 = arith.constant 3840 : i32
    %dma_start3A_622 = tpu.memref_slice %arg10[%dma_start3A_621] : memref<10000xi32, #tpu.memory_space<vmem>> -> memref<80xi32, #tpu.memory_space<vmem>>
    %dma_start3A_623 = arith.constant 0 : i32
    %dma_start3A_624 = arith.constant 0 : i32
    %dma_start3A_625 = tpu.memref_slice %arg13[%dma_start3A_623, %dma_start3A_624] : memref<10000x16xf32, #tpu.memory_space<vmem_shared>> -> memref<10000x16xf32, #tpu.memory_space<vmem_shared>>
    tpu.enqueue_indirect_dma source(%dma_start3A_620 : memref<80x16xf32, #tpu.memory_space<vmem>>) target(%dma_start3A_625 : memref<10000x16xf32, #tpu.memory_space<vmem_shared>>) offsets(%dma_start3A_622 : memref<80xi32, #tpu.memory_space<vmem>>) semaphore(%arg16 : memref<!tpu.dma_semaphore, #tpu.memory_space<semaphore_mem>>) {add = true}
    %dma_start3A_626 = arith.constant 1920 : i32
    %dma_start3A_627 = arith.constant 0 : i32
    %dma_start3A_628 = tpu.memref_slice %arg12[%dma_start3A_626, %dma_start3A_627] : memref<2000x16xf32, #tpu.memory_space<vmem>> -> memref<80x16xf32, #tpu.memory_space<vmem>>
    %dma_start3A_629 = arith.constant 3920 : i32
    %dma_start3A_630 = tpu.memref_slice %arg10[%dma_start3A_629] : memref<10000xi32, #tpu.memory_space<vmem>> -> memref<80xi32, #tpu.memory_space<vmem>>
    %dma_start3A_631 = arith.constant 0 : i32
    %dma_start3A_632 = arith.constant 0 : i32
    %dma_start3A_633 = tpu.memref_slice %arg13[%dma_start3A_631, %dma_start3A_632] : memref<10000x16xf32, #tpu.memory_space<vmem_shared>> -> memref<10000x16xf32, #tpu.memory_space<vmem_shared>>
    tpu.enqueue_indirect_dma source(%dma_start3A_628 : memref<80x16xf32, #tpu.memory_space<vmem>>) target(%dma_start3A_633 : memref<10000x16xf32, #tpu.memory_space<vmem_shared>>) offsets(%dma_start3A_630 : memref<80xi32, #tpu.memory_space<vmem>>) semaphore(%arg16 : memref<!tpu.dma_semaphore, #tpu.memory_space<semaphore_mem>>) {add = true}
    %dma_wait3A_634 = arith.constant 0 : i32
    %dma_wait3A_635 = arith.constant 0 : i32
    %dma_wait3A_636 = tpu.memref_slice %arg12[%dma_wait3A_634, %dma_wait3A_635] : memref<2000x16xf32, #tpu.memory_space<vmem>> -> memref<80x16xf32, #tpu.memory_space<vmem>>
    %dma_wait3A_637 = arith.constant 2000 : i32
    %dma_wait3A_638 = tpu.memref_slice %arg10[%dma_wait3A_637] : memref<10000xi32, #tpu.memory_space<vmem>> -> memref<80xi32, #tpu.memory_space<vmem>>
    %dma_wait3A_639 = arith.constant 0 : i32
    %dma_wait3A_640 = arith.constant 0 : i32
    %dma_wait3A_641 = tpu.memref_slice %arg13[%dma_wait3A_639, %dma_wait3A_640] : memref<10000x16xf32, #tpu.memory_space<vmem_shared>> -> memref<10000x16xf32, #tpu.memory_space<vmem_shared>>
    tpu.wait_indirect_dma semaphore(%arg16 : memref<!tpu.dma_semaphore, #tpu.memory_space<semaphore_mem>>) src(%dma_wait3A_636 : memref<80x16xf32, #tpu.memory_space<vmem>>) dst(%dma_wait3A_641 : memref<10000x16xf32, #tpu.memory_space<vmem_shared>>)
    %dma_wait3A_642 = arith.constant 80 : i32
    %dma_wait3A_643 = arith.constant 0 : i32
    %dma_wait3A_644 = tpu.memref_slice %arg12[%dma_wait3A_642, %dma_wait3A_643] : memref<2000x16xf32, #tpu.memory_space<vmem>> -> memref<80x16xf32, #tpu.memory_space<vmem>>
    %dma_wait3A_645 = arith.constant 2080 : i32
    %dma_wait3A_646 = tpu.memref_slice %arg10[%dma_wait3A_645] : memref<10000xi32, #tpu.memory_space<vmem>> -> memref<80xi32, #tpu.memory_space<vmem>>
    %dma_wait3A_647 = arith.constant 0 : i32
    %dma_wait3A_648 = arith.constant 0 : i32
    %dma_wait3A_649 = tpu.memref_slice %arg13[%dma_wait3A_647, %dma_wait3A_648] : memref<10000x16xf32, #tpu.memory_space<vmem_shared>> -> memref<10000x16xf32, #tpu.memory_space<vmem_shared>>
    tpu.wait_indirect_dma semaphore(%arg16 : memref<!tpu.dma_semaphore, #tpu.memory_space<semaphore_mem>>) src(%dma_wait3A_644 : memref<80x16xf32, #tpu.memory_space<vmem>>) dst(%dma_wait3A_649 : memref<10000x16xf32, #tpu.memory_space<vmem_shared>>)
    %dma_wait3A_650 = arith.constant 160 : i32
    %dma_wait3A_651 = arith.constant 0 : i32
    %dma_wait3A_652 = tpu.memref_slice %arg12[%dma_wait3A_650, %dma_wait3A_651] : memref<2000x16xf32, #tpu.memory_space<vmem>> -> memref<80x16xf32, #tpu.memory_space<vmem>>
    %dma_wait3A_653 = arith.constant 2160 : i32
    %dma_wait3A_654 = tpu.memref_slice %arg10[%dma_wait3A_653] : memref<10000xi32, #tpu.memory_space<vmem>> -> memref<80xi32, #tpu.memory_space<vmem>>
    %dma_wait3A_655 = arith.constant 0 : i32
    %dma_wait3A_656 = arith.constant 0 : i32
    %dma_wait3A_657 = tpu.memref_slice %arg13[%dma_wait3A_655, %dma_wait3A_656] : memref<10000x16xf32, #tpu.memory_space<vmem_shared>> -> memref<10000x16xf32, #tpu.memory_space<vmem_shared>>
    tpu.wait_indirect_dma semaphore(%arg16 : memref<!tpu.dma_semaphore, #tpu.memory_space<semaphore_mem>>) src(%dma_wait3A_652 : memref<80x16xf32, #tpu.memory_space<vmem>>) dst(%dma_wait3A_657 : memref<10000x16xf32, #tpu.memory_space<vmem_shared>>)
    %dma_wait3A_658 = arith.constant 240 : i32
    %dma_wait3A_659 = arith.constant 0 : i32
    %dma_wait3A_660 = tpu.memref_slice %arg12[%dma_wait3A_658, %dma_wait3A_659] : memref<2000x16xf32, #tpu.memory_space<vmem>> -> memref<80x16xf32, #tpu.memory_space<vmem>>
    %dma_wait3A_661 = arith.constant 2240 : i32
    %dma_wait3A_662 = tpu.memref_slice %arg10[%dma_wait3A_661] : memref<10000xi32, #tpu.memory_space<vmem>> -> memref<80xi32, #tpu.memory_space<vmem>>
    %dma_wait3A_663 = arith.constant 0 : i32
    %dma_wait3A_664 = arith.constant 0 : i32
    %dma_wait3A_665 = tpu.memref_slice %arg13[%dma_wait3A_663, %dma_wait3A_664] : memref<10000x16xf32, #tpu.memory_space<vmem_shared>> -> memref<10000x16xf32, #tpu.memory_space<vmem_shared>>
    tpu.wait_indirect_dma semaphore(%arg16 : memref<!tpu.dma_semaphore, #tpu.memory_space<semaphore_mem>>) src(%dma_wait3A_660 : memref<80x16xf32, #tpu.memory_space<vmem>>) dst(%dma_wait3A_665 : memref<10000x16xf32, #tpu.memory_space<vmem_shared>>)
    %dma_wait3A_666 = arith.constant 320 : i32
    %dma_wait3A_667 = arith.constant 0 : i32
    %dma_wait3A_668 = tpu.memref_slice %arg12[%dma_wait3A_666, %dma_wait3A_667] : memref<2000x16xf32, #tpu.memory_space<vmem>> -> memref<80x16xf32, #tpu.memory_space<vmem>>
    %dma_wait3A_669 = arith.constant 2320 : i32
    %dma_wait3A_670 = tpu.memref_slice %arg10[%dma_wait3A_669] : memref<10000xi32, #tpu.memory_space<vmem>> -> memref<80xi32, #tpu.memory_space<vmem>>
    %dma_wait3A_671 = arith.constant 0 : i32
    %dma_wait3A_672 = arith.constant 0 : i32
    %dma_wait3A_673 = tpu.memref_slice %arg13[%dma_wait3A_671, %dma_wait3A_672] : memref<10000x16xf32, #tpu.memory_space<vmem_shared>> -> memref<10000x16xf32, #tpu.memory_space<vmem_shared>>
    tpu.wait_indirect_dma semaphore(%arg16 : memref<!tpu.dma_semaphore, #tpu.memory_space<semaphore_mem>>) src(%dma_wait3A_668 : memref<80x16xf32, #tpu.memory_space<vmem>>) dst(%dma_wait3A_673 : memref<10000x16xf32, #tpu.memory_space<vmem_shared>>)
    %dma_wait3A_674 = arith.constant 400 : i32
    %dma_wait3A_675 = arith.constant 0 : i32
    %dma_wait3A_676 = tpu.memref_slice %arg12[%dma_wait3A_674, %dma_wait3A_675] : memref<2000x16xf32, #tpu.memory_space<vmem>> -> memref<80x16xf32, #tpu.memory_space<vmem>>
    %dma_wait3A_677 = arith.constant 2400 : i32
    %dma_wait3A_678 = tpu.memref_slice %arg10[%dma_wait3A_677] : memref<10000xi32, #tpu.memory_space<vmem>> -> memref<80xi32, #tpu.memory_space<vmem>>
    %dma_wait3A_679 = arith.constant 0 : i32
    %dma_wait3A_680 = arith.constant 0 : i32
    %dma_wait3A_681 = tpu.memref_slice %arg13[%dma_wait3A_679, %dma_wait3A_680] : memref<10000x16xf32, #tpu.memory_space<vmem_shared>> -> memref<10000x16xf32, #tpu.memory_space<vmem_shared>>
    tpu.wait_indirect_dma semaphore(%arg16 : memref<!tpu.dma_semaphore, #tpu.memory_space<semaphore_mem>>) src(%dma_wait3A_676 : memref<80x16xf32, #tpu.memory_space<vmem>>) dst(%dma_wait3A_681 : memref<10000x16xf32, #tpu.memory_space<vmem_shared>>)
    %dma_wait3A_682 = arith.constant 480 : i32
    %dma_wait3A_683 = arith.constant 0 : i32
    %dma_wait3A_684 = tpu.memref_slice %arg12[%dma_wait3A_682, %dma_wait3A_683] : memref<2000x16xf32, #tpu.memory_space<vmem>> -> memref<80x16xf32, #tpu.memory_space<vmem>>
    %dma_wait3A_685 = arith.constant 2480 : i32
    %dma_wait3A_686 = tpu.memref_slice %arg10[%dma_wait3A_685] : memref<10000xi32, #tpu.memory_space<vmem>> -> memref<80xi32, #tpu.memory_space<vmem>>
    %dma_wait3A_687 = arith.constant 0 : i32
    %dma_wait3A_688 = arith.constant 0 : i32
    %dma_wait3A_689 = tpu.memref_slice %arg13[%dma_wait3A_687, %dma_wait3A_688] : memref<10000x16xf32, #tpu.memory_space<vmem_shared>> -> memref<10000x16xf32, #tpu.memory_space<vmem_shared>>
    tpu.wait_indirect_dma semaphore(%arg16 : memref<!tpu.dma_semaphore, #tpu.memory_space<semaphore_mem>>) src(%dma_wait3A_684 : memref<80x16xf32, #tpu.memory_space<vmem>>) dst(%dma_wait3A_689 : memref<10000x16xf32, #tpu.memory_space<vmem_shared>>)
    %dma_wait3A_690 = arith.constant 560 : i32
    %dma_wait3A_691 = arith.constant 0 : i32
    %dma_wait3A_692 = tpu.memref_slice %arg12[%dma_wait3A_690, %dma_wait3A_691] : memref<2000x16xf32, #tpu.memory_space<vmem>> -> memref<80x16xf32, #tpu.memory_space<vmem>>
    %dma_wait3A_693 = arith.constant 2560 : i32
    %dma_wait3A_694 = tpu.memref_slice %arg10[%dma_wait3A_693] : memref<10000xi32, #tpu.memory_space<vmem>> -> memref<80xi32, #tpu.memory_space<vmem>>
    %dma_wait3A_695 = arith.constant 0 : i32
    %dma_wait3A_696 = arith.constant 0 : i32
    %dma_wait3A_697 = tpu.memref_slice %arg13[%dma_wait3A_695, %dma_wait3A_696] : memref<10000x16xf32, #tpu.memory_space<vmem_shared>> -> memref<10000x16xf32, #tpu.memory_space<vmem_shared>>
    tpu.wait_indirect_dma semaphore(%arg16 : memref<!tpu.dma_semaphore, #tpu.memory_space<semaphore_mem>>) src(%dma_wait3A_692 : memref<80x16xf32, #tpu.memory_space<vmem>>) dst(%dma_wait3A_697 : memref<10000x16xf32, #tpu.memory_space<vmem_shared>>)
    %dma_wait3A_698 = arith.constant 640 : i32
    %dma_wait3A_699 = arith.constant 0 : i32
    %dma_wait3A_700 = tpu.memref_slice %arg12[%dma_wait3A_698, %dma_wait3A_699] : memref<2000x16xf32, #tpu.memory_space<vmem>> -> memref<80x16xf32, #tpu.memory_space<vmem>>
    %dma_wait3A_701 = arith.constant 2640 : i32
    %dma_wait3A_702 = tpu.memref_slice %arg10[%dma_wait3A_701] : memref<10000xi32, #tpu.memory_space<vmem>> -> memref<80xi32, #tpu.memory_space<vmem>>
    %dma_wait3A_703 = arith.constant 0 : i32
    %dma_wait3A_704 = arith.constant 0 : i32
    %dma_wait3A_705 = tpu.memref_slice %arg13[%dma_wait3A_703, %dma_wait3A_704] : memref<10000x16xf32, #tpu.memory_space<vmem_shared>> -> memref<10000x16xf32, #tpu.memory_space<vmem_shared>>
    tpu.wait_indirect_dma semaphore(%arg16 : memref<!tpu.dma_semaphore, #tpu.memory_space<semaphore_mem>>) src(%dma_wait3A_700 : memref<80x16xf32, #tpu.memory_space<vmem>>) dst(%dma_wait3A_705 : memref<10000x16xf32, #tpu.memory_space<vmem_shared>>)
    %dma_wait3A_706 = arith.constant 720 : i32
    %dma_wait3A_707 = arith.constant 0 : i32
    %dma_wait3A_708 = tpu.memref_slice %arg12[%dma_wait3A_706, %dma_wait3A_707] : memref<2000x16xf32, #tpu.memory_space<vmem>> -> memref<80x16xf32, #tpu.memory_space<vmem>>
    %dma_wait3A_709 = arith.constant 2720 : i32
    %dma_wait3A_710 = tpu.memref_slice %arg10[%dma_wait3A_709] : memref<10000xi32, #tpu.memory_space<vmem>> -> memref<80xi32, #tpu.memory_space<vmem>>
    %dma_wait3A_711 = arith.constant 0 : i32
    %dma_wait3A_712 = arith.constant 0 : i32
    %dma_wait3A_713 = tpu.memref_slice %arg13[%dma_wait3A_711, %dma_wait3A_712] : memref<10000x16xf32, #tpu.memory_space<vmem_shared>> -> memref<10000x16xf32, #tpu.memory_space<vmem_shared>>
    tpu.wait_indirect_dma semaphore(%arg16 : memref<!tpu.dma_semaphore, #tpu.memory_space<semaphore_mem>>) src(%dma_wait3A_708 : memref<80x16xf32, #tpu.memory_space<vmem>>) dst(%dma_wait3A_713 : memref<10000x16xf32, #tpu.memory_space<vmem_shared>>)
    %dma_wait3A_714 = arith.constant 800 : i32
    %dma_wait3A_715 = arith.constant 0 : i32
    %dma_wait3A_716 = tpu.memref_slice %arg12[%dma_wait3A_714, %dma_wait3A_715] : memref<2000x16xf32, #tpu.memory_space<vmem>> -> memref<80x16xf32, #tpu.memory_space<vmem>>
    %dma_wait3A_717 = arith.constant 2800 : i32
    %dma_wait3A_718 = tpu.memref_slice %arg10[%dma_wait3A_717] : memref<10000xi32, #tpu.memory_space<vmem>> -> memref<80xi32, #tpu.memory_space<vmem>>
    %dma_wait3A_719 = arith.constant 0 : i32
    %dma_wait3A_720 = arith.constant 0 : i32
    %dma_wait3A_721 = tpu.memref_slice %arg13[%dma_wait3A_719, %dma_wait3A_720] : memref<10000x16xf32, #tpu.memory_space<vmem_shared>> -> memref<10000x16xf32, #tpu.memory_space<vmem_shared>>
    tpu.wait_indirect_dma semaphore(%arg16 : memref<!tpu.dma_semaphore, #tpu.memory_space<semaphore_mem>>) src(%dma_wait3A_716 : memref<80x16xf32, #tpu.memory_space<vmem>>) dst(%dma_wait3A_721 : memref<10000x16xf32, #tpu.memory_space<vmem_shared>>)
    %dma_wait3A_722 = arith.constant 880 : i32
    %dma_wait3A_723 = arith.constant 0 : i32
    %dma_wait3A_724 = tpu.memref_slice %arg12[%dma_wait3A_722, %dma_wait3A_723] : memref<2000x16xf32, #tpu.memory_space<vmem>> -> memref<80x16xf32, #tpu.memory_space<vmem>>
    %dma_wait3A_725 = arith.constant 2880 : i32
    %dma_wait3A_726 = tpu.memref_slice %arg10[%dma_wait3A_725] : memref<10000xi32, #tpu.memory_space<vmem>> -> memref<80xi32, #tpu.memory_space<vmem>>
    %dma_wait3A_727 = arith.constant 0 : i32
    %dma_wait3A_728 = arith.constant 0 : i32
    %dma_wait3A_729 = tpu.memref_slice %arg13[%dma_wait3A_727, %dma_wait3A_728] : memref<10000x16xf32, #tpu.memory_space<vmem_shared>> -> memref<10000x16xf32, #tpu.memory_space<vmem_shared>>
    tpu.wait_indirect_dma semaphore(%arg16 : memref<!tpu.dma_semaphore, #tpu.memory_space<semaphore_mem>>) src(%dma_wait3A_724 : memref<80x16xf32, #tpu.memory_space<vmem>>) dst(%dma_wait3A_729 : memref<10000x16xf32, #tpu.memory_space<vmem_shared>>)
    %dma_wait3A_730 = arith.constant 960 : i32
    %dma_wait3A_731 = arith.constant 0 : i32
    %dma_wait3A_732 = tpu.memref_slice %arg12[%dma_wait3A_730, %dma_wait3A_731] : memref<2000x16xf32, #tpu.memory_space<vmem>> -> memref<80x16xf32, #tpu.memory_space<vmem>>
    %dma_wait3A_733 = arith.constant 2960 : i32
    %dma_wait3A_734 = tpu.memref_slice %arg10[%dma_wait3A_733] : memref<10000xi32, #tpu.memory_space<vmem>> -> memref<80xi32, #tpu.memory_space<vmem>>
    %dma_wait3A_735 = arith.constant 0 : i32
    %dma_wait3A_736 = arith.constant 0 : i32
    %dma_wait3A_737 = tpu.memref_slice %arg13[%dma_wait3A_735, %dma_wait3A_736] : memref<10000x16xf32, #tpu.memory_space<vmem_shared>> -> memref<10000x16xf32, #tpu.memory_space<vmem_shared>>
    tpu.wait_indirect_dma semaphore(%arg16 : memref<!tpu.dma_semaphore, #tpu.memory_space<semaphore_mem>>) src(%dma_wait3A_732 : memref<80x16xf32, #tpu.memory_space<vmem>>) dst(%dma_wait3A_737 : memref<10000x16xf32, #tpu.memory_space<vmem_shared>>)
    %dma_wait3A_738 = arith.constant 1040 : i32
    %dma_wait3A_739 = arith.constant 0 : i32
    %dma_wait3A_740 = tpu.memref_slice %arg12[%dma_wait3A_738, %dma_wait3A_739] : memref<2000x16xf32, #tpu.memory_space<vmem>> -> memref<80x16xf32, #tpu.memory_space<vmem>>
    %dma_wait3A_741 = arith.constant 3040 : i32
    %dma_wait3A_742 = tpu.memref_slice %arg10[%dma_wait3A_741] : memref<10000xi32, #tpu.memory_space<vmem>> -> memref<80xi32, #tpu.memory_space<vmem>>
    %dma_wait3A_743 = arith.constant 0 : i32
    %dma_wait3A_744 = arith.constant 0 : i32
    %dma_wait3A_745 = tpu.memref_slice %arg13[%dma_wait3A_743, %dma_wait3A_744] : memref<10000x16xf32, #tpu.memory_space<vmem_shared>> -> memref<10000x16xf32, #tpu.memory_space<vmem_shared>>
    tpu.wait_indirect_dma semaphore(%arg16 : memref<!tpu.dma_semaphore, #tpu.memory_space<semaphore_mem>>) src(%dma_wait3A_740 : memref<80x16xf32, #tpu.memory_space<vmem>>) dst(%dma_wait3A_745 : memref<10000x16xf32, #tpu.memory_space<vmem_shared>>)
    %dma_wait3A_746 = arith.constant 1120 : i32
    %dma_wait3A_747 = arith.constant 0 : i32
    %dma_wait3A_748 = tpu.memref_slice %arg12[%dma_wait3A_746, %dma_wait3A_747] : memref<2000x16xf32, #tpu.memory_space<vmem>> -> memref<80x16xf32, #tpu.memory_space<vmem>>
    %dma_wait3A_749 = arith.constant 3120 : i32
    %dma_wait3A_750 = tpu.memref_slice %arg10[%dma_wait3A_749] : memref<10000xi32, #tpu.memory_space<vmem>> -> memref<80xi32, #tpu.memory_space<vmem>>
    %dma_wait3A_751 = arith.constant 0 : i32
    %dma_wait3A_752 = arith.constant 0 : i32
    %dma_wait3A_753 = tpu.memref_slice %arg13[%dma_wait3A_751, %dma_wait3A_752] : memref<10000x16xf32, #tpu.memory_space<vmem_shared>> -> memref<10000x16xf32, #tpu.memory_space<vmem_shared>>
    tpu.wait_indirect_dma semaphore(%arg16 : memref<!tpu.dma_semaphore, #tpu.memory_space<semaphore_mem>>) src(%dma_wait3A_748 : memref<80x16xf32, #tpu.memory_space<vmem>>) dst(%dma_wait3A_753 : memref<10000x16xf32, #tpu.memory_space<vmem_shared>>)
    %dma_wait3A_754 = arith.constant 1200 : i32
    %dma_wait3A_755 = arith.constant 0 : i32
    %dma_wait3A_756 = tpu.memref_slice %arg12[%dma_wait3A_754, %dma_wait3A_755] : memref<2000x16xf32, #tpu.memory_space<vmem>> -> memref<80x16xf32, #tpu.memory_space<vmem>>
    %dma_wait3A_757 = arith.constant 3200 : i32
    %dma_wait3A_758 = tpu.memref_slice %arg10[%dma_wait3A_757] : memref<10000xi32, #tpu.memory_space<vmem>> -> memref<80xi32, #tpu.memory_space<vmem>>
    %dma_wait3A_759 = arith.constant 0 : i32
    %dma_wait3A_760 = arith.constant 0 : i32
    %dma_wait3A_761 = tpu.memref_slice %arg13[%dma_wait3A_759, %dma_wait3A_760] : memref<10000x16xf32, #tpu.memory_space<vmem_shared>> -> memref<10000x16xf32, #tpu.memory_space<vmem_shared>>
    tpu.wait_indirect_dma semaphore(%arg16 : memref<!tpu.dma_semaphore, #tpu.memory_space<semaphore_mem>>) src(%dma_wait3A_756 : memref<80x16xf32, #tpu.memory_space<vmem>>) dst(%dma_wait3A_761 : memref<10000x16xf32, #tpu.memory_space<vmem_shared>>)
    %dma_wait3A_762 = arith.constant 1280 : i32
    %dma_wait3A_763 = arith.constant 0 : i32
    %dma_wait3A_764 = tpu.memref_slice %arg12[%dma_wait3A_762, %dma_wait3A_763] : memref<2000x16xf32, #tpu.memory_space<vmem>> -> memref<80x16xf32, #tpu.memory_space<vmem>>
    %dma_wait3A_765 = arith.constant 3280 : i32
    %dma_wait3A_766 = tpu.memref_slice %arg10[%dma_wait3A_765] : memref<10000xi32, #tpu.memory_space<vmem>> -> memref<80xi32, #tpu.memory_space<vmem>>
    %dma_wait3A_767 = arith.constant 0 : i32
    %dma_wait3A_768 = arith.constant 0 : i32
    %dma_wait3A_769 = tpu.memref_slice %arg13[%dma_wait3A_767, %dma_wait3A_768] : memref<10000x16xf32, #tpu.memory_space<vmem_shared>> -> memref<10000x16xf32, #tpu.memory_space<vmem_shared>>
    tpu.wait_indirect_dma semaphore(%arg16 : memref<!tpu.dma_semaphore, #tpu.memory_space<semaphore_mem>>) src(%dma_wait3A_764 : memref<80x16xf32, #tpu.memory_space<vmem>>) dst(%dma_wait3A_769 : memref<10000x16xf32, #tpu.memory_space<vmem_shared>>)
    %dma_wait3A_770 = arith.constant 1360 : i32
    %dma_wait3A_771 = arith.constant 0 : i32
    %dma_wait3A_772 = tpu.memref_slice %arg12[%dma_wait3A_770, %dma_wait3A_771] : memref<2000x16xf32, #tpu.memory_space<vmem>> -> memref<80x16xf32, #tpu.memory_space<vmem>>
    %dma_wait3A_773 = arith.constant 3360 : i32
    %dma_wait3A_774 = tpu.memref_slice %arg10[%dma_wait3A_773] : memref<10000xi32, #tpu.memory_space<vmem>> -> memref<80xi32, #tpu.memory_space<vmem>>
    %dma_wait3A_775 = arith.constant 0 : i32
    %dma_wait3A_776 = arith.constant 0 : i32
    %dma_wait3A_777 = tpu.memref_slice %arg13[%dma_wait3A_775, %dma_wait3A_776] : memref<10000x16xf32, #tpu.memory_space<vmem_shared>> -> memref<10000x16xf32, #tpu.memory_space<vmem_shared>>
    tpu.wait_indirect_dma semaphore(%arg16 : memref<!tpu.dma_semaphore, #tpu.memory_space<semaphore_mem>>) src(%dma_wait3A_772 : memref<80x16xf32, #tpu.memory_space<vmem>>) dst(%dma_wait3A_777 : memref<10000x16xf32, #tpu.memory_space<vmem_shared>>)
    %dma_wait3A_778 = arith.constant 1440 : i32
    %dma_wait3A_779 = arith.constant 0 : i32
    %dma_wait3A_780 = tpu.memref_slice %arg12[%dma_wait3A_778, %dma_wait3A_779] : memref<2000x16xf32, #tpu.memory_space<vmem>> -> memref<80x16xf32, #tpu.memory_space<vmem>>
    %dma_wait3A_781 = arith.constant 3440 : i32
    %dma_wait3A_782 = tpu.memref_slice %arg10[%dma_wait3A_781] : memref<10000xi32, #tpu.memory_space<vmem>> -> memref<80xi32, #tpu.memory_space<vmem>>
    %dma_wait3A_783 = arith.constant 0 : i32
    %dma_wait3A_784 = arith.constant 0 : i32
    %dma_wait3A_785 = tpu.memref_slice %arg13[%dma_wait3A_783, %dma_wait3A_784] : memref<10000x16xf32, #tpu.memory_space<vmem_shared>> -> memref<10000x16xf32, #tpu.memory_space<vmem_shared>>
    tpu.wait_indirect_dma semaphore(%arg16 : memref<!tpu.dma_semaphore, #tpu.memory_space<semaphore_mem>>) src(%dma_wait3A_780 : memref<80x16xf32, #tpu.memory_space<vmem>>) dst(%dma_wait3A_785 : memref<10000x16xf32, #tpu.memory_space<vmem_shared>>)
    %dma_wait3A_786 = arith.constant 1520 : i32
    %dma_wait3A_787 = arith.constant 0 : i32
    %dma_wait3A_788 = tpu.memref_slice %arg12[%dma_wait3A_786, %dma_wait3A_787] : memref<2000x16xf32, #tpu.memory_space<vmem>> -> memref<80x16xf32, #tpu.memory_space<vmem>>
    %dma_wait3A_789 = arith.constant 3520 : i32
    %dma_wait3A_790 = tpu.memref_slice %arg10[%dma_wait3A_789] : memref<10000xi32, #tpu.memory_space<vmem>> -> memref<80xi32, #tpu.memory_space<vmem>>
    %dma_wait3A_791 = arith.constant 0 : i32
    %dma_wait3A_792 = arith.constant 0 : i32
    %dma_wait3A_793 = tpu.memref_slice %arg13[%dma_wait3A_791, %dma_wait3A_792] : memref<10000x16xf32, #tpu.memory_space<vmem_shared>> -> memref<10000x16xf32, #tpu.memory_space<vmem_shared>>
    tpu.wait_indirect_dma semaphore(%arg16 : memref<!tpu.dma_semaphore, #tpu.memory_space<semaphore_mem>>) src(%dma_wait3A_788 : memref<80x16xf32, #tpu.memory_space<vmem>>) dst(%dma_wait3A_793 : memref<10000x16xf32, #tpu.memory_space<vmem_shared>>)
    %dma_wait3A_794 = arith.constant 1600 : i32
    %dma_wait3A_795 = arith.constant 0 : i32
    %dma_wait3A_796 = tpu.memref_slice %arg12[%dma_wait3A_794, %dma_wait3A_795] : memref<2000x16xf32, #tpu.memory_space<vmem>> -> memref<80x16xf32, #tpu.memory_space<vmem>>
    %dma_wait3A_797 = arith.constant 3600 : i32
    %dma_wait3A_798 = tpu.memref_slice %arg10[%dma_wait3A_797] : memref<10000xi32, #tpu.memory_space<vmem>> -> memref<80xi32, #tpu.memory_space<vmem>>
    %dma_wait3A_799 = arith.constant 0 : i32
    %dma_wait3A_800 = arith.constant 0 : i32
    %dma_wait3A_801 = tpu.memref_slice %arg13[%dma_wait3A_799, %dma_wait3A_800] : memref<10000x16xf32, #tpu.memory_space<vmem_shared>> -> memref<10000x16xf32, #tpu.memory_space<vmem_shared>>
    tpu.wait_indirect_dma semaphore(%arg16 : memref<!tpu.dma_semaphore, #tpu.memory_space<semaphore_mem>>) src(%dma_wait3A_796 : memref<80x16xf32, #tpu.memory_space<vmem>>) dst(%dma_wait3A_801 : memref<10000x16xf32, #tpu.memory_space<vmem_shared>>)
    %dma_wait3A_802 = arith.constant 1680 : i32
    %dma_wait3A_803 = arith.constant 0 : i32
    %dma_wait3A_804 = tpu.memref_slice %arg12[%dma_wait3A_802, %dma_wait3A_803] : memref<2000x16xf32, #tpu.memory_space<vmem>> -> memref<80x16xf32, #tpu.memory_space<vmem>>
    %dma_wait3A_805 = arith.constant 3680 : i32
    %dma_wait3A_806 = tpu.memref_slice %arg10[%dma_wait3A_805] : memref<10000xi32, #tpu.memory_space<vmem>> -> memref<80xi32, #tpu.memory_space<vmem>>
    %dma_wait3A_807 = arith.constant 0 : i32
    %dma_wait3A_808 = arith.constant 0 : i32
    %dma_wait3A_809 = tpu.memref_slice %arg13[%dma_wait3A_807, %dma_wait3A_808] : memref<10000x16xf32, #tpu.memory_space<vmem_shared>> -> memref<10000x16xf32, #tpu.memory_space<vmem_shared>>
    tpu.wait_indirect_dma semaphore(%arg16 : memref<!tpu.dma_semaphore, #tpu.memory_space<semaphore_mem>>) src(%dma_wait3A_804 : memref<80x16xf32, #tpu.memory_space<vmem>>) dst(%dma_wait3A_809 : memref<10000x16xf32, #tpu.memory_space<vmem_shared>>)
    %dma_wait3A_810 = arith.constant 1760 : i32
    %dma_wait3A_811 = arith.constant 0 : i32
    %dma_wait3A_812 = tpu.memref_slice %arg12[%dma_wait3A_810, %dma_wait3A_811] : memref<2000x16xf32, #tpu.memory_space<vmem>> -> memref<80x16xf32, #tpu.memory_space<vmem>>
    %dma_wait3A_813 = arith.constant 3760 : i32
    %dma_wait3A_814 = tpu.memref_slice %arg10[%dma_wait3A_813] : memref<10000xi32, #tpu.memory_space<vmem>> -> memref<80xi32, #tpu.memory_space<vmem>>
    %dma_wait3A_815 = arith.constant 0 : i32
    %dma_wait3A_816 = arith.constant 0 : i32
    %dma_wait3A_817 = tpu.memref_slice %arg13[%dma_wait3A_815, %dma_wait3A_816] : memref<10000x16xf32, #tpu.memory_space<vmem_shared>> -> memref<10000x16xf32, #tpu.memory_space<vmem_shared>>
    tpu.wait_indirect_dma semaphore(%arg16 : memref<!tpu.dma_semaphore, #tpu.memory_space<semaphore_mem>>) src(%dma_wait3A_812 : memref<80x16xf32, #tpu.memory_space<vmem>>) dst(%dma_wait3A_817 : memref<10000x16xf32, #tpu.memory_space<vmem_shared>>)
    %dma_wait3A_818 = arith.constant 1840 : i32
    %dma_wait3A_819 = arith.constant 0 : i32
    %dma_wait3A_820 = tpu.memref_slice %arg12[%dma_wait3A_818, %dma_wait3A_819] : memref<2000x16xf32, #tpu.memory_space<vmem>> -> memref<80x16xf32, #tpu.memory_space<vmem>>
    %dma_wait3A_821 = arith.constant 3840 : i32
    %dma_wait3A_822 = tpu.memref_slice %arg10[%dma_wait3A_821] : memref<10000xi32, #tpu.memory_space<vmem>> -> memref<80xi32, #tpu.memory_space<vmem>>
    %dma_wait3A_823 = arith.constant 0 : i32
    %dma_wait3A_824 = arith.constant 0 : i32
    %dma_wait3A_825 = tpu.memref_slice %arg13[%dma_wait3A_823, %dma_wait3A_824] : memref<10000x16xf32, #tpu.memory_space<vmem_shared>> -> memref<10000x16xf32, #tpu.memory_space<vmem_shared>>
    tpu.wait_indirect_dma semaphore(%arg16 : memref<!tpu.dma_semaphore, #tpu.memory_space<semaphore_mem>>) src(%dma_wait3A_820 : memref<80x16xf32, #tpu.memory_space<vmem>>) dst(%dma_wait3A_825 : memref<10000x16xf32, #tpu.memory_space<vmem_shared>>)
    %dma_wait3A_826 = arith.constant 1920 : i32
    %dma_wait3A_827 = arith.constant 0 : i32
    %dma_wait3A_828 = tpu.memref_slice %arg12[%dma_wait3A_826, %dma_wait3A_827] : memref<2000x16xf32, #tpu.memory_space<vmem>> -> memref<80x16xf32, #tpu.memory_space<vmem>>
    %dma_wait3A_829 = arith.constant 3920 : i32
    %dma_wait3A_830 = tpu.memref_slice %arg10[%dma_wait3A_829] : memref<10000xi32, #tpu.memory_space<vmem>> -> memref<80xi32, #tpu.memory_space<vmem>>
    %dma_wait3A_831 = arith.constant 0 : i32
    %dma_wait3A_832 = arith.constant 0 : i32
    %dma_wait3A_833 = tpu.memref_slice %arg13[%dma_wait3A_831, %dma_wait3A_832] : memref<10000x16xf32, #tpu.memory_space<vmem_shared>> -> memref<10000x16xf32, #tpu.memory_space<vmem_shared>>
    tpu.wait_indirect_dma semaphore(%arg16 : memref<!tpu.dma_semaphore, #tpu.memory_space<semaphore_mem>>) src(%dma_wait3A_828 : memref<80x16xf32, #tpu.memory_space<vmem>>) dst(%dma_wait3A_833 : memref<10000x16xf32, #tpu.memory_space<vmem_shared>>)
    %dma_start3A_834 = arith.constant 6000 : i32
    %dma_start3A_835 = tpu.memref_slice %arg8[%dma_start3A_834] : memref<10000xi32, #tpu.memory_space<vmem>> -> memref<2000xi32, #tpu.memory_space<vmem>>
    %dma_start3A_836 = arith.constant 0 : i32
    %dma_start3A_837 = arith.constant 0 : i32
    %dma_start3A_838 = tpu.memref_slice %arg2[%dma_start3A_836, %dma_start3A_837] : memref<80000x16xf32, #tpu.memory_space<hbm>> -> memref<80000x16xf32, #tpu.memory_space<hbm>>
    tpu.enqueue_indirect_dma source(%dma_start3A_838 : memref<80000x16xf32, #tpu.memory_space<hbm>>) target(%arg12 : memref<2000x16xf32, #tpu.memory_space<vmem>>) offsets(%dma_start3A_835 : memref<2000xi32, #tpu.memory_space<vmem>>) semaphore(%arg15 : memref<!tpu.dma_semaphore, #tpu.memory_space<semaphore_mem>>)
    %dma_wait3A_839 = arith.constant 4000 : i32
    %dma_wait3A_840 = tpu.memref_slice %arg8[%dma_wait3A_839] : memref<10000xi32, #tpu.memory_space<vmem>> -> memref<2000xi32, #tpu.memory_space<vmem>>
    %dma_wait3A_841 = arith.constant 0 : i32
    %dma_wait3A_842 = arith.constant 0 : i32
    %dma_wait3A_843 = tpu.memref_slice %arg2[%dma_wait3A_841, %dma_wait3A_842] : memref<80000x16xf32, #tpu.memory_space<hbm>> -> memref<80000x16xf32, #tpu.memory_space<hbm>>
    tpu.wait_indirect_dma semaphore(%arg14 : memref<!tpu.dma_semaphore, #tpu.memory_space<semaphore_mem>>) src(%dma_wait3A_843 : memref<80000x16xf32, #tpu.memory_space<hbm>>) dst(%arg11 : memref<2000x16xf32, #tpu.memory_space<vmem>>)
    %dma_start3A_844 = arith.constant 0 : i32
    %dma_start3A_845 = arith.constant 0 : i32
    %dma_start3A_846 = tpu.memref_slice %arg11[%dma_start3A_844, %dma_start3A_845] : memref<2000x16xf32, #tpu.memory_space<vmem>> -> memref<80x16xf32, #tpu.memory_space<vmem>>
    %dma_start3A_847 = arith.constant 4000 : i32
    %dma_start3A_848 = tpu.memref_slice %arg10[%dma_start3A_847] : memref<10000xi32, #tpu.memory_space<vmem>> -> memref<80xi32, #tpu.memory_space<vmem>>
    %dma_start3A_849 = arith.constant 0 : i32
    %dma_start3A_850 = arith.constant 0 : i32
    %dma_start3A_851 = tpu.memref_slice %arg13[%dma_start3A_849, %dma_start3A_850] : memref<10000x16xf32, #tpu.memory_space<vmem_shared>> -> memref<10000x16xf32, #tpu.memory_space<vmem_shared>>
    tpu.enqueue_indirect_dma source(%dma_start3A_846 : memref<80x16xf32, #tpu.memory_space<vmem>>) target(%dma_start3A_851 : memref<10000x16xf32, #tpu.memory_space<vmem_shared>>) offsets(%dma_start3A_848 : memref<80xi32, #tpu.memory_space<vmem>>) semaphore(%arg16 : memref<!tpu.dma_semaphore, #tpu.memory_space<semaphore_mem>>) {add = true}
    %dma_start3A_852 = arith.constant 80 : i32
    %dma_start3A_853 = arith.constant 0 : i32
    %dma_start3A_854 = tpu.memref_slice %arg11[%dma_start3A_852, %dma_start3A_853] : memref<2000x16xf32, #tpu.memory_space<vmem>> -> memref<80x16xf32, #tpu.memory_space<vmem>>
    %dma_start3A_855 = arith.constant 4080 : i32
    %dma_start3A_856 = tpu.memref_slice %arg10[%dma_start3A_855] : memref<10000xi32, #tpu.memory_space<vmem>> -> memref<80xi32, #tpu.memory_space<vmem>>
    %dma_start3A_857 = arith.constant 0 : i32
    %dma_start3A_858 = arith.constant 0 : i32
    %dma_start3A_859 = tpu.memref_slice %arg13[%dma_start3A_857, %dma_start3A_858] : memref<10000x16xf32, #tpu.memory_space<vmem_shared>> -> memref<10000x16xf32, #tpu.memory_space<vmem_shared>>
    tpu.enqueue_indirect_dma source(%dma_start3A_854 : memref<80x16xf32, #tpu.memory_space<vmem>>) target(%dma_start3A_859 : memref<10000x16xf32, #tpu.memory_space<vmem_shared>>) offsets(%dma_start3A_856 : memref<80xi32, #tpu.memory_space<vmem>>) semaphore(%arg16 : memref<!tpu.dma_semaphore, #tpu.memory_space<semaphore_mem>>) {add = true}
    %dma_start3A_860 = arith.constant 160 : i32
    %dma_start3A_861 = arith.constant 0 : i32
    %dma_start3A_862 = tpu.memref_slice %arg11[%dma_start3A_860, %dma_start3A_861] : memref<2000x16xf32, #tpu.memory_space<vmem>> -> memref<80x16xf32, #tpu.memory_space<vmem>>
    %dma_start3A_863 = arith.constant 4160 : i32
    %dma_start3A_864 = tpu.memref_slice %arg10[%dma_start3A_863] : memref<10000xi32, #tpu.memory_space<vmem>> -> memref<80xi32, #tpu.memory_space<vmem>>
    %dma_start3A_865 = arith.constant 0 : i32
    %dma_start3A_866 = arith.constant 0 : i32
    %dma_start3A_867 = tpu.memref_slice %arg13[%dma_start3A_865, %dma_start3A_866] : memref<10000x16xf32, #tpu.memory_space<vmem_shared>> -> memref<10000x16xf32, #tpu.memory_space<vmem_shared>>
    tpu.enqueue_indirect_dma source(%dma_start3A_862 : memref<80x16xf32, #tpu.memory_space<vmem>>) target(%dma_start3A_867 : memref<10000x16xf32, #tpu.memory_space<vmem_shared>>) offsets(%dma_start3A_864 : memref<80xi32, #tpu.memory_space<vmem>>) semaphore(%arg16 : memref<!tpu.dma_semaphore, #tpu.memory_space<semaphore_mem>>) {add = true}
    %dma_start3A_868 = arith.constant 240 : i32
    %dma_start3A_869 = arith.constant 0 : i32
    %dma_start3A_870 = tpu.memref_slice %arg11[%dma_start3A_868, %dma_start3A_869] : memref<2000x16xf32, #tpu.memory_space<vmem>> -> memref<80x16xf32, #tpu.memory_space<vmem>>
    %dma_start3A_871 = arith.constant 4240 : i32
    %dma_start3A_872 = tpu.memref_slice %arg10[%dma_start3A_871] : memref<10000xi32, #tpu.memory_space<vmem>> -> memref<80xi32, #tpu.memory_space<vmem>>
    %dma_start3A_873 = arith.constant 0 : i32
    %dma_start3A_874 = arith.constant 0 : i32
    %dma_start3A_875 = tpu.memref_slice %arg13[%dma_start3A_873, %dma_start3A_874] : memref<10000x16xf32, #tpu.memory_space<vmem_shared>> -> memref<10000x16xf32, #tpu.memory_space<vmem_shared>>
    tpu.enqueue_indirect_dma source(%dma_start3A_870 : memref<80x16xf32, #tpu.memory_space<vmem>>) target(%dma_start3A_875 : memref<10000x16xf32, #tpu.memory_space<vmem_shared>>) offsets(%dma_start3A_872 : memref<80xi32, #tpu.memory_space<vmem>>) semaphore(%arg16 : memref<!tpu.dma_semaphore, #tpu.memory_space<semaphore_mem>>) {add = true}
    %dma_start3A_876 = arith.constant 320 : i32
    %dma_start3A_877 = arith.constant 0 : i32
    %dma_start3A_878 = tpu.memref_slice %arg11[%dma_start3A_876, %dma_start3A_877] : memref<2000x16xf32, #tpu.memory_space<vmem>> -> memref<80x16xf32, #tpu.memory_space<vmem>>
    %dma_start3A_879 = arith.constant 4320 : i32
    %dma_start3A_880 = tpu.memref_slice %arg10[%dma_start3A_879] : memref<10000xi32, #tpu.memory_space<vmem>> -> memref<80xi32, #tpu.memory_space<vmem>>
    %dma_start3A_881 = arith.constant 0 : i32
    %dma_start3A_882 = arith.constant 0 : i32
    %dma_start3A_883 = tpu.memref_slice %arg13[%dma_start3A_881, %dma_start3A_882] : memref<10000x16xf32, #tpu.memory_space<vmem_shared>> -> memref<10000x16xf32, #tpu.memory_space<vmem_shared>>
    tpu.enqueue_indirect_dma source(%dma_start3A_878 : memref<80x16xf32, #tpu.memory_space<vmem>>) target(%dma_start3A_883 : memref<10000x16xf32, #tpu.memory_space<vmem_shared>>) offsets(%dma_start3A_880 : memref<80xi32, #tpu.memory_space<vmem>>) semaphore(%arg16 : memref<!tpu.dma_semaphore, #tpu.memory_space<semaphore_mem>>) {add = true}
    %dma_start3A_884 = arith.constant 400 : i32
    %dma_start3A_885 = arith.constant 0 : i32
    %dma_start3A_886 = tpu.memref_slice %arg11[%dma_start3A_884, %dma_start3A_885] : memref<2000x16xf32, #tpu.memory_space<vmem>> -> memref<80x16xf32, #tpu.memory_space<vmem>>
    %dma_start3A_887 = arith.constant 4400 : i32
    %dma_start3A_888 = tpu.memref_slice %arg10[%dma_start3A_887] : memref<10000xi32, #tpu.memory_space<vmem>> -> memref<80xi32, #tpu.memory_space<vmem>>
    %dma_start3A_889 = arith.constant 0 : i32
    %dma_start3A_890 = arith.constant 0 : i32
    %dma_start3A_891 = tpu.memref_slice %arg13[%dma_start3A_889, %dma_start3A_890] : memref<10000x16xf32, #tpu.memory_space<vmem_shared>> -> memref<10000x16xf32, #tpu.memory_space<vmem_shared>>
    tpu.enqueue_indirect_dma source(%dma_start3A_886 : memref<80x16xf32, #tpu.memory_space<vmem>>) target(%dma_start3A_891 : memref<10000x16xf32, #tpu.memory_space<vmem_shared>>) offsets(%dma_start3A_888 : memref<80xi32, #tpu.memory_space<vmem>>) semaphore(%arg16 : memref<!tpu.dma_semaphore, #tpu.memory_space<semaphore_mem>>) {add = true}
    %dma_start3A_892 = arith.constant 480 : i32
    %dma_start3A_893 = arith.constant 0 : i32
    %dma_start3A_894 = tpu.memref_slice %arg11[%dma_start3A_892, %dma_start3A_893] : memref<2000x16xf32, #tpu.memory_space<vmem>> -> memref<80x16xf32, #tpu.memory_space<vmem>>
    %dma_start3A_895 = arith.constant 4480 : i32
    %dma_start3A_896 = tpu.memref_slice %arg10[%dma_start3A_895] : memref<10000xi32, #tpu.memory_space<vmem>> -> memref<80xi32, #tpu.memory_space<vmem>>
    %dma_start3A_897 = arith.constant 0 : i32
    %dma_start3A_898 = arith.constant 0 : i32
    %dma_start3A_899 = tpu.memref_slice %arg13[%dma_start3A_897, %dma_start3A_898] : memref<10000x16xf32, #tpu.memory_space<vmem_shared>> -> memref<10000x16xf32, #tpu.memory_space<vmem_shared>>
    tpu.enqueue_indirect_dma source(%dma_start3A_894 : memref<80x16xf32, #tpu.memory_space<vmem>>) target(%dma_start3A_899 : memref<10000x16xf32, #tpu.memory_space<vmem_shared>>) offsets(%dma_start3A_896 : memref<80xi32, #tpu.memory_space<vmem>>) semaphore(%arg16 : memref<!tpu.dma_semaphore, #tpu.memory_space<semaphore_mem>>) {add = true}
    %dma_start3A_900 = arith.constant 560 : i32
    %dma_start3A_901 = arith.constant 0 : i32
    %dma_start3A_902 = tpu.memref_slice %arg11[%dma_start3A_900, %dma_start3A_901] : memref<2000x16xf32, #tpu.memory_space<vmem>> -> memref<80x16xf32, #tpu.memory_space<vmem>>
    %dma_start3A_903 = arith.constant 4560 : i32
    %dma_start3A_904 = tpu.memref_slice %arg10[%dma_start3A_903] : memref<10000xi32, #tpu.memory_space<vmem>> -> memref<80xi32, #tpu.memory_space<vmem>>
    %dma_start3A_905 = arith.constant 0 : i32
    %dma_start3A_906 = arith.constant 0 : i32
    %dma_start3A_907 = tpu.memref_slice %arg13[%dma_start3A_905, %dma_start3A_906] : memref<10000x16xf32, #tpu.memory_space<vmem_shared>> -> memref<10000x16xf32, #tpu.memory_space<vmem_shared>>
    tpu.enqueue_indirect_dma source(%dma_start3A_902 : memref<80x16xf32, #tpu.memory_space<vmem>>) target(%dma_start3A_907 : memref<10000x16xf32, #tpu.memory_space<vmem_shared>>) offsets(%dma_start3A_904 : memref<80xi32, #tpu.memory_space<vmem>>) semaphore(%arg16 : memref<!tpu.dma_semaphore, #tpu.memory_space<semaphore_mem>>) {add = true}
    %dma_start3A_908 = arith.constant 640 : i32
    %dma_start3A_909 = arith.constant 0 : i32
    %dma_start3A_910 = tpu.memref_slice %arg11[%dma_start3A_908, %dma_start3A_909] : memref<2000x16xf32, #tpu.memory_space<vmem>> -> memref<80x16xf32, #tpu.memory_space<vmem>>
    %dma_start3A_911 = arith.constant 4640 : i32
    %dma_start3A_912 = tpu.memref_slice %arg10[%dma_start3A_911] : memref<10000xi32, #tpu.memory_space<vmem>> -> memref<80xi32, #tpu.memory_space<vmem>>
    %dma_start3A_913 = arith.constant 0 : i32
    %dma_start3A_914 = arith.constant 0 : i32
    %dma_start3A_915 = tpu.memref_slice %arg13[%dma_start3A_913, %dma_start3A_914] : memref<10000x16xf32, #tpu.memory_space<vmem_shared>> -> memref<10000x16xf32, #tpu.memory_space<vmem_shared>>
    tpu.enqueue_indirect_dma source(%dma_start3A_910 : memref<80x16xf32, #tpu.memory_space<vmem>>) target(%dma_start3A_915 : memref<10000x16xf32, #tpu.memory_space<vmem_shared>>) offsets(%dma_start3A_912 : memref<80xi32, #tpu.memory_space<vmem>>) semaphore(%arg16 : memref<!tpu.dma_semaphore, #tpu.memory_space<semaphore_mem>>) {add = true}
    %dma_start3A_916 = arith.constant 720 : i32
    %dma_start3A_917 = arith.constant 0 : i32
    %dma_start3A_918 = tpu.memref_slice %arg11[%dma_start3A_916, %dma_start3A_917] : memref<2000x16xf32, #tpu.memory_space<vmem>> -> memref<80x16xf32, #tpu.memory_space<vmem>>
    %dma_start3A_919 = arith.constant 4720 : i32
    %dma_start3A_920 = tpu.memref_slice %arg10[%dma_start3A_919] : memref<10000xi32, #tpu.memory_space<vmem>> -> memref<80xi32, #tpu.memory_space<vmem>>
    %dma_start3A_921 = arith.constant 0 : i32
    %dma_start3A_922 = arith.constant 0 : i32
    %dma_start3A_923 = tpu.memref_slice %arg13[%dma_start3A_921, %dma_start3A_922] : memref<10000x16xf32, #tpu.memory_space<vmem_shared>> -> memref<10000x16xf32, #tpu.memory_space<vmem_shared>>
    tpu.enqueue_indirect_dma source(%dma_start3A_918 : memref<80x16xf32, #tpu.memory_space<vmem>>) target(%dma_start3A_923 : memref<10000x16xf32, #tpu.memory_space<vmem_shared>>) offsets(%dma_start3A_920 : memref<80xi32, #tpu.memory_space<vmem>>) semaphore(%arg16 : memref<!tpu.dma_semaphore, #tpu.memory_space<semaphore_mem>>) {add = true}
    %dma_start3A_924 = arith.constant 800 : i32
    %dma_start3A_925 = arith.constant 0 : i32
    %dma_start3A_926 = tpu.memref_slice %arg11[%dma_start3A_924, %dma_start3A_925] : memref<2000x16xf32, #tpu.memory_space<vmem>> -> memref<80x16xf32, #tpu.memory_space<vmem>>
    %dma_start3A_927 = arith.constant 4800 : i32
    %dma_start3A_928 = tpu.memref_slice %arg10[%dma_start3A_927] : memref<10000xi32, #tpu.memory_space<vmem>> -> memref<80xi32, #tpu.memory_space<vmem>>
    %dma_start3A_929 = arith.constant 0 : i32
    %dma_start3A_930 = arith.constant 0 : i32
    %dma_start3A_931 = tpu.memref_slice %arg13[%dma_start3A_929, %dma_start3A_930] : memref<10000x16xf32, #tpu.memory_space<vmem_shared>> -> memref<10000x16xf32, #tpu.memory_space<vmem_shared>>
    tpu.enqueue_indirect_dma source(%dma_start3A_926 : memref<80x16xf32, #tpu.memory_space<vmem>>) target(%dma_start3A_931 : memref<10000x16xf32, #tpu.memory_space<vmem_shared>>) offsets(%dma_start3A_928 : memref<80xi32, #tpu.memory_space<vmem>>) semaphore(%arg16 : memref<!tpu.dma_semaphore, #tpu.memory_space<semaphore_mem>>) {add = true}
    %dma_start3A_932 = arith.constant 880 : i32
    %dma_start3A_933 = arith.constant 0 : i32
    %dma_start3A_934 = tpu.memref_slice %arg11[%dma_start3A_932, %dma_start3A_933] : memref<2000x16xf32, #tpu.memory_space<vmem>> -> memref<80x16xf32, #tpu.memory_space<vmem>>
    %dma_start3A_935 = arith.constant 4880 : i32
    %dma_start3A_936 = tpu.memref_slice %arg10[%dma_start3A_935] : memref<10000xi32, #tpu.memory_space<vmem>> -> memref<80xi32, #tpu.memory_space<vmem>>
    %dma_start3A_937 = arith.constant 0 : i32
    %dma_start3A_938 = arith.constant 0 : i32
    %dma_start3A_939 = tpu.memref_slice %arg13[%dma_start3A_937, %dma_start3A_938] : memref<10000x16xf32, #tpu.memory_space<vmem_shared>> -> memref<10000x16xf32, #tpu.memory_space<vmem_shared>>
    tpu.enqueue_indirect_dma source(%dma_start3A_934 : memref<80x16xf32, #tpu.memory_space<vmem>>) target(%dma_start3A_939 : memref<10000x16xf32, #tpu.memory_space<vmem_shared>>) offsets(%dma_start3A_936 : memref<80xi32, #tpu.memory_space<vmem>>) semaphore(%arg16 : memref<!tpu.dma_semaphore, #tpu.memory_space<semaphore_mem>>) {add = true}
    %dma_start3A_940 = arith.constant 960 : i32
    %dma_start3A_941 = arith.constant 0 : i32
    %dma_start3A_942 = tpu.memref_slice %arg11[%dma_start3A_940, %dma_start3A_941] : memref<2000x16xf32, #tpu.memory_space<vmem>> -> memref<80x16xf32, #tpu.memory_space<vmem>>
    %dma_start3A_943 = arith.constant 4960 : i32
    %dma_start3A_944 = tpu.memref_slice %arg10[%dma_start3A_943] : memref<10000xi32, #tpu.memory_space<vmem>> -> memref<80xi32, #tpu.memory_space<vmem>>
    %dma_start3A_945 = arith.constant 0 : i32
    %dma_start3A_946 = arith.constant 0 : i32
    %dma_start3A_947 = tpu.memref_slice %arg13[%dma_start3A_945, %dma_start3A_946] : memref<10000x16xf32, #tpu.memory_space<vmem_shared>> -> memref<10000x16xf32, #tpu.memory_space<vmem_shared>>
    tpu.enqueue_indirect_dma source(%dma_start3A_942 : memref<80x16xf32, #tpu.memory_space<vmem>>) target(%dma_start3A_947 : memref<10000x16xf32, #tpu.memory_space<vmem_shared>>) offsets(%dma_start3A_944 : memref<80xi32, #tpu.memory_space<vmem>>) semaphore(%arg16 : memref<!tpu.dma_semaphore, #tpu.memory_space<semaphore_mem>>) {add = true}
    %dma_start3A_948 = arith.constant 1040 : i32
    %dma_start3A_949 = arith.constant 0 : i32
    %dma_start3A_950 = tpu.memref_slice %arg11[%dma_start3A_948, %dma_start3A_949] : memref<2000x16xf32, #tpu.memory_space<vmem>> -> memref<80x16xf32, #tpu.memory_space<vmem>>
    %dma_start3A_951 = arith.constant 5040 : i32
    %dma_start3A_952 = tpu.memref_slice %arg10[%dma_start3A_951] : memref<10000xi32, #tpu.memory_space<vmem>> -> memref<80xi32, #tpu.memory_space<vmem>>
    %dma_start3A_953 = arith.constant 0 : i32
    %dma_start3A_954 = arith.constant 0 : i32
    %dma_start3A_955 = tpu.memref_slice %arg13[%dma_start3A_953, %dma_start3A_954] : memref<10000x16xf32, #tpu.memory_space<vmem_shared>> -> memref<10000x16xf32, #tpu.memory_space<vmem_shared>>
    tpu.enqueue_indirect_dma source(%dma_start3A_950 : memref<80x16xf32, #tpu.memory_space<vmem>>) target(%dma_start3A_955 : memref<10000x16xf32, #tpu.memory_space<vmem_shared>>) offsets(%dma_start3A_952 : memref<80xi32, #tpu.memory_space<vmem>>) semaphore(%arg16 : memref<!tpu.dma_semaphore, #tpu.memory_space<semaphore_mem>>) {add = true}
    %dma_start3A_956 = arith.constant 1120 : i32
    %dma_start3A_957 = arith.constant 0 : i32
    %dma_start3A_958 = tpu.memref_slice %arg11[%dma_start3A_956, %dma_start3A_957] : memref<2000x16xf32, #tpu.memory_space<vmem>> -> memref<80x16xf32, #tpu.memory_space<vmem>>
    %dma_start3A_959 = arith.constant 5120 : i32
    %dma_start3A_960 = tpu.memref_slice %arg10[%dma_start3A_959] : memref<10000xi32, #tpu.memory_space<vmem>> -> memref<80xi32, #tpu.memory_space<vmem>>
    %dma_start3A_961 = arith.constant 0 : i32
    %dma_start3A_962 = arith.constant 0 : i32
    %dma_start3A_963 = tpu.memref_slice %arg13[%dma_start3A_961, %dma_start3A_962] : memref<10000x16xf32, #tpu.memory_space<vmem_shared>> -> memref<10000x16xf32, #tpu.memory_space<vmem_shared>>
    tpu.enqueue_indirect_dma source(%dma_start3A_958 : memref<80x16xf32, #tpu.memory_space<vmem>>) target(%dma_start3A_963 : memref<10000x16xf32, #tpu.memory_space<vmem_shared>>) offsets(%dma_start3A_960 : memref<80xi32, #tpu.memory_space<vmem>>) semaphore(%arg16 : memref<!tpu.dma_semaphore, #tpu.memory_space<semaphore_mem>>) {add = true}
    %dma_start3A_964 = arith.constant 1200 : i32
    %dma_start3A_965 = arith.constant 0 : i32
    %dma_start3A_966 = tpu.memref_slice %arg11[%dma_start3A_964, %dma_start3A_965] : memref<2000x16xf32, #tpu.memory_space<vmem>> -> memref<80x16xf32, #tpu.memory_space<vmem>>
    %dma_start3A_967 = arith.constant 5200 : i32
    %dma_start3A_968 = tpu.memref_slice %arg10[%dma_start3A_967] : memref<10000xi32, #tpu.memory_space<vmem>> -> memref<80xi32, #tpu.memory_space<vmem>>
    %dma_start3A_969 = arith.constant 0 : i32
    %dma_start3A_970 = arith.constant 0 : i32
    %dma_start3A_971 = tpu.memref_slice %arg13[%dma_start3A_969, %dma_start3A_970] : memref<10000x16xf32, #tpu.memory_space<vmem_shared>> -> memref<10000x16xf32, #tpu.memory_space<vmem_shared>>
    tpu.enqueue_indirect_dma source(%dma_start3A_966 : memref<80x16xf32, #tpu.memory_space<vmem>>) target(%dma_start3A_971 : memref<10000x16xf32, #tpu.memory_space<vmem_shared>>) offsets(%dma_start3A_968 : memref<80xi32, #tpu.memory_space<vmem>>) semaphore(%arg16 : memref<!tpu.dma_semaphore, #tpu.memory_space<semaphore_mem>>) {add = true}
    %dma_start3A_972 = arith.constant 1280 : i32
    %dma_start3A_973 = arith.constant 0 : i32
    %dma_start3A_974 = tpu.memref_slice %arg11[%dma_start3A_972, %dma_start3A_973] : memref<2000x16xf32, #tpu.memory_space<vmem>> -> memref<80x16xf32, #tpu.memory_space<vmem>>
    %dma_start3A_975 = arith.constant 5280 : i32
    %dma_start3A_976 = tpu.memref_slice %arg10[%dma_start3A_975] : memref<10000xi32, #tpu.memory_space<vmem>> -> memref<80xi32, #tpu.memory_space<vmem>>
    %dma_start3A_977 = arith.constant 0 : i32
    %dma_start3A_978 = arith.constant 0 : i32
    %dma_start3A_979 = tpu.memref_slice %arg13[%dma_start3A_977, %dma_start3A_978] : memref<10000x16xf32, #tpu.memory_space<vmem_shared>> -> memref<10000x16xf32, #tpu.memory_space<vmem_shared>>
    tpu.enqueue_indirect_dma source(%dma_start3A_974 : memref<80x16xf32, #tpu.memory_space<vmem>>) target(%dma_start3A_979 : memref<10000x16xf32, #tpu.memory_space<vmem_shared>>) offsets(%dma_start3A_976 : memref<80xi32, #tpu.memory_space<vmem>>) semaphore(%arg16 : memref<!tpu.dma_semaphore, #tpu.memory_space<semaphore_mem>>) {add = true}
    %dma_start3A_980 = arith.constant 1360 : i32
    %dma_start3A_981 = arith.constant 0 : i32
    %dma_start3A_982 = tpu.memref_slice %arg11[%dma_start3A_980, %dma_start3A_981] : memref<2000x16xf32, #tpu.memory_space<vmem>> -> memref<80x16xf32, #tpu.memory_space<vmem>>
    %dma_start3A_983 = arith.constant 5360 : i32
    %dma_start3A_984 = tpu.memref_slice %arg10[%dma_start3A_983] : memref<10000xi32, #tpu.memory_space<vmem>> -> memref<80xi32, #tpu.memory_space<vmem>>
    %dma_start3A_985 = arith.constant 0 : i32
    %dma_start3A_986 = arith.constant 0 : i32
    %dma_start3A_987 = tpu.memref_slice %arg13[%dma_start3A_985, %dma_start3A_986] : memref<10000x16xf32, #tpu.memory_space<vmem_shared>> -> memref<10000x16xf32, #tpu.memory_space<vmem_shared>>
    tpu.enqueue_indirect_dma source(%dma_start3A_982 : memref<80x16xf32, #tpu.memory_space<vmem>>) target(%dma_start3A_987 : memref<10000x16xf32, #tpu.memory_space<vmem_shared>>) offsets(%dma_start3A_984 : memref<80xi32, #tpu.memory_space<vmem>>) semaphore(%arg16 : memref<!tpu.dma_semaphore, #tpu.memory_space<semaphore_mem>>) {add = true}
    %dma_start3A_988 = arith.constant 1440 : i32
    %dma_start3A_989 = arith.constant 0 : i32
    %dma_start3A_990 = tpu.memref_slice %arg11[%dma_start3A_988, %dma_start3A_989] : memref<2000x16xf32, #tpu.memory_space<vmem>> -> memref<80x16xf32, #tpu.memory_space<vmem>>
    %dma_start3A_991 = arith.constant 5440 : i32
    %dma_start3A_992 = tpu.memref_slice %arg10[%dma_start3A_991] : memref<10000xi32, #tpu.memory_space<vmem>> -> memref<80xi32, #tpu.memory_space<vmem>>
    %dma_start3A_993 = arith.constant 0 : i32
    %dma_start3A_994 = arith.constant 0 : i32
    %dma_start3A_995 = tpu.memref_slice %arg13[%dma_start3A_993, %dma_start3A_994] : memref<10000x16xf32, #tpu.memory_space<vmem_shared>> -> memref<10000x16xf32, #tpu.memory_space<vmem_shared>>
    tpu.enqueue_indirect_dma source(%dma_start3A_990 : memref<80x16xf32, #tpu.memory_space<vmem>>) target(%dma_start3A_995 : memref<10000x16xf32, #tpu.memory_space<vmem_shared>>) offsets(%dma_start3A_992 : memref<80xi32, #tpu.memory_space<vmem>>) semaphore(%arg16 : memref<!tpu.dma_semaphore, #tpu.memory_space<semaphore_mem>>) {add = true}
    %dma_start3A_996 = arith.constant 1520 : i32
    %dma_start3A_997 = arith.constant 0 : i32
    %dma_start3A_998 = tpu.memref_slice %arg11[%dma_start3A_996, %dma_start3A_997] : memref<2000x16xf32, #tpu.memory_space<vmem>> -> memref<80x16xf32, #tpu.memory_space<vmem>>
    %dma_start3A_999 = arith.constant 5520 : i32
    %dma_start3A_1000 = tpu.memref_slice %arg10[%dma_start3A_999] : memref<10000xi32, #tpu.memory_space<vmem>> -> memref<80xi32, #tpu.memory_space<vmem>>
    %dma_start3A_1001 = arith.constant 0 : i32
    %dma_start3A_1002 = arith.constant 0 : i32
    %dma_start3A_1003 = tpu.memref_slice %arg13[%dma_start3A_1001, %dma_start3A_1002] : memref<10000x16xf32, #tpu.memory_space<vmem_shared>> -> memref<10000x16xf32, #tpu.memory_space<vmem_shared>>
    tpu.enqueue_indirect_dma source(%dma_start3A_998 : memref<80x16xf32, #tpu.memory_space<vmem>>) target(%dma_start3A_1003 : memref<10000x16xf32, #tpu.memory_space<vmem_shared>>) offsets(%dma_start3A_1000 : memref<80xi32, #tpu.memory_space<vmem>>) semaphore(%arg16 : memref<!tpu.dma_semaphore, #tpu.memory_space<semaphore_mem>>) {add = true}
    %dma_start3A_1004 = arith.constant 1600 : i32
    %dma_start3A_1005 = arith.constant 0 : i32
    %dma_start3A_1006 = tpu.memref_slice %arg11[%dma_start3A_1004, %dma_start3A_1005] : memref<2000x16xf32, #tpu.memory_space<vmem>> -> memref<80x16xf32, #tpu.memory_space<vmem>>
    %dma_start3A_1007 = arith.constant 5600 : i32
    %dma_start3A_1008 = tpu.memref_slice %arg10[%dma_start3A_1007] : memref<10000xi32, #tpu.memory_space<vmem>> -> memref<80xi32, #tpu.memory_space<vmem>>
    %dma_start3A_1009 = arith.constant 0 : i32
    %dma_start3A_1010 = arith.constant 0 : i32
    %dma_start3A_1011 = tpu.memref_slice %arg13[%dma_start3A_1009, %dma_start3A_1010] : memref<10000x16xf32, #tpu.memory_space<vmem_shared>> -> memref<10000x16xf32, #tpu.memory_space<vmem_shared>>
    tpu.enqueue_indirect_dma source(%dma_start3A_1006 : memref<80x16xf32, #tpu.memory_space<vmem>>) target(%dma_start3A_1011 : memref<10000x16xf32, #tpu.memory_space<vmem_shared>>) offsets(%dma_start3A_1008 : memref<80xi32, #tpu.memory_space<vmem>>) semaphore(%arg16 : memref<!tpu.dma_semaphore, #tpu.memory_space<semaphore_mem>>) {add = true}
    %dma_start3A_1012 = arith.constant 1680 : i32
    %dma_start3A_1013 = arith.constant 0 : i32
    %dma_start3A_1014 = tpu.memref_slice %arg11[%dma_start3A_1012, %dma_start3A_1013] : memref<2000x16xf32, #tpu.memory_space<vmem>> -> memref<80x16xf32, #tpu.memory_space<vmem>>
    %dma_start3A_1015 = arith.constant 5680 : i32
    %dma_start3A_1016 = tpu.memref_slice %arg10[%dma_start3A_1015] : memref<10000xi32, #tpu.memory_space<vmem>> -> memref<80xi32, #tpu.memory_space<vmem>>
    %dma_start3A_1017 = arith.constant 0 : i32
    %dma_start3A_1018 = arith.constant 0 : i32
    %dma_start3A_1019 = tpu.memref_slice %arg13[%dma_start3A_1017, %dma_start3A_1018] : memref<10000x16xf32, #tpu.memory_space<vmem_shared>> -> memref<10000x16xf32, #tpu.memory_space<vmem_shared>>
    tpu.enqueue_indirect_dma source(%dma_start3A_1014 : memref<80x16xf32, #tpu.memory_space<vmem>>) target(%dma_start3A_1019 : memref<10000x16xf32, #tpu.memory_space<vmem_shared>>) offsets(%dma_start3A_1016 : memref<80xi32, #tpu.memory_space<vmem>>) semaphore(%arg16 : memref<!tpu.dma_semaphore, #tpu.memory_space<semaphore_mem>>) {add = true}
    %dma_start3A_1020 = arith.constant 1760 : i32
    %dma_start3A_1021 = arith.constant 0 : i32
    %dma_start3A_1022 = tpu.memref_slice %arg11[%dma_start3A_1020, %dma_start3A_1021] : memref<2000x16xf32, #tpu.memory_space<vmem>> -> memref<80x16xf32, #tpu.memory_space<vmem>>
    %dma_start3A_1023 = arith.constant 5760 : i32
    %dma_start3A_1024 = tpu.memref_slice %arg10[%dma_start3A_1023] : memref<10000xi32, #tpu.memory_space<vmem>> -> memref<80xi32, #tpu.memory_space<vmem>>
    %dma_start3A_1025 = arith.constant 0 : i32
    %dma_start3A_1026 = arith.constant 0 : i32
    %dma_start3A_1027 = tpu.memref_slice %arg13[%dma_start3A_1025, %dma_start3A_1026] : memref<10000x16xf32, #tpu.memory_space<vmem_shared>> -> memref<10000x16xf32, #tpu.memory_space<vmem_shared>>
    tpu.enqueue_indirect_dma source(%dma_start3A_1022 : memref<80x16xf32, #tpu.memory_space<vmem>>) target(%dma_start3A_1027 : memref<10000x16xf32, #tpu.memory_space<vmem_shared>>) offsets(%dma_start3A_1024 : memref<80xi32, #tpu.memory_space<vmem>>) semaphore(%arg16 : memref<!tpu.dma_semaphore, #tpu.memory_space<semaphore_mem>>) {add = true}
    %dma_start3A_1028 = arith.constant 1840 : i32
    %dma_start3A_1029 = arith.constant 0 : i32
    %dma_start3A_1030 = tpu.memref_slice %arg11[%dma_start3A_1028, %dma_start3A_1029] : memref<2000x16xf32, #tpu.memory_space<vmem>> -> memref<80x16xf32, #tpu.memory_space<vmem>>
    %dma_start3A_1031 = arith.constant 5840 : i32
    %dma_start3A_1032 = tpu.memref_slice %arg10[%dma_start3A_1031] : memref<10000xi32, #tpu.memory_space<vmem>> -> memref<80xi32, #tpu.memory_space<vmem>>
    %dma_start3A_1033 = arith.constant 0 : i32
    %dma_start3A_1034 = arith.constant 0 : i32
    %dma_start3A_1035 = tpu.memref_slice %arg13[%dma_start3A_1033, %dma_start3A_1034] : memref<10000x16xf32, #tpu.memory_space<vmem_shared>> -> memref<10000x16xf32, #tpu.memory_space<vmem_shared>>
    tpu.enqueue_indirect_dma source(%dma_start3A_1030 : memref<80x16xf32, #tpu.memory_space<vmem>>) target(%dma_start3A_1035 : memref<10000x16xf32, #tpu.memory_space<vmem_shared>>) offsets(%dma_start3A_1032 : memref<80xi32, #tpu.memory_space<vmem>>) semaphore(%arg16 : memref<!tpu.dma_semaphore, #tpu.memory_space<semaphore_mem>>) {add = true}
    %dma_start3A_1036 = arith.constant 1920 : i32
    %dma_start3A_1037 = arith.constant 0 : i32
    %dma_start3A_1038 = tpu.memref_slice %arg11[%dma_start3A_1036, %dma_start3A_1037] : memref<2000x16xf32, #tpu.memory_space<vmem>> -> memref<80x16xf32, #tpu.memory_space<vmem>>
    %dma_start3A_1039 = arith.constant 5920 : i32
    %dma_start3A_1040 = tpu.memref_slice %arg10[%dma_start3A_1039] : memref<10000xi32, #tpu.memory_space<vmem>> -> memref<80xi32, #tpu.memory_space<vmem>>
    %dma_start3A_1041 = arith.constant 0 : i32
    %dma_start3A_1042 = arith.constant 0 : i32
    %dma_start3A_1043 = tpu.memref_slice %arg13[%dma_start3A_1041, %dma_start3A_1042] : memref<10000x16xf32, #tpu.memory_space<vmem_shared>> -> memref<10000x16xf32, #tpu.memory_space<vmem_shared>>
    tpu.enqueue_indirect_dma source(%dma_start3A_1038 : memref<80x16xf32, #tpu.memory_space<vmem>>) target(%dma_start3A_1043 : memref<10000x16xf32, #tpu.memory_space<vmem_shared>>) offsets(%dma_start3A_1040 : memref<80xi32, #tpu.memory_space<vmem>>) semaphore(%arg16 : memref<!tpu.dma_semaphore, #tpu.memory_space<semaphore_mem>>) {add = true}
    %dma_wait3A_1044 = arith.constant 0 : i32
    %dma_wait3A_1045 = arith.constant 0 : i32
    %dma_wait3A_1046 = tpu.memref_slice %arg11[%dma_wait3A_1044, %dma_wait3A_1045] : memref<2000x16xf32, #tpu.memory_space<vmem>> -> memref<80x16xf32, #tpu.memory_space<vmem>>
    %dma_wait3A_1047 = arith.constant 4000 : i32
    %dma_wait3A_1048 = tpu.memref_slice %arg10[%dma_wait3A_1047] : memref<10000xi32, #tpu.memory_space<vmem>> -> memref<80xi32, #tpu.memory_space<vmem>>
    %dma_wait3A_1049 = arith.constant 0 : i32
    %dma_wait3A_1050 = arith.constant 0 : i32
    %dma_wait3A_1051 = tpu.memref_slice %arg13[%dma_wait3A_1049, %dma_wait3A_1050] : memref<10000x16xf32, #tpu.memory_space<vmem_shared>> -> memref<10000x16xf32, #tpu.memory_space<vmem_shared>>
    tpu.wait_indirect_dma semaphore(%arg16 : memref<!tpu.dma_semaphore, #tpu.memory_space<semaphore_mem>>) src(%dma_wait3A_1046 : memref<80x16xf32, #tpu.memory_space<vmem>>) dst(%dma_wait3A_1051 : memref<10000x16xf32, #tpu.memory_space<vmem_shared>>)
    %dma_wait3A_1052 = arith.constant 80 : i32
    %dma_wait3A_1053 = arith.constant 0 : i32
    %dma_wait3A_1054 = tpu.memref_slice %arg11[%dma_wait3A_1052, %dma_wait3A_1053] : memref<2000x16xf32, #tpu.memory_space<vmem>> -> memref<80x16xf32, #tpu.memory_space<vmem>>
    %dma_wait3A_1055 = arith.constant 4080 : i32
    %dma_wait3A_1056 = tpu.memref_slice %arg10[%dma_wait3A_1055] : memref<10000xi32, #tpu.memory_space<vmem>> -> memref<80xi32, #tpu.memory_space<vmem>>
    %dma_wait3A_1057 = arith.constant 0 : i32
    %dma_wait3A_1058 = arith.constant 0 : i32
    %dma_wait3A_1059 = tpu.memref_slice %arg13[%dma_wait3A_1057, %dma_wait3A_1058] : memref<10000x16xf32, #tpu.memory_space<vmem_shared>> -> memref<10000x16xf32, #tpu.memory_space<vmem_shared>>
    tpu.wait_indirect_dma semaphore(%arg16 : memref<!tpu.dma_semaphore, #tpu.memory_space<semaphore_mem>>) src(%dma_wait3A_1054 : memref<80x16xf32, #tpu.memory_space<vmem>>) dst(%dma_wait3A_1059 : memref<10000x16xf32, #tpu.memory_space<vmem_shared>>)
    %dma_wait3A_1060 = arith.constant 160 : i32
    %dma_wait3A_1061 = arith.constant 0 : i32
    %dma_wait3A_1062 = tpu.memref_slice %arg11[%dma_wait3A_1060, %dma_wait3A_1061] : memref<2000x16xf32, #tpu.memory_space<vmem>> -> memref<80x16xf32, #tpu.memory_space<vmem>>
    %dma_wait3A_1063 = arith.constant 4160 : i32
    %dma_wait3A_1064 = tpu.memref_slice %arg10[%dma_wait3A_1063] : memref<10000xi32, #tpu.memory_space<vmem>> -> memref<80xi32, #tpu.memory_space<vmem>>
    %dma_wait3A_1065 = arith.constant 0 : i32
    %dma_wait3A_1066 = arith.constant 0 : i32
    %dma_wait3A_1067 = tpu.memref_slice %arg13[%dma_wait3A_1065, %dma_wait3A_1066] : memref<10000x16xf32, #tpu.memory_space<vmem_shared>> -> memref<10000x16xf32, #tpu.memory_space<vmem_shared>>
    tpu.wait_indirect_dma semaphore(%arg16 : memref<!tpu.dma_semaphore, #tpu.memory_space<semaphore_mem>>) src(%dma_wait3A_1062 : memref<80x16xf32, #tpu.memory_space<vmem>>) dst(%dma_wait3A_1067 : memref<10000x16xf32, #tpu.memory_space<vmem_shared>>)
    %dma_wait3A_1068 = arith.constant 240 : i32
    %dma_wait3A_1069 = arith.constant 0 : i32
    %dma_wait3A_1070 = tpu.memref_slice %arg11[%dma_wait3A_1068, %dma_wait3A_1069] : memref<2000x16xf32, #tpu.memory_space<vmem>> -> memref<80x16xf32, #tpu.memory_space<vmem>>
    %dma_wait3A_1071 = arith.constant 4240 : i32
    %dma_wait3A_1072 = tpu.memref_slice %arg10[%dma_wait3A_1071] : memref<10000xi32, #tpu.memory_space<vmem>> -> memref<80xi32, #tpu.memory_space<vmem>>
    %dma_wait3A_1073 = arith.constant 0 : i32
    %dma_wait3A_1074 = arith.constant 0 : i32
    %dma_wait3A_1075 = tpu.memref_slice %arg13[%dma_wait3A_1073, %dma_wait3A_1074] : memref<10000x16xf32, #tpu.memory_space<vmem_shared>> -> memref<10000x16xf32, #tpu.memory_space<vmem_shared>>
    tpu.wait_indirect_dma semaphore(%arg16 : memref<!tpu.dma_semaphore, #tpu.memory_space<semaphore_mem>>) src(%dma_wait3A_1070 : memref<80x16xf32, #tpu.memory_space<vmem>>) dst(%dma_wait3A_1075 : memref<10000x16xf32, #tpu.memory_space<vmem_shared>>)
    %dma_wait3A_1076 = arith.constant 320 : i32
    %dma_wait3A_1077 = arith.constant 0 : i32
    %dma_wait3A_1078 = tpu.memref_slice %arg11[%dma_wait3A_1076, %dma_wait3A_1077] : memref<2000x16xf32, #tpu.memory_space<vmem>> -> memref<80x16xf32, #tpu.memory_space<vmem>>
    %dma_wait3A_1079 = arith.constant 4320 : i32
    %dma_wait3A_1080 = tpu.memref_slice %arg10[%dma_wait3A_1079] : memref<10000xi32, #tpu.memory_space<vmem>> -> memref<80xi32, #tpu.memory_space<vmem>>
    %dma_wait3A_1081 = arith.constant 0 : i32
    %dma_wait3A_1082 = arith.constant 0 : i32
    %dma_wait3A_1083 = tpu.memref_slice %arg13[%dma_wait3A_1081, %dma_wait3A_1082] : memref<10000x16xf32, #tpu.memory_space<vmem_shared>> -> memref<10000x16xf32, #tpu.memory_space<vmem_shared>>
    tpu.wait_indirect_dma semaphore(%arg16 : memref<!tpu.dma_semaphore, #tpu.memory_space<semaphore_mem>>) src(%dma_wait3A_1078 : memref<80x16xf32, #tpu.memory_space<vmem>>) dst(%dma_wait3A_1083 : memref<10000x16xf32, #tpu.memory_space<vmem_shared>>)
    %dma_wait3A_1084 = arith.constant 400 : i32
    %dma_wait3A_1085 = arith.constant 0 : i32
    %dma_wait3A_1086 = tpu.memref_slice %arg11[%dma_wait3A_1084, %dma_wait3A_1085] : memref<2000x16xf32, #tpu.memory_space<vmem>> -> memref<80x16xf32, #tpu.memory_space<vmem>>
    %dma_wait3A_1087 = arith.constant 4400 : i32
    %dma_wait3A_1088 = tpu.memref_slice %arg10[%dma_wait3A_1087] : memref<10000xi32, #tpu.memory_space<vmem>> -> memref<80xi32, #tpu.memory_space<vmem>>
    %dma_wait3A_1089 = arith.constant 0 : i32
    %dma_wait3A_1090 = arith.constant 0 : i32
    %dma_wait3A_1091 = tpu.memref_slice %arg13[%dma_wait3A_1089, %dma_wait3A_1090] : memref<10000x16xf32, #tpu.memory_space<vmem_shared>> -> memref<10000x16xf32, #tpu.memory_space<vmem_shared>>
    tpu.wait_indirect_dma semaphore(%arg16 : memref<!tpu.dma_semaphore, #tpu.memory_space<semaphore_mem>>) src(%dma_wait3A_1086 : memref<80x16xf32, #tpu.memory_space<vmem>>) dst(%dma_wait3A_1091 : memref<10000x16xf32, #tpu.memory_space<vmem_shared>>)
    %dma_wait3A_1092 = arith.constant 480 : i32
    %dma_wait3A_1093 = arith.constant 0 : i32
    %dma_wait3A_1094 = tpu.memref_slice %arg11[%dma_wait3A_1092, %dma_wait3A_1093] : memref<2000x16xf32, #tpu.memory_space<vmem>> -> memref<80x16xf32, #tpu.memory_space<vmem>>
    %dma_wait3A_1095 = arith.constant 4480 : i32
    %dma_wait3A_1096 = tpu.memref_slice %arg10[%dma_wait3A_1095] : memref<10000xi32, #tpu.memory_space<vmem>> -> memref<80xi32, #tpu.memory_space<vmem>>
    %dma_wait3A_1097 = arith.constant 0 : i32
    %dma_wait3A_1098 = arith.constant 0 : i32
    %dma_wait3A_1099 = tpu.memref_slice %arg13[%dma_wait3A_1097, %dma_wait3A_1098] : memref<10000x16xf32, #tpu.memory_space<vmem_shared>> -> memref<10000x16xf32, #tpu.memory_space<vmem_shared>>
    tpu.wait_indirect_dma semaphore(%arg16 : memref<!tpu.dma_semaphore, #tpu.memory_space<semaphore_mem>>) src(%dma_wait3A_1094 : memref<80x16xf32, #tpu.memory_space<vmem>>) dst(%dma_wait3A_1099 : memref<10000x16xf32, #tpu.memory_space<vmem_shared>>)
    %dma_wait3A_1100 = arith.constant 560 : i32
    %dma_wait3A_1101 = arith.constant 0 : i32
    %dma_wait3A_1102 = tpu.memref_slice %arg11[%dma_wait3A_1100, %dma_wait3A_1101] : memref<2000x16xf32, #tpu.memory_space<vmem>> -> memref<80x16xf32, #tpu.memory_space<vmem>>
    %dma_wait3A_1103 = arith.constant 4560 : i32
    %dma_wait3A_1104 = tpu.memref_slice %arg10[%dma_wait3A_1103] : memref<10000xi32, #tpu.memory_space<vmem>> -> memref<80xi32, #tpu.memory_space<vmem>>
    %dma_wait3A_1105 = arith.constant 0 : i32
    %dma_wait3A_1106 = arith.constant 0 : i32
    %dma_wait3A_1107 = tpu.memref_slice %arg13[%dma_wait3A_1105, %dma_wait3A_1106] : memref<10000x16xf32, #tpu.memory_space<vmem_shared>> -> memref<10000x16xf32, #tpu.memory_space<vmem_shared>>
    tpu.wait_indirect_dma semaphore(%arg16 : memref<!tpu.dma_semaphore, #tpu.memory_space<semaphore_mem>>) src(%dma_wait3A_1102 : memref<80x16xf32, #tpu.memory_space<vmem>>) dst(%dma_wait3A_1107 : memref<10000x16xf32, #tpu.memory_space<vmem_shared>>)
    %dma_wait3A_1108 = arith.constant 640 : i32
    %dma_wait3A_1109 = arith.constant 0 : i32
    %dma_wait3A_1110 = tpu.memref_slice %arg11[%dma_wait3A_1108, %dma_wait3A_1109] : memref<2000x16xf32, #tpu.memory_space<vmem>> -> memref<80x16xf32, #tpu.memory_space<vmem>>
    %dma_wait3A_1111 = arith.constant 4640 : i32
    %dma_wait3A_1112 = tpu.memref_slice %arg10[%dma_wait3A_1111] : memref<10000xi32, #tpu.memory_space<vmem>> -> memref<80xi32, #tpu.memory_space<vmem>>
    %dma_wait3A_1113 = arith.constant 0 : i32
    %dma_wait3A_1114 = arith.constant 0 : i32
    %dma_wait3A_1115 = tpu.memref_slice %arg13[%dma_wait3A_1113, %dma_wait3A_1114] : memref<10000x16xf32, #tpu.memory_space<vmem_shared>> -> memref<10000x16xf32, #tpu.memory_space<vmem_shared>>
    tpu.wait_indirect_dma semaphore(%arg16 : memref<!tpu.dma_semaphore, #tpu.memory_space<semaphore_mem>>) src(%dma_wait3A_1110 : memref<80x16xf32, #tpu.memory_space<vmem>>) dst(%dma_wait3A_1115 : memref<10000x16xf32, #tpu.memory_space<vmem_shared>>)
    %dma_wait3A_1116 = arith.constant 720 : i32
    %dma_wait3A_1117 = arith.constant 0 : i32
    %dma_wait3A_1118 = tpu.memref_slice %arg11[%dma_wait3A_1116, %dma_wait3A_1117] : memref<2000x16xf32, #tpu.memory_space<vmem>> -> memref<80x16xf32, #tpu.memory_space<vmem>>
    %dma_wait3A_1119 = arith.constant 4720 : i32
    %dma_wait3A_1120 = tpu.memref_slice %arg10[%dma_wait3A_1119] : memref<10000xi32, #tpu.memory_space<vmem>> -> memref<80xi32, #tpu.memory_space<vmem>>
    %dma_wait3A_1121 = arith.constant 0 : i32
    %dma_wait3A_1122 = arith.constant 0 : i32
    %dma_wait3A_1123 = tpu.memref_slice %arg13[%dma_wait3A_1121, %dma_wait3A_1122] : memref<10000x16xf32, #tpu.memory_space<vmem_shared>> -> memref<10000x16xf32, #tpu.memory_space<vmem_shared>>
    tpu.wait_indirect_dma semaphore(%arg16 : memref<!tpu.dma_semaphore, #tpu.memory_space<semaphore_mem>>) src(%dma_wait3A_1118 : memref<80x16xf32, #tpu.memory_space<vmem>>) dst(%dma_wait3A_1123 : memref<10000x16xf32, #tpu.memory_space<vmem_shared>>)
    %dma_wait3A_1124 = arith.constant 800 : i32
    %dma_wait3A_1125 = arith.constant 0 : i32
    %dma_wait3A_1126 = tpu.memref_slice %arg11[%dma_wait3A_1124, %dma_wait3A_1125] : memref<2000x16xf32, #tpu.memory_space<vmem>> -> memref<80x16xf32, #tpu.memory_space<vmem>>
    %dma_wait3A_1127 = arith.constant 4800 : i32
    %dma_wait3A_1128 = tpu.memref_slice %arg10[%dma_wait3A_1127] : memref<10000xi32, #tpu.memory_space<vmem>> -> memref<80xi32, #tpu.memory_space<vmem>>
    %dma_wait3A_1129 = arith.constant 0 : i32
    %dma_wait3A_1130 = arith.constant 0 : i32
    %dma_wait3A_1131 = tpu.memref_slice %arg13[%dma_wait3A_1129, %dma_wait3A_1130] : memref<10000x16xf32, #tpu.memory_space<vmem_shared>> -> memref<10000x16xf32, #tpu.memory_space<vmem_shared>>
    tpu.wait_indirect_dma semaphore(%arg16 : memref<!tpu.dma_semaphore, #tpu.memory_space<semaphore_mem>>) src(%dma_wait3A_1126 : memref<80x16xf32, #tpu.memory_space<vmem>>) dst(%dma_wait3A_1131 : memref<10000x16xf32, #tpu.memory_space<vmem_shared>>)
    %dma_wait3A_1132 = arith.constant 880 : i32
    %dma_wait3A_1133 = arith.constant 0 : i32
    %dma_wait3A_1134 = tpu.memref_slice %arg11[%dma_wait3A_1132, %dma_wait3A_1133] : memref<2000x16xf32, #tpu.memory_space<vmem>> -> memref<80x16xf32, #tpu.memory_space<vmem>>
    %dma_wait3A_1135 = arith.constant 4880 : i32
    %dma_wait3A_1136 = tpu.memref_slice %arg10[%dma_wait3A_1135] : memref<10000xi32, #tpu.memory_space<vmem>> -> memref<80xi32, #tpu.memory_space<vmem>>
    %dma_wait3A_1137 = arith.constant 0 : i32
    %dma_wait3A_1138 = arith.constant 0 : i32
    %dma_wait3A_1139 = tpu.memref_slice %arg13[%dma_wait3A_1137, %dma_wait3A_1138] : memref<10000x16xf32, #tpu.memory_space<vmem_shared>> -> memref<10000x16xf32, #tpu.memory_space<vmem_shared>>
    tpu.wait_indirect_dma semaphore(%arg16 : memref<!tpu.dma_semaphore, #tpu.memory_space<semaphore_mem>>) src(%dma_wait3A_1134 : memref<80x16xf32, #tpu.memory_space<vmem>>) dst(%dma_wait3A_1139 : memref<10000x16xf32, #tpu.memory_space<vmem_shared>>)
    %dma_wait3A_1140 = arith.constant 960 : i32
    %dma_wait3A_1141 = arith.constant 0 : i32
    %dma_wait3A_1142 = tpu.memref_slice %arg11[%dma_wait3A_1140, %dma_wait3A_1141] : memref<2000x16xf32, #tpu.memory_space<vmem>> -> memref<80x16xf32, #tpu.memory_space<vmem>>
    %dma_wait3A_1143 = arith.constant 4960 : i32
    %dma_wait3A_1144 = tpu.memref_slice %arg10[%dma_wait3A_1143] : memref<10000xi32, #tpu.memory_space<vmem>> -> memref<80xi32, #tpu.memory_space<vmem>>
    %dma_wait3A_1145 = arith.constant 0 : i32
    %dma_wait3A_1146 = arith.constant 0 : i32
    %dma_wait3A_1147 = tpu.memref_slice %arg13[%dma_wait3A_1145, %dma_wait3A_1146] : memref<10000x16xf32, #tpu.memory_space<vmem_shared>> -> memref<10000x16xf32, #tpu.memory_space<vmem_shared>>
    tpu.wait_indirect_dma semaphore(%arg16 : memref<!tpu.dma_semaphore, #tpu.memory_space<semaphore_mem>>) src(%dma_wait3A_1142 : memref<80x16xf32, #tpu.memory_space<vmem>>) dst(%dma_wait3A_1147 : memref<10000x16xf32, #tpu.memory_space<vmem_shared>>)
    %dma_wait3A_1148 = arith.constant 1040 : i32
    %dma_wait3A_1149 = arith.constant 0 : i32
    %dma_wait3A_1150 = tpu.memref_slice %arg11[%dma_wait3A_1148, %dma_wait3A_1149] : memref<2000x16xf32, #tpu.memory_space<vmem>> -> memref<80x16xf32, #tpu.memory_space<vmem>>
    %dma_wait3A_1151 = arith.constant 5040 : i32
    %dma_wait3A_1152 = tpu.memref_slice %arg10[%dma_wait3A_1151] : memref<10000xi32, #tpu.memory_space<vmem>> -> memref<80xi32, #tpu.memory_space<vmem>>
    %dma_wait3A_1153 = arith.constant 0 : i32
    %dma_wait3A_1154 = arith.constant 0 : i32
    %dma_wait3A_1155 = tpu.memref_slice %arg13[%dma_wait3A_1153, %dma_wait3A_1154] : memref<10000x16xf32, #tpu.memory_space<vmem_shared>> -> memref<10000x16xf32, #tpu.memory_space<vmem_shared>>
    tpu.wait_indirect_dma semaphore(%arg16 : memref<!tpu.dma_semaphore, #tpu.memory_space<semaphore_mem>>) src(%dma_wait3A_1150 : memref<80x16xf32, #tpu.memory_space<vmem>>) dst(%dma_wait3A_1155 : memref<10000x16xf32, #tpu.memory_space<vmem_shared>>)
    %dma_wait3A_1156 = arith.constant 1120 : i32
    %dma_wait3A_1157 = arith.constant 0 : i32
    %dma_wait3A_1158 = tpu.memref_slice %arg11[%dma_wait3A_1156, %dma_wait3A_1157] : memref<2000x16xf32, #tpu.memory_space<vmem>> -> memref<80x16xf32, #tpu.memory_space<vmem>>
    %dma_wait3A_1159 = arith.constant 5120 : i32
    %dma_wait3A_1160 = tpu.memref_slice %arg10[%dma_wait3A_1159] : memref<10000xi32, #tpu.memory_space<vmem>> -> memref<80xi32, #tpu.memory_space<vmem>>
    %dma_wait3A_1161 = arith.constant 0 : i32
    %dma_wait3A_1162 = arith.constant 0 : i32
    %dma_wait3A_1163 = tpu.memref_slice %arg13[%dma_wait3A_1161, %dma_wait3A_1162] : memref<10000x16xf32, #tpu.memory_space<vmem_shared>> -> memref<10000x16xf32, #tpu.memory_space<vmem_shared>>
    tpu.wait_indirect_dma semaphore(%arg16 : memref<!tpu.dma_semaphore, #tpu.memory_space<semaphore_mem>>) src(%dma_wait3A_1158 : memref<80x16xf32, #tpu.memory_space<vmem>>) dst(%dma_wait3A_1163 : memref<10000x16xf32, #tpu.memory_space<vmem_shared>>)
    %dma_wait3A_1164 = arith.constant 1200 : i32
    %dma_wait3A_1165 = arith.constant 0 : i32
    %dma_wait3A_1166 = tpu.memref_slice %arg11[%dma_wait3A_1164, %dma_wait3A_1165] : memref<2000x16xf32, #tpu.memory_space<vmem>> -> memref<80x16xf32, #tpu.memory_space<vmem>>
    %dma_wait3A_1167 = arith.constant 5200 : i32
    %dma_wait3A_1168 = tpu.memref_slice %arg10[%dma_wait3A_1167] : memref<10000xi32, #tpu.memory_space<vmem>> -> memref<80xi32, #tpu.memory_space<vmem>>
    %dma_wait3A_1169 = arith.constant 0 : i32
    %dma_wait3A_1170 = arith.constant 0 : i32
    %dma_wait3A_1171 = tpu.memref_slice %arg13[%dma_wait3A_1169, %dma_wait3A_1170] : memref<10000x16xf32, #tpu.memory_space<vmem_shared>> -> memref<10000x16xf32, #tpu.memory_space<vmem_shared>>
    tpu.wait_indirect_dma semaphore(%arg16 : memref<!tpu.dma_semaphore, #tpu.memory_space<semaphore_mem>>) src(%dma_wait3A_1166 : memref<80x16xf32, #tpu.memory_space<vmem>>) dst(%dma_wait3A_1171 : memref<10000x16xf32, #tpu.memory_space<vmem_shared>>)
    %dma_wait3A_1172 = arith.constant 1280 : i32
    %dma_wait3A_1173 = arith.constant 0 : i32
    %dma_wait3A_1174 = tpu.memref_slice %arg11[%dma_wait3A_1172, %dma_wait3A_1173] : memref<2000x16xf32, #tpu.memory_space<vmem>> -> memref<80x16xf32, #tpu.memory_space<vmem>>
    %dma_wait3A_1175 = arith.constant 5280 : i32
    %dma_wait3A_1176 = tpu.memref_slice %arg10[%dma_wait3A_1175] : memref<10000xi32, #tpu.memory_space<vmem>> -> memref<80xi32, #tpu.memory_space<vmem>>
    %dma_wait3A_1177 = arith.constant 0 : i32
    %dma_wait3A_1178 = arith.constant 0 : i32
    %dma_wait3A_1179 = tpu.memref_slice %arg13[%dma_wait3A_1177, %dma_wait3A_1178] : memref<10000x16xf32, #tpu.memory_space<vmem_shared>> -> memref<10000x16xf32, #tpu.memory_space<vmem_shared>>
    tpu.wait_indirect_dma semaphore(%arg16 : memref<!tpu.dma_semaphore, #tpu.memory_space<semaphore_mem>>) src(%dma_wait3A_1174 : memref<80x16xf32, #tpu.memory_space<vmem>>) dst(%dma_wait3A_1179 : memref<10000x16xf32, #tpu.memory_space<vmem_shared>>)
    %dma_wait3A_1180 = arith.constant 1360 : i32
    %dma_wait3A_1181 = arith.constant 0 : i32
    %dma_wait3A_1182 = tpu.memref_slice %arg11[%dma_wait3A_1180, %dma_wait3A_1181] : memref<2000x16xf32, #tpu.memory_space<vmem>> -> memref<80x16xf32, #tpu.memory_space<vmem>>
    %dma_wait3A_1183 = arith.constant 5360 : i32
    %dma_wait3A_1184 = tpu.memref_slice %arg10[%dma_wait3A_1183] : memref<10000xi32, #tpu.memory_space<vmem>> -> memref<80xi32, #tpu.memory_space<vmem>>
    %dma_wait3A_1185 = arith.constant 0 : i32
    %dma_wait3A_1186 = arith.constant 0 : i32
    %dma_wait3A_1187 = tpu.memref_slice %arg13[%dma_wait3A_1185, %dma_wait3A_1186] : memref<10000x16xf32, #tpu.memory_space<vmem_shared>> -> memref<10000x16xf32, #tpu.memory_space<vmem_shared>>
    tpu.wait_indirect_dma semaphore(%arg16 : memref<!tpu.dma_semaphore, #tpu.memory_space<semaphore_mem>>) src(%dma_wait3A_1182 : memref<80x16xf32, #tpu.memory_space<vmem>>) dst(%dma_wait3A_1187 : memref<10000x16xf32, #tpu.memory_space<vmem_shared>>)
    %dma_wait3A_1188 = arith.constant 1440 : i32
    %dma_wait3A_1189 = arith.constant 0 : i32
    %dma_wait3A_1190 = tpu.memref_slice %arg11[%dma_wait3A_1188, %dma_wait3A_1189] : memref<2000x16xf32, #tpu.memory_space<vmem>> -> memref<80x16xf32, #tpu.memory_space<vmem>>
    %dma_wait3A_1191 = arith.constant 5440 : i32
    %dma_wait3A_1192 = tpu.memref_slice %arg10[%dma_wait3A_1191] : memref<10000xi32, #tpu.memory_space<vmem>> -> memref<80xi32, #tpu.memory_space<vmem>>
    %dma_wait3A_1193 = arith.constant 0 : i32
    %dma_wait3A_1194 = arith.constant 0 : i32
    %dma_wait3A_1195 = tpu.memref_slice %arg13[%dma_wait3A_1193, %dma_wait3A_1194] : memref<10000x16xf32, #tpu.memory_space<vmem_shared>> -> memref<10000x16xf32, #tpu.memory_space<vmem_shared>>
    tpu.wait_indirect_dma semaphore(%arg16 : memref<!tpu.dma_semaphore, #tpu.memory_space<semaphore_mem>>) src(%dma_wait3A_1190 : memref<80x16xf32, #tpu.memory_space<vmem>>) dst(%dma_wait3A_1195 : memref<10000x16xf32, #tpu.memory_space<vmem_shared>>)
    %dma_wait3A_1196 = arith.constant 1520 : i32
    %dma_wait3A_1197 = arith.constant 0 : i32
    %dma_wait3A_1198 = tpu.memref_slice %arg11[%dma_wait3A_1196, %dma_wait3A_1197] : memref<2000x16xf32, #tpu.memory_space<vmem>> -> memref<80x16xf32, #tpu.memory_space<vmem>>
    %dma_wait3A_1199 = arith.constant 5520 : i32
    %dma_wait3A_1200 = tpu.memref_slice %arg10[%dma_wait3A_1199] : memref<10000xi32, #tpu.memory_space<vmem>> -> memref<80xi32, #tpu.memory_space<vmem>>
    %dma_wait3A_1201 = arith.constant 0 : i32
    %dma_wait3A_1202 = arith.constant 0 : i32
    %dma_wait3A_1203 = tpu.memref_slice %arg13[%dma_wait3A_1201, %dma_wait3A_1202] : memref<10000x16xf32, #tpu.memory_space<vmem_shared>> -> memref<10000x16xf32, #tpu.memory_space<vmem_shared>>
    tpu.wait_indirect_dma semaphore(%arg16 : memref<!tpu.dma_semaphore, #tpu.memory_space<semaphore_mem>>) src(%dma_wait3A_1198 : memref<80x16xf32, #tpu.memory_space<vmem>>) dst(%dma_wait3A_1203 : memref<10000x16xf32, #tpu.memory_space<vmem_shared>>)
    %dma_wait3A_1204 = arith.constant 1600 : i32
    %dma_wait3A_1205 = arith.constant 0 : i32
    %dma_wait3A_1206 = tpu.memref_slice %arg11[%dma_wait3A_1204, %dma_wait3A_1205] : memref<2000x16xf32, #tpu.memory_space<vmem>> -> memref<80x16xf32, #tpu.memory_space<vmem>>
    %dma_wait3A_1207 = arith.constant 5600 : i32
    %dma_wait3A_1208 = tpu.memref_slice %arg10[%dma_wait3A_1207] : memref<10000xi32, #tpu.memory_space<vmem>> -> memref<80xi32, #tpu.memory_space<vmem>>
    %dma_wait3A_1209 = arith.constant 0 : i32
    %dma_wait3A_1210 = arith.constant 0 : i32
    %dma_wait3A_1211 = tpu.memref_slice %arg13[%dma_wait3A_1209, %dma_wait3A_1210] : memref<10000x16xf32, #tpu.memory_space<vmem_shared>> -> memref<10000x16xf32, #tpu.memory_space<vmem_shared>>
    tpu.wait_indirect_dma semaphore(%arg16 : memref<!tpu.dma_semaphore, #tpu.memory_space<semaphore_mem>>) src(%dma_wait3A_1206 : memref<80x16xf32, #tpu.memory_space<vmem>>) dst(%dma_wait3A_1211 : memref<10000x16xf32, #tpu.memory_space<vmem_shared>>)
    %dma_wait3A_1212 = arith.constant 1680 : i32
    %dma_wait3A_1213 = arith.constant 0 : i32
    %dma_wait3A_1214 = tpu.memref_slice %arg11[%dma_wait3A_1212, %dma_wait3A_1213] : memref<2000x16xf32, #tpu.memory_space<vmem>> -> memref<80x16xf32, #tpu.memory_space<vmem>>
    %dma_wait3A_1215 = arith.constant 5680 : i32
    %dma_wait3A_1216 = tpu.memref_slice %arg10[%dma_wait3A_1215] : memref<10000xi32, #tpu.memory_space<vmem>> -> memref<80xi32, #tpu.memory_space<vmem>>
    %dma_wait3A_1217 = arith.constant 0 : i32
    %dma_wait3A_1218 = arith.constant 0 : i32
    %dma_wait3A_1219 = tpu.memref_slice %arg13[%dma_wait3A_1217, %dma_wait3A_1218] : memref<10000x16xf32, #tpu.memory_space<vmem_shared>> -> memref<10000x16xf32, #tpu.memory_space<vmem_shared>>
    tpu.wait_indirect_dma semaphore(%arg16 : memref<!tpu.dma_semaphore, #tpu.memory_space<semaphore_mem>>) src(%dma_wait3A_1214 : memref<80x16xf32, #tpu.memory_space<vmem>>) dst(%dma_wait3A_1219 : memref<10000x16xf32, #tpu.memory_space<vmem_shared>>)
    %dma_wait3A_1220 = arith.constant 1760 : i32
    %dma_wait3A_1221 = arith.constant 0 : i32
    %dma_wait3A_1222 = tpu.memref_slice %arg11[%dma_wait3A_1220, %dma_wait3A_1221] : memref<2000x16xf32, #tpu.memory_space<vmem>> -> memref<80x16xf32, #tpu.memory_space<vmem>>
    %dma_wait3A_1223 = arith.constant 5760 : i32
    %dma_wait3A_1224 = tpu.memref_slice %arg10[%dma_wait3A_1223] : memref<10000xi32, #tpu.memory_space<vmem>> -> memref<80xi32, #tpu.memory_space<vmem>>
    %dma_wait3A_1225 = arith.constant 0 : i32
    %dma_wait3A_1226 = arith.constant 0 : i32
    %dma_wait3A_1227 = tpu.memref_slice %arg13[%dma_wait3A_1225, %dma_wait3A_1226] : memref<10000x16xf32, #tpu.memory_space<vmem_shared>> -> memref<10000x16xf32, #tpu.memory_space<vmem_shared>>
    tpu.wait_indirect_dma semaphore(%arg16 : memref<!tpu.dma_semaphore, #tpu.memory_space<semaphore_mem>>) src(%dma_wait3A_1222 : memref<80x16xf32, #tpu.memory_space<vmem>>) dst(%dma_wait3A_1227 : memref<10000x16xf32, #tpu.memory_space<vmem_shared>>)
    %dma_wait3A_1228 = arith.constant 1840 : i32
    %dma_wait3A_1229 = arith.constant 0 : i32
    %dma_wait3A_1230 = tpu.memref_slice %arg11[%dma_wait3A_1228, %dma_wait3A_1229] : memref<2000x16xf32, #tpu.memory_space<vmem>> -> memref<80x16xf32, #tpu.memory_space<vmem>>
    %dma_wait3A_1231 = arith.constant 5840 : i32
    %dma_wait3A_1232 = tpu.memref_slice %arg10[%dma_wait3A_1231] : memref<10000xi32, #tpu.memory_space<vmem>> -> memref<80xi32, #tpu.memory_space<vmem>>
    %dma_wait3A_1233 = arith.constant 0 : i32
    %dma_wait3A_1234 = arith.constant 0 : i32
    %dma_wait3A_1235 = tpu.memref_slice %arg13[%dma_wait3A_1233, %dma_wait3A_1234] : memref<10000x16xf32, #tpu.memory_space<vmem_shared>> -> memref<10000x16xf32, #tpu.memory_space<vmem_shared>>
    tpu.wait_indirect_dma semaphore(%arg16 : memref<!tpu.dma_semaphore, #tpu.memory_space<semaphore_mem>>) src(%dma_wait3A_1230 : memref<80x16xf32, #tpu.memory_space<vmem>>) dst(%dma_wait3A_1235 : memref<10000x16xf32, #tpu.memory_space<vmem_shared>>)
    %dma_wait3A_1236 = arith.constant 1920 : i32
    %dma_wait3A_1237 = arith.constant 0 : i32
    %dma_wait3A_1238 = tpu.memref_slice %arg11[%dma_wait3A_1236, %dma_wait3A_1237] : memref<2000x16xf32, #tpu.memory_space<vmem>> -> memref<80x16xf32, #tpu.memory_space<vmem>>
    %dma_wait3A_1239 = arith.constant 5920 : i32
    %dma_wait3A_1240 = tpu.memref_slice %arg10[%dma_wait3A_1239] : memref<10000xi32, #tpu.memory_space<vmem>> -> memref<80xi32, #tpu.memory_space<vmem>>
    %dma_wait3A_1241 = arith.constant 0 : i32
    %dma_wait3A_1242 = arith.constant 0 : i32
    %dma_wait3A_1243 = tpu.memref_slice %arg13[%dma_wait3A_1241, %dma_wait3A_1242] : memref<10000x16xf32, #tpu.memory_space<vmem_shared>> -> memref<10000x16xf32, #tpu.memory_space<vmem_shared>>
    tpu.wait_indirect_dma semaphore(%arg16 : memref<!tpu.dma_semaphore, #tpu.memory_space<semaphore_mem>>) src(%dma_wait3A_1238 : memref<80x16xf32, #tpu.memory_space<vmem>>) dst(%dma_wait3A_1243 : memref<10000x16xf32, #tpu.memory_space<vmem_shared>>)
    %dma_start3A_1244 = arith.constant 8000 : i32
    %dma_start3A_1245 = tpu.memref_slice %arg8[%dma_start3A_1244] : memref<10000xi32, #tpu.memory_space<vmem>> -> memref<2000xi32, #tpu.memory_space<vmem>>
    %dma_start3A_1246 = arith.constant 0 : i32
    %dma_start3A_1247 = arith.constant 0 : i32
    %dma_start3A_1248 = tpu.memref_slice %arg2[%dma_start3A_1246, %dma_start3A_1247] : memref<80000x16xf32, #tpu.memory_space<hbm>> -> memref<80000x16xf32, #tpu.memory_space<hbm>>
    tpu.enqueue_indirect_dma source(%dma_start3A_1248 : memref<80000x16xf32, #tpu.memory_space<hbm>>) target(%arg11 : memref<2000x16xf32, #tpu.memory_space<vmem>>) offsets(%dma_start3A_1245 : memref<2000xi32, #tpu.memory_space<vmem>>) semaphore(%arg14 : memref<!tpu.dma_semaphore, #tpu.memory_space<semaphore_mem>>)
    %dma_wait3A_1249 = arith.constant 6000 : i32
    %dma_wait3A_1250 = tpu.memref_slice %arg8[%dma_wait3A_1249] : memref<10000xi32, #tpu.memory_space<vmem>> -> memref<2000xi32, #tpu.memory_space<vmem>>
    %dma_wait3A_1251 = arith.constant 0 : i32
    %dma_wait3A_1252 = arith.constant 0 : i32
    %dma_wait3A_1253 = tpu.memref_slice %arg2[%dma_wait3A_1251, %dma_wait3A_1252] : memref<80000x16xf32, #tpu.memory_space<hbm>> -> memref<80000x16xf32, #tpu.memory_space<hbm>>
    tpu.wait_indirect_dma semaphore(%arg15 : memref<!tpu.dma_semaphore, #tpu.memory_space<semaphore_mem>>) src(%dma_wait3A_1253 : memref<80000x16xf32, #tpu.memory_space<hbm>>) dst(%arg12 : memref<2000x16xf32, #tpu.memory_space<vmem>>)
    %dma_start3A_1254 = arith.constant 0 : i32
    %dma_start3A_1255 = arith.constant 0 : i32
    %dma_start3A_1256 = tpu.memref_slice %arg12[%dma_start3A_1254, %dma_start3A_1255] : memref<2000x16xf32, #tpu.memory_space<vmem>> -> memref<80x16xf32, #tpu.memory_space<vmem>>
    %dma_start3A_1257 = arith.constant 6000 : i32
    %dma_start3A_1258 = tpu.memref_slice %arg10[%dma_start3A_1257] : memref<10000xi32, #tpu.memory_space<vmem>> -> memref<80xi32, #tpu.memory_space<vmem>>
    %dma_start3A_1259 = arith.constant 0 : i32
    %dma_start3A_1260 = arith.constant 0 : i32
    %dma_start3A_1261 = tpu.memref_slice %arg13[%dma_start3A_1259, %dma_start3A_1260] : memref<10000x16xf32, #tpu.memory_space<vmem_shared>> -> memref<10000x16xf32, #tpu.memory_space<vmem_shared>>
    tpu.enqueue_indirect_dma source(%dma_start3A_1256 : memref<80x16xf32, #tpu.memory_space<vmem>>) target(%dma_start3A_1261 : memref<10000x16xf32, #tpu.memory_space<vmem_shared>>) offsets(%dma_start3A_1258 : memref<80xi32, #tpu.memory_space<vmem>>) semaphore(%arg16 : memref<!tpu.dma_semaphore, #tpu.memory_space<semaphore_mem>>) {add = true}
    %dma_start3A_1262 = arith.constant 80 : i32
    %dma_start3A_1263 = arith.constant 0 : i32
    %dma_start3A_1264 = tpu.memref_slice %arg12[%dma_start3A_1262, %dma_start3A_1263] : memref<2000x16xf32, #tpu.memory_space<vmem>> -> memref<80x16xf32, #tpu.memory_space<vmem>>
    %dma_start3A_1265 = arith.constant 6080 : i32
    %dma_start3A_1266 = tpu.memref_slice %arg10[%dma_start3A_1265] : memref<10000xi32, #tpu.memory_space<vmem>> -> memref<80xi32, #tpu.memory_space<vmem>>
    %dma_start3A_1267 = arith.constant 0 : i32
    %dma_start3A_1268 = arith.constant 0 : i32
    %dma_start3A_1269 = tpu.memref_slice %arg13[%dma_start3A_1267, %dma_start3A_1268] : memref<10000x16xf32, #tpu.memory_space<vmem_shared>> -> memref<10000x16xf32, #tpu.memory_space<vmem_shared>>
    tpu.enqueue_indirect_dma source(%dma_start3A_1264 : memref<80x16xf32, #tpu.memory_space<vmem>>) target(%dma_start3A_1269 : memref<10000x16xf32, #tpu.memory_space<vmem_shared>>) offsets(%dma_start3A_1266 : memref<80xi32, #tpu.memory_space<vmem>>) semaphore(%arg16 : memref<!tpu.dma_semaphore, #tpu.memory_space<semaphore_mem>>) {add = true}
    %dma_start3A_1270 = arith.constant 160 : i32
    %dma_start3A_1271 = arith.constant 0 : i32
    %dma_start3A_1272 = tpu.memref_slice %arg12[%dma_start3A_1270, %dma_start3A_1271] : memref<2000x16xf32, #tpu.memory_space<vmem>> -> memref<80x16xf32, #tpu.memory_space<vmem>>
    %dma_start3A_1273 = arith.constant 6160 : i32
    %dma_start3A_1274 = tpu.memref_slice %arg10[%dma_start3A_1273] : memref<10000xi32, #tpu.memory_space<vmem>> -> memref<80xi32, #tpu.memory_space<vmem>>
    %dma_start3A_1275 = arith.constant 0 : i32
    %dma_start3A_1276 = arith.constant 0 : i32
    %dma_start3A_1277 = tpu.memref_slice %arg13[%dma_start3A_1275, %dma_start3A_1276] : memref<10000x16xf32, #tpu.memory_space<vmem_shared>> -> memref<10000x16xf32, #tpu.memory_space<vmem_shared>>
    tpu.enqueue_indirect_dma source(%dma_start3A_1272 : memref<80x16xf32, #tpu.memory_space<vmem>>) target(%dma_start3A_1277 : memref<10000x16xf32, #tpu.memory_space<vmem_shared>>) offsets(%dma_start3A_1274 : memref<80xi32, #tpu.memory_space<vmem>>) semaphore(%arg16 : memref<!tpu.dma_semaphore, #tpu.memory_space<semaphore_mem>>) {add = true}
    %dma_start3A_1278 = arith.constant 240 : i32
    %dma_start3A_1279 = arith.constant 0 : i32
    %dma_start3A_1280 = tpu.memref_slice %arg12[%dma_start3A_1278, %dma_start3A_1279] : memref<2000x16xf32, #tpu.memory_space<vmem>> -> memref<80x16xf32, #tpu.memory_space<vmem>>
    %dma_start3A_1281 = arith.constant 6240 : i32
    %dma_start3A_1282 = tpu.memref_slice %arg10[%dma_start3A_1281] : memref<10000xi32, #tpu.memory_space<vmem>> -> memref<80xi32, #tpu.memory_space<vmem>>
    %dma_start3A_1283 = arith.constant 0 : i32
    %dma_start3A_1284 = arith.constant 0 : i32
    %dma_start3A_1285 = tpu.memref_slice %arg13[%dma_start3A_1283, %dma_start3A_1284] : memref<10000x16xf32, #tpu.memory_space<vmem_shared>> -> memref<10000x16xf32, #tpu.memory_space<vmem_shared>>
    tpu.enqueue_indirect_dma source(%dma_start3A_1280 : memref<80x16xf32, #tpu.memory_space<vmem>>) target(%dma_start3A_1285 : memref<10000x16xf32, #tpu.memory_space<vmem_shared>>) offsets(%dma_start3A_1282 : memref<80xi32, #tpu.memory_space<vmem>>) semaphore(%arg16 : memref<!tpu.dma_semaphore, #tpu.memory_space<semaphore_mem>>) {add = true}
    %dma_start3A_1286 = arith.constant 320 : i32
    %dma_start3A_1287 = arith.constant 0 : i32
    %dma_start3A_1288 = tpu.memref_slice %arg12[%dma_start3A_1286, %dma_start3A_1287] : memref<2000x16xf32, #tpu.memory_space<vmem>> -> memref<80x16xf32, #tpu.memory_space<vmem>>
    %dma_start3A_1289 = arith.constant 6320 : i32
    %dma_start3A_1290 = tpu.memref_slice %arg10[%dma_start3A_1289] : memref<10000xi32, #tpu.memory_space<vmem>> -> memref<80xi32, #tpu.memory_space<vmem>>
    %dma_start3A_1291 = arith.constant 0 : i32
    %dma_start3A_1292 = arith.constant 0 : i32
    %dma_start3A_1293 = tpu.memref_slice %arg13[%dma_start3A_1291, %dma_start3A_1292] : memref<10000x16xf32, #tpu.memory_space<vmem_shared>> -> memref<10000x16xf32, #tpu.memory_space<vmem_shared>>
    tpu.enqueue_indirect_dma source(%dma_start3A_1288 : memref<80x16xf32, #tpu.memory_space<vmem>>) target(%dma_start3A_1293 : memref<10000x16xf32, #tpu.memory_space<vmem_shared>>) offsets(%dma_start3A_1290 : memref<80xi32, #tpu.memory_space<vmem>>) semaphore(%arg16 : memref<!tpu.dma_semaphore, #tpu.memory_space<semaphore_mem>>) {add = true}
    %dma_start3A_1294 = arith.constant 400 : i32
    %dma_start3A_1295 = arith.constant 0 : i32
    %dma_start3A_1296 = tpu.memref_slice %arg12[%dma_start3A_1294, %dma_start3A_1295] : memref<2000x16xf32, #tpu.memory_space<vmem>> -> memref<80x16xf32, #tpu.memory_space<vmem>>
    %dma_start3A_1297 = arith.constant 6400 : i32
    %dma_start3A_1298 = tpu.memref_slice %arg10[%dma_start3A_1297] : memref<10000xi32, #tpu.memory_space<vmem>> -> memref<80xi32, #tpu.memory_space<vmem>>
    %dma_start3A_1299 = arith.constant 0 : i32
    %dma_start3A_1300 = arith.constant 0 : i32
    %dma_start3A_1301 = tpu.memref_slice %arg13[%dma_start3A_1299, %dma_start3A_1300] : memref<10000x16xf32, #tpu.memory_space<vmem_shared>> -> memref<10000x16xf32, #tpu.memory_space<vmem_shared>>
    tpu.enqueue_indirect_dma source(%dma_start3A_1296 : memref<80x16xf32, #tpu.memory_space<vmem>>) target(%dma_start3A_1301 : memref<10000x16xf32, #tpu.memory_space<vmem_shared>>) offsets(%dma_start3A_1298 : memref<80xi32, #tpu.memory_space<vmem>>) semaphore(%arg16 : memref<!tpu.dma_semaphore, #tpu.memory_space<semaphore_mem>>) {add = true}
    %dma_start3A_1302 = arith.constant 480 : i32
    %dma_start3A_1303 = arith.constant 0 : i32
    %dma_start3A_1304 = tpu.memref_slice %arg12[%dma_start3A_1302, %dma_start3A_1303] : memref<2000x16xf32, #tpu.memory_space<vmem>> -> memref<80x16xf32, #tpu.memory_space<vmem>>
    %dma_start3A_1305 = arith.constant 6480 : i32
    %dma_start3A_1306 = tpu.memref_slice %arg10[%dma_start3A_1305] : memref<10000xi32, #tpu.memory_space<vmem>> -> memref<80xi32, #tpu.memory_space<vmem>>
    %dma_start3A_1307 = arith.constant 0 : i32
    %dma_start3A_1308 = arith.constant 0 : i32
    %dma_start3A_1309 = tpu.memref_slice %arg13[%dma_start3A_1307, %dma_start3A_1308] : memref<10000x16xf32, #tpu.memory_space<vmem_shared>> -> memref<10000x16xf32, #tpu.memory_space<vmem_shared>>
    tpu.enqueue_indirect_dma source(%dma_start3A_1304 : memref<80x16xf32, #tpu.memory_space<vmem>>) target(%dma_start3A_1309 : memref<10000x16xf32, #tpu.memory_space<vmem_shared>>) offsets(%dma_start3A_1306 : memref<80xi32, #tpu.memory_space<vmem>>) semaphore(%arg16 : memref<!tpu.dma_semaphore, #tpu.memory_space<semaphore_mem>>) {add = true}
    %dma_start3A_1310 = arith.constant 560 : i32
    %dma_start3A_1311 = arith.constant 0 : i32
    %dma_start3A_1312 = tpu.memref_slice %arg12[%dma_start3A_1310, %dma_start3A_1311] : memref<2000x16xf32, #tpu.memory_space<vmem>> -> memref<80x16xf32, #tpu.memory_space<vmem>>
    %dma_start3A_1313 = arith.constant 6560 : i32
    %dma_start3A_1314 = tpu.memref_slice %arg10[%dma_start3A_1313] : memref<10000xi32, #tpu.memory_space<vmem>> -> memref<80xi32, #tpu.memory_space<vmem>>
    %dma_start3A_1315 = arith.constant 0 : i32
    %dma_start3A_1316 = arith.constant 0 : i32
    %dma_start3A_1317 = tpu.memref_slice %arg13[%dma_start3A_1315, %dma_start3A_1316] : memref<10000x16xf32, #tpu.memory_space<vmem_shared>> -> memref<10000x16xf32, #tpu.memory_space<vmem_shared>>
    tpu.enqueue_indirect_dma source(%dma_start3A_1312 : memref<80x16xf32, #tpu.memory_space<vmem>>) target(%dma_start3A_1317 : memref<10000x16xf32, #tpu.memory_space<vmem_shared>>) offsets(%dma_start3A_1314 : memref<80xi32, #tpu.memory_space<vmem>>) semaphore(%arg16 : memref<!tpu.dma_semaphore, #tpu.memory_space<semaphore_mem>>) {add = true}
    %dma_start3A_1318 = arith.constant 640 : i32
    %dma_start3A_1319 = arith.constant 0 : i32
    %dma_start3A_1320 = tpu.memref_slice %arg12[%dma_start3A_1318, %dma_start3A_1319] : memref<2000x16xf32, #tpu.memory_space<vmem>> -> memref<80x16xf32, #tpu.memory_space<vmem>>
    %dma_start3A_1321 = arith.constant 6640 : i32
    %dma_start3A_1322 = tpu.memref_slice %arg10[%dma_start3A_1321] : memref<10000xi32, #tpu.memory_space<vmem>> -> memref<80xi32, #tpu.memory_space<vmem>>
    %dma_start3A_1323 = arith.constant 0 : i32
    %dma_start3A_1324 = arith.constant 0 : i32
    %dma_start3A_1325 = tpu.memref_slice %arg13[%dma_start3A_1323, %dma_start3A_1324] : memref<10000x16xf32, #tpu.memory_space<vmem_shared>> -> memref<10000x16xf32, #tpu.memory_space<vmem_shared>>
    tpu.enqueue_indirect_dma source(%dma_start3A_1320 : memref<80x16xf32, #tpu.memory_space<vmem>>) target(%dma_start3A_1325 : memref<10000x16xf32, #tpu.memory_space<vmem_shared>>) offsets(%dma_start3A_1322 : memref<80xi32, #tpu.memory_space<vmem>>) semaphore(%arg16 : memref<!tpu.dma_semaphore, #tpu.memory_space<semaphore_mem>>) {add = true}
    %dma_start3A_1326 = arith.constant 720 : i32
    %dma_start3A_1327 = arith.constant 0 : i32
    %dma_start3A_1328 = tpu.memref_slice %arg12[%dma_start3A_1326, %dma_start3A_1327] : memref<2000x16xf32, #tpu.memory_space<vmem>> -> memref<80x16xf32, #tpu.memory_space<vmem>>
    %dma_start3A_1329 = arith.constant 6720 : i32
    %dma_start3A_1330 = tpu.memref_slice %arg10[%dma_start3A_1329] : memref<10000xi32, #tpu.memory_space<vmem>> -> memref<80xi32, #tpu.memory_space<vmem>>
    %dma_start3A_1331 = arith.constant 0 : i32
    %dma_start3A_1332 = arith.constant 0 : i32
    %dma_start3A_1333 = tpu.memref_slice %arg13[%dma_start3A_1331, %dma_start3A_1332] : memref<10000x16xf32, #tpu.memory_space<vmem_shared>> -> memref<10000x16xf32, #tpu.memory_space<vmem_shared>>
    tpu.enqueue_indirect_dma source(%dma_start3A_1328 : memref<80x16xf32, #tpu.memory_space<vmem>>) target(%dma_start3A_1333 : memref<10000x16xf32, #tpu.memory_space<vmem_shared>>) offsets(%dma_start3A_1330 : memref<80xi32, #tpu.memory_space<vmem>>) semaphore(%arg16 : memref<!tpu.dma_semaphore, #tpu.memory_space<semaphore_mem>>) {add = true}
    %dma_start3A_1334 = arith.constant 800 : i32
    %dma_start3A_1335 = arith.constant 0 : i32
    %dma_start3A_1336 = tpu.memref_slice %arg12[%dma_start3A_1334, %dma_start3A_1335] : memref<2000x16xf32, #tpu.memory_space<vmem>> -> memref<80x16xf32, #tpu.memory_space<vmem>>
    %dma_start3A_1337 = arith.constant 6800 : i32
    %dma_start3A_1338 = tpu.memref_slice %arg10[%dma_start3A_1337] : memref<10000xi32, #tpu.memory_space<vmem>> -> memref<80xi32, #tpu.memory_space<vmem>>
    %dma_start3A_1339 = arith.constant 0 : i32
    %dma_start3A_1340 = arith.constant 0 : i32
    %dma_start3A_1341 = tpu.memref_slice %arg13[%dma_start3A_1339, %dma_start3A_1340] : memref<10000x16xf32, #tpu.memory_space<vmem_shared>> -> memref<10000x16xf32, #tpu.memory_space<vmem_shared>>
    tpu.enqueue_indirect_dma source(%dma_start3A_1336 : memref<80x16xf32, #tpu.memory_space<vmem>>) target(%dma_start3A_1341 : memref<10000x16xf32, #tpu.memory_space<vmem_shared>>) offsets(%dma_start3A_1338 : memref<80xi32, #tpu.memory_space<vmem>>) semaphore(%arg16 : memref<!tpu.dma_semaphore, #tpu.memory_space<semaphore_mem>>) {add = true}
    %dma_start3A_1342 = arith.constant 880 : i32
    %dma_start3A_1343 = arith.constant 0 : i32
    %dma_start3A_1344 = tpu.memref_slice %arg12[%dma_start3A_1342, %dma_start3A_1343] : memref<2000x16xf32, #tpu.memory_space<vmem>> -> memref<80x16xf32, #tpu.memory_space<vmem>>
    %dma_start3A_1345 = arith.constant 6880 : i32
    %dma_start3A_1346 = tpu.memref_slice %arg10[%dma_start3A_1345] : memref<10000xi32, #tpu.memory_space<vmem>> -> memref<80xi32, #tpu.memory_space<vmem>>
    %dma_start3A_1347 = arith.constant 0 : i32
    %dma_start3A_1348 = arith.constant 0 : i32
    %dma_start3A_1349 = tpu.memref_slice %arg13[%dma_start3A_1347, %dma_start3A_1348] : memref<10000x16xf32, #tpu.memory_space<vmem_shared>> -> memref<10000x16xf32, #tpu.memory_space<vmem_shared>>
    tpu.enqueue_indirect_dma source(%dma_start3A_1344 : memref<80x16xf32, #tpu.memory_space<vmem>>) target(%dma_start3A_1349 : memref<10000x16xf32, #tpu.memory_space<vmem_shared>>) offsets(%dma_start3A_1346 : memref<80xi32, #tpu.memory_space<vmem>>) semaphore(%arg16 : memref<!tpu.dma_semaphore, #tpu.memory_space<semaphore_mem>>) {add = true}
    %dma_start3A_1350 = arith.constant 960 : i32
    %dma_start3A_1351 = arith.constant 0 : i32
    %dma_start3A_1352 = tpu.memref_slice %arg12[%dma_start3A_1350, %dma_start3A_1351] : memref<2000x16xf32, #tpu.memory_space<vmem>> -> memref<80x16xf32, #tpu.memory_space<vmem>>
    %dma_start3A_1353 = arith.constant 6960 : i32
    %dma_start3A_1354 = tpu.memref_slice %arg10[%dma_start3A_1353] : memref<10000xi32, #tpu.memory_space<vmem>> -> memref<80xi32, #tpu.memory_space<vmem>>
    %dma_start3A_1355 = arith.constant 0 : i32
    %dma_start3A_1356 = arith.constant 0 : i32
    %dma_start3A_1357 = tpu.memref_slice %arg13[%dma_start3A_1355, %dma_start3A_1356] : memref<10000x16xf32, #tpu.memory_space<vmem_shared>> -> memref<10000x16xf32, #tpu.memory_space<vmem_shared>>
    tpu.enqueue_indirect_dma source(%dma_start3A_1352 : memref<80x16xf32, #tpu.memory_space<vmem>>) target(%dma_start3A_1357 : memref<10000x16xf32, #tpu.memory_space<vmem_shared>>) offsets(%dma_start3A_1354 : memref<80xi32, #tpu.memory_space<vmem>>) semaphore(%arg16 : memref<!tpu.dma_semaphore, #tpu.memory_space<semaphore_mem>>) {add = true}
    %dma_start3A_1358 = arith.constant 1040 : i32
    %dma_start3A_1359 = arith.constant 0 : i32
    %dma_start3A_1360 = tpu.memref_slice %arg12[%dma_start3A_1358, %dma_start3A_1359] : memref<2000x16xf32, #tpu.memory_space<vmem>> -> memref<80x16xf32, #tpu.memory_space<vmem>>
    %dma_start3A_1361 = arith.constant 7040 : i32
    %dma_start3A_1362 = tpu.memref_slice %arg10[%dma_start3A_1361] : memref<10000xi32, #tpu.memory_space<vmem>> -> memref<80xi32, #tpu.memory_space<vmem>>
    %dma_start3A_1363 = arith.constant 0 : i32
    %dma_start3A_1364 = arith.constant 0 : i32
    %dma_start3A_1365 = tpu.memref_slice %arg13[%dma_start3A_1363, %dma_start3A_1364] : memref<10000x16xf32, #tpu.memory_space<vmem_shared>> -> memref<10000x16xf32, #tpu.memory_space<vmem_shared>>
    tpu.enqueue_indirect_dma source(%dma_start3A_1360 : memref<80x16xf32, #tpu.memory_space<vmem>>) target(%dma_start3A_1365 : memref<10000x16xf32, #tpu.memory_space<vmem_shared>>) offsets(%dma_start3A_1362 : memref<80xi32, #tpu.memory_space<vmem>>) semaphore(%arg16 : memref<!tpu.dma_semaphore, #tpu.memory_space<semaphore_mem>>) {add = true}
    %dma_start3A_1366 = arith.constant 1120 : i32
    %dma_start3A_1367 = arith.constant 0 : i32
    %dma_start3A_1368 = tpu.memref_slice %arg12[%dma_start3A_1366, %dma_start3A_1367] : memref<2000x16xf32, #tpu.memory_space<vmem>> -> memref<80x16xf32, #tpu.memory_space<vmem>>
    %dma_start3A_1369 = arith.constant 7120 : i32
    %dma_start3A_1370 = tpu.memref_slice %arg10[%dma_start3A_1369] : memref<10000xi32, #tpu.memory_space<vmem>> -> memref<80xi32, #tpu.memory_space<vmem>>
    %dma_start3A_1371 = arith.constant 0 : i32
    %dma_start3A_1372 = arith.constant 0 : i32
    %dma_start3A_1373 = tpu.memref_slice %arg13[%dma_start3A_1371, %dma_start3A_1372] : memref<10000x16xf32, #tpu.memory_space<vmem_shared>> -> memref<10000x16xf32, #tpu.memory_space<vmem_shared>>
    tpu.enqueue_indirect_dma source(%dma_start3A_1368 : memref<80x16xf32, #tpu.memory_space<vmem>>) target(%dma_start3A_1373 : memref<10000x16xf32, #tpu.memory_space<vmem_shared>>) offsets(%dma_start3A_1370 : memref<80xi32, #tpu.memory_space<vmem>>) semaphore(%arg16 : memref<!tpu.dma_semaphore, #tpu.memory_space<semaphore_mem>>) {add = true}
    %dma_start3A_1374 = arith.constant 1200 : i32
    %dma_start3A_1375 = arith.constant 0 : i32
    %dma_start3A_1376 = tpu.memref_slice %arg12[%dma_start3A_1374, %dma_start3A_1375] : memref<2000x16xf32, #tpu.memory_space<vmem>> -> memref<80x16xf32, #tpu.memory_space<vmem>>
    %dma_start3A_1377 = arith.constant 7200 : i32
    %dma_start3A_1378 = tpu.memref_slice %arg10[%dma_start3A_1377] : memref<10000xi32, #tpu.memory_space<vmem>> -> memref<80xi32, #tpu.memory_space<vmem>>
    %dma_start3A_1379 = arith.constant 0 : i32
    %dma_start3A_1380 = arith.constant 0 : i32
    %dma_start3A_1381 = tpu.memref_slice %arg13[%dma_start3A_1379, %dma_start3A_1380] : memref<10000x16xf32, #tpu.memory_space<vmem_shared>> -> memref<10000x16xf32, #tpu.memory_space<vmem_shared>>
    tpu.enqueue_indirect_dma source(%dma_start3A_1376 : memref<80x16xf32, #tpu.memory_space<vmem>>) target(%dma_start3A_1381 : memref<10000x16xf32, #tpu.memory_space<vmem_shared>>) offsets(%dma_start3A_1378 : memref<80xi32, #tpu.memory_space<vmem>>) semaphore(%arg16 : memref<!tpu.dma_semaphore, #tpu.memory_space<semaphore_mem>>) {add = true}
    %dma_start3A_1382 = arith.constant 1280 : i32
    %dma_start3A_1383 = arith.constant 0 : i32
    %dma_start3A_1384 = tpu.memref_slice %arg12[%dma_start3A_1382, %dma_start3A_1383] : memref<2000x16xf32, #tpu.memory_space<vmem>> -> memref<80x16xf32, #tpu.memory_space<vmem>>
    %dma_start3A_1385 = arith.constant 7280 : i32
    %dma_start3A_1386 = tpu.memref_slice %arg10[%dma_start3A_1385] : memref<10000xi32, #tpu.memory_space<vmem>> -> memref<80xi32, #tpu.memory_space<vmem>>
    %dma_start3A_1387 = arith.constant 0 : i32
    %dma_start3A_1388 = arith.constant 0 : i32
    %dma_start3A_1389 = tpu.memref_slice %arg13[%dma_start3A_1387, %dma_start3A_1388] : memref<10000x16xf32, #tpu.memory_space<vmem_shared>> -> memref<10000x16xf32, #tpu.memory_space<vmem_shared>>
    tpu.enqueue_indirect_dma source(%dma_start3A_1384 : memref<80x16xf32, #tpu.memory_space<vmem>>) target(%dma_start3A_1389 : memref<10000x16xf32, #tpu.memory_space<vmem_shared>>) offsets(%dma_start3A_1386 : memref<80xi32, #tpu.memory_space<vmem>>) semaphore(%arg16 : memref<!tpu.dma_semaphore, #tpu.memory_space<semaphore_mem>>) {add = true}
    %dma_start3A_1390 = arith.constant 1360 : i32
    %dma_start3A_1391 = arith.constant 0 : i32
    %dma_start3A_1392 = tpu.memref_slice %arg12[%dma_start3A_1390, %dma_start3A_1391] : memref<2000x16xf32, #tpu.memory_space<vmem>> -> memref<80x16xf32, #tpu.memory_space<vmem>>
    %dma_start3A_1393 = arith.constant 7360 : i32
    %dma_start3A_1394 = tpu.memref_slice %arg10[%dma_start3A_1393] : memref<10000xi32, #tpu.memory_space<vmem>> -> memref<80xi32, #tpu.memory_space<vmem>>
    %dma_start3A_1395 = arith.constant 0 : i32
    %dma_start3A_1396 = arith.constant 0 : i32
    %dma_start3A_1397 = tpu.memref_slice %arg13[%dma_start3A_1395, %dma_start3A_1396] : memref<10000x16xf32, #tpu.memory_space<vmem_shared>> -> memref<10000x16xf32, #tpu.memory_space<vmem_shared>>
    tpu.enqueue_indirect_dma source(%dma_start3A_1392 : memref<80x16xf32, #tpu.memory_space<vmem>>) target(%dma_start3A_1397 : memref<10000x16xf32, #tpu.memory_space<vmem_shared>>) offsets(%dma_start3A_1394 : memref<80xi32, #tpu.memory_space<vmem>>) semaphore(%arg16 : memref<!tpu.dma_semaphore, #tpu.memory_space<semaphore_mem>>) {add = true}
    %dma_start3A_1398 = arith.constant 1440 : i32
    %dma_start3A_1399 = arith.constant 0 : i32
    %dma_start3A_1400 = tpu.memref_slice %arg12[%dma_start3A_1398, %dma_start3A_1399] : memref<2000x16xf32, #tpu.memory_space<vmem>> -> memref<80x16xf32, #tpu.memory_space<vmem>>
    %dma_start3A_1401 = arith.constant 7440 : i32
    %dma_start3A_1402 = tpu.memref_slice %arg10[%dma_start3A_1401] : memref<10000xi32, #tpu.memory_space<vmem>> -> memref<80xi32, #tpu.memory_space<vmem>>
    %dma_start3A_1403 = arith.constant 0 : i32
    %dma_start3A_1404 = arith.constant 0 : i32
    %dma_start3A_1405 = tpu.memref_slice %arg13[%dma_start3A_1403, %dma_start3A_1404] : memref<10000x16xf32, #tpu.memory_space<vmem_shared>> -> memref<10000x16xf32, #tpu.memory_space<vmem_shared>>
    tpu.enqueue_indirect_dma source(%dma_start3A_1400 : memref<80x16xf32, #tpu.memory_space<vmem>>) target(%dma_start3A_1405 : memref<10000x16xf32, #tpu.memory_space<vmem_shared>>) offsets(%dma_start3A_1402 : memref<80xi32, #tpu.memory_space<vmem>>) semaphore(%arg16 : memref<!tpu.dma_semaphore, #tpu.memory_space<semaphore_mem>>) {add = true}
    %dma_start3A_1406 = arith.constant 1520 : i32
    %dma_start3A_1407 = arith.constant 0 : i32
    %dma_start3A_1408 = tpu.memref_slice %arg12[%dma_start3A_1406, %dma_start3A_1407] : memref<2000x16xf32, #tpu.memory_space<vmem>> -> memref<80x16xf32, #tpu.memory_space<vmem>>
    %dma_start3A_1409 = arith.constant 7520 : i32
    %dma_start3A_1410 = tpu.memref_slice %arg10[%dma_start3A_1409] : memref<10000xi32, #tpu.memory_space<vmem>> -> memref<80xi32, #tpu.memory_space<vmem>>
    %dma_start3A_1411 = arith.constant 0 : i32
    %dma_start3A_1412 = arith.constant 0 : i32
    %dma_start3A_1413 = tpu.memref_slice %arg13[%dma_start3A_1411, %dma_start3A_1412] : memref<10000x16xf32, #tpu.memory_space<vmem_shared>> -> memref<10000x16xf32, #tpu.memory_space<vmem_shared>>
    tpu.enqueue_indirect_dma source(%dma_start3A_1408 : memref<80x16xf32, #tpu.memory_space<vmem>>) target(%dma_start3A_1413 : memref<10000x16xf32, #tpu.memory_space<vmem_shared>>) offsets(%dma_start3A_1410 : memref<80xi32, #tpu.memory_space<vmem>>) semaphore(%arg16 : memref<!tpu.dma_semaphore, #tpu.memory_space<semaphore_mem>>) {add = true}
    %dma_start3A_1414 = arith.constant 1600 : i32
    %dma_start3A_1415 = arith.constant 0 : i32
    %dma_start3A_1416 = tpu.memref_slice %arg12[%dma_start3A_1414, %dma_start3A_1415] : memref<2000x16xf32, #tpu.memory_space<vmem>> -> memref<80x16xf32, #tpu.memory_space<vmem>>
    %dma_start3A_1417 = arith.constant 7600 : i32
    %dma_start3A_1418 = tpu.memref_slice %arg10[%dma_start3A_1417] : memref<10000xi32, #tpu.memory_space<vmem>> -> memref<80xi32, #tpu.memory_space<vmem>>
    %dma_start3A_1419 = arith.constant 0 : i32
    %dma_start3A_1420 = arith.constant 0 : i32
    %dma_start3A_1421 = tpu.memref_slice %arg13[%dma_start3A_1419, %dma_start3A_1420] : memref<10000x16xf32, #tpu.memory_space<vmem_shared>> -> memref<10000x16xf32, #tpu.memory_space<vmem_shared>>
    tpu.enqueue_indirect_dma source(%dma_start3A_1416 : memref<80x16xf32, #tpu.memory_space<vmem>>) target(%dma_start3A_1421 : memref<10000x16xf32, #tpu.memory_space<vmem_shared>>) offsets(%dma_start3A_1418 : memref<80xi32, #tpu.memory_space<vmem>>) semaphore(%arg16 : memref<!tpu.dma_semaphore, #tpu.memory_space<semaphore_mem>>) {add = true}
    %dma_start3A_1422 = arith.constant 1680 : i32
    %dma_start3A_1423 = arith.constant 0 : i32
    %dma_start3A_1424 = tpu.memref_slice %arg12[%dma_start3A_1422, %dma_start3A_1423] : memref<2000x16xf32, #tpu.memory_space<vmem>> -> memref<80x16xf32, #tpu.memory_space<vmem>>
    %dma_start3A_1425 = arith.constant 7680 : i32
    %dma_start3A_1426 = tpu.memref_slice %arg10[%dma_start3A_1425] : memref<10000xi32, #tpu.memory_space<vmem>> -> memref<80xi32, #tpu.memory_space<vmem>>
    %dma_start3A_1427 = arith.constant 0 : i32
    %dma_start3A_1428 = arith.constant 0 : i32
    %dma_start3A_1429 = tpu.memref_slice %arg13[%dma_start3A_1427, %dma_start3A_1428] : memref<10000x16xf32, #tpu.memory_space<vmem_shared>> -> memref<10000x16xf32, #tpu.memory_space<vmem_shared>>
    tpu.enqueue_indirect_dma source(%dma_start3A_1424 : memref<80x16xf32, #tpu.memory_space<vmem>>) target(%dma_start3A_1429 : memref<10000x16xf32, #tpu.memory_space<vmem_shared>>) offsets(%dma_start3A_1426 : memref<80xi32, #tpu.memory_space<vmem>>) semaphore(%arg16 : memref<!tpu.dma_semaphore, #tpu.memory_space<semaphore_mem>>) {add = true}
    %dma_start3A_1430 = arith.constant 1760 : i32
    %dma_start3A_1431 = arith.constant 0 : i32
    %dma_start3A_1432 = tpu.memref_slice %arg12[%dma_start3A_1430, %dma_start3A_1431] : memref<2000x16xf32, #tpu.memory_space<vmem>> -> memref<80x16xf32, #tpu.memory_space<vmem>>
    %dma_start3A_1433 = arith.constant 7760 : i32
    %dma_start3A_1434 = tpu.memref_slice %arg10[%dma_start3A_1433] : memref<10000xi32, #tpu.memory_space<vmem>> -> memref<80xi32, #tpu.memory_space<vmem>>
    %dma_start3A_1435 = arith.constant 0 : i32
    %dma_start3A_1436 = arith.constant 0 : i32
    %dma_start3A_1437 = tpu.memref_slice %arg13[%dma_start3A_1435, %dma_start3A_1436] : memref<10000x16xf32, #tpu.memory_space<vmem_shared>> -> memref<10000x16xf32, #tpu.memory_space<vmem_shared>>
    tpu.enqueue_indirect_dma source(%dma_start3A_1432 : memref<80x16xf32, #tpu.memory_space<vmem>>) target(%dma_start3A_1437 : memref<10000x16xf32, #tpu.memory_space<vmem_shared>>) offsets(%dma_start3A_1434 : memref<80xi32, #tpu.memory_space<vmem>>) semaphore(%arg16 : memref<!tpu.dma_semaphore, #tpu.memory_space<semaphore_mem>>) {add = true}
    %dma_start3A_1438 = arith.constant 1840 : i32
    %dma_start3A_1439 = arith.constant 0 : i32
    %dma_start3A_1440 = tpu.memref_slice %arg12[%dma_start3A_1438, %dma_start3A_1439] : memref<2000x16xf32, #tpu.memory_space<vmem>> -> memref<80x16xf32, #tpu.memory_space<vmem>>
    %dma_start3A_1441 = arith.constant 7840 : i32
    %dma_start3A_1442 = tpu.memref_slice %arg10[%dma_start3A_1441] : memref<10000xi32, #tpu.memory_space<vmem>> -> memref<80xi32, #tpu.memory_space<vmem>>
    %dma_start3A_1443 = arith.constant 0 : i32
    %dma_start3A_1444 = arith.constant 0 : i32
    %dma_start3A_1445 = tpu.memref_slice %arg13[%dma_start3A_1443, %dma_start3A_1444] : memref<10000x16xf32, #tpu.memory_space<vmem_shared>> -> memref<10000x16xf32, #tpu.memory_space<vmem_shared>>
    tpu.enqueue_indirect_dma source(%dma_start3A_1440 : memref<80x16xf32, #tpu.memory_space<vmem>>) target(%dma_start3A_1445 : memref<10000x16xf32, #tpu.memory_space<vmem_shared>>) offsets(%dma_start3A_1442 : memref<80xi32, #tpu.memory_space<vmem>>) semaphore(%arg16 : memref<!tpu.dma_semaphore, #tpu.memory_space<semaphore_mem>>) {add = true}
    %dma_start3A_1446 = arith.constant 1920 : i32
    %dma_start3A_1447 = arith.constant 0 : i32
    %dma_start3A_1448 = tpu.memref_slice %arg12[%dma_start3A_1446, %dma_start3A_1447] : memref<2000x16xf32, #tpu.memory_space<vmem>> -> memref<80x16xf32, #tpu.memory_space<vmem>>
    %dma_start3A_1449 = arith.constant 7920 : i32
    %dma_start3A_1450 = tpu.memref_slice %arg10[%dma_start3A_1449] : memref<10000xi32, #tpu.memory_space<vmem>> -> memref<80xi32, #tpu.memory_space<vmem>>
    %dma_start3A_1451 = arith.constant 0 : i32
    %dma_start3A_1452 = arith.constant 0 : i32
    %dma_start3A_1453 = tpu.memref_slice %arg13[%dma_start3A_1451, %dma_start3A_1452] : memref<10000x16xf32, #tpu.memory_space<vmem_shared>> -> memref<10000x16xf32, #tpu.memory_space<vmem_shared>>
    tpu.enqueue_indirect_dma source(%dma_start3A_1448 : memref<80x16xf32, #tpu.memory_space<vmem>>) target(%dma_start3A_1453 : memref<10000x16xf32, #tpu.memory_space<vmem_shared>>) offsets(%dma_start3A_1450 : memref<80xi32, #tpu.memory_space<vmem>>) semaphore(%arg16 : memref<!tpu.dma_semaphore, #tpu.memory_space<semaphore_mem>>) {add = true}
    %dma_wait3A_1454 = arith.constant 0 : i32
    %dma_wait3A_1455 = arith.constant 0 : i32
    %dma_wait3A_1456 = tpu.memref_slice %arg12[%dma_wait3A_1454, %dma_wait3A_1455] : memref<2000x16xf32, #tpu.memory_space<vmem>> -> memref<80x16xf32, #tpu.memory_space<vmem>>
    %dma_wait3A_1457 = arith.constant 6000 : i32
    %dma_wait3A_1458 = tpu.memref_slice %arg10[%dma_wait3A_1457] : memref<10000xi32, #tpu.memory_space<vmem>> -> memref<80xi32, #tpu.memory_space<vmem>>
    %dma_wait3A_1459 = arith.constant 0 : i32
    %dma_wait3A_1460 = arith.constant 0 : i32
    %dma_wait3A_1461 = tpu.memref_slice %arg13[%dma_wait3A_1459, %dma_wait3A_1460] : memref<10000x16xf32, #tpu.memory_space<vmem_shared>> -> memref<10000x16xf32, #tpu.memory_space<vmem_shared>>
    tpu.wait_indirect_dma semaphore(%arg16 : memref<!tpu.dma_semaphore, #tpu.memory_space<semaphore_mem>>) src(%dma_wait3A_1456 : memref<80x16xf32, #tpu.memory_space<vmem>>) dst(%dma_wait3A_1461 : memref<10000x16xf32, #tpu.memory_space<vmem_shared>>)
    %dma_wait3A_1462 = arith.constant 80 : i32
    %dma_wait3A_1463 = arith.constant 0 : i32
    %dma_wait3A_1464 = tpu.memref_slice %arg12[%dma_wait3A_1462, %dma_wait3A_1463] : memref<2000x16xf32, #tpu.memory_space<vmem>> -> memref<80x16xf32, #tpu.memory_space<vmem>>
    %dma_wait3A_1465 = arith.constant 6080 : i32
    %dma_wait3A_1466 = tpu.memref_slice %arg10[%dma_wait3A_1465] : memref<10000xi32, #tpu.memory_space<vmem>> -> memref<80xi32, #tpu.memory_space<vmem>>
    %dma_wait3A_1467 = arith.constant 0 : i32
    %dma_wait3A_1468 = arith.constant 0 : i32
    %dma_wait3A_1469 = tpu.memref_slice %arg13[%dma_wait3A_1467, %dma_wait3A_1468] : memref<10000x16xf32, #tpu.memory_space<vmem_shared>> -> memref<10000x16xf32, #tpu.memory_space<vmem_shared>>
    tpu.wait_indirect_dma semaphore(%arg16 : memref<!tpu.dma_semaphore, #tpu.memory_space<semaphore_mem>>) src(%dma_wait3A_1464 : memref<80x16xf32, #tpu.memory_space<vmem>>) dst(%dma_wait3A_1469 : memref<10000x16xf32, #tpu.memory_space<vmem_shared>>)
    %dma_wait3A_1470 = arith.constant 160 : i32
    %dma_wait3A_1471 = arith.constant 0 : i32
    %dma_wait3A_1472 = tpu.memref_slice %arg12[%dma_wait3A_1470, %dma_wait3A_1471] : memref<2000x16xf32, #tpu.memory_space<vmem>> -> memref<80x16xf32, #tpu.memory_space<vmem>>
    %dma_wait3A_1473 = arith.constant 6160 : i32
    %dma_wait3A_1474 = tpu.memref_slice %arg10[%dma_wait3A_1473] : memref<10000xi32, #tpu.memory_space<vmem>> -> memref<80xi32, #tpu.memory_space<vmem>>
    %dma_wait3A_1475 = arith.constant 0 : i32
    %dma_wait3A_1476 = arith.constant 0 : i32
    %dma_wait3A_1477 = tpu.memref_slice %arg13[%dma_wait3A_1475, %dma_wait3A_1476] : memref<10000x16xf32, #tpu.memory_space<vmem_shared>> -> memref<10000x16xf32, #tpu.memory_space<vmem_shared>>
    tpu.wait_indirect_dma semaphore(%arg16 : memref<!tpu.dma_semaphore, #tpu.memory_space<semaphore_mem>>) src(%dma_wait3A_1472 : memref<80x16xf32, #tpu.memory_space<vmem>>) dst(%dma_wait3A_1477 : memref<10000x16xf32, #tpu.memory_space<vmem_shared>>)
    %dma_wait3A_1478 = arith.constant 240 : i32
    %dma_wait3A_1479 = arith.constant 0 : i32
    %dma_wait3A_1480 = tpu.memref_slice %arg12[%dma_wait3A_1478, %dma_wait3A_1479] : memref<2000x16xf32, #tpu.memory_space<vmem>> -> memref<80x16xf32, #tpu.memory_space<vmem>>
    %dma_wait3A_1481 = arith.constant 6240 : i32
    %dma_wait3A_1482 = tpu.memref_slice %arg10[%dma_wait3A_1481] : memref<10000xi32, #tpu.memory_space<vmem>> -> memref<80xi32, #tpu.memory_space<vmem>>
    %dma_wait3A_1483 = arith.constant 0 : i32
    %dma_wait3A_1484 = arith.constant 0 : i32
    %dma_wait3A_1485 = tpu.memref_slice %arg13[%dma_wait3A_1483, %dma_wait3A_1484] : memref<10000x16xf32, #tpu.memory_space<vmem_shared>> -> memref<10000x16xf32, #tpu.memory_space<vmem_shared>>
    tpu.wait_indirect_dma semaphore(%arg16 : memref<!tpu.dma_semaphore, #tpu.memory_space<semaphore_mem>>) src(%dma_wait3A_1480 : memref<80x16xf32, #tpu.memory_space<vmem>>) dst(%dma_wait3A_1485 : memref<10000x16xf32, #tpu.memory_space<vmem_shared>>)
    %dma_wait3A_1486 = arith.constant 320 : i32
    %dma_wait3A_1487 = arith.constant 0 : i32
    %dma_wait3A_1488 = tpu.memref_slice %arg12[%dma_wait3A_1486, %dma_wait3A_1487] : memref<2000x16xf32, #tpu.memory_space<vmem>> -> memref<80x16xf32, #tpu.memory_space<vmem>>
    %dma_wait3A_1489 = arith.constant 6320 : i32
    %dma_wait3A_1490 = tpu.memref_slice %arg10[%dma_wait3A_1489] : memref<10000xi32, #tpu.memory_space<vmem>> -> memref<80xi32, #tpu.memory_space<vmem>>
    %dma_wait3A_1491 = arith.constant 0 : i32
    %dma_wait3A_1492 = arith.constant 0 : i32
    %dma_wait3A_1493 = tpu.memref_slice %arg13[%dma_wait3A_1491, %dma_wait3A_1492] : memref<10000x16xf32, #tpu.memory_space<vmem_shared>> -> memref<10000x16xf32, #tpu.memory_space<vmem_shared>>
    tpu.wait_indirect_dma semaphore(%arg16 : memref<!tpu.dma_semaphore, #tpu.memory_space<semaphore_mem>>) src(%dma_wait3A_1488 : memref<80x16xf32, #tpu.memory_space<vmem>>) dst(%dma_wait3A_1493 : memref<10000x16xf32, #tpu.memory_space<vmem_shared>>)
    %dma_wait3A_1494 = arith.constant 400 : i32
    %dma_wait3A_1495 = arith.constant 0 : i32
    %dma_wait3A_1496 = tpu.memref_slice %arg12[%dma_wait3A_1494, %dma_wait3A_1495] : memref<2000x16xf32, #tpu.memory_space<vmem>> -> memref<80x16xf32, #tpu.memory_space<vmem>>
    %dma_wait3A_1497 = arith.constant 6400 : i32
    %dma_wait3A_1498 = tpu.memref_slice %arg10[%dma_wait3A_1497] : memref<10000xi32, #tpu.memory_space<vmem>> -> memref<80xi32, #tpu.memory_space<vmem>>
    %dma_wait3A_1499 = arith.constant 0 : i32
    %dma_wait3A_1500 = arith.constant 0 : i32
    %dma_wait3A_1501 = tpu.memref_slice %arg13[%dma_wait3A_1499, %dma_wait3A_1500] : memref<10000x16xf32, #tpu.memory_space<vmem_shared>> -> memref<10000x16xf32, #tpu.memory_space<vmem_shared>>
    tpu.wait_indirect_dma semaphore(%arg16 : memref<!tpu.dma_semaphore, #tpu.memory_space<semaphore_mem>>) src(%dma_wait3A_1496 : memref<80x16xf32, #tpu.memory_space<vmem>>) dst(%dma_wait3A_1501 : memref<10000x16xf32, #tpu.memory_space<vmem_shared>>)
    %dma_wait3A_1502 = arith.constant 480 : i32
    %dma_wait3A_1503 = arith.constant 0 : i32
    %dma_wait3A_1504 = tpu.memref_slice %arg12[%dma_wait3A_1502, %dma_wait3A_1503] : memref<2000x16xf32, #tpu.memory_space<vmem>> -> memref<80x16xf32, #tpu.memory_space<vmem>>
    %dma_wait3A_1505 = arith.constant 6480 : i32
    %dma_wait3A_1506 = tpu.memref_slice %arg10[%dma_wait3A_1505] : memref<10000xi32, #tpu.memory_space<vmem>> -> memref<80xi32, #tpu.memory_space<vmem>>
    %dma_wait3A_1507 = arith.constant 0 : i32
    %dma_wait3A_1508 = arith.constant 0 : i32
    %dma_wait3A_1509 = tpu.memref_slice %arg13[%dma_wait3A_1507, %dma_wait3A_1508] : memref<10000x16xf32, #tpu.memory_space<vmem_shared>> -> memref<10000x16xf32, #tpu.memory_space<vmem_shared>>
    tpu.wait_indirect_dma semaphore(%arg16 : memref<!tpu.dma_semaphore, #tpu.memory_space<semaphore_mem>>) src(%dma_wait3A_1504 : memref<80x16xf32, #tpu.memory_space<vmem>>) dst(%dma_wait3A_1509 : memref<10000x16xf32, #tpu.memory_space<vmem_shared>>)
    %dma_wait3A_1510 = arith.constant 560 : i32
    %dma_wait3A_1511 = arith.constant 0 : i32
    %dma_wait3A_1512 = tpu.memref_slice %arg12[%dma_wait3A_1510, %dma_wait3A_1511] : memref<2000x16xf32, #tpu.memory_space<vmem>> -> memref<80x16xf32, #tpu.memory_space<vmem>>
    %dma_wait3A_1513 = arith.constant 6560 : i32
    %dma_wait3A_1514 = tpu.memref_slice %arg10[%dma_wait3A_1513] : memref<10000xi32, #tpu.memory_space<vmem>> -> memref<80xi32, #tpu.memory_space<vmem>>
    %dma_wait3A_1515 = arith.constant 0 : i32
    %dma_wait3A_1516 = arith.constant 0 : i32
    %dma_wait3A_1517 = tpu.memref_slice %arg13[%dma_wait3A_1515, %dma_wait3A_1516] : memref<10000x16xf32, #tpu.memory_space<vmem_shared>> -> memref<10000x16xf32, #tpu.memory_space<vmem_shared>>
    tpu.wait_indirect_dma semaphore(%arg16 : memref<!tpu.dma_semaphore, #tpu.memory_space<semaphore_mem>>) src(%dma_wait3A_1512 : memref<80x16xf32, #tpu.memory_space<vmem>>) dst(%dma_wait3A_1517 : memref<10000x16xf32, #tpu.memory_space<vmem_shared>>)
    %dma_wait3A_1518 = arith.constant 640 : i32
    %dma_wait3A_1519 = arith.constant 0 : i32
    %dma_wait3A_1520 = tpu.memref_slice %arg12[%dma_wait3A_1518, %dma_wait3A_1519] : memref<2000x16xf32, #tpu.memory_space<vmem>> -> memref<80x16xf32, #tpu.memory_space<vmem>>
    %dma_wait3A_1521 = arith.constant 6640 : i32
    %dma_wait3A_1522 = tpu.memref_slice %arg10[%dma_wait3A_1521] : memref<10000xi32, #tpu.memory_space<vmem>> -> memref<80xi32, #tpu.memory_space<vmem>>
    %dma_wait3A_1523 = arith.constant 0 : i32
    %dma_wait3A_1524 = arith.constant 0 : i32
    %dma_wait3A_1525 = tpu.memref_slice %arg13[%dma_wait3A_1523, %dma_wait3A_1524] : memref<10000x16xf32, #tpu.memory_space<vmem_shared>> -> memref<10000x16xf32, #tpu.memory_space<vmem_shared>>
    tpu.wait_indirect_dma semaphore(%arg16 : memref<!tpu.dma_semaphore, #tpu.memory_space<semaphore_mem>>) src(%dma_wait3A_1520 : memref<80x16xf32, #tpu.memory_space<vmem>>) dst(%dma_wait3A_1525 : memref<10000x16xf32, #tpu.memory_space<vmem_shared>>)
    %dma_wait3A_1526 = arith.constant 720 : i32
    %dma_wait3A_1527 = arith.constant 0 : i32
    %dma_wait3A_1528 = tpu.memref_slice %arg12[%dma_wait3A_1526, %dma_wait3A_1527] : memref<2000x16xf32, #tpu.memory_space<vmem>> -> memref<80x16xf32, #tpu.memory_space<vmem>>
    %dma_wait3A_1529 = arith.constant 6720 : i32
    %dma_wait3A_1530 = tpu.memref_slice %arg10[%dma_wait3A_1529] : memref<10000xi32, #tpu.memory_space<vmem>> -> memref<80xi32, #tpu.memory_space<vmem>>
    %dma_wait3A_1531 = arith.constant 0 : i32
    %dma_wait3A_1532 = arith.constant 0 : i32
    %dma_wait3A_1533 = tpu.memref_slice %arg13[%dma_wait3A_1531, %dma_wait3A_1532] : memref<10000x16xf32, #tpu.memory_space<vmem_shared>> -> memref<10000x16xf32, #tpu.memory_space<vmem_shared>>
    tpu.wait_indirect_dma semaphore(%arg16 : memref<!tpu.dma_semaphore, #tpu.memory_space<semaphore_mem>>) src(%dma_wait3A_1528 : memref<80x16xf32, #tpu.memory_space<vmem>>) dst(%dma_wait3A_1533 : memref<10000x16xf32, #tpu.memory_space<vmem_shared>>)
    %dma_wait3A_1534 = arith.constant 800 : i32
    %dma_wait3A_1535 = arith.constant 0 : i32
    %dma_wait3A_1536 = tpu.memref_slice %arg12[%dma_wait3A_1534, %dma_wait3A_1535] : memref<2000x16xf32, #tpu.memory_space<vmem>> -> memref<80x16xf32, #tpu.memory_space<vmem>>
    %dma_wait3A_1537 = arith.constant 6800 : i32
    %dma_wait3A_1538 = tpu.memref_slice %arg10[%dma_wait3A_1537] : memref<10000xi32, #tpu.memory_space<vmem>> -> memref<80xi32, #tpu.memory_space<vmem>>
    %dma_wait3A_1539 = arith.constant 0 : i32
    %dma_wait3A_1540 = arith.constant 0 : i32
    %dma_wait3A_1541 = tpu.memref_slice %arg13[%dma_wait3A_1539, %dma_wait3A_1540] : memref<10000x16xf32, #tpu.memory_space<vmem_shared>> -> memref<10000x16xf32, #tpu.memory_space<vmem_shared>>
    tpu.wait_indirect_dma semaphore(%arg16 : memref<!tpu.dma_semaphore, #tpu.memory_space<semaphore_mem>>) src(%dma_wait3A_1536 : memref<80x16xf32, #tpu.memory_space<vmem>>) dst(%dma_wait3A_1541 : memref<10000x16xf32, #tpu.memory_space<vmem_shared>>)
    %dma_wait3A_1542 = arith.constant 880 : i32
    %dma_wait3A_1543 = arith.constant 0 : i32
    %dma_wait3A_1544 = tpu.memref_slice %arg12[%dma_wait3A_1542, %dma_wait3A_1543] : memref<2000x16xf32, #tpu.memory_space<vmem>> -> memref<80x16xf32, #tpu.memory_space<vmem>>
    %dma_wait3A_1545 = arith.constant 6880 : i32
    %dma_wait3A_1546 = tpu.memref_slice %arg10[%dma_wait3A_1545] : memref<10000xi32, #tpu.memory_space<vmem>> -> memref<80xi32, #tpu.memory_space<vmem>>
    %dma_wait3A_1547 = arith.constant 0 : i32
    %dma_wait3A_1548 = arith.constant 0 : i32
    %dma_wait3A_1549 = tpu.memref_slice %arg13[%dma_wait3A_1547, %dma_wait3A_1548] : memref<10000x16xf32, #tpu.memory_space<vmem_shared>> -> memref<10000x16xf32, #tpu.memory_space<vmem_shared>>
    tpu.wait_indirect_dma semaphore(%arg16 : memref<!tpu.dma_semaphore, #tpu.memory_space<semaphore_mem>>) src(%dma_wait3A_1544 : memref<80x16xf32, #tpu.memory_space<vmem>>) dst(%dma_wait3A_1549 : memref<10000x16xf32, #tpu.memory_space<vmem_shared>>)
    %dma_wait3A_1550 = arith.constant 960 : i32
    %dma_wait3A_1551 = arith.constant 0 : i32
    %dma_wait3A_1552 = tpu.memref_slice %arg12[%dma_wait3A_1550, %dma_wait3A_1551] : memref<2000x16xf32, #tpu.memory_space<vmem>> -> memref<80x16xf32, #tpu.memory_space<vmem>>
    %dma_wait3A_1553 = arith.constant 6960 : i32
    %dma_wait3A_1554 = tpu.memref_slice %arg10[%dma_wait3A_1553] : memref<10000xi32, #tpu.memory_space<vmem>> -> memref<80xi32, #tpu.memory_space<vmem>>
    %dma_wait3A_1555 = arith.constant 0 : i32
    %dma_wait3A_1556 = arith.constant 0 : i32
    %dma_wait3A_1557 = tpu.memref_slice %arg13[%dma_wait3A_1555, %dma_wait3A_1556] : memref<10000x16xf32, #tpu.memory_space<vmem_shared>> -> memref<10000x16xf32, #tpu.memory_space<vmem_shared>>
    tpu.wait_indirect_dma semaphore(%arg16 : memref<!tpu.dma_semaphore, #tpu.memory_space<semaphore_mem>>) src(%dma_wait3A_1552 : memref<80x16xf32, #tpu.memory_space<vmem>>) dst(%dma_wait3A_1557 : memref<10000x16xf32, #tpu.memory_space<vmem_shared>>)
    %dma_wait3A_1558 = arith.constant 1040 : i32
    %dma_wait3A_1559 = arith.constant 0 : i32
    %dma_wait3A_1560 = tpu.memref_slice %arg12[%dma_wait3A_1558, %dma_wait3A_1559] : memref<2000x16xf32, #tpu.memory_space<vmem>> -> memref<80x16xf32, #tpu.memory_space<vmem>>
    %dma_wait3A_1561 = arith.constant 7040 : i32
    %dma_wait3A_1562 = tpu.memref_slice %arg10[%dma_wait3A_1561] : memref<10000xi32, #tpu.memory_space<vmem>> -> memref<80xi32, #tpu.memory_space<vmem>>
    %dma_wait3A_1563 = arith.constant 0 : i32
    %dma_wait3A_1564 = arith.constant 0 : i32
    %dma_wait3A_1565 = tpu.memref_slice %arg13[%dma_wait3A_1563, %dma_wait3A_1564] : memref<10000x16xf32, #tpu.memory_space<vmem_shared>> -> memref<10000x16xf32, #tpu.memory_space<vmem_shared>>
    tpu.wait_indirect_dma semaphore(%arg16 : memref<!tpu.dma_semaphore, #tpu.memory_space<semaphore_mem>>) src(%dma_wait3A_1560 : memref<80x16xf32, #tpu.memory_space<vmem>>) dst(%dma_wait3A_1565 : memref<10000x16xf32, #tpu.memory_space<vmem_shared>>)
    %dma_wait3A_1566 = arith.constant 1120 : i32
    %dma_wait3A_1567 = arith.constant 0 : i32
    %dma_wait3A_1568 = tpu.memref_slice %arg12[%dma_wait3A_1566, %dma_wait3A_1567] : memref<2000x16xf32, #tpu.memory_space<vmem>> -> memref<80x16xf32, #tpu.memory_space<vmem>>
    %dma_wait3A_1569 = arith.constant 7120 : i32
    %dma_wait3A_1570 = tpu.memref_slice %arg10[%dma_wait3A_1569] : memref<10000xi32, #tpu.memory_space<vmem>> -> memref<80xi32, #tpu.memory_space<vmem>>
    %dma_wait3A_1571 = arith.constant 0 : i32
    %dma_wait3A_1572 = arith.constant 0 : i32
    %dma_wait3A_1573 = tpu.memref_slice %arg13[%dma_wait3A_1571, %dma_wait3A_1572] : memref<10000x16xf32, #tpu.memory_space<vmem_shared>> -> memref<10000x16xf32, #tpu.memory_space<vmem_shared>>
    tpu.wait_indirect_dma semaphore(%arg16 : memref<!tpu.dma_semaphore, #tpu.memory_space<semaphore_mem>>) src(%dma_wait3A_1568 : memref<80x16xf32, #tpu.memory_space<vmem>>) dst(%dma_wait3A_1573 : memref<10000x16xf32, #tpu.memory_space<vmem_shared>>)
    %dma_wait3A_1574 = arith.constant 1200 : i32
    %dma_wait3A_1575 = arith.constant 0 : i32
    %dma_wait3A_1576 = tpu.memref_slice %arg12[%dma_wait3A_1574, %dma_wait3A_1575] : memref<2000x16xf32, #tpu.memory_space<vmem>> -> memref<80x16xf32, #tpu.memory_space<vmem>>
    %dma_wait3A_1577 = arith.constant 7200 : i32
    %dma_wait3A_1578 = tpu.memref_slice %arg10[%dma_wait3A_1577] : memref<10000xi32, #tpu.memory_space<vmem>> -> memref<80xi32, #tpu.memory_space<vmem>>
    %dma_wait3A_1579 = arith.constant 0 : i32
    %dma_wait3A_1580 = arith.constant 0 : i32
    %dma_wait3A_1581 = tpu.memref_slice %arg13[%dma_wait3A_1579, %dma_wait3A_1580] : memref<10000x16xf32, #tpu.memory_space<vmem_shared>> -> memref<10000x16xf32, #tpu.memory_space<vmem_shared>>
    tpu.wait_indirect_dma semaphore(%arg16 : memref<!tpu.dma_semaphore, #tpu.memory_space<semaphore_mem>>) src(%dma_wait3A_1576 : memref<80x16xf32, #tpu.memory_space<vmem>>) dst(%dma_wait3A_1581 : memref<10000x16xf32, #tpu.memory_space<vmem_shared>>)
    %dma_wait3A_1582 = arith.constant 1280 : i32
    %dma_wait3A_1583 = arith.constant 0 : i32
    %dma_wait3A_1584 = tpu.memref_slice %arg12[%dma_wait3A_1582, %dma_wait3A_1583] : memref<2000x16xf32, #tpu.memory_space<vmem>> -> memref<80x16xf32, #tpu.memory_space<vmem>>
    %dma_wait3A_1585 = arith.constant 7280 : i32
    %dma_wait3A_1586 = tpu.memref_slice %arg10[%dma_wait3A_1585] : memref<10000xi32, #tpu.memory_space<vmem>> -> memref<80xi32, #tpu.memory_space<vmem>>
    %dma_wait3A_1587 = arith.constant 0 : i32
    %dma_wait3A_1588 = arith.constant 0 : i32
    %dma_wait3A_1589 = tpu.memref_slice %arg13[%dma_wait3A_1587, %dma_wait3A_1588] : memref<10000x16xf32, #tpu.memory_space<vmem_shared>> -> memref<10000x16xf32, #tpu.memory_space<vmem_shared>>
    tpu.wait_indirect_dma semaphore(%arg16 : memref<!tpu.dma_semaphore, #tpu.memory_space<semaphore_mem>>) src(%dma_wait3A_1584 : memref<80x16xf32, #tpu.memory_space<vmem>>) dst(%dma_wait3A_1589 : memref<10000x16xf32, #tpu.memory_space<vmem_shared>>)
    %dma_wait3A_1590 = arith.constant 1360 : i32
    %dma_wait3A_1591 = arith.constant 0 : i32
    %dma_wait3A_1592 = tpu.memref_slice %arg12[%dma_wait3A_1590, %dma_wait3A_1591] : memref<2000x16xf32, #tpu.memory_space<vmem>> -> memref<80x16xf32, #tpu.memory_space<vmem>>
    %dma_wait3A_1593 = arith.constant 7360 : i32
    %dma_wait3A_1594 = tpu.memref_slice %arg10[%dma_wait3A_1593] : memref<10000xi32, #tpu.memory_space<vmem>> -> memref<80xi32, #tpu.memory_space<vmem>>
    %dma_wait3A_1595 = arith.constant 0 : i32
    %dma_wait3A_1596 = arith.constant 0 : i32
    %dma_wait3A_1597 = tpu.memref_slice %arg13[%dma_wait3A_1595, %dma_wait3A_1596] : memref<10000x16xf32, #tpu.memory_space<vmem_shared>> -> memref<10000x16xf32, #tpu.memory_space<vmem_shared>>
    tpu.wait_indirect_dma semaphore(%arg16 : memref<!tpu.dma_semaphore, #tpu.memory_space<semaphore_mem>>) src(%dma_wait3A_1592 : memref<80x16xf32, #tpu.memory_space<vmem>>) dst(%dma_wait3A_1597 : memref<10000x16xf32, #tpu.memory_space<vmem_shared>>)
    %dma_wait3A_1598 = arith.constant 1440 : i32
    %dma_wait3A_1599 = arith.constant 0 : i32
    %dma_wait3A_1600 = tpu.memref_slice %arg12[%dma_wait3A_1598, %dma_wait3A_1599] : memref<2000x16xf32, #tpu.memory_space<vmem>> -> memref<80x16xf32, #tpu.memory_space<vmem>>
    %dma_wait3A_1601 = arith.constant 7440 : i32
    %dma_wait3A_1602 = tpu.memref_slice %arg10[%dma_wait3A_1601] : memref<10000xi32, #tpu.memory_space<vmem>> -> memref<80xi32, #tpu.memory_space<vmem>>
    %dma_wait3A_1603 = arith.constant 0 : i32
    %dma_wait3A_1604 = arith.constant 0 : i32
    %dma_wait3A_1605 = tpu.memref_slice %arg13[%dma_wait3A_1603, %dma_wait3A_1604] : memref<10000x16xf32, #tpu.memory_space<vmem_shared>> -> memref<10000x16xf32, #tpu.memory_space<vmem_shared>>
    tpu.wait_indirect_dma semaphore(%arg16 : memref<!tpu.dma_semaphore, #tpu.memory_space<semaphore_mem>>) src(%dma_wait3A_1600 : memref<80x16xf32, #tpu.memory_space<vmem>>) dst(%dma_wait3A_1605 : memref<10000x16xf32, #tpu.memory_space<vmem_shared>>)
    %dma_wait3A_1606 = arith.constant 1520 : i32
    %dma_wait3A_1607 = arith.constant 0 : i32
    %dma_wait3A_1608 = tpu.memref_slice %arg12[%dma_wait3A_1606, %dma_wait3A_1607] : memref<2000x16xf32, #tpu.memory_space<vmem>> -> memref<80x16xf32, #tpu.memory_space<vmem>>
    %dma_wait3A_1609 = arith.constant 7520 : i32
    %dma_wait3A_1610 = tpu.memref_slice %arg10[%dma_wait3A_1609] : memref<10000xi32, #tpu.memory_space<vmem>> -> memref<80xi32, #tpu.memory_space<vmem>>
    %dma_wait3A_1611 = arith.constant 0 : i32
    %dma_wait3A_1612 = arith.constant 0 : i32
    %dma_wait3A_1613 = tpu.memref_slice %arg13[%dma_wait3A_1611, %dma_wait3A_1612] : memref<10000x16xf32, #tpu.memory_space<vmem_shared>> -> memref<10000x16xf32, #tpu.memory_space<vmem_shared>>
    tpu.wait_indirect_dma semaphore(%arg16 : memref<!tpu.dma_semaphore, #tpu.memory_space<semaphore_mem>>) src(%dma_wait3A_1608 : memref<80x16xf32, #tpu.memory_space<vmem>>) dst(%dma_wait3A_1613 : memref<10000x16xf32, #tpu.memory_space<vmem_shared>>)
    %dma_wait3A_1614 = arith.constant 1600 : i32
    %dma_wait3A_1615 = arith.constant 0 : i32
    %dma_wait3A_1616 = tpu.memref_slice %arg12[%dma_wait3A_1614, %dma_wait3A_1615] : memref<2000x16xf32, #tpu.memory_space<vmem>> -> memref<80x16xf32, #tpu.memory_space<vmem>>
    %dma_wait3A_1617 = arith.constant 7600 : i32
    %dma_wait3A_1618 = tpu.memref_slice %arg10[%dma_wait3A_1617] : memref<10000xi32, #tpu.memory_space<vmem>> -> memref<80xi32, #tpu.memory_space<vmem>>
    %dma_wait3A_1619 = arith.constant 0 : i32
    %dma_wait3A_1620 = arith.constant 0 : i32
    %dma_wait3A_1621 = tpu.memref_slice %arg13[%dma_wait3A_1619, %dma_wait3A_1620] : memref<10000x16xf32, #tpu.memory_space<vmem_shared>> -> memref<10000x16xf32, #tpu.memory_space<vmem_shared>>
    tpu.wait_indirect_dma semaphore(%arg16 : memref<!tpu.dma_semaphore, #tpu.memory_space<semaphore_mem>>) src(%dma_wait3A_1616 : memref<80x16xf32, #tpu.memory_space<vmem>>) dst(%dma_wait3A_1621 : memref<10000x16xf32, #tpu.memory_space<vmem_shared>>)
    %dma_wait3A_1622 = arith.constant 1680 : i32
    %dma_wait3A_1623 = arith.constant 0 : i32
    %dma_wait3A_1624 = tpu.memref_slice %arg12[%dma_wait3A_1622, %dma_wait3A_1623] : memref<2000x16xf32, #tpu.memory_space<vmem>> -> memref<80x16xf32, #tpu.memory_space<vmem>>
    %dma_wait3A_1625 = arith.constant 7680 : i32
    %dma_wait3A_1626 = tpu.memref_slice %arg10[%dma_wait3A_1625] : memref<10000xi32, #tpu.memory_space<vmem>> -> memref<80xi32, #tpu.memory_space<vmem>>
    %dma_wait3A_1627 = arith.constant 0 : i32
    %dma_wait3A_1628 = arith.constant 0 : i32
    %dma_wait3A_1629 = tpu.memref_slice %arg13[%dma_wait3A_1627, %dma_wait3A_1628] : memref<10000x16xf32, #tpu.memory_space<vmem_shared>> -> memref<10000x16xf32, #tpu.memory_space<vmem_shared>>
    tpu.wait_indirect_dma semaphore(%arg16 : memref<!tpu.dma_semaphore, #tpu.memory_space<semaphore_mem>>) src(%dma_wait3A_1624 : memref<80x16xf32, #tpu.memory_space<vmem>>) dst(%dma_wait3A_1629 : memref<10000x16xf32, #tpu.memory_space<vmem_shared>>)
    %dma_wait3A_1630 = arith.constant 1760 : i32
    %dma_wait3A_1631 = arith.constant 0 : i32
    %dma_wait3A_1632 = tpu.memref_slice %arg12[%dma_wait3A_1630, %dma_wait3A_1631] : memref<2000x16xf32, #tpu.memory_space<vmem>> -> memref<80x16xf32, #tpu.memory_space<vmem>>
    %dma_wait3A_1633 = arith.constant 7760 : i32
    %dma_wait3A_1634 = tpu.memref_slice %arg10[%dma_wait3A_1633] : memref<10000xi32, #tpu.memory_space<vmem>> -> memref<80xi32, #tpu.memory_space<vmem>>
    %dma_wait3A_1635 = arith.constant 0 : i32
    %dma_wait3A_1636 = arith.constant 0 : i32
    %dma_wait3A_1637 = tpu.memref_slice %arg13[%dma_wait3A_1635, %dma_wait3A_1636] : memref<10000x16xf32, #tpu.memory_space<vmem_shared>> -> memref<10000x16xf32, #tpu.memory_space<vmem_shared>>
    tpu.wait_indirect_dma semaphore(%arg16 : memref<!tpu.dma_semaphore, #tpu.memory_space<semaphore_mem>>) src(%dma_wait3A_1632 : memref<80x16xf32, #tpu.memory_space<vmem>>) dst(%dma_wait3A_1637 : memref<10000x16xf32, #tpu.memory_space<vmem_shared>>)
    %dma_wait3A_1638 = arith.constant 1840 : i32
    %dma_wait3A_1639 = arith.constant 0 : i32
    %dma_wait3A_1640 = tpu.memref_slice %arg12[%dma_wait3A_1638, %dma_wait3A_1639] : memref<2000x16xf32, #tpu.memory_space<vmem>> -> memref<80x16xf32, #tpu.memory_space<vmem>>
    %dma_wait3A_1641 = arith.constant 7840 : i32
    %dma_wait3A_1642 = tpu.memref_slice %arg10[%dma_wait3A_1641] : memref<10000xi32, #tpu.memory_space<vmem>> -> memref<80xi32, #tpu.memory_space<vmem>>
    %dma_wait3A_1643 = arith.constant 0 : i32
    %dma_wait3A_1644 = arith.constant 0 : i32
    %dma_wait3A_1645 = tpu.memref_slice %arg13[%dma_wait3A_1643, %dma_wait3A_1644] : memref<10000x16xf32, #tpu.memory_space<vmem_shared>> -> memref<10000x16xf32, #tpu.memory_space<vmem_shared>>
    tpu.wait_indirect_dma semaphore(%arg16 : memref<!tpu.dma_semaphore, #tpu.memory_space<semaphore_mem>>) src(%dma_wait3A_1640 : memref<80x16xf32, #tpu.memory_space<vmem>>) dst(%dma_wait3A_1645 : memref<10000x16xf32, #tpu.memory_space<vmem_shared>>)
    %dma_wait3A_1646 = arith.constant 1920 : i32
    %dma_wait3A_1647 = arith.constant 0 : i32
    %dma_wait3A_1648 = tpu.memref_slice %arg12[%dma_wait3A_1646, %dma_wait3A_1647] : memref<2000x16xf32, #tpu.memory_space<vmem>> -> memref<80x16xf32, #tpu.memory_space<vmem>>
    %dma_wait3A_1649 = arith.constant 7920 : i32
    %dma_wait3A_1650 = tpu.memref_slice %arg10[%dma_wait3A_1649] : memref<10000xi32, #tpu.memory_space<vmem>> -> memref<80xi32, #tpu.memory_space<vmem>>
    %dma_wait3A_1651 = arith.constant 0 : i32
    %dma_wait3A_1652 = arith.constant 0 : i32
    %dma_wait3A_1653 = tpu.memref_slice %arg13[%dma_wait3A_1651, %dma_wait3A_1652] : memref<10000x16xf32, #tpu.memory_space<vmem_shared>> -> memref<10000x16xf32, #tpu.memory_space<vmem_shared>>
    tpu.wait_indirect_dma semaphore(%arg16 : memref<!tpu.dma_semaphore, #tpu.memory_space<semaphore_mem>>) src(%dma_wait3A_1648 : memref<80x16xf32, #tpu.memory_space<vmem>>) dst(%dma_wait3A_1653 : memref<10000x16xf32, #tpu.memory_space<vmem_shared>>)
    %dma_wait3A_1654 = arith.constant 8000 : i32
    %dma_wait3A_1655 = tpu.memref_slice %arg8[%dma_wait3A_1654] : memref<10000xi32, #tpu.memory_space<vmem>> -> memref<2000xi32, #tpu.memory_space<vmem>>
    %dma_wait3A_1656 = arith.constant 0 : i32
    %dma_wait3A_1657 = arith.constant 0 : i32
    %dma_wait3A_1658 = tpu.memref_slice %arg2[%dma_wait3A_1656, %dma_wait3A_1657] : memref<80000x16xf32, #tpu.memory_space<hbm>> -> memref<80000x16xf32, #tpu.memory_space<hbm>>
    tpu.wait_indirect_dma semaphore(%arg14 : memref<!tpu.dma_semaphore, #tpu.memory_space<semaphore_mem>>) src(%dma_wait3A_1658 : memref<80000x16xf32, #tpu.memory_space<hbm>>) dst(%arg11 : memref<2000x16xf32, #tpu.memory_space<vmem>>)
    %dma_start3A_1659 = arith.constant 0 : i32
    %dma_start3A_1660 = arith.constant 0 : i32
    %dma_start3A_1661 = tpu.memref_slice %arg11[%dma_start3A_1659, %dma_start3A_1660] : memref<2000x16xf32, #tpu.memory_space<vmem>> -> memref<80x16xf32, #tpu.memory_space<vmem>>
    %dma_start3A_1662 = arith.constant 8000 : i32
    %dma_start3A_1663 = tpu.memref_slice %arg10[%dma_start3A_1662] : memref<10000xi32, #tpu.memory_space<vmem>> -> memref<80xi32, #tpu.memory_space<vmem>>
    %dma_start3A_1664 = arith.constant 0 : i32
    %dma_start3A_1665 = arith.constant 0 : i32
    %dma_start3A_1666 = tpu.memref_slice %arg13[%dma_start3A_1664, %dma_start3A_1665] : memref<10000x16xf32, #tpu.memory_space<vmem_shared>> -> memref<10000x16xf32, #tpu.memory_space<vmem_shared>>
    tpu.enqueue_indirect_dma source(%dma_start3A_1661 : memref<80x16xf32, #tpu.memory_space<vmem>>) target(%dma_start3A_1666 : memref<10000x16xf32, #tpu.memory_space<vmem_shared>>) offsets(%dma_start3A_1663 : memref<80xi32, #tpu.memory_space<vmem>>) semaphore(%arg16 : memref<!tpu.dma_semaphore, #tpu.memory_space<semaphore_mem>>) {add = true}
    %dma_start3A_1667 = arith.constant 80 : i32
    %dma_start3A_1668 = arith.constant 0 : i32
    %dma_start3A_1669 = tpu.memref_slice %arg11[%dma_start3A_1667, %dma_start3A_1668] : memref<2000x16xf32, #tpu.memory_space<vmem>> -> memref<80x16xf32, #tpu.memory_space<vmem>>
    %dma_start3A_1670 = arith.constant 8080 : i32
    %dma_start3A_1671 = tpu.memref_slice %arg10[%dma_start3A_1670] : memref<10000xi32, #tpu.memory_space<vmem>> -> memref<80xi32, #tpu.memory_space<vmem>>
    %dma_start3A_1672 = arith.constant 0 : i32
    %dma_start3A_1673 = arith.constant 0 : i32
    %dma_start3A_1674 = tpu.memref_slice %arg13[%dma_start3A_1672, %dma_start3A_1673] : memref<10000x16xf32, #tpu.memory_space<vmem_shared>> -> memref<10000x16xf32, #tpu.memory_space<vmem_shared>>
    tpu.enqueue_indirect_dma source(%dma_start3A_1669 : memref<80x16xf32, #tpu.memory_space<vmem>>) target(%dma_start3A_1674 : memref<10000x16xf32, #tpu.memory_space<vmem_shared>>) offsets(%dma_start3A_1671 : memref<80xi32, #tpu.memory_space<vmem>>) semaphore(%arg16 : memref<!tpu.dma_semaphore, #tpu.memory_space<semaphore_mem>>) {add = true}
    %dma_start3A_1675 = arith.constant 160 : i32
    %dma_start3A_1676 = arith.constant 0 : i32
    %dma_start3A_1677 = tpu.memref_slice %arg11[%dma_start3A_1675, %dma_start3A_1676] : memref<2000x16xf32, #tpu.memory_space<vmem>> -> memref<80x16xf32, #tpu.memory_space<vmem>>
    %dma_start3A_1678 = arith.constant 8160 : i32
    %dma_start3A_1679 = tpu.memref_slice %arg10[%dma_start3A_1678] : memref<10000xi32, #tpu.memory_space<vmem>> -> memref<80xi32, #tpu.memory_space<vmem>>
    %dma_start3A_1680 = arith.constant 0 : i32
    %dma_start3A_1681 = arith.constant 0 : i32
    %dma_start3A_1682 = tpu.memref_slice %arg13[%dma_start3A_1680, %dma_start3A_1681] : memref<10000x16xf32, #tpu.memory_space<vmem_shared>> -> memref<10000x16xf32, #tpu.memory_space<vmem_shared>>
    tpu.enqueue_indirect_dma source(%dma_start3A_1677 : memref<80x16xf32, #tpu.memory_space<vmem>>) target(%dma_start3A_1682 : memref<10000x16xf32, #tpu.memory_space<vmem_shared>>) offsets(%dma_start3A_1679 : memref<80xi32, #tpu.memory_space<vmem>>) semaphore(%arg16 : memref<!tpu.dma_semaphore, #tpu.memory_space<semaphore_mem>>) {add = true}
    %dma_start3A_1683 = arith.constant 240 : i32
    %dma_start3A_1684 = arith.constant 0 : i32
    %dma_start3A_1685 = tpu.memref_slice %arg11[%dma_start3A_1683, %dma_start3A_1684] : memref<2000x16xf32, #tpu.memory_space<vmem>> -> memref<80x16xf32, #tpu.memory_space<vmem>>
    %dma_start3A_1686 = arith.constant 8240 : i32
    %dma_start3A_1687 = tpu.memref_slice %arg10[%dma_start3A_1686] : memref<10000xi32, #tpu.memory_space<vmem>> -> memref<80xi32, #tpu.memory_space<vmem>>
    %dma_start3A_1688 = arith.constant 0 : i32
    %dma_start3A_1689 = arith.constant 0 : i32
    %dma_start3A_1690 = tpu.memref_slice %arg13[%dma_start3A_1688, %dma_start3A_1689] : memref<10000x16xf32, #tpu.memory_space<vmem_shared>> -> memref<10000x16xf32, #tpu.memory_space<vmem_shared>>
    tpu.enqueue_indirect_dma source(%dma_start3A_1685 : memref<80x16xf32, #tpu.memory_space<vmem>>) target(%dma_start3A_1690 : memref<10000x16xf32, #tpu.memory_space<vmem_shared>>) offsets(%dma_start3A_1687 : memref<80xi32, #tpu.memory_space<vmem>>) semaphore(%arg16 : memref<!tpu.dma_semaphore, #tpu.memory_space<semaphore_mem>>) {add = true}
    %dma_start3A_1691 = arith.constant 320 : i32
    %dma_start3A_1692 = arith.constant 0 : i32
    %dma_start3A_1693 = tpu.memref_slice %arg11[%dma_start3A_1691, %dma_start3A_1692] : memref<2000x16xf32, #tpu.memory_space<vmem>> -> memref<80x16xf32, #tpu.memory_space<vmem>>
    %dma_start3A_1694 = arith.constant 8320 : i32
    %dma_start3A_1695 = tpu.memref_slice %arg10[%dma_start3A_1694] : memref<10000xi32, #tpu.memory_space<vmem>> -> memref<80xi32, #tpu.memory_space<vmem>>
    %dma_start3A_1696 = arith.constant 0 : i32
    %dma_start3A_1697 = arith.constant 0 : i32
    %dma_start3A_1698 = tpu.memref_slice %arg13[%dma_start3A_1696, %dma_start3A_1697] : memref<10000x16xf32, #tpu.memory_space<vmem_shared>> -> memref<10000x16xf32, #tpu.memory_space<vmem_shared>>
    tpu.enqueue_indirect_dma source(%dma_start3A_1693 : memref<80x16xf32, #tpu.memory_space<vmem>>) target(%dma_start3A_1698 : memref<10000x16xf32, #tpu.memory_space<vmem_shared>>) offsets(%dma_start3A_1695 : memref<80xi32, #tpu.memory_space<vmem>>) semaphore(%arg16 : memref<!tpu.dma_semaphore, #tpu.memory_space<semaphore_mem>>) {add = true}
    %dma_start3A_1699 = arith.constant 400 : i32
    %dma_start3A_1700 = arith.constant 0 : i32
    %dma_start3A_1701 = tpu.memref_slice %arg11[%dma_start3A_1699, %dma_start3A_1700] : memref<2000x16xf32, #tpu.memory_space<vmem>> -> memref<80x16xf32, #tpu.memory_space<vmem>>
    %dma_start3A_1702 = arith.constant 8400 : i32
    %dma_start3A_1703 = tpu.memref_slice %arg10[%dma_start3A_1702] : memref<10000xi32, #tpu.memory_space<vmem>> -> memref<80xi32, #tpu.memory_space<vmem>>
    %dma_start3A_1704 = arith.constant 0 : i32
    %dma_start3A_1705 = arith.constant 0 : i32
    %dma_start3A_1706 = tpu.memref_slice %arg13[%dma_start3A_1704, %dma_start3A_1705] : memref<10000x16xf32, #tpu.memory_space<vmem_shared>> -> memref<10000x16xf32, #tpu.memory_space<vmem_shared>>
    tpu.enqueue_indirect_dma source(%dma_start3A_1701 : memref<80x16xf32, #tpu.memory_space<vmem>>) target(%dma_start3A_1706 : memref<10000x16xf32, #tpu.memory_space<vmem_shared>>) offsets(%dma_start3A_1703 : memref<80xi32, #tpu.memory_space<vmem>>) semaphore(%arg16 : memref<!tpu.dma_semaphore, #tpu.memory_space<semaphore_mem>>) {add = true}
    %dma_start3A_1707 = arith.constant 480 : i32
    %dma_start3A_1708 = arith.constant 0 : i32
    %dma_start3A_1709 = tpu.memref_slice %arg11[%dma_start3A_1707, %dma_start3A_1708] : memref<2000x16xf32, #tpu.memory_space<vmem>> -> memref<80x16xf32, #tpu.memory_space<vmem>>
    %dma_start3A_1710 = arith.constant 8480 : i32
    %dma_start3A_1711 = tpu.memref_slice %arg10[%dma_start3A_1710] : memref<10000xi32, #tpu.memory_space<vmem>> -> memref<80xi32, #tpu.memory_space<vmem>>
    %dma_start3A_1712 = arith.constant 0 : i32
    %dma_start3A_1713 = arith.constant 0 : i32
    %dma_start3A_1714 = tpu.memref_slice %arg13[%dma_start3A_1712, %dma_start3A_1713] : memref<10000x16xf32, #tpu.memory_space<vmem_shared>> -> memref<10000x16xf32, #tpu.memory_space<vmem_shared>>
    tpu.enqueue_indirect_dma source(%dma_start3A_1709 : memref<80x16xf32, #tpu.memory_space<vmem>>) target(%dma_start3A_1714 : memref<10000x16xf32, #tpu.memory_space<vmem_shared>>) offsets(%dma_start3A_1711 : memref<80xi32, #tpu.memory_space<vmem>>) semaphore(%arg16 : memref<!tpu.dma_semaphore, #tpu.memory_space<semaphore_mem>>) {add = true}
    %dma_start3A_1715 = arith.constant 560 : i32
    %dma_start3A_1716 = arith.constant 0 : i32
    %dma_start3A_1717 = tpu.memref_slice %arg11[%dma_start3A_1715, %dma_start3A_1716] : memref<2000x16xf32, #tpu.memory_space<vmem>> -> memref<80x16xf32, #tpu.memory_space<vmem>>
    %dma_start3A_1718 = arith.constant 8560 : i32
    %dma_start3A_1719 = tpu.memref_slice %arg10[%dma_start3A_1718] : memref<10000xi32, #tpu.memory_space<vmem>> -> memref<80xi32, #tpu.memory_space<vmem>>
    %dma_start3A_1720 = arith.constant 0 : i32
    %dma_start3A_1721 = arith.constant 0 : i32
    %dma_start3A_1722 = tpu.memref_slice %arg13[%dma_start3A_1720, %dma_start3A_1721] : memref<10000x16xf32, #tpu.memory_space<vmem_shared>> -> memref<10000x16xf32, #tpu.memory_space<vmem_shared>>
    tpu.enqueue_indirect_dma source(%dma_start3A_1717 : memref<80x16xf32, #tpu.memory_space<vmem>>) target(%dma_start3A_1722 : memref<10000x16xf32, #tpu.memory_space<vmem_shared>>) offsets(%dma_start3A_1719 : memref<80xi32, #tpu.memory_space<vmem>>) semaphore(%arg16 : memref<!tpu.dma_semaphore, #tpu.memory_space<semaphore_mem>>) {add = true}
    %dma_start3A_1723 = arith.constant 640 : i32
    %dma_start3A_1724 = arith.constant 0 : i32
    %dma_start3A_1725 = tpu.memref_slice %arg11[%dma_start3A_1723, %dma_start3A_1724] : memref<2000x16xf32, #tpu.memory_space<vmem>> -> memref<80x16xf32, #tpu.memory_space<vmem>>
    %dma_start3A_1726 = arith.constant 8640 : i32
    %dma_start3A_1727 = tpu.memref_slice %arg10[%dma_start3A_1726] : memref<10000xi32, #tpu.memory_space<vmem>> -> memref<80xi32, #tpu.memory_space<vmem>>
    %dma_start3A_1728 = arith.constant 0 : i32
    %dma_start3A_1729 = arith.constant 0 : i32
    %dma_start3A_1730 = tpu.memref_slice %arg13[%dma_start3A_1728, %dma_start3A_1729] : memref<10000x16xf32, #tpu.memory_space<vmem_shared>> -> memref<10000x16xf32, #tpu.memory_space<vmem_shared>>
    tpu.enqueue_indirect_dma source(%dma_start3A_1725 : memref<80x16xf32, #tpu.memory_space<vmem>>) target(%dma_start3A_1730 : memref<10000x16xf32, #tpu.memory_space<vmem_shared>>) offsets(%dma_start3A_1727 : memref<80xi32, #tpu.memory_space<vmem>>) semaphore(%arg16 : memref<!tpu.dma_semaphore, #tpu.memory_space<semaphore_mem>>) {add = true}
    %dma_start3A_1731 = arith.constant 720 : i32
    %dma_start3A_1732 = arith.constant 0 : i32
    %dma_start3A_1733 = tpu.memref_slice %arg11[%dma_start3A_1731, %dma_start3A_1732] : memref<2000x16xf32, #tpu.memory_space<vmem>> -> memref<80x16xf32, #tpu.memory_space<vmem>>
    %dma_start3A_1734 = arith.constant 8720 : i32
    %dma_start3A_1735 = tpu.memref_slice %arg10[%dma_start3A_1734] : memref<10000xi32, #tpu.memory_space<vmem>> -> memref<80xi32, #tpu.memory_space<vmem>>
    %dma_start3A_1736 = arith.constant 0 : i32
    %dma_start3A_1737 = arith.constant 0 : i32
    %dma_start3A_1738 = tpu.memref_slice %arg13[%dma_start3A_1736, %dma_start3A_1737] : memref<10000x16xf32, #tpu.memory_space<vmem_shared>> -> memref<10000x16xf32, #tpu.memory_space<vmem_shared>>
    tpu.enqueue_indirect_dma source(%dma_start3A_1733 : memref<80x16xf32, #tpu.memory_space<vmem>>) target(%dma_start3A_1738 : memref<10000x16xf32, #tpu.memory_space<vmem_shared>>) offsets(%dma_start3A_1735 : memref<80xi32, #tpu.memory_space<vmem>>) semaphore(%arg16 : memref<!tpu.dma_semaphore, #tpu.memory_space<semaphore_mem>>) {add = true}
    %dma_start3A_1739 = arith.constant 800 : i32
    %dma_start3A_1740 = arith.constant 0 : i32
    %dma_start3A_1741 = tpu.memref_slice %arg11[%dma_start3A_1739, %dma_start3A_1740] : memref<2000x16xf32, #tpu.memory_space<vmem>> -> memref<80x16xf32, #tpu.memory_space<vmem>>
    %dma_start3A_1742 = arith.constant 8800 : i32
    %dma_start3A_1743 = tpu.memref_slice %arg10[%dma_start3A_1742] : memref<10000xi32, #tpu.memory_space<vmem>> -> memref<80xi32, #tpu.memory_space<vmem>>
    %dma_start3A_1744 = arith.constant 0 : i32
    %dma_start3A_1745 = arith.constant 0 : i32
    %dma_start3A_1746 = tpu.memref_slice %arg13[%dma_start3A_1744, %dma_start3A_1745] : memref<10000x16xf32, #tpu.memory_space<vmem_shared>> -> memref<10000x16xf32, #tpu.memory_space<vmem_shared>>
    tpu.enqueue_indirect_dma source(%dma_start3A_1741 : memref<80x16xf32, #tpu.memory_space<vmem>>) target(%dma_start3A_1746 : memref<10000x16xf32, #tpu.memory_space<vmem_shared>>) offsets(%dma_start3A_1743 : memref<80xi32, #tpu.memory_space<vmem>>) semaphore(%arg16 : memref<!tpu.dma_semaphore, #tpu.memory_space<semaphore_mem>>) {add = true}
    %dma_start3A_1747 = arith.constant 880 : i32
    %dma_start3A_1748 = arith.constant 0 : i32
    %dma_start3A_1749 = tpu.memref_slice %arg11[%dma_start3A_1747, %dma_start3A_1748] : memref<2000x16xf32, #tpu.memory_space<vmem>> -> memref<80x16xf32, #tpu.memory_space<vmem>>
    %dma_start3A_1750 = arith.constant 8880 : i32
    %dma_start3A_1751 = tpu.memref_slice %arg10[%dma_start3A_1750] : memref<10000xi32, #tpu.memory_space<vmem>> -> memref<80xi32, #tpu.memory_space<vmem>>
    %dma_start3A_1752 = arith.constant 0 : i32
    %dma_start3A_1753 = arith.constant 0 : i32
    %dma_start3A_1754 = tpu.memref_slice %arg13[%dma_start3A_1752, %dma_start3A_1753] : memref<10000x16xf32, #tpu.memory_space<vmem_shared>> -> memref<10000x16xf32, #tpu.memory_space<vmem_shared>>
    tpu.enqueue_indirect_dma source(%dma_start3A_1749 : memref<80x16xf32, #tpu.memory_space<vmem>>) target(%dma_start3A_1754 : memref<10000x16xf32, #tpu.memory_space<vmem_shared>>) offsets(%dma_start3A_1751 : memref<80xi32, #tpu.memory_space<vmem>>) semaphore(%arg16 : memref<!tpu.dma_semaphore, #tpu.memory_space<semaphore_mem>>) {add = true}
    %dma_start3A_1755 = arith.constant 960 : i32
    %dma_start3A_1756 = arith.constant 0 : i32
    %dma_start3A_1757 = tpu.memref_slice %arg11[%dma_start3A_1755, %dma_start3A_1756] : memref<2000x16xf32, #tpu.memory_space<vmem>> -> memref<80x16xf32, #tpu.memory_space<vmem>>
    %dma_start3A_1758 = arith.constant 8960 : i32
    %dma_start3A_1759 = tpu.memref_slice %arg10[%dma_start3A_1758] : memref<10000xi32, #tpu.memory_space<vmem>> -> memref<80xi32, #tpu.memory_space<vmem>>
    %dma_start3A_1760 = arith.constant 0 : i32
    %dma_start3A_1761 = arith.constant 0 : i32
    %dma_start3A_1762 = tpu.memref_slice %arg13[%dma_start3A_1760, %dma_start3A_1761] : memref<10000x16xf32, #tpu.memory_space<vmem_shared>> -> memref<10000x16xf32, #tpu.memory_space<vmem_shared>>
    tpu.enqueue_indirect_dma source(%dma_start3A_1757 : memref<80x16xf32, #tpu.memory_space<vmem>>) target(%dma_start3A_1762 : memref<10000x16xf32, #tpu.memory_space<vmem_shared>>) offsets(%dma_start3A_1759 : memref<80xi32, #tpu.memory_space<vmem>>) semaphore(%arg16 : memref<!tpu.dma_semaphore, #tpu.memory_space<semaphore_mem>>) {add = true}
    %dma_start3A_1763 = arith.constant 1040 : i32
    %dma_start3A_1764 = arith.constant 0 : i32
    %dma_start3A_1765 = tpu.memref_slice %arg11[%dma_start3A_1763, %dma_start3A_1764] : memref<2000x16xf32, #tpu.memory_space<vmem>> -> memref<80x16xf32, #tpu.memory_space<vmem>>
    %dma_start3A_1766 = arith.constant 9040 : i32
    %dma_start3A_1767 = tpu.memref_slice %arg10[%dma_start3A_1766] : memref<10000xi32, #tpu.memory_space<vmem>> -> memref<80xi32, #tpu.memory_space<vmem>>
    %dma_start3A_1768 = arith.constant 0 : i32
    %dma_start3A_1769 = arith.constant 0 : i32
    %dma_start3A_1770 = tpu.memref_slice %arg13[%dma_start3A_1768, %dma_start3A_1769] : memref<10000x16xf32, #tpu.memory_space<vmem_shared>> -> memref<10000x16xf32, #tpu.memory_space<vmem_shared>>
    tpu.enqueue_indirect_dma source(%dma_start3A_1765 : memref<80x16xf32, #tpu.memory_space<vmem>>) target(%dma_start3A_1770 : memref<10000x16xf32, #tpu.memory_space<vmem_shared>>) offsets(%dma_start3A_1767 : memref<80xi32, #tpu.memory_space<vmem>>) semaphore(%arg16 : memref<!tpu.dma_semaphore, #tpu.memory_space<semaphore_mem>>) {add = true}
    %dma_start3A_1771 = arith.constant 1120 : i32
    %dma_start3A_1772 = arith.constant 0 : i32
    %dma_start3A_1773 = tpu.memref_slice %arg11[%dma_start3A_1771, %dma_start3A_1772] : memref<2000x16xf32, #tpu.memory_space<vmem>> -> memref<80x16xf32, #tpu.memory_space<vmem>>
    %dma_start3A_1774 = arith.constant 9120 : i32
    %dma_start3A_1775 = tpu.memref_slice %arg10[%dma_start3A_1774] : memref<10000xi32, #tpu.memory_space<vmem>> -> memref<80xi32, #tpu.memory_space<vmem>>
    %dma_start3A_1776 = arith.constant 0 : i32
    %dma_start3A_1777 = arith.constant 0 : i32
    %dma_start3A_1778 = tpu.memref_slice %arg13[%dma_start3A_1776, %dma_start3A_1777] : memref<10000x16xf32, #tpu.memory_space<vmem_shared>> -> memref<10000x16xf32, #tpu.memory_space<vmem_shared>>
    tpu.enqueue_indirect_dma source(%dma_start3A_1773 : memref<80x16xf32, #tpu.memory_space<vmem>>) target(%dma_start3A_1778 : memref<10000x16xf32, #tpu.memory_space<vmem_shared>>) offsets(%dma_start3A_1775 : memref<80xi32, #tpu.memory_space<vmem>>) semaphore(%arg16 : memref<!tpu.dma_semaphore, #tpu.memory_space<semaphore_mem>>) {add = true}
    %dma_start3A_1779 = arith.constant 1200 : i32
    %dma_start3A_1780 = arith.constant 0 : i32
    %dma_start3A_1781 = tpu.memref_slice %arg11[%dma_start3A_1779, %dma_start3A_1780] : memref<2000x16xf32, #tpu.memory_space<vmem>> -> memref<80x16xf32, #tpu.memory_space<vmem>>
    %dma_start3A_1782 = arith.constant 9200 : i32
    %dma_start3A_1783 = tpu.memref_slice %arg10[%dma_start3A_1782] : memref<10000xi32, #tpu.memory_space<vmem>> -> memref<80xi32, #tpu.memory_space<vmem>>
    %dma_start3A_1784 = arith.constant 0 : i32
    %dma_start3A_1785 = arith.constant 0 : i32
    %dma_start3A_1786 = tpu.memref_slice %arg13[%dma_start3A_1784, %dma_start3A_1785] : memref<10000x16xf32, #tpu.memory_space<vmem_shared>> -> memref<10000x16xf32, #tpu.memory_space<vmem_shared>>
    tpu.enqueue_indirect_dma source(%dma_start3A_1781 : memref<80x16xf32, #tpu.memory_space<vmem>>) target(%dma_start3A_1786 : memref<10000x16xf32, #tpu.memory_space<vmem_shared>>) offsets(%dma_start3A_1783 : memref<80xi32, #tpu.memory_space<vmem>>) semaphore(%arg16 : memref<!tpu.dma_semaphore, #tpu.memory_space<semaphore_mem>>) {add = true}
    %dma_start3A_1787 = arith.constant 1280 : i32
    %dma_start3A_1788 = arith.constant 0 : i32
    %dma_start3A_1789 = tpu.memref_slice %arg11[%dma_start3A_1787, %dma_start3A_1788] : memref<2000x16xf32, #tpu.memory_space<vmem>> -> memref<80x16xf32, #tpu.memory_space<vmem>>
    %dma_start3A_1790 = arith.constant 9280 : i32
    %dma_start3A_1791 = tpu.memref_slice %arg10[%dma_start3A_1790] : memref<10000xi32, #tpu.memory_space<vmem>> -> memref<80xi32, #tpu.memory_space<vmem>>
    %dma_start3A_1792 = arith.constant 0 : i32
    %dma_start3A_1793 = arith.constant 0 : i32
    %dma_start3A_1794 = tpu.memref_slice %arg13[%dma_start3A_1792, %dma_start3A_1793] : memref<10000x16xf32, #tpu.memory_space<vmem_shared>> -> memref<10000x16xf32, #tpu.memory_space<vmem_shared>>
    tpu.enqueue_indirect_dma source(%dma_start3A_1789 : memref<80x16xf32, #tpu.memory_space<vmem>>) target(%dma_start3A_1794 : memref<10000x16xf32, #tpu.memory_space<vmem_shared>>) offsets(%dma_start3A_1791 : memref<80xi32, #tpu.memory_space<vmem>>) semaphore(%arg16 : memref<!tpu.dma_semaphore, #tpu.memory_space<semaphore_mem>>) {add = true}
    %dma_start3A_1795 = arith.constant 1360 : i32
    %dma_start3A_1796 = arith.constant 0 : i32
    %dma_start3A_1797 = tpu.memref_slice %arg11[%dma_start3A_1795, %dma_start3A_1796] : memref<2000x16xf32, #tpu.memory_space<vmem>> -> memref<80x16xf32, #tpu.memory_space<vmem>>
    %dma_start3A_1798 = arith.constant 9360 : i32
    %dma_start3A_1799 = tpu.memref_slice %arg10[%dma_start3A_1798] : memref<10000xi32, #tpu.memory_space<vmem>> -> memref<80xi32, #tpu.memory_space<vmem>>
    %dma_start3A_1800 = arith.constant 0 : i32
    %dma_start3A_1801 = arith.constant 0 : i32
    %dma_start3A_1802 = tpu.memref_slice %arg13[%dma_start3A_1800, %dma_start3A_1801] : memref<10000x16xf32, #tpu.memory_space<vmem_shared>> -> memref<10000x16xf32, #tpu.memory_space<vmem_shared>>
    tpu.enqueue_indirect_dma source(%dma_start3A_1797 : memref<80x16xf32, #tpu.memory_space<vmem>>) target(%dma_start3A_1802 : memref<10000x16xf32, #tpu.memory_space<vmem_shared>>) offsets(%dma_start3A_1799 : memref<80xi32, #tpu.memory_space<vmem>>) semaphore(%arg16 : memref<!tpu.dma_semaphore, #tpu.memory_space<semaphore_mem>>) {add = true}
    %dma_start3A_1803 = arith.constant 1440 : i32
    %dma_start3A_1804 = arith.constant 0 : i32
    %dma_start3A_1805 = tpu.memref_slice %arg11[%dma_start3A_1803, %dma_start3A_1804] : memref<2000x16xf32, #tpu.memory_space<vmem>> -> memref<80x16xf32, #tpu.memory_space<vmem>>
    %dma_start3A_1806 = arith.constant 9440 : i32
    %dma_start3A_1807 = tpu.memref_slice %arg10[%dma_start3A_1806] : memref<10000xi32, #tpu.memory_space<vmem>> -> memref<80xi32, #tpu.memory_space<vmem>>
    %dma_start3A_1808 = arith.constant 0 : i32
    %dma_start3A_1809 = arith.constant 0 : i32
    %dma_start3A_1810 = tpu.memref_slice %arg13[%dma_start3A_1808, %dma_start3A_1809] : memref<10000x16xf32, #tpu.memory_space<vmem_shared>> -> memref<10000x16xf32, #tpu.memory_space<vmem_shared>>
    tpu.enqueue_indirect_dma source(%dma_start3A_1805 : memref<80x16xf32, #tpu.memory_space<vmem>>) target(%dma_start3A_1810 : memref<10000x16xf32, #tpu.memory_space<vmem_shared>>) offsets(%dma_start3A_1807 : memref<80xi32, #tpu.memory_space<vmem>>) semaphore(%arg16 : memref<!tpu.dma_semaphore, #tpu.memory_space<semaphore_mem>>) {add = true}
    %dma_start3A_1811 = arith.constant 1520 : i32
    %dma_start3A_1812 = arith.constant 0 : i32
    %dma_start3A_1813 = tpu.memref_slice %arg11[%dma_start3A_1811, %dma_start3A_1812] : memref<2000x16xf32, #tpu.memory_space<vmem>> -> memref<80x16xf32, #tpu.memory_space<vmem>>
    %dma_start3A_1814 = arith.constant 9520 : i32
    %dma_start3A_1815 = tpu.memref_slice %arg10[%dma_start3A_1814] : memref<10000xi32, #tpu.memory_space<vmem>> -> memref<80xi32, #tpu.memory_space<vmem>>
    %dma_start3A_1816 = arith.constant 0 : i32
    %dma_start3A_1817 = arith.constant 0 : i32
    %dma_start3A_1818 = tpu.memref_slice %arg13[%dma_start3A_1816, %dma_start3A_1817] : memref<10000x16xf32, #tpu.memory_space<vmem_shared>> -> memref<10000x16xf32, #tpu.memory_space<vmem_shared>>
    tpu.enqueue_indirect_dma source(%dma_start3A_1813 : memref<80x16xf32, #tpu.memory_space<vmem>>) target(%dma_start3A_1818 : memref<10000x16xf32, #tpu.memory_space<vmem_shared>>) offsets(%dma_start3A_1815 : memref<80xi32, #tpu.memory_space<vmem>>) semaphore(%arg16 : memref<!tpu.dma_semaphore, #tpu.memory_space<semaphore_mem>>) {add = true}
    %dma_start3A_1819 = arith.constant 1600 : i32
    %dma_start3A_1820 = arith.constant 0 : i32
    %dma_start3A_1821 = tpu.memref_slice %arg11[%dma_start3A_1819, %dma_start3A_1820] : memref<2000x16xf32, #tpu.memory_space<vmem>> -> memref<80x16xf32, #tpu.memory_space<vmem>>
    %dma_start3A_1822 = arith.constant 9600 : i32
    %dma_start3A_1823 = tpu.memref_slice %arg10[%dma_start3A_1822] : memref<10000xi32, #tpu.memory_space<vmem>> -> memref<80xi32, #tpu.memory_space<vmem>>
    %dma_start3A_1824 = arith.constant 0 : i32
    %dma_start3A_1825 = arith.constant 0 : i32
    %dma_start3A_1826 = tpu.memref_slice %arg13[%dma_start3A_1824, %dma_start3A_1825] : memref<10000x16xf32, #tpu.memory_space<vmem_shared>> -> memref<10000x16xf32, #tpu.memory_space<vmem_shared>>
    tpu.enqueue_indirect_dma source(%dma_start3A_1821 : memref<80x16xf32, #tpu.memory_space<vmem>>) target(%dma_start3A_1826 : memref<10000x16xf32, #tpu.memory_space<vmem_shared>>) offsets(%dma_start3A_1823 : memref<80xi32, #tpu.memory_space<vmem>>) semaphore(%arg16 : memref<!tpu.dma_semaphore, #tpu.memory_space<semaphore_mem>>) {add = true}
    %dma_start3A_1827 = arith.constant 1680 : i32
    %dma_start3A_1828 = arith.constant 0 : i32
    %dma_start3A_1829 = tpu.memref_slice %arg11[%dma_start3A_1827, %dma_start3A_1828] : memref<2000x16xf32, #tpu.memory_space<vmem>> -> memref<80x16xf32, #tpu.memory_space<vmem>>
    %dma_start3A_1830 = arith.constant 9680 : i32
    %dma_start3A_1831 = tpu.memref_slice %arg10[%dma_start3A_1830] : memref<10000xi32, #tpu.memory_space<vmem>> -> memref<80xi32, #tpu.memory_space<vmem>>
    %dma_start3A_1832 = arith.constant 0 : i32
    %dma_start3A_1833 = arith.constant 0 : i32
    %dma_start3A_1834 = tpu.memref_slice %arg13[%dma_start3A_1832, %dma_start3A_1833] : memref<10000x16xf32, #tpu.memory_space<vmem_shared>> -> memref<10000x16xf32, #tpu.memory_space<vmem_shared>>
    tpu.enqueue_indirect_dma source(%dma_start3A_1829 : memref<80x16xf32, #tpu.memory_space<vmem>>) target(%dma_start3A_1834 : memref<10000x16xf32, #tpu.memory_space<vmem_shared>>) offsets(%dma_start3A_1831 : memref<80xi32, #tpu.memory_space<vmem>>) semaphore(%arg16 : memref<!tpu.dma_semaphore, #tpu.memory_space<semaphore_mem>>) {add = true}
    %dma_start3A_1835 = arith.constant 1760 : i32
    %dma_start3A_1836 = arith.constant 0 : i32
    %dma_start3A_1837 = tpu.memref_slice %arg11[%dma_start3A_1835, %dma_start3A_1836] : memref<2000x16xf32, #tpu.memory_space<vmem>> -> memref<80x16xf32, #tpu.memory_space<vmem>>
    %dma_start3A_1838 = arith.constant 9760 : i32
    %dma_start3A_1839 = tpu.memref_slice %arg10[%dma_start3A_1838] : memref<10000xi32, #tpu.memory_space<vmem>> -> memref<80xi32, #tpu.memory_space<vmem>>
    %dma_start3A_1840 = arith.constant 0 : i32
    %dma_start3A_1841 = arith.constant 0 : i32
    %dma_start3A_1842 = tpu.memref_slice %arg13[%dma_start3A_1840, %dma_start3A_1841] : memref<10000x16xf32, #tpu.memory_space<vmem_shared>> -> memref<10000x16xf32, #tpu.memory_space<vmem_shared>>
    tpu.enqueue_indirect_dma source(%dma_start3A_1837 : memref<80x16xf32, #tpu.memory_space<vmem>>) target(%dma_start3A_1842 : memref<10000x16xf32, #tpu.memory_space<vmem_shared>>) offsets(%dma_start3A_1839 : memref<80xi32, #tpu.memory_space<vmem>>) semaphore(%arg16 : memref<!tpu.dma_semaphore, #tpu.memory_space<semaphore_mem>>) {add = true}
    %dma_start3A_1843 = arith.constant 1840 : i32
    %dma_start3A_1844 = arith.constant 0 : i32
    %dma_start3A_1845 = tpu.memref_slice %arg11[%dma_start3A_1843, %dma_start3A_1844] : memref<2000x16xf32, #tpu.memory_space<vmem>> -> memref<80x16xf32, #tpu.memory_space<vmem>>
    %dma_start3A_1846 = arith.constant 9840 : i32
    %dma_start3A_1847 = tpu.memref_slice %arg10[%dma_start3A_1846] : memref<10000xi32, #tpu.memory_space<vmem>> -> memref<80xi32, #tpu.memory_space<vmem>>
    %dma_start3A_1848 = arith.constant 0 : i32
    %dma_start3A_1849 = arith.constant 0 : i32
    %dma_start3A_1850 = tpu.memref_slice %arg13[%dma_start3A_1848, %dma_start3A_1849] : memref<10000x16xf32, #tpu.memory_space<vmem_shared>> -> memref<10000x16xf32, #tpu.memory_space<vmem_shared>>
    tpu.enqueue_indirect_dma source(%dma_start3A_1845 : memref<80x16xf32, #tpu.memory_space<vmem>>) target(%dma_start3A_1850 : memref<10000x16xf32, #tpu.memory_space<vmem_shared>>) offsets(%dma_start3A_1847 : memref<80xi32, #tpu.memory_space<vmem>>) semaphore(%arg16 : memref<!tpu.dma_semaphore, #tpu.memory_space<semaphore_mem>>) {add = true}
    %dma_start3A_1851 = arith.constant 1920 : i32
    %dma_start3A_1852 = arith.constant 0 : i32
    %dma_start3A_1853 = tpu.memref_slice %arg11[%dma_start3A_1851, %dma_start3A_1852] : memref<2000x16xf32, #tpu.memory_space<vmem>> -> memref<80x16xf32, #tpu.memory_space<vmem>>
    %dma_start3A_1854 = arith.constant 9920 : i32
    %dma_start3A_1855 = tpu.memref_slice %arg10[%dma_start3A_1854] : memref<10000xi32, #tpu.memory_space<vmem>> -> memref<80xi32, #tpu.memory_space<vmem>>
    %dma_start3A_1856 = arith.constant 0 : i32
    %dma_start3A_1857 = arith.constant 0 : i32
    %dma_start3A_1858 = tpu.memref_slice %arg13[%dma_start3A_1856, %dma_start3A_1857] : memref<10000x16xf32, #tpu.memory_space<vmem_shared>> -> memref<10000x16xf32, #tpu.memory_space<vmem_shared>>
    tpu.enqueue_indirect_dma source(%dma_start3A_1853 : memref<80x16xf32, #tpu.memory_space<vmem>>) target(%dma_start3A_1858 : memref<10000x16xf32, #tpu.memory_space<vmem_shared>>) offsets(%dma_start3A_1855 : memref<80xi32, #tpu.memory_space<vmem>>) semaphore(%arg16 : memref<!tpu.dma_semaphore, #tpu.memory_space<semaphore_mem>>) {add = true}
    %dma_wait3A_1859 = arith.constant 0 : i32
    %dma_wait3A_1860 = arith.constant 0 : i32
    %dma_wait3A_1861 = tpu.memref_slice %arg11[%dma_wait3A_1859, %dma_wait3A_1860] : memref<2000x16xf32, #tpu.memory_space<vmem>> -> memref<80x16xf32, #tpu.memory_space<vmem>>
    %dma_wait3A_1862 = arith.constant 8000 : i32
    %dma_wait3A_1863 = tpu.memref_slice %arg10[%dma_wait3A_1862] : memref<10000xi32, #tpu.memory_space<vmem>> -> memref<80xi32, #tpu.memory_space<vmem>>
    %dma_wait3A_1864 = arith.constant 0 : i32
    %dma_wait3A_1865 = arith.constant 0 : i32
    %dma_wait3A_1866 = tpu.memref_slice %arg13[%dma_wait3A_1864, %dma_wait3A_1865] : memref<10000x16xf32, #tpu.memory_space<vmem_shared>> -> memref<10000x16xf32, #tpu.memory_space<vmem_shared>>
    tpu.wait_indirect_dma semaphore(%arg16 : memref<!tpu.dma_semaphore, #tpu.memory_space<semaphore_mem>>) src(%dma_wait3A_1861 : memref<80x16xf32, #tpu.memory_space<vmem>>) dst(%dma_wait3A_1866 : memref<10000x16xf32, #tpu.memory_space<vmem_shared>>)
    %dma_wait3A_1867 = arith.constant 80 : i32
    %dma_wait3A_1868 = arith.constant 0 : i32
    %dma_wait3A_1869 = tpu.memref_slice %arg11[%dma_wait3A_1867, %dma_wait3A_1868] : memref<2000x16xf32, #tpu.memory_space<vmem>> -> memref<80x16xf32, #tpu.memory_space<vmem>>
    %dma_wait3A_1870 = arith.constant 8080 : i32
    %dma_wait3A_1871 = tpu.memref_slice %arg10[%dma_wait3A_1870] : memref<10000xi32, #tpu.memory_space<vmem>> -> memref<80xi32, #tpu.memory_space<vmem>>
    %dma_wait3A_1872 = arith.constant 0 : i32
    %dma_wait3A_1873 = arith.constant 0 : i32
    %dma_wait3A_1874 = tpu.memref_slice %arg13[%dma_wait3A_1872, %dma_wait3A_1873] : memref<10000x16xf32, #tpu.memory_space<vmem_shared>> -> memref<10000x16xf32, #tpu.memory_space<vmem_shared>>
    tpu.wait_indirect_dma semaphore(%arg16 : memref<!tpu.dma_semaphore, #tpu.memory_space<semaphore_mem>>) src(%dma_wait3A_1869 : memref<80x16xf32, #tpu.memory_space<vmem>>) dst(%dma_wait3A_1874 : memref<10000x16xf32, #tpu.memory_space<vmem_shared>>)
    %dma_wait3A_1875 = arith.constant 160 : i32
    %dma_wait3A_1876 = arith.constant 0 : i32
    %dma_wait3A_1877 = tpu.memref_slice %arg11[%dma_wait3A_1875, %dma_wait3A_1876] : memref<2000x16xf32, #tpu.memory_space<vmem>> -> memref<80x16xf32, #tpu.memory_space<vmem>>
    %dma_wait3A_1878 = arith.constant 8160 : i32
    %dma_wait3A_1879 = tpu.memref_slice %arg10[%dma_wait3A_1878] : memref<10000xi32, #tpu.memory_space<vmem>> -> memref<80xi32, #tpu.memory_space<vmem>>
    %dma_wait3A_1880 = arith.constant 0 : i32
    %dma_wait3A_1881 = arith.constant 0 : i32
    %dma_wait3A_1882 = tpu.memref_slice %arg13[%dma_wait3A_1880, %dma_wait3A_1881] : memref<10000x16xf32, #tpu.memory_space<vmem_shared>> -> memref<10000x16xf32, #tpu.memory_space<vmem_shared>>
    tpu.wait_indirect_dma semaphore(%arg16 : memref<!tpu.dma_semaphore, #tpu.memory_space<semaphore_mem>>) src(%dma_wait3A_1877 : memref<80x16xf32, #tpu.memory_space<vmem>>) dst(%dma_wait3A_1882 : memref<10000x16xf32, #tpu.memory_space<vmem_shared>>)
    %dma_wait3A_1883 = arith.constant 240 : i32
    %dma_wait3A_1884 = arith.constant 0 : i32
    %dma_wait3A_1885 = tpu.memref_slice %arg11[%dma_wait3A_1883, %dma_wait3A_1884] : memref<2000x16xf32, #tpu.memory_space<vmem>> -> memref<80x16xf32, #tpu.memory_space<vmem>>
    %dma_wait3A_1886 = arith.constant 8240 : i32
    %dma_wait3A_1887 = tpu.memref_slice %arg10[%dma_wait3A_1886] : memref<10000xi32, #tpu.memory_space<vmem>> -> memref<80xi32, #tpu.memory_space<vmem>>
    %dma_wait3A_1888 = arith.constant 0 : i32
    %dma_wait3A_1889 = arith.constant 0 : i32
    %dma_wait3A_1890 = tpu.memref_slice %arg13[%dma_wait3A_1888, %dma_wait3A_1889] : memref<10000x16xf32, #tpu.memory_space<vmem_shared>> -> memref<10000x16xf32, #tpu.memory_space<vmem_shared>>
    tpu.wait_indirect_dma semaphore(%arg16 : memref<!tpu.dma_semaphore, #tpu.memory_space<semaphore_mem>>) src(%dma_wait3A_1885 : memref<80x16xf32, #tpu.memory_space<vmem>>) dst(%dma_wait3A_1890 : memref<10000x16xf32, #tpu.memory_space<vmem_shared>>)
    %dma_wait3A_1891 = arith.constant 320 : i32
    %dma_wait3A_1892 = arith.constant 0 : i32
    %dma_wait3A_1893 = tpu.memref_slice %arg11[%dma_wait3A_1891, %dma_wait3A_1892] : memref<2000x16xf32, #tpu.memory_space<vmem>> -> memref<80x16xf32, #tpu.memory_space<vmem>>
    %dma_wait3A_1894 = arith.constant 8320 : i32
    %dma_wait3A_1895 = tpu.memref_slice %arg10[%dma_wait3A_1894] : memref<10000xi32, #tpu.memory_space<vmem>> -> memref<80xi32, #tpu.memory_space<vmem>>
    %dma_wait3A_1896 = arith.constant 0 : i32
    %dma_wait3A_1897 = arith.constant 0 : i32
    %dma_wait3A_1898 = tpu.memref_slice %arg13[%dma_wait3A_1896, %dma_wait3A_1897] : memref<10000x16xf32, #tpu.memory_space<vmem_shared>> -> memref<10000x16xf32, #tpu.memory_space<vmem_shared>>
    tpu.wait_indirect_dma semaphore(%arg16 : memref<!tpu.dma_semaphore, #tpu.memory_space<semaphore_mem>>) src(%dma_wait3A_1893 : memref<80x16xf32, #tpu.memory_space<vmem>>) dst(%dma_wait3A_1898 : memref<10000x16xf32, #tpu.memory_space<vmem_shared>>)
    %dma_wait3A_1899 = arith.constant 400 : i32
    %dma_wait3A_1900 = arith.constant 0 : i32
    %dma_wait3A_1901 = tpu.memref_slice %arg11[%dma_wait3A_1899, %dma_wait3A_1900] : memref<2000x16xf32, #tpu.memory_space<vmem>> -> memref<80x16xf32, #tpu.memory_space<vmem>>
    %dma_wait3A_1902 = arith.constant 8400 : i32
    %dma_wait3A_1903 = tpu.memref_slice %arg10[%dma_wait3A_1902] : memref<10000xi32, #tpu.memory_space<vmem>> -> memref<80xi32, #tpu.memory_space<vmem>>
    %dma_wait3A_1904 = arith.constant 0 : i32
    %dma_wait3A_1905 = arith.constant 0 : i32
    %dma_wait3A_1906 = tpu.memref_slice %arg13[%dma_wait3A_1904, %dma_wait3A_1905] : memref<10000x16xf32, #tpu.memory_space<vmem_shared>> -> memref<10000x16xf32, #tpu.memory_space<vmem_shared>>
    tpu.wait_indirect_dma semaphore(%arg16 : memref<!tpu.dma_semaphore, #tpu.memory_space<semaphore_mem>>) src(%dma_wait3A_1901 : memref<80x16xf32, #tpu.memory_space<vmem>>) dst(%dma_wait3A_1906 : memref<10000x16xf32, #tpu.memory_space<vmem_shared>>)
    %dma_wait3A_1907 = arith.constant 480 : i32
    %dma_wait3A_1908 = arith.constant 0 : i32
    %dma_wait3A_1909 = tpu.memref_slice %arg11[%dma_wait3A_1907, %dma_wait3A_1908] : memref<2000x16xf32, #tpu.memory_space<vmem>> -> memref<80x16xf32, #tpu.memory_space<vmem>>
    %dma_wait3A_1910 = arith.constant 8480 : i32
    %dma_wait3A_1911 = tpu.memref_slice %arg10[%dma_wait3A_1910] : memref<10000xi32, #tpu.memory_space<vmem>> -> memref<80xi32, #tpu.memory_space<vmem>>
    %dma_wait3A_1912 = arith.constant 0 : i32
    %dma_wait3A_1913 = arith.constant 0 : i32
    %dma_wait3A_1914 = tpu.memref_slice %arg13[%dma_wait3A_1912, %dma_wait3A_1913] : memref<10000x16xf32, #tpu.memory_space<vmem_shared>> -> memref<10000x16xf32, #tpu.memory_space<vmem_shared>>
    tpu.wait_indirect_dma semaphore(%arg16 : memref<!tpu.dma_semaphore, #tpu.memory_space<semaphore_mem>>) src(%dma_wait3A_1909 : memref<80x16xf32, #tpu.memory_space<vmem>>) dst(%dma_wait3A_1914 : memref<10000x16xf32, #tpu.memory_space<vmem_shared>>)
    %dma_wait3A_1915 = arith.constant 560 : i32
    %dma_wait3A_1916 = arith.constant 0 : i32
    %dma_wait3A_1917 = tpu.memref_slice %arg11[%dma_wait3A_1915, %dma_wait3A_1916] : memref<2000x16xf32, #tpu.memory_space<vmem>> -> memref<80x16xf32, #tpu.memory_space<vmem>>
    %dma_wait3A_1918 = arith.constant 8560 : i32
    %dma_wait3A_1919 = tpu.memref_slice %arg10[%dma_wait3A_1918] : memref<10000xi32, #tpu.memory_space<vmem>> -> memref<80xi32, #tpu.memory_space<vmem>>
    %dma_wait3A_1920 = arith.constant 0 : i32
    %dma_wait3A_1921 = arith.constant 0 : i32
    %dma_wait3A_1922 = tpu.memref_slice %arg13[%dma_wait3A_1920, %dma_wait3A_1921] : memref<10000x16xf32, #tpu.memory_space<vmem_shared>> -> memref<10000x16xf32, #tpu.memory_space<vmem_shared>>
    tpu.wait_indirect_dma semaphore(%arg16 : memref<!tpu.dma_semaphore, #tpu.memory_space<semaphore_mem>>) src(%dma_wait3A_1917 : memref<80x16xf32, #tpu.memory_space<vmem>>) dst(%dma_wait3A_1922 : memref<10000x16xf32, #tpu.memory_space<vmem_shared>>)
    %dma_wait3A_1923 = arith.constant 640 : i32
    %dma_wait3A_1924 = arith.constant 0 : i32
    %dma_wait3A_1925 = tpu.memref_slice %arg11[%dma_wait3A_1923, %dma_wait3A_1924] : memref<2000x16xf32, #tpu.memory_space<vmem>> -> memref<80x16xf32, #tpu.memory_space<vmem>>
    %dma_wait3A_1926 = arith.constant 8640 : i32
    %dma_wait3A_1927 = tpu.memref_slice %arg10[%dma_wait3A_1926] : memref<10000xi32, #tpu.memory_space<vmem>> -> memref<80xi32, #tpu.memory_space<vmem>>
    %dma_wait3A_1928 = arith.constant 0 : i32
    %dma_wait3A_1929 = arith.constant 0 : i32
    %dma_wait3A_1930 = tpu.memref_slice %arg13[%dma_wait3A_1928, %dma_wait3A_1929] : memref<10000x16xf32, #tpu.memory_space<vmem_shared>> -> memref<10000x16xf32, #tpu.memory_space<vmem_shared>>
    tpu.wait_indirect_dma semaphore(%arg16 : memref<!tpu.dma_semaphore, #tpu.memory_space<semaphore_mem>>) src(%dma_wait3A_1925 : memref<80x16xf32, #tpu.memory_space<vmem>>) dst(%dma_wait3A_1930 : memref<10000x16xf32, #tpu.memory_space<vmem_shared>>)
    %dma_wait3A_1931 = arith.constant 720 : i32
    %dma_wait3A_1932 = arith.constant 0 : i32
    %dma_wait3A_1933 = tpu.memref_slice %arg11[%dma_wait3A_1931, %dma_wait3A_1932] : memref<2000x16xf32, #tpu.memory_space<vmem>> -> memref<80x16xf32, #tpu.memory_space<vmem>>
    %dma_wait3A_1934 = arith.constant 8720 : i32
    %dma_wait3A_1935 = tpu.memref_slice %arg10[%dma_wait3A_1934] : memref<10000xi32, #tpu.memory_space<vmem>> -> memref<80xi32, #tpu.memory_space<vmem>>
    %dma_wait3A_1936 = arith.constant 0 : i32
    %dma_wait3A_1937 = arith.constant 0 : i32
    %dma_wait3A_1938 = tpu.memref_slice %arg13[%dma_wait3A_1936, %dma_wait3A_1937] : memref<10000x16xf32, #tpu.memory_space<vmem_shared>> -> memref<10000x16xf32, #tpu.memory_space<vmem_shared>>
    tpu.wait_indirect_dma semaphore(%arg16 : memref<!tpu.dma_semaphore, #tpu.memory_space<semaphore_mem>>) src(%dma_wait3A_1933 : memref<80x16xf32, #tpu.memory_space<vmem>>) dst(%dma_wait3A_1938 : memref<10000x16xf32, #tpu.memory_space<vmem_shared>>)
    %dma_wait3A_1939 = arith.constant 800 : i32
    %dma_wait3A_1940 = arith.constant 0 : i32
    %dma_wait3A_1941 = tpu.memref_slice %arg11[%dma_wait3A_1939, %dma_wait3A_1940] : memref<2000x16xf32, #tpu.memory_space<vmem>> -> memref<80x16xf32, #tpu.memory_space<vmem>>
    %dma_wait3A_1942 = arith.constant 8800 : i32
    %dma_wait3A_1943 = tpu.memref_slice %arg10[%dma_wait3A_1942] : memref<10000xi32, #tpu.memory_space<vmem>> -> memref<80xi32, #tpu.memory_space<vmem>>
    %dma_wait3A_1944 = arith.constant 0 : i32
    %dma_wait3A_1945 = arith.constant 0 : i32
    %dma_wait3A_1946 = tpu.memref_slice %arg13[%dma_wait3A_1944, %dma_wait3A_1945] : memref<10000x16xf32, #tpu.memory_space<vmem_shared>> -> memref<10000x16xf32, #tpu.memory_space<vmem_shared>>
    tpu.wait_indirect_dma semaphore(%arg16 : memref<!tpu.dma_semaphore, #tpu.memory_space<semaphore_mem>>) src(%dma_wait3A_1941 : memref<80x16xf32, #tpu.memory_space<vmem>>) dst(%dma_wait3A_1946 : memref<10000x16xf32, #tpu.memory_space<vmem_shared>>)
    %dma_wait3A_1947 = arith.constant 880 : i32
    %dma_wait3A_1948 = arith.constant 0 : i32
    %dma_wait3A_1949 = tpu.memref_slice %arg11[%dma_wait3A_1947, %dma_wait3A_1948] : memref<2000x16xf32, #tpu.memory_space<vmem>> -> memref<80x16xf32, #tpu.memory_space<vmem>>
    %dma_wait3A_1950 = arith.constant 8880 : i32
    %dma_wait3A_1951 = tpu.memref_slice %arg10[%dma_wait3A_1950] : memref<10000xi32, #tpu.memory_space<vmem>> -> memref<80xi32, #tpu.memory_space<vmem>>
    %dma_wait3A_1952 = arith.constant 0 : i32
    %dma_wait3A_1953 = arith.constant 0 : i32
    %dma_wait3A_1954 = tpu.memref_slice %arg13[%dma_wait3A_1952, %dma_wait3A_1953] : memref<10000x16xf32, #tpu.memory_space<vmem_shared>> -> memref<10000x16xf32, #tpu.memory_space<vmem_shared>>
    tpu.wait_indirect_dma semaphore(%arg16 : memref<!tpu.dma_semaphore, #tpu.memory_space<semaphore_mem>>) src(%dma_wait3A_1949 : memref<80x16xf32, #tpu.memory_space<vmem>>) dst(%dma_wait3A_1954 : memref<10000x16xf32, #tpu.memory_space<vmem_shared>>)
    %dma_wait3A_1955 = arith.constant 960 : i32
    %dma_wait3A_1956 = arith.constant 0 : i32
    %dma_wait3A_1957 = tpu.memref_slice %arg11[%dma_wait3A_1955, %dma_wait3A_1956] : memref<2000x16xf32, #tpu.memory_space<vmem>> -> memref<80x16xf32, #tpu.memory_space<vmem>>
    %dma_wait3A_1958 = arith.constant 8960 : i32
    %dma_wait3A_1959 = tpu.memref_slice %arg10[%dma_wait3A_1958] : memref<10000xi32, #tpu.memory_space<vmem>> -> memref<80xi32, #tpu.memory_space<vmem>>
    %dma_wait3A_1960 = arith.constant 0 : i32
    %dma_wait3A_1961 = arith.constant 0 : i32
    %dma_wait3A_1962 = tpu.memref_slice %arg13[%dma_wait3A_1960, %dma_wait3A_1961] : memref<10000x16xf32, #tpu.memory_space<vmem_shared>> -> memref<10000x16xf32, #tpu.memory_space<vmem_shared>>
    tpu.wait_indirect_dma semaphore(%arg16 : memref<!tpu.dma_semaphore, #tpu.memory_space<semaphore_mem>>) src(%dma_wait3A_1957 : memref<80x16xf32, #tpu.memory_space<vmem>>) dst(%dma_wait3A_1962 : memref<10000x16xf32, #tpu.memory_space<vmem_shared>>)
    %dma_wait3A_1963 = arith.constant 1040 : i32
    %dma_wait3A_1964 = arith.constant 0 : i32
    %dma_wait3A_1965 = tpu.memref_slice %arg11[%dma_wait3A_1963, %dma_wait3A_1964] : memref<2000x16xf32, #tpu.memory_space<vmem>> -> memref<80x16xf32, #tpu.memory_space<vmem>>
    %dma_wait3A_1966 = arith.constant 9040 : i32
    %dma_wait3A_1967 = tpu.memref_slice %arg10[%dma_wait3A_1966] : memref<10000xi32, #tpu.memory_space<vmem>> -> memref<80xi32, #tpu.memory_space<vmem>>
    %dma_wait3A_1968 = arith.constant 0 : i32
    %dma_wait3A_1969 = arith.constant 0 : i32
    %dma_wait3A_1970 = tpu.memref_slice %arg13[%dma_wait3A_1968, %dma_wait3A_1969] : memref<10000x16xf32, #tpu.memory_space<vmem_shared>> -> memref<10000x16xf32, #tpu.memory_space<vmem_shared>>
    tpu.wait_indirect_dma semaphore(%arg16 : memref<!tpu.dma_semaphore, #tpu.memory_space<semaphore_mem>>) src(%dma_wait3A_1965 : memref<80x16xf32, #tpu.memory_space<vmem>>) dst(%dma_wait3A_1970 : memref<10000x16xf32, #tpu.memory_space<vmem_shared>>)
    %dma_wait3A_1971 = arith.constant 1120 : i32
    %dma_wait3A_1972 = arith.constant 0 : i32
    %dma_wait3A_1973 = tpu.memref_slice %arg11[%dma_wait3A_1971, %dma_wait3A_1972] : memref<2000x16xf32, #tpu.memory_space<vmem>> -> memref<80x16xf32, #tpu.memory_space<vmem>>
    %dma_wait3A_1974 = arith.constant 9120 : i32
    %dma_wait3A_1975 = tpu.memref_slice %arg10[%dma_wait3A_1974] : memref<10000xi32, #tpu.memory_space<vmem>> -> memref<80xi32, #tpu.memory_space<vmem>>
    %dma_wait3A_1976 = arith.constant 0 : i32
    %dma_wait3A_1977 = arith.constant 0 : i32
    %dma_wait3A_1978 = tpu.memref_slice %arg13[%dma_wait3A_1976, %dma_wait3A_1977] : memref<10000x16xf32, #tpu.memory_space<vmem_shared>> -> memref<10000x16xf32, #tpu.memory_space<vmem_shared>>
    tpu.wait_indirect_dma semaphore(%arg16 : memref<!tpu.dma_semaphore, #tpu.memory_space<semaphore_mem>>) src(%dma_wait3A_1973 : memref<80x16xf32, #tpu.memory_space<vmem>>) dst(%dma_wait3A_1978 : memref<10000x16xf32, #tpu.memory_space<vmem_shared>>)
    %dma_wait3A_1979 = arith.constant 1200 : i32
    %dma_wait3A_1980 = arith.constant 0 : i32
    %dma_wait3A_1981 = tpu.memref_slice %arg11[%dma_wait3A_1979, %dma_wait3A_1980] : memref<2000x16xf32, #tpu.memory_space<vmem>> -> memref<80x16xf32, #tpu.memory_space<vmem>>
    %dma_wait3A_1982 = arith.constant 9200 : i32
    %dma_wait3A_1983 = tpu.memref_slice %arg10[%dma_wait3A_1982] : memref<10000xi32, #tpu.memory_space<vmem>> -> memref<80xi32, #tpu.memory_space<vmem>>
    %dma_wait3A_1984 = arith.constant 0 : i32
    %dma_wait3A_1985 = arith.constant 0 : i32
    %dma_wait3A_1986 = tpu.memref_slice %arg13[%dma_wait3A_1984, %dma_wait3A_1985] : memref<10000x16xf32, #tpu.memory_space<vmem_shared>> -> memref<10000x16xf32, #tpu.memory_space<vmem_shared>>
    tpu.wait_indirect_dma semaphore(%arg16 : memref<!tpu.dma_semaphore, #tpu.memory_space<semaphore_mem>>) src(%dma_wait3A_1981 : memref<80x16xf32, #tpu.memory_space<vmem>>) dst(%dma_wait3A_1986 : memref<10000x16xf32, #tpu.memory_space<vmem_shared>>)
    %dma_wait3A_1987 = arith.constant 1280 : i32
    %dma_wait3A_1988 = arith.constant 0 : i32
    %dma_wait3A_1989 = tpu.memref_slice %arg11[%dma_wait3A_1987, %dma_wait3A_1988] : memref<2000x16xf32, #tpu.memory_space<vmem>> -> memref<80x16xf32, #tpu.memory_space<vmem>>
    %dma_wait3A_1990 = arith.constant 9280 : i32
    %dma_wait3A_1991 = tpu.memref_slice %arg10[%dma_wait3A_1990] : memref<10000xi32, #tpu.memory_space<vmem>> -> memref<80xi32, #tpu.memory_space<vmem>>
    %dma_wait3A_1992 = arith.constant 0 : i32
    %dma_wait3A_1993 = arith.constant 0 : i32
    %dma_wait3A_1994 = tpu.memref_slice %arg13[%dma_wait3A_1992, %dma_wait3A_1993] : memref<10000x16xf32, #tpu.memory_space<vmem_shared>> -> memref<10000x16xf32, #tpu.memory_space<vmem_shared>>
    tpu.wait_indirect_dma semaphore(%arg16 : memref<!tpu.dma_semaphore, #tpu.memory_space<semaphore_mem>>) src(%dma_wait3A_1989 : memref<80x16xf32, #tpu.memory_space<vmem>>) dst(%dma_wait3A_1994 : memref<10000x16xf32, #tpu.memory_space<vmem_shared>>)
    %dma_wait3A_1995 = arith.constant 1360 : i32
    %dma_wait3A_1996 = arith.constant 0 : i32
    %dma_wait3A_1997 = tpu.memref_slice %arg11[%dma_wait3A_1995, %dma_wait3A_1996] : memref<2000x16xf32, #tpu.memory_space<vmem>> -> memref<80x16xf32, #tpu.memory_space<vmem>>
    %dma_wait3A_1998 = arith.constant 9360 : i32
    %dma_wait3A_1999 = tpu.memref_slice %arg10[%dma_wait3A_1998] : memref<10000xi32, #tpu.memory_space<vmem>> -> memref<80xi32, #tpu.memory_space<vmem>>
    %dma_wait3A_2000 = arith.constant 0 : i32
    %dma_wait3A_2001 = arith.constant 0 : i32
    %dma_wait3A_2002 = tpu.memref_slice %arg13[%dma_wait3A_2000, %dma_wait3A_2001] : memref<10000x16xf32, #tpu.memory_space<vmem_shared>> -> memref<10000x16xf32, #tpu.memory_space<vmem_shared>>
    tpu.wait_indirect_dma semaphore(%arg16 : memref<!tpu.dma_semaphore, #tpu.memory_space<semaphore_mem>>) src(%dma_wait3A_1997 : memref<80x16xf32, #tpu.memory_space<vmem>>) dst(%dma_wait3A_2002 : memref<10000x16xf32, #tpu.memory_space<vmem_shared>>)
    %dma_wait3A_2003 = arith.constant 1440 : i32
    %dma_wait3A_2004 = arith.constant 0 : i32
    %dma_wait3A_2005 = tpu.memref_slice %arg11[%dma_wait3A_2003, %dma_wait3A_2004] : memref<2000x16xf32, #tpu.memory_space<vmem>> -> memref<80x16xf32, #tpu.memory_space<vmem>>
    %dma_wait3A_2006 = arith.constant 9440 : i32
    %dma_wait3A_2007 = tpu.memref_slice %arg10[%dma_wait3A_2006] : memref<10000xi32, #tpu.memory_space<vmem>> -> memref<80xi32, #tpu.memory_space<vmem>>
    %dma_wait3A_2008 = arith.constant 0 : i32
    %dma_wait3A_2009 = arith.constant 0 : i32
    %dma_wait3A_2010 = tpu.memref_slice %arg13[%dma_wait3A_2008, %dma_wait3A_2009] : memref<10000x16xf32, #tpu.memory_space<vmem_shared>> -> memref<10000x16xf32, #tpu.memory_space<vmem_shared>>
    tpu.wait_indirect_dma semaphore(%arg16 : memref<!tpu.dma_semaphore, #tpu.memory_space<semaphore_mem>>) src(%dma_wait3A_2005 : memref<80x16xf32, #tpu.memory_space<vmem>>) dst(%dma_wait3A_2010 : memref<10000x16xf32, #tpu.memory_space<vmem_shared>>)
    %dma_wait3A_2011 = arith.constant 1520 : i32
    %dma_wait3A_2012 = arith.constant 0 : i32
    %dma_wait3A_2013 = tpu.memref_slice %arg11[%dma_wait3A_2011, %dma_wait3A_2012] : memref<2000x16xf32, #tpu.memory_space<vmem>> -> memref<80x16xf32, #tpu.memory_space<vmem>>
    %dma_wait3A_2014 = arith.constant 9520 : i32
    %dma_wait3A_2015 = tpu.memref_slice %arg10[%dma_wait3A_2014] : memref<10000xi32, #tpu.memory_space<vmem>> -> memref<80xi32, #tpu.memory_space<vmem>>
    %dma_wait3A_2016 = arith.constant 0 : i32
    %dma_wait3A_2017 = arith.constant 0 : i32
    %dma_wait3A_2018 = tpu.memref_slice %arg13[%dma_wait3A_2016, %dma_wait3A_2017] : memref<10000x16xf32, #tpu.memory_space<vmem_shared>> -> memref<10000x16xf32, #tpu.memory_space<vmem_shared>>
    tpu.wait_indirect_dma semaphore(%arg16 : memref<!tpu.dma_semaphore, #tpu.memory_space<semaphore_mem>>) src(%dma_wait3A_2013 : memref<80x16xf32, #tpu.memory_space<vmem>>) dst(%dma_wait3A_2018 : memref<10000x16xf32, #tpu.memory_space<vmem_shared>>)
    %dma_wait3A_2019 = arith.constant 1600 : i32
    %dma_wait3A_2020 = arith.constant 0 : i32
    %dma_wait3A_2021 = tpu.memref_slice %arg11[%dma_wait3A_2019, %dma_wait3A_2020] : memref<2000x16xf32, #tpu.memory_space<vmem>> -> memref<80x16xf32, #tpu.memory_space<vmem>>
    %dma_wait3A_2022 = arith.constant 9600 : i32
    %dma_wait3A_2023 = tpu.memref_slice %arg10[%dma_wait3A_2022] : memref<10000xi32, #tpu.memory_space<vmem>> -> memref<80xi32, #tpu.memory_space<vmem>>
    %dma_wait3A_2024 = arith.constant 0 : i32
    %dma_wait3A_2025 = arith.constant 0 : i32
    %dma_wait3A_2026 = tpu.memref_slice %arg13[%dma_wait3A_2024, %dma_wait3A_2025] : memref<10000x16xf32, #tpu.memory_space<vmem_shared>> -> memref<10000x16xf32, #tpu.memory_space<vmem_shared>>
    tpu.wait_indirect_dma semaphore(%arg16 : memref<!tpu.dma_semaphore, #tpu.memory_space<semaphore_mem>>) src(%dma_wait3A_2021 : memref<80x16xf32, #tpu.memory_space<vmem>>) dst(%dma_wait3A_2026 : memref<10000x16xf32, #tpu.memory_space<vmem_shared>>)
    %dma_wait3A_2027 = arith.constant 1680 : i32
    %dma_wait3A_2028 = arith.constant 0 : i32
    %dma_wait3A_2029 = tpu.memref_slice %arg11[%dma_wait3A_2027, %dma_wait3A_2028] : memref<2000x16xf32, #tpu.memory_space<vmem>> -> memref<80x16xf32, #tpu.memory_space<vmem>>
    %dma_wait3A_2030 = arith.constant 9680 : i32
    %dma_wait3A_2031 = tpu.memref_slice %arg10[%dma_wait3A_2030] : memref<10000xi32, #tpu.memory_space<vmem>> -> memref<80xi32, #tpu.memory_space<vmem>>
    %dma_wait3A_2032 = arith.constant 0 : i32
    %dma_wait3A_2033 = arith.constant 0 : i32
    %dma_wait3A_2034 = tpu.memref_slice %arg13[%dma_wait3A_2032, %dma_wait3A_2033] : memref<10000x16xf32, #tpu.memory_space<vmem_shared>> -> memref<10000x16xf32, #tpu.memory_space<vmem_shared>>
    tpu.wait_indirect_dma semaphore(%arg16 : memref<!tpu.dma_semaphore, #tpu.memory_space<semaphore_mem>>) src(%dma_wait3A_2029 : memref<80x16xf32, #tpu.memory_space<vmem>>) dst(%dma_wait3A_2034 : memref<10000x16xf32, #tpu.memory_space<vmem_shared>>)
    %dma_wait3A_2035 = arith.constant 1760 : i32
    %dma_wait3A_2036 = arith.constant 0 : i32
    %dma_wait3A_2037 = tpu.memref_slice %arg11[%dma_wait3A_2035, %dma_wait3A_2036] : memref<2000x16xf32, #tpu.memory_space<vmem>> -> memref<80x16xf32, #tpu.memory_space<vmem>>
    %dma_wait3A_2038 = arith.constant 9760 : i32
    %dma_wait3A_2039 = tpu.memref_slice %arg10[%dma_wait3A_2038] : memref<10000xi32, #tpu.memory_space<vmem>> -> memref<80xi32, #tpu.memory_space<vmem>>
    %dma_wait3A_2040 = arith.constant 0 : i32
    %dma_wait3A_2041 = arith.constant 0 : i32
    %dma_wait3A_2042 = tpu.memref_slice %arg13[%dma_wait3A_2040, %dma_wait3A_2041] : memref<10000x16xf32, #tpu.memory_space<vmem_shared>> -> memref<10000x16xf32, #tpu.memory_space<vmem_shared>>
    tpu.wait_indirect_dma semaphore(%arg16 : memref<!tpu.dma_semaphore, #tpu.memory_space<semaphore_mem>>) src(%dma_wait3A_2037 : memref<80x16xf32, #tpu.memory_space<vmem>>) dst(%dma_wait3A_2042 : memref<10000x16xf32, #tpu.memory_space<vmem_shared>>)
    %dma_wait3A_2043 = arith.constant 1840 : i32
    %dma_wait3A_2044 = arith.constant 0 : i32
    %dma_wait3A_2045 = tpu.memref_slice %arg11[%dma_wait3A_2043, %dma_wait3A_2044] : memref<2000x16xf32, #tpu.memory_space<vmem>> -> memref<80x16xf32, #tpu.memory_space<vmem>>
    %dma_wait3A_2046 = arith.constant 9840 : i32
    %dma_wait3A_2047 = tpu.memref_slice %arg10[%dma_wait3A_2046] : memref<10000xi32, #tpu.memory_space<vmem>> -> memref<80xi32, #tpu.memory_space<vmem>>
    %dma_wait3A_2048 = arith.constant 0 : i32
    %dma_wait3A_2049 = arith.constant 0 : i32
    %dma_wait3A_2050 = tpu.memref_slice %arg13[%dma_wait3A_2048, %dma_wait3A_2049] : memref<10000x16xf32, #tpu.memory_space<vmem_shared>> -> memref<10000x16xf32, #tpu.memory_space<vmem_shared>>
    tpu.wait_indirect_dma semaphore(%arg16 : memref<!tpu.dma_semaphore, #tpu.memory_space<semaphore_mem>>) src(%dma_wait3A_2045 : memref<80x16xf32, #tpu.memory_space<vmem>>) dst(%dma_wait3A_2050 : memref<10000x16xf32, #tpu.memory_space<vmem_shared>>)
    %dma_wait3A_2051 = arith.constant 1920 : i32
    %dma_wait3A_2052 = arith.constant 0 : i32
    %dma_wait3A_2053 = tpu.memref_slice %arg11[%dma_wait3A_2051, %dma_wait3A_2052] : memref<2000x16xf32, #tpu.memory_space<vmem>> -> memref<80x16xf32, #tpu.memory_space<vmem>>
    %dma_wait3A_2054 = arith.constant 9920 : i32
    %dma_wait3A_2055 = tpu.memref_slice %arg10[%dma_wait3A_2054] : memref<10000xi32, #tpu.memory_space<vmem>> -> memref<80xi32, #tpu.memory_space<vmem>>
    %dma_wait3A_2056 = arith.constant 0 : i32
    %dma_wait3A_2057 = arith.constant 0 : i32
    %dma_wait3A_2058 = tpu.memref_slice %arg13[%dma_wait3A_2056, %dma_wait3A_2057] : memref<10000x16xf32, #tpu.memory_space<vmem_shared>> -> memref<10000x16xf32, #tpu.memory_space<vmem_shared>>
    tpu.wait_indirect_dma semaphore(%arg16 : memref<!tpu.dma_semaphore, #tpu.memory_space<semaphore_mem>>) src(%dma_wait3A_2053 : memref<80x16xf32, #tpu.memory_space<vmem>>) dst(%dma_wait3A_2058 : memref<10000x16xf32, #tpu.memory_space<vmem_shared>>)
    %barrier3A_2059 = arith.constant 0 : index
    tpu.barrier barrier_id(%barrier3A_2059)
    %mul3A_2060 = arith.constant 625 : i32
    %mul3A_2061 = arith.muli %arg1, %mul3A_2060 : i32
    "tpu.region"() ({
      %run_scoped3A = tpu.sem_alloc : memref<!tpu.dma_semaphore, #tpu.memory_space<semaphore_mem>>
      %dma_start3A_2062 = arith.constant 0 : i32
      %dma_start3A_2063 = arith.constant 0 : i32
      %dma_start3A_2064 = tpu.memref_slice %arg7[%arg0, %dma_start3A_2062, %dma_start3A_2063] : memref<2x10000x16xf32, #tpu.memory_space<hbm>> -> memref<1x10000x16xf32, #tpu.memory_space<hbm>>
      %dma_start3A_2065 = tpu.memref_squeeze %dma_start3A_2064 : memref<1x10000x16xf32, #tpu.memory_space<hbm>> -> memref<10000x16xf32, #tpu.memory_space<hbm>>
      %dma_start3A_2066 = arith.constant 0 : i32
      %dma_start3A_2067 = tpu.memref_slice %dma_start3A_2065[%mul3A_2061, %dma_start3A_2066] : memref<10000x16xf32, #tpu.memory_space<hbm>> -> memref<625x16xf32, #tpu.memory_space<hbm>>
      %dma_start3A_2068 = arith.constant 0 : i32
      %dma_start3A_2069 = tpu.memref_slice %arg13[%mul3A_2061, %dma_start3A_2068] : memref<10000x16xf32, #tpu.memory_space<vmem_shared>> -> memref<625x16xf32, #tpu.memory_space<vmem_shared>>
      tpu.enqueue_dma source(%dma_start3A_2069 : memref<625x16xf32, #tpu.memory_space<vmem_shared>>) target(%dma_start3A_2067 : memref<625x16xf32, #tpu.memory_space<hbm>>) target_semaphore(%run_scoped3A : memref<!tpu.dma_semaphore, #tpu.memory_space<semaphore_mem>>)
      %dma_wait3A_2070 = arith.constant 0 : i32
      %dma_wait3A_2071 = arith.constant 0 : i32
      %dma_wait3A_2072 = tpu.memref_slice %arg7[%arg0, %dma_wait3A_2070, %dma_wait3A_2071] : memref<2x10000x16xf32, #tpu.memory_space<hbm>> -> memref<1x10000x16xf32, #tpu.memory_space<hbm>>
      %dma_wait3A_2073 = tpu.memref_squeeze %dma_wait3A_2072 : memref<1x10000x16xf32, #tpu.memory_space<hbm>> -> memref<10000x16xf32, #tpu.memory_space<hbm>>
      %dma_wait3A_2074 = arith.constant 0 : i32
      %dma_wait3A_2075 = tpu.memref_slice %dma_wait3A_2073[%mul3A_2061, %dma_wait3A_2074] : memref<10000x16xf32, #tpu.memory_space<hbm>> -> memref<625x16xf32, #tpu.memory_space<hbm>>
      %dma_wait3A_2076 = arith.constant 0 : i32
      %dma_wait3A_2077 = tpu.memref_slice %arg13[%mul3A_2061, %dma_wait3A_2076] : memref<10000x16xf32, #tpu.memory_space<vmem_shared>> -> memref<625x16xf32, #tpu.memory_space<vmem_shared>>
      tpu.wait_dma2 semaphore(%run_scoped3A : memref<!tpu.dma_semaphore, #tpu.memory_space<semaphore_mem>>) src(%dma_wait3A_2077 : memref<625x16xf32, #tpu.memory_space<vmem_shared>>) dst(%dma_wait3A_2075 : memref<625x16xf32, #tpu.memory_space<hbm>>)
      tpu.yield
    }) : () -> ()
    return
  }
}

module attributes {stable_mosaic.version = 14 : i64} {
  func.func @body(%arg0: i32, %arg1: memref<10000x128xf32, #tpu.memory_space<vmem>>, %arg2: memref<128x128xf32, #tpu.memory_space<vmem>>, %arg3: memref<128x16xf32, #tpu.memory_space<vmem>>, %arg4: memref<1x16xf32, #tpu.memory_space<vmem>>, %arg5: memref<10000x128xf32, #tpu.memory_space<vmem>>, %arg6: memref<2x10000x16xf32, #tpu.memory_space<vmem>>) attributes {dimension_semantics = [#tpu.dimension_semantics<arbitrary>], iteration_bounds = array<i64: 1>, scalar_prefetch = 0 : i64, scratch_operands = 0 : i64, tpu.core_type = #tpu.core_type<tc>, window_params = [{transform_indices = @transform_0, window_bounds = array<i64: 10000, 128>}, {pipeline_mode = #tpu.pipeline_mode<synchronous>, transform_indices = @transform_1, window_bounds = array<i64: 128, 128>}, {pipeline_mode = #tpu.pipeline_mode<synchronous>, transform_indices = @transform_2, window_bounds = array<i64: 128, 16>}, {pipeline_mode = #tpu.pipeline_mode<synchronous>, transform_indices = @transform_3, window_bounds = array<i64: 1, 16>}, {transform_indices = @transform_4, window_bounds = array<i64: 10000, 128>}, {transform_indices = @transform_5, window_bounds = array<i64: 2, 10000, 16>}]} {
    %get3A = arith.constant 0 : index
    %get3A_0 = arith.constant 0 : index
    %get3A_1 = vector.load %arg1[%get3A, %get3A_0] : memref<10000x128xf32, #tpu.memory_space<vmem>>, vector<10000x128xf32>
    %get3A_2 = arith.constant 0 : index
    %get3A_3 = arith.constant 0 : index
    %get3A_4 = vector.load %arg2[%get3A_2, %get3A_3] : memref<128x128xf32, #tpu.memory_space<vmem>>, vector<128x128xf32>
    %dot_general3A = arith.constant dense<0.000000e+00> : vector<10000x128xf32>
    %dot_general3A_5 = tpu.matmul %get3A_1, %get3A_4, %dot_general3A {dimension_numbers = #tpu.dot_dimension_numbers<[1], [0], [0], [1], [0, 0, 1, 1], [], []>, transpose_lhs_hint = false} : vector<10000x128xf32>, vector<128x128xf32>, vector<10000x128xf32> -> vector<10000x128xf32>
    %swap3A = arith.constant 0 : index
    %swap3A_6 = arith.constant 0 : index
    %swap3A_7 = vector.load %arg5[%swap3A, %swap3A_6] : memref<10000x128xf32, #tpu.memory_space<vmem>>, vector<10000x128xf32>
    tpu.vector_store %arg5[%swap3A, %swap3A_6], %dot_general3A_5 {strides = array<i32>} : memref<10000x128xf32, #tpu.memory_space<vmem>>, vector<10000x128xf32>,
    %get3A_8 = arith.constant 0 : index
    %get3A_9 = arith.constant 0 : index
    %get3A_10 = vector.load %arg3[%get3A_8, %get3A_9] : memref<128x16xf32, #tpu.memory_space<vmem>>, vector<128x16xf32>
    %dot_general3A_11 = arith.constant dense<0.000000e+00> : vector<10000x16xf32>
    %dot_general3A_12 = tpu.matmul %get3A_1, %get3A_10, %dot_general3A_11 {dimension_numbers = #tpu.dot_dimension_numbers<[1], [0], [0], [1], [0, 0, 1, 1], [], []>, transpose_lhs_hint = false} : vector<10000x128xf32>, vector<128x16xf32>, vector<10000x16xf32> -> vector<10000x16xf32>
    %get3A_13 = arith.constant 0 : index
    %get3A_14 = arith.constant 0 : index
    %get3A_15 = vector.load %arg4[%get3A_13, %get3A_14] : memref<1x16xf32, #tpu.memory_space<vmem>>, vector<1x16xf32>
    %add3A = vector.broadcast %get3A_15 : vector<1x16xf32> to vector<10000x16xf32>
    %add3A_16 = arith.addf %dot_general3A_12, %add3A : vector<10000x16xf32>
    %swap3A_17 = arith.constant 0 : index
    %swap3A_18 = arith.constant 0 : index
    %swap3A_19 = arith.constant 0 : index
    %swap3A_20 = vector.load %arg6[%swap3A_17, %swap3A_18, %swap3A_19] : memref<2x10000x16xf32, #tpu.memory_space<vmem>>, vector<1x10000x16xf32>
    %swap3A_21 = vector.shape_cast %swap3A_20 : vector<1x10000x16xf32> to vector<10000x16xf32>
    %swap3A_22 = vector.shape_cast %add3A_16 : vector<10000x16xf32> to vector<1x10000x16xf32>
    tpu.vector_store %arg6[%swap3A_17, %swap3A_18, %swap3A_19], %swap3A_22 {strides = array<i32>} : memref<2x10000x16xf32, #tpu.memory_space<vmem>>, vector<1x10000x16xf32>,
    %broadcast_in_dim3A = arith.constant 0.000000e+00 : f32
    %broadcast_in_dim3A_23 = vector.broadcast %broadcast_in_dim3A : f32 to vector<10000x16xf32>
    %swap3A_24 = arith.constant 1 : index
    %swap3A_25 = arith.constant 0 : index
    %swap3A_26 = arith.constant 0 : index
    %swap3A_27 = vector.load %arg6[%swap3A_24, %swap3A_25, %swap3A_26] : memref<2x10000x16xf32, #tpu.memory_space<vmem>>, vector<1x10000x16xf32>
    %swap3A_28 = vector.shape_cast %swap3A_27 : vector<1x10000x16xf32> to vector<10000x16xf32>
    %swap3A_29 = vector.shape_cast %broadcast_in_dim3A_23 : vector<10000x16xf32> to vector<1x10000x16xf32>
    tpu.vector_store %arg6[%swap3A_24, %swap3A_25, %swap3A_26], %swap3A_29 {strides = array<i32>} : memref<2x10000x16xf32, #tpu.memory_space<vmem>>, vector<1x10000x16xf32>,
    return
  }
  func.func @transform_0(%arg0: i32) -> (i32, i32) {
    %c0_i32 = arith.constant 0 : i32
    %c0_i32_0 = arith.constant 0 : i32
    return %arg0, %c0_i32 : i32, i32
  }
  func.func @transform_1(%arg0: i32) -> (i32, i32) {
    %c0_i32 = arith.constant 0 : i32
    %c0_i32_0 = arith.constant 0 : i32
    %c0_i32_1 = arith.constant 0 : i32
    return %c0_i32, %c0_i32_0 : i32, i32
  }
  func.func @transform_2(%arg0: i32) -> (i32, i32) {
    %c0_i32 = arith.constant 0 : i32
    %c0_i32_0 = arith.constant 0 : i32
    %c0_i32_1 = arith.constant 0 : i32
    return %c0_i32, %c0_i32_0 : i32, i32
  }
  func.func @transform_3(%arg0: i32) -> (i32, i32) {
    %c0_i32 = arith.constant 0 : i32
    %c0_i32_0 = arith.constant 0 : i32
    %c0_i32_1 = arith.constant 0 : i32
    return %c0_i32, %c0_i32_0 : i32, i32
  }
  func.func @transform_4(%arg0: i32) -> (i32, i32) {
    %c0_i32 = arith.constant 0 : i32
    %c0_i32_0 = arith.constant 0 : i32
    return %arg0, %c0_i32 : i32, i32
  }
  func.func @transform_5(%arg0: i32) -> (i32, i32, i32) {
    %c0_i32 = arith.constant 0 : i32
    %c0_i32_0 = arith.constant 0 : i32
    %c0_i32_1 = arith.constant 0 : i32
    return %c0_i32, %arg0, %c0_i32_0 : i32, i32, i32
  }
}

</mosaic_0001>

<sc_bundles>
// kernel: kernel.4.cloned.1.call-start
scs
__scs_entry_jumppad:
0x0: {  	(pc) =	sbr.rel $0x88, $3  }
0x1: {  	(tag) =	ssettag $0x0;
	lr =	simm.s32 $0x1  }
0x2: {  	[smem:$0x3F9B] =	sst lr;
	_ =	strace $0xD0000000  }
0x3: {  	_ = 	snop  }
0x4: {  	_ = 	snop  }
0x5: {  	_ = 	snop  }
0x6: {  	_ = 	snop  }
0x7: {  	_ = 	snop  }
__scs_overlays_trampoline_lowered:
0x8: {  	[smem:$0x3FAA] =	sst s0  }
0x9: {  	[smem:$0x3FAB] =	sst s1  }
0xa: {  	[smem:$0x3FAC] =	sst s2  }
0xb: {  	[smem:$0x3FAD] =	sst s3  }
0xc: {  	[smem:$0x3FAE] =	sst s4  }
0xd: {  	[smem:$0x3FAF] =	sst s5  }
0xe: {  	[smem:$0x3FB0] =	sst s6  }
0xf: {  	[smem:$0x3FB1] =	sst s7  }
0x10: {  	[smem:$0x3FB2] =	sst s8  }
0x11: {  	[smem:$0x3FB3] =	sst s9;
	s0 =	simm.s32 @!p0 $0x0  }
0x12: {  	s1 =	sld [smem:$0x3F99];
	s0 =	simm.s32 @p0 $0x1  }
0x13: {  	[smem:$0x3FB4] =	sst s0;
	s0 =	simm.s32 @!p1 $0x0  }
0x14: {  	s2 =	sld [smem:$0x3F98];
	s0 =	simm.s32 @p1 $0x1  }
0x15: {  	[smem:$0x3FB5] =	sst s0;
	s0 =	simm.s32 @!p2 $0x0  }
0x16: {  	s3 =	sld [smem:$0x3FDB];
	s0 =	simm.s32 @p2 $0x1  }
0x17: {  	s4 =	simm.s32 $0x1BF5;
	[smem:$0x3FB7] =	sst s0  }
0x18: {  	s0 =	sld [smem:$0x3F9A];
	_ =	swait.ge [sflag:s4], $0x0  }
0x19: {  	s7 =	sld [smem:$0x3F9B]  }
0x1a: {  	s8 =	sadd.s32 $0xFFFFE003, lr  }
0x1b: {  	s9 =	sadd.s32 $0xFFFFFEF7, lr;
	s5 =	simm.s32 $0xFFFFFFFF;
	p2 =	slt.u32 s8, $0xFFFFF086  }
0x1c: {  	p1 =	slt.u32 s9, $0xF7A;
	s5 =	simm.s32 @!p2 $0x0  }
0x1d: {  	s5 =	simm.s32 @p1 $0x1;
	p0 =	seq.s32 s7, s2  }
0x1e: {  	s7 =	smul.u32 @!p0 $0xF7A, s2;
	p2 =	seq.s32 @!p0 s5, $0x0  }
0x1f: {  	s9 =	smul.u32 $0xF7A, s1;
	s8 =	simm.s32 @!p0 $0x1BF5;
	p2 =	por !p2, p0  }
0x20: {  	[sflag:s8] =	ssyncset.s32 @!p0 $0xFFFFF086;
	s6 =	sadd.s32 @!p0 s3, s7;
	s7 =	simm.s32 @!p0 $0x108  }
0x21: {  	s3 =	sadd.s32 s3, s9;
	s6 =	sadd.s32 @!p0 $0x88, s6;
	s7 =	simm.s32 @p2 $0x1082  }
0x22: {  	[simem:s7], [sflag:s8] =	dma.local @!p0 [hbm:s6], $0xF7A  }
0x23: {  	s9 =	sor.u32 $0xD0000000, s2;
	s6 =	simm.s32 $0x108;
	_ =	swait.ge @!p0 [sflag:s8], $0x0  }
0x24: {  	s3 =	sadd.s32 $0x88, s3;
	s6 =	simm.s32 @!p1 $0x1082;
	[sflag:s4] =	ssyncset.s32 $0xFFFFF086  }
0x25: {  	[simem:s6], [sflag:s4] =	dma.local [hbm:s3], $0xF7A  }
0x26: {  	[smem:$0x3F9B] =	sst s1;
	(tag) =	ssettag s2;
	_ =	strace s9  }
0x27: {  	s1 =	sld [smem:$0x3FAB]  }
0x28: {  	s2 =	sld [smem:$0x3FAC]  }
0x29: {  	s4 =	sld [smem:$0x3FAE]  }
0x2a: {  	p0 =	seq.s32 s5, $0x0;
	s5 =	sld [smem:$0x3FAF]  }
0x2b: {  	s6 =	sld [smem:$0x3FB0]  }
0x2c: {  	s7 =	sld [smem:$0x3FB1]  }
0x2d: {  	s3 =	simm.s32 $0x108;
	s8 =	sld [smem:$0x3FB2]  }
0x2e: {  	s3 =	simm.s32 @!p0 $0x1082;
	s9 =	sld [smem:$0x3FB3]  }
0x2f: {  	lr =	sadd.s32 s0, s3;
	s0 =	sld [smem:$0x3FAA]  }
0x30: {  	s3 =	sld [smem:$0x3FAD]  }
0x31: {  	[smem:$0x3FB6] =	sst s10  }
0x32: {  	s10 =	sld [smem:$0x3FB4];
	_ =	sdelay $0x3  }
0x33: {  	p0 =	seq.s32 s10, $0x1;
	s10 =	sld [smem:$0x3FB6];
	_ =	sdelay $0x3  }
0x34: {  	[smem:$0x3FB6] =	sst s10  }
0x35: {  	s10 =	sld [smem:$0x3FB5];
	_ =	sdelay $0x3  }
0x36: {  	p1 =	seq.s32 s10, $0x1;
	s10 =	sld [smem:$0x3FB6];
	_ =	sdelay $0x3  }
0x37: {  	[smem:$0x3FB6] =	sst s10  }
0x38: {  	s10 =	sld [smem:$0x3FB7]  }
0x39: {  	_ = 	snop;
	(pc) =	sbr.ind lr, $3  }
0x3a: {  	_ = 	snop  }
0x3b: {  	_ = 	snop  }
0x3c: {  	p2 =	seq.s32 s10, $0x1;
	s10 =	sld [smem:$0x3FB6]  }
0x3d: {  	_ =	shalt  }
0x3e: {  	_ =	shalt  }
0x3f: {  	_ =	shalt  }
0x40: {  	_ =	shalt  }
0x41: {  	_ =	shalt  }
0x42: {  	_ =	shalt  }
0x43: {  	_ =	shalt  }
0x44: {  	_ =	shalt  }
0x45: {  	_ =	shalt  }
0x46: {  	_ =	shalt  }
0x47: {  	_ =	shalt  }
0x48: {  	_ =	shalt  }
0x49: {  	_ =	shalt  }
0x4a: {  	_ =	shalt  }
0x4b: {  	_ =	shalt  }
0x4c: {  	_ =	shalt  }
0x4d: {  	_ =	shalt  }
0x4e: {  	_ =	shalt  }
0x4f: {  	_ =	shalt  }
0x50: {  	_ =	shalt  }
0x51: {  	_ =	shalt  }
0x52: {  	_ =	shalt  }
0x53: {  	_ =	shalt  }
0x54: {  	_ =	shalt  }
0x55: {  	_ =	shalt  }
0x56: {  	_ =	shalt  }
0x57: {  	_ =	shalt  }
0x58: {  	_ =	shalt  }
0x59: {  	_ =	shalt  }
0x5a: {  	_ =	shalt  }
0x5b: {  	_ =	shalt  }
0x5c: {  	_ =	shalt  }
0x5d: {  	_ =	shalt  }
0x5e: {  	_ =	shalt  }
0x5f: {  	_ =	shalt  }
0x60: {  	_ =	shalt  }
0x61: {  	_ =	shalt  }
0x62: {  	_ =	shalt  }
0x63: {  	_ =	shalt  }
0x64: {  	_ =	shalt  }
0x65: {  	_ =	shalt  }
0x66: {  	_ =	shalt  }
0x67: {  	_ =	shalt  }
0x68: {  	_ =	shalt  }
0x69: {  	_ =	shalt  }
0x6a: {  	_ =	shalt  }
0x6b: {  	_ =	shalt  }
0x6c: {  	_ =	shalt  }
0x6d: {  	_ =	shalt  }
0x6e: {  	_ =	shalt  }
0x6f: {  	_ =	shalt  }
0x70: {  	_ =	shalt  }
0x71: {  	_ =	shalt  }
0x72: {  	_ =	shalt  }
0x73: {  	_ =	shalt  }
0x74: {  	_ =	shalt  }
0x75: {  	_ =	shalt  }
0x76: {  	_ =	shalt  }
0x77: {  	_ =	shalt  }
0x78: {  	_ =	shalt  }
0x79: {  	_ =	shalt  }
0x7a: {  	_ =	shalt  }
0x7b: {  	_ =	shalt  }
0x7c: {  	_ =	shalt  }
0x7d: {  	_ =	shalt  }
0x7e: {  	_ =	shalt  }
0x7f: {  	_ =	shalt  }
0x80: {  	_ =	shalt  }
0x81: {  	_ =	shalt  }
0x82: {  	_ =	shalt  }
0x83: {  	_ =	shalt  }
0x84: {  	_ =	shalt  }
0x85: {  	_ =	shalt  }
0x86: {  	_ =	shalt  }
0x87: {  	_ =	shalt  }
.Lfunc_end0:
.L_simem_size_0:
called_computation_lowered:
.L_overlay_start_0:
0x88: {  	s2 =	sld [smem:$0x3FD9]  }
0x89: {  	s3 =	sld [smem:$0x3FFE];
	_ =	sdelay $0x1  }
0x8a: {  	s1 =	srdreg.scid  }
0x8b: {  	s0 =	sand.u32 $0x1, s1  }
0x8c: {  	s17 =	sshll.u32 s0, $0xA;
	s2 =	sadd.s32 s3, s2  }
0x8d: {  	s2 =	sadd.s32 s2, s17  }
0x8e: {  	[smem:$0x3FC2] =	sst s2  }
0x8f: {  	_ = 	snop  }
0x90: {  	s2 =	sld [smem:$0x3FC7];
	(tm) =	ssettm $0x1  }
0x91: {  	s18 =	sld [smem:$0x3FFB];
	_ =	sdelay $0x3  }
0x92: {  	_ =	strace s18  }
0x93: {  	s3 =	sld [smem:$0x3FFC];
	_ =	sdelay $0x3  }
0x94: {  	_ =	strace s3  }
0x95: {  	s3 =	sld [smem:$0x3FFD];
	_ =	sdelay $0x3  }
0x96: {  	_ =	strace s3  }
0x97: {  	_ =	strace $0x8FFFFFFF  }
0x98: {  	s19 =	sld [smem:$0x3FDB];
	_ =	sdelay $0x1  }
0x99: {  	s4 =	simm.s32 $_scs_section_size  }
0x9a: {  	s5 =	simm.s32 $_size__tile_overlayer_lowered;
	s6 =	simm.s32 $_tile_overlayer_lowered  }
0x9b: {  	s22 =	simm.s32 $0x1BFF;
	s21 =	sshll.u32 s6, $0x1;
	s3 =	sadd.s32 s4, s19  }
0x9c: {  	s7 =	simm.s32 $0x0;
	s20 =	sshll.u32 s5, $0x1;
	s5 =	sadd.s32 s21, s3  }
0x9d: {  	[timem:s7], [sflag:s22] =	dma.local [hbm:s5], s20  }
0x9e: {  	_ =	swait.ge [sflag:s22], s20  }
0x9f: {  	s4 =	ssub.s32 $0x0, s20;
	[sflag:s22] =	ssyncset.done $0x0  }
0xa0: {  	[sflag:s22] =	ssyncadd.s32 s4;
	_ =	sdelay $0x1  }
0xa1: {  	s23 =	simm.s32 $0x1B8B  }
0xa2: {  	_ =	swait.ge [sflag:s23], $0x1  }
0xa3: {  	[sflag:s23] =	ssyncset.done $0x0  }
0xa4: {  	s25 =	simm.s32 $0x1B8E;
	s24 =	sld [smem:$0x3FFE];
	[sflag:s23] =	ssyncadd.s32 $0xFFFFFFFF  }
0xa5: {  	s26 =	simm.s32 $execute0_lowered;
	[smem:$0x3FD2] =	sst s25  }
0xa6: {  	s5 =	sshll.u32 s26, $0x1;
	_ =	strace $0x80000046;
	[dreg:$0x1] =	wrdreg $0xFFFFFFFF  }
0xa7: {  	s28 =	simm.s32 $_size_execute0_lowered;
	s3 =	sadd.s32 s3, s5;
	[dreg:$0x0] =	wrdreg $0x0  }
0xa8: {  	s5 =	sshll.u32 s28, $0x1;
	[dreg:$0x2] =	wrdreg s3  }
0xa9: {  	[dreg:$0x3] =	wrdreg s5  }
0xaa: {  	[dreg:$0x4] =	wrdreg $0xC0  }
0xab: {  	_ =	task [dreg:s7], $0x5FFFF  }
0xac: {  	[dreg:$0x1] =	wrdreg $0xFFFFFFFF  }
0xad: {  	[dreg:$0x0] =	wrdreg $0x60  }
0xae: {  	[dreg:$0x2] =	wrdreg s24  }
0xaf: {  	[dreg:$0x3] =	wrdreg s2  }
0xb0: {  	[dreg:$0x4] =	wrdreg $0x16F300  }
0xb1: {  	[dreg:$0x5] =	wrdreg $0x9  }
0xb2: {  	_ =	task.clear_ibuf [dreg:s7], $0x6FFFF;
	_ =	strace $0x90000046  }
0xb3: {  	s29 =	simm.s32 $0x9;
	_ =	strace $0x80000048  }
0xb4: {  	_ =	swait.ge [sflag:s29], $0x1  }
0xb5: {  	[sflag:s29] =	ssyncadd.s32 $0xFFFFFFFF  }
0xb6: {  	_ =	strace $0x90000048  }
0xb7: {  	_ =	sfence  }
0xb8: {  	s30 =	sld [smem:$0x0];
	_ =	sdelay $0x2  }
0xb9: {  	s31 =	sshll.u32 s1, $0xD;
	s1 =	sshrl.u32 s1, $0x2  }
0xba: {  	s3 =	sand.u32 $0x4000, s31;
	s1 =	sadd.s32 s1, s30  }
0xbb: {  	s0 =	sor.u32 s3, s0;
	s1 =	sshll.u32 s1, $0x11  }
0xbc: {  	s0 =	sor.u32 s1, s0  }
0xbd: {  	s0 =	sadd.s32 $0x8F2B, s0  }
0xbe: {  	[sflag:s0] =	ssyncadd.remote.s32 $0x1  }
0xbf: {  	_ =	sfence.sel $0xFFFF  }
0xc0: {  	[dreg:$0x0] =	wrdreg $0xFFFFFFFF;
	(pc) =	sbr.abs _section_cstart, $3  }
0xc1: {  	[dreg:$0x1] =	wrdreg $0xFFFFFFFF  }
0xc2: {  	_ =	task.clear_ibuf [dreg:s7], $0x2FFFF;
	_ =	strace $0x9FFFFFFF  }
0xc3: {  	(tm) =	ssettm $0x7FFFFFFF  }
tec
execute0_lowered:
.L_overlay_start_1:
0x0: {  	(tag) =	ssettag $0x1  }
0x1: {  	s0 =	rddreg [dreg:$0x0]  }
0x2: {  	s1 =	srdreg.scid;
	s5 =	rddreg [dreg:$0x1]  }
0x3: {  	s11 =	stileid.u32;
	s2 =	rddreg [dreg:$0x2]  }
0x4: {  	s12 =	simm.s32 $0x4;
	s19 =	simm.s32 $0x50;
	s31 =	simm.s32 $0x3  }
0x5: {  	s20 =	simm.s32 $0x0;
	s15 =	simm.s32 $0x7D0;
	s21 =	simm.s32 $0x10B30  }
0x6: {  	s22 =	simm.s32 $0x11030;
	s23 =	simm.s32 $0x11530;
	s24 =	simm.s32 $0x11A30  }
0x7: {  	s28 =	simm.s32 $0x12430;
	s29 =	simm.s32 $0x12930;
	s1 =	sand.u32 $0x1, s1  }
0x8: {  	s3 =	sshll.u32 s11, $0x1;
	s8 =	smul.u32 $0x2710, s11;
	s25 =	sadd.s32 $0x600, s0  }
0x9: {  	s4 =	sor.u32 s1, s3;
	s3 =	simm.s32 $0x0;
	s6 =	smul.u32 $0x4E20, s1  }
0xa: {  	s1 =	ssub.s32 $0x2, s1;
	s7 =	smul.u32 $0x4E2, s4;
	[smem:$0x7FF] =	sst s3  }
0xb: {  	s10 =	sshrl.u32 s1, $0x1;
	s13 =	sshrl.u32 s8, $0x3;
	_ =	strace $0x80000047  }
0xc: {  	[dreg:$0xc] =	wrdreg s25;
	s1 =	ssub.s32 s1, s10;
	s5 =	sadd.s32 s5, s7  }
0xd: {  	s9 =	sadd.s32 s7, s0;
	s1 =	smax.u32 s1, $0x1;
	[dreg:$0x6] =	wrdreg s5  }
0xe: {  	s8 =	sadd.s32 s8, s2;
	s26 =	sadd.s32 $0x3B400, s9;
	[dreg:$0x8] =	wrdreg s1  }
0xf: {  	s0 =	sadd.s32 s6, s0;
	s30 =	sadd.s32 $0x31600, s9;
	[dreg:$0x5] =	wrdreg s26  }
0x10: {  	s6 =	sadd.s32 s13, s0;
	s1 =	sshrl.u32 s8, $0x3;
	[dreg:$0x7] =	wrdreg s30  }
0x11: {  	s0 =	sadd.s32 $0x45200, s0;
	s6 =	sadd.s32 $0x27800, s6;
	[dreg:$0xa] =	wrdreg s1  }
0x12: {  	s11 =	sshll.u32 s11, $0x6;
	s0 =	sadd.s32 s13, s0;
	[dreg:$0x4] =	wrdreg s6  }
0x13: {  	s4 =	simm.s32 $0x1;
	s6 =	sor.u32 $0x1C04, s11;
	[dreg:$0x9] =	wrdreg s0  }
0x14: {  	s26 =	simm.s32 $0x11F30;
	s11 =	simm.s32 $0xF230;
	[dreg:$0xb] =	wrdreg s6  }
.LBB2_1:
0x15: {  	s25 =	rddreg [dreg:$0x4]  }
0x16: {  	[spmem:s1], [sflag:s6] =	dma.local [hbm:s25], $0x4E2  }
0x17: {  	_ =	swait.ge [sflag:s12], $0x4E2  }
0x18: {  	[sflag:s12] =	ssyncset.done $0x0  }
0x19: {  	s16 =	rddreg [dreg:$0x5];
	[sflag:s12] =	ssyncadd.s32 $0xFFFFFB1E  }
0x1a: {  	[tilespmem:s3], [sflag:$0x4] =	stream.linear.gather [hbm4b:s16+s3], $0x2710, $0x38;
	[tilespmem:$0x19640] =	vst v63  }
0x1b: {  	_ =	swait.ge [sflag:s12], $0x2710  }
0x1c: {  	[sflag:s12] =	ssyncset.done $0x0  }
0x1d: {  	s30 =	simm.s32 $0x2710;
	s17 =	rddreg [dreg:$0x6];
	[sflag:s12] =	ssyncadd.s32 $0xFFFFD8F0  }
0x1e: {  	[tilespmem:s30], [sflag:$0x4] =	stream.linear.gather [hbm4b:s17+s3], $0x2710, $0x38;
	[tilespmem:$0x19640] =	vst v63  }
0x1f: {  	_ =	swait.ge [sflag:s12], $0x2710  }
0x20: {  	[sflag:s12] =	ssyncset.done $0x0  }
0x21: {  	s13 =	simm.s32 $0x4E20;
	s18 =	rddreg [dreg:$0x7];
	[sflag:s12] =	ssyncadd.s32 $0xFFFFD8F0  }
0x22: {  	[tilespmem:s13], [sflag:$0x4] =	stream.linear.gather [hbm4b:s18+s3], $0x2710, $0x38;
	[tilespmem:$0x19640] =	vst v63  }
0x23: {  	_ =	swait.ge [sflag:s12], $0x2710  }
0x24: {  	[sflag:s12] =	ssyncset.done $0x0  }
0x25: {  	s25 =	simm.s32 $0x0;
	s30 =	simm.s32 $0x40;
	[sflag:s12] =	ssyncadd.s32 $0xFFFFD8F0  }
.LBB2_2:
0x26: {  	p0 =	sne.s32 s30, $0x9C00;
	v0 =	vld [tilespmem:s25+$0x0]  }
0x27: {  	v1 =	vld [tilespmem:s25+$0x2710];
	_ =	sdelay $0x1  }
.Ltmp0:
0x28: {  	(pc) =	sbr.rel @p0 .LBB2_2-.Ltmp0, $4  }
0x29: {  	_ = 	snop  }
0x2a: {  	v0 =	vshll.u32 v0, $0x3  }
0x2b: {  	v0 =	vadd.s32 v1, v0  }
0x2c: {  	[tilespmem:s25+$0x0] =	vst v0;
	s25 =	sshra.s32 s30, $0x2;
	s30 =	sadd.s32 $0x40, s30  }
0x2d: {  	v0 =	vld [tilespmem:s25+$0x0]  }
0x2e: {  	v1 =	vld [tilespmem:s25+$0x2710];
	_ =	sdelay $0x3  }
0x2f: {  	v0 =	vshll.u32 v0, $0x3  }
0x30: {  	v0 =	vadd.s32 v1, v0  }
0x31: {  	[tilespmem:s25+$0x0] =	vst v0  }
0x32: {  	[bflag:$0x0] =	sbarrier.arrive $0xFFFF  }
0x33: {  	s1 =	simm.s32 $0x7530;
	s0 =	rddreg [dreg:$0xc]  }
0x34: {  	[tilespmem:s1], [sflag:$0x1] =	stream.indirect.gather [hbm4b:s0+s15], $0x10, s3, s15, $0xb8;
	[tilespmem:$0x19640] =	vst v63  }
0x35: {  	_ = 	snop  }
0x36: {  	[tilespmem:s11], [sflag:$0x2] =	stream.indirect.gather [hbm4b:s0+s15], $0x10, s15, s15, $0xb8;
	[tilespmem:$0x19640] =	vst v63  }
0x37: {  	_ =	swait.ge [sflag:s4], $0x7D00  }
0x38: {  	[sflag:s4] =	ssyncset.done $0x0  }
0x39: {  	s13 =	simm.s32 $0x4E20;
	[sflag:s4] =	ssyncadd.s32 $0xFFFF8300  }
0x3a: {  	[spmem:s2] =	stream.indirect.scatter.add.f32 [tilespmem:s1], [sflag:$0x3], $0x10, s13, s19, $0xb8;
	[tilespmem:$0x19640] =	vst v63  }
0x3b: {  	s9 =	simm.s32 $0x4E70;
	s10 =	simm.s32 $0x7A30  }
0x3c: {  	[spmem:s2] =	stream.indirect.scatter.add.f32 [tilespmem:s10], [sflag:$0x3], $0x10, s9, s19, $0xb8;
	[tilespmem:$0x19640] =	vst v63  }
0x3d: {  	s14 =	simm.s32 $0x4EC0;
	s16 =	simm.s32 $0x7F30  }
0x3e: {  	[spmem:s2] =	stream.indirect.scatter.add.f32 [tilespmem:s16], [sflag:$0x3], $0x10, s14, s19, $0xb8;
	[tilespmem:$0x19640] =	vst v63  }
0x3f: {  	s17 =	simm.s32 $0x4F10;
	s18 =	simm.s32 $0x8430  }
0x40: {  	[spmem:s2] =	stream.indirect.scatter.add.f32 [tilespmem:s18], [sflag:$0x3], $0x10, s17, s19, $0xb8;
	[tilespmem:$0x19640] =	vst v63  }
0x41: {  	s30 =	simm.s32 $0x8930;
	s25 =	simm.s32 $0x4F60  }
0x42: {  	[spmem:s2] =	stream.indirect.scatter.add.f32 [tilespmem:s30], [sflag:$0x3], $0x10, s25, s19, $0xb8;
	[tilespmem:$0x19640] =	vst v63  }
0x43: {  	s5 =	simm.s32 $0x4FB0;
	s6 =	simm.s32 $0x8E30  }
0x44: {  	[spmem:s2] =	stream.indirect.scatter.add.f32 [tilespmem:s6], [sflag:$0x3], $0x10, s5, s19, $0xb8;
	[tilespmem:$0x19640] =	vst v63  }
0x45: {  	s7 =	simm.s32 $0x5000;
	s8 =	simm.s32 $0x9330  }
0x46: {  	[spmem:s2] =	stream.indirect.scatter.add.f32 [tilespmem:s8], [sflag:$0x3], $0x10, s7, s19, $0xb8;
	[tilespmem:$0x19640] =	vst v63  }
0x47: {  	s9 =	simm.s32 $0x5050;
	s10 =	simm.s32 $0x9830  }
0x48: {  	[spmem:s2] =	stream.indirect.scatter.add.f32 [tilespmem:s10], [sflag:$0x3], $0x10, s9, s19, $0xb8;
	[tilespmem:$0x19640] =	vst v63  }
0x49: {  	s14 =	simm.s32 $0x50A0;
	s16 =	simm.s32 $0x9D30  }
0x4a: {  	[spmem:s2] =	stream.indirect.scatter.add.f32 [tilespmem:s16], [sflag:$0x3], $0x10, s14, s19, $0xb8;
	[tilespmem:$0x19640] =	vst v63  }
0x4b: {  	s17 =	simm.s32 $0x50F0;
	s18 =	simm.s32 $0xA230  }
0x4c: {  	[spmem:s2] =	stream.indirect.scatter.add.f32 [tilespmem:s18], [sflag:$0x3], $0x10, s17, s19, $0xb8;
	[tilespmem:$0x19640] =	vst v63  }
0x4d: {  	s25 =	simm.s32 $0x5140;
	s30 =	simm.s32 $0xA730  }
0x4e: {  	[spmem:s2] =	stream.indirect.scatter.add.f32 [tilespmem:s30], [sflag:$0x3], $0x10, s25, s19, $0xb8;
	[tilespmem:$0x19640] =	vst v63  }
0x4f: {  	s5 =	simm.s32 $0x5190;
	s6 =	simm.s32 $0xAC30  }
0x50: {  	[spmem:s2] =	stream.indirect.scatter.add.f32 [tilespmem:s6], [sflag:$0x3], $0x10, s5, s19, $0xb8;
	[tilespmem:$0x19640] =	vst v63  }
0x51: {  	s7 =	simm.s32 $0x51E0;
	s8 =	simm.s32 $0xB130  }
0x52: {  	[spmem:s2] =	stream.indirect.scatter.add.f32 [tilespmem:s8], [sflag:$0x3], $0x10, s7, s19, $0xb8;
	[tilespmem:$0x19640] =	vst v63  }
0x53: {  	s9 =	simm.s32 $0x5230;
	s10 =	simm.s32 $0xB630  }
0x54: {  	[spmem:s2] =	stream.indirect.scatter.add.f32 [tilespmem:s10], [sflag:$0x3], $0x10, s9, s19, $0xb8;
	[tilespmem:$0x19640] =	vst v63  }
0x55: {  	s14 =	simm.s32 $0x5280;
	s16 =	simm.s32 $0xBB30  }
0x56: {  	[spmem:s2] =	stream.indirect.scatter.add.f32 [tilespmem:s16], [sflag:$0x3], $0x10, s14, s19, $0xb8;
	[tilespmem:$0x19640] =	vst v63  }
0x57: {  	s17 =	simm.s32 $0x52D0;
	s18 =	simm.s32 $0xC030  }
0x58: {  	[spmem:s2] =	stream.indirect.scatter.add.f32 [tilespmem:s18], [sflag:$0x3], $0x10, s17, s19, $0xb8;
	[tilespmem:$0x19640] =	vst v63  }
0x59: {  	s25 =	simm.s32 $0x5320;
	s30 =	simm.s32 $0xC530  }
0x5a: {  	[spmem:s2] =	stream.indirect.scatter.add.f32 [tilespmem:s30], [sflag:$0x3], $0x10, s25, s19, $0xb8;
	[tilespmem:$0x19640] =	vst v63  }
0x5b: {  	s3 =	simm.s32 $0x5370;
	s5 =	simm.s32 $0xCA30  }
0x5c: {  	[spmem:s2] =	stream.indirect.scatter.add.f32 [tilespmem:s5], [sflag:$0x3], $0x10, s3, s19, $0xb8;
	[tilespmem:$0x19640] =	vst v63  }
0x5d: {  	s6 =	simm.s32 $0x53C0;
	s7 =	simm.s32 $0xCF30  }
0x5e: {  	[spmem:s2] =	stream.indirect.scatter.add.f32 [tilespmem:s7], [sflag:$0x3], $0x10, s6, s19, $0xb8;
	[tilespmem:$0x19640] =	vst v63  }
0x5f: {  	s8 =	simm.s32 $0x5410;
	s9 =	simm.s32 $0xD430  }
0x60: {  	[spmem:s2] =	stream.indirect.scatter.add.f32 [tilespmem:s9], [sflag:$0x3], $0x10, s8, s19, $0xb8;
	[tilespmem:$0x19640] =	vst v63  }
0x61: {  	s10 =	simm.s32 $0x5460;
	s14 =	simm.s32 $0xD930  }
0x62: {  	[spmem:s2] =	stream.indirect.scatter.add.f32 [tilespmem:s14], [sflag:$0x3], $0x10, s10, s19, $0xb8;
	[tilespmem:$0x19640] =	vst v63  }
0x63: {  	s16 =	simm.s32 $0x54B0;
	s18 =	simm.s32 $0xDE30  }
0x64: {  	[spmem:s2] =	stream.indirect.scatter.add.f32 [tilespmem:s18], [sflag:$0x3], $0x10, s16, s19, $0xb8;
	[tilespmem:$0x19640] =	vst v63  }
0x65: {  	s25 =	simm.s32 $0x5500;
	s30 =	simm.s32 $0xE330  }
0x66: {  	[spmem:s2] =	stream.indirect.scatter.add.f32 [tilespmem:s30], [sflag:$0x3], $0x10, s25, s19, $0xb8;
	[tilespmem:$0x19640] =	vst v63  }
0x67: {  	s5 =	simm.s32 $0x5550;
	s6 =	simm.s32 $0xE830  }
0x68: {  	[spmem:s2] =	stream.indirect.scatter.add.f32 [tilespmem:s6], [sflag:$0x3], $0x10, s5, s19, $0xb8;
	[tilespmem:$0x19640] =	vst v63  }
0x69: {  	s7 =	simm.s32 $0x55A0;
	s8 =	simm.s32 $0xED30  }
0x6a: {  	[spmem:s2] =	stream.indirect.scatter.add.f32 [tilespmem:s8], [sflag:$0x3], $0x10, s7, s19, $0xb8;
	[tilespmem:$0x19640] =	vst v63  }
0x6b: {  	_ =	swait.ge [sflag:s31], $0x500  }
0x6c: {  	[sflag:s31] =	ssyncset.done $0x0  }
0x6d: {  	[sflag:s31] =	ssyncadd.s32 $0xFFFFFB00  }
0x6e: {  	_ =	swait.ge [sflag:s31], $0x500  }
0x6f: {  	[sflag:s31] =	ssyncset.done $0x0  }
0x70: {  	[sflag:s31] =	ssyncadd.s32 $0xFFFFFB00  }
0x71: {  	_ =	swait.ge [sflag:s31], $0x500  }
0x72: {  	[sflag:s31] =	ssyncset.done $0x0  }
0x73: {  	[sflag:s31] =	ssyncadd.s32 $0xFFFFFB00  }
0x74: {  	_ =	swait.ge [sflag:s31], $0x500  }
0x75: {  	[sflag:s31] =	ssyncset.done $0x0  }
0x76: {  	[sflag:s31] =	ssyncadd.s32 $0xFFFFFB00  }
0x77: {  	_ =	swait.ge [sflag:s31], $0x500  }
0x78: {  	[sflag:s31] =	ssyncset.done $0x0  }
0x79: {  	[sflag:s31] =	ssyncadd.s32 $0xFFFFFB00  }
0x7a: {  	_ =	swait.ge [sflag:s31], $0x500  }
0x7b: {  	[sflag:s31] =	ssyncset.done $0x0  }
0x7c: {  	[sflag:s31] =	ssyncadd.s32 $0xFFFFFB00  }
0x7d: {  	_ =	swait.ge [sflag:s31], $0x500  }
0x7e: {  	[sflag:s31] =	ssyncset.done $0x0  }
0x7f: {  	[sflag:s31] =	ssyncadd.s32 $0xFFFFFB00  }
0x80: {  	_ =	swait.ge [sflag:s31], $0x500  }
0x81: {  	[sflag:s31] =	ssyncset.done $0x0  }
0x82: {  	[sflag:s31] =	ssyncadd.s32 $0xFFFFFB00  }
0x83: {  	_ =	swait.ge [sflag:s31], $0x500  }
0x84: {  	[sflag:s31] =	ssyncset.done $0x0  }
0x85: {  	[sflag:s31] =	ssyncadd.s32 $0xFFFFFB00  }
0x86: {  	_ =	swait.ge [sflag:s31], $0x500  }
0x87: {  	[sflag:s31] =	ssyncset.done $0x0  }
0x88: {  	[sflag:s31] =	ssyncadd.s32 $0xFFFFFB00  }
0x89: {  	_ =	swait.ge [sflag:s31], $0x500  }
0x8a: {  	[sflag:s31] =	ssyncset.done $0x0  }
0x8b: {  	[sflag:s31] =	ssyncadd.s32 $0xFFFFFB00  }
0x8c: {  	_ =	swait.ge [sflag:s31], $0x500  }
0x8d: {  	[sflag:s31] =	ssyncset.done $0x0  }
0x8e: {  	[sflag:s31] =	ssyncadd.s32 $0xFFFFFB00  }
0x8f: {  	_ =	swait.ge [sflag:s31], $0x500  }
0x90: {  	[sflag:s31] =	ssyncset.done $0x0  }
0x91: {  	[sflag:s31] =	ssyncadd.s32 $0xFFFFFB00  }
0x92: {  	_ =	swait.ge [sflag:s31], $0x500  }
0x93: {  	[sflag:s31] =	ssyncset.done $0x0  }
0x94: {  	[sflag:s31] =	ssyncadd.s32 $0xFFFFFB00  }
0x95: {  	_ =	swait.ge [sflag:s31], $0x500  }
0x96: {  	[sflag:s31] =	ssyncset.done $0x0  }
0x97: {  	[sflag:s31] =	ssyncadd.s32 $0xFFFFFB00  }
0x98: {  	_ =	swait.ge [sflag:s31], $0x500  }
0x99: {  	[sflag:s31] =	ssyncset.done $0x0  }
0x9a: {  	[sflag:s31] =	ssyncadd.s32 $0xFFFFFB00  }
0x9b: {  	_ =	swait.ge [sflag:s31], $0x500  }
0x9c: {  	[sflag:s31] =	ssyncset.done $0x0  }
0x9d: {  	[sflag:s31] =	ssyncadd.s32 $0xFFFFFB00  }
0x9e: {  	_ =	swait.ge [sflag:s31], $0x500  }
0x9f: {  	[sflag:s31] =	ssyncset.done $0x0  }
0xa0: {  	[sflag:s31] =	ssyncadd.s32 $0xFFFFFB00  }
0xa1: {  	_ =	swait.ge [sflag:s31], $0x500  }
0xa2: {  	[sflag:s31] =	ssyncset.done $0x0  }
0xa3: {  	[sflag:s31] =	ssyncadd.s32 $0xFFFFFB00  }
0xa4: {  	_ =	swait.ge [sflag:s31], $0x500  }
0xa5: {  	[sflag:s31] =	ssyncset.done $0x0  }
0xa6: {  	[sflag:s31] =	ssyncadd.s32 $0xFFFFFB00  }
0xa7: {  	_ =	swait.ge [sflag:s31], $0x500  }
0xa8: {  	[sflag:s31] =	ssyncset.done $0x0  }
0xa9: {  	[sflag:s31] =	ssyncadd.s32 $0xFFFFFB00  }
0xaa: {  	_ =	swait.ge [sflag:s31], $0x500  }
0xab: {  	[sflag:s31] =	ssyncset.done $0x0  }
0xac: {  	[sflag:s31] =	ssyncadd.s32 $0xFFFFFB00  }
0xad: {  	_ =	swait.ge [sflag:s31], $0x500  }
0xae: {  	[sflag:s31] =	ssyncset.done $0x0  }
0xaf: {  	[sflag:s31] =	ssyncadd.s32 $0xFFFFFB00  }
0xb0: {  	_ =	swait.ge [sflag:s31], $0x500  }
0xb1: {  	[sflag:s31] =	ssyncset.done $0x0  }
0xb2: {  	[sflag:s31] =	ssyncadd.s32 $0xFFFFFB00  }
0xb3: {  	_ =	swait.ge [sflag:s31], $0x500  }
0xb4: {  	[sflag:s31] =	ssyncset.done $0x0  }
0xb5: {  	s13 =	simm.s32 $0x2;
	s9 =	simm.s32 $0xFA0;
	[sflag:s31] =	ssyncadd.s32 $0xFFFFFB00  }
0xb6: {  	[tilespmem:s1], [sflag:$0x1] =	stream.indirect.gather [hbm4b:s0+s15], $0x10, s9, s15, $0xb8;
	[tilespmem:$0x19640] =	vst v63  }
0xb7: {  	_ =	swait.ge [sflag:s13], $0x7D00  }
0xb8: {  	[sflag:s13] =	ssyncset.done $0x0  }
0xb9: {  	s10 =	simm.s32 $0x55F0;
	[sflag:s13] =	ssyncadd.s32 $0xFFFF8300  }
0xba: {  	[spmem:s2] =	stream.indirect.scatter.add.f32 [tilespmem:s11], [sflag:$0x3], $0x10, s10, s19, $0xb8;
	[tilespmem:$0x19640] =	vst v63  }
0xbb: {  	s14 =	simm.s32 $0x5640;
	s5 =	simm.s32 $0xF730  }
0xbc: {  	[spmem:s2] =	stream.indirect.scatter.add.f32 [tilespmem:s5], [sflag:$0x3], $0x10, s14, s19, $0xb8;
	[tilespmem:$0x19640] =	vst v63  }
0xbd: {  	s16 =	simm.s32 $0x5690;
	s18 =	simm.s32 $0xFC30  }
0xbe: {  	[spmem:s2] =	stream.indirect.scatter.add.f32 [tilespmem:s18], [sflag:$0x3], $0x10, s16, s19, $0xb8;
	[tilespmem:$0x19640] =	vst v63  }
0xbf: {  	s25 =	simm.s32 $0x56E0;
	s30 =	simm.s32 $0x10130  }
0xc0: {  	[spmem:s2] =	stream.indirect.scatter.add.f32 [tilespmem:s30], [sflag:$0x3], $0x10, s25, s19, $0xb8;
	[tilespmem:$0x19640] =	vst v63  }
0xc1: {  	s6 =	simm.s32 $0x10630;
	s5 =	simm.s32 $0x5730  }
0xc2: {  	[spmem:s2] =	stream.indirect.scatter.add.f32 [tilespmem:s6], [sflag:$0x3], $0x10, s5, s19, $0xb8;
	[tilespmem:$0x19640] =	vst v63  }
0xc3: {  	s7 =	simm.s32 $0x5780  }
0xc4: {  	[spmem:s2] =	stream.indirect.scatter.add.f32 [tilespmem:s21], [sflag:$0x3], $0x10, s7, s19, $0xb8;
	[tilespmem:$0x19640] =	vst v63  }
0xc5: {  	s8 =	simm.s32 $0x57D0  }
0xc6: {  	[spmem:s2] =	stream.indirect.scatter.add.f32 [tilespmem:s22], [sflag:$0x3], $0x10, s8, s19, $0xb8;
	[tilespmem:$0x19640] =	vst v63  }
0xc7: {  	s9 =	simm.s32 $0x5820  }
0xc8: {  	[spmem:s2] =	stream.indirect.scatter.add.f32 [tilespmem:s23], [sflag:$0x3], $0x10, s9, s19, $0xb8;
	[tilespmem:$0x19640] =	vst v63  }
0xc9: {  	s10 =	simm.s32 $0x5870  }
0xca: {  	[spmem:s2] =	stream.indirect.scatter.add.f32 [tilespmem:s24], [sflag:$0x3], $0x10, s10, s19, $0xb8;
	[tilespmem:$0x19640] =	vst v63  }
0xcb: {  	s14 =	simm.s32 $0x58C0  }
0xcc: {  	[spmem:s2] =	stream.indirect.scatter.add.f32 [tilespmem:s26], [sflag:$0x3], $0x10, s14, s19, $0xb8;
	[tilespmem:$0x19640] =	vst v63  }
0xcd: {  	s16 =	simm.s32 $0x5910  }
0xce: {  	[spmem:s2] =	stream.indirect.scatter.add.f32 [tilespmem:s28], [sflag:$0x3], $0x10, s16, s19, $0xb8;
	[tilespmem:$0x19640] =	vst v63  }
0xcf: {  	s18 =	simm.s32 $0x5960  }
0xd0: {  	[spmem:s2] =	stream.indirect.scatter.add.f32 [tilespmem:s29], [sflag:$0x3], $0x10, s18, s19, $0xb8;
	[tilespmem:$0x19640] =	vst v63  }
0xd1: {  	s25 =	simm.s32 $0x59B0;
	s30 =	simm.s32 $0x12E30  }
0xd2: {  	[spmem:s2] =	stream.indirect.scatter.add.f32 [tilespmem:s30], [sflag:$0x3], $0x10, s25, s19, $0xb8;
	[tilespmem:$0x19640] =	vst v63  }
0xd3: {  	s6 =	simm.s32 $0x5A00;
	s7 =	simm.s32 $0x13330  }
0xd4: {  	[spmem:s2] =	stream.indirect.scatter.add.f32 [tilespmem:s7], [sflag:$0x3], $0x10, s6, s19, $0xb8;
	[tilespmem:$0x19640] =	vst v63  }
0xd5: {  	s8 =	simm.s32 $0x5A50;
	s9 =	simm.s32 $0x13830  }
0xd6: {  	[spmem:s2] =	stream.indirect.scatter.add.f32 [tilespmem:s9], [sflag:$0x3], $0x10, s8, s19, $0xb8;
	[tilespmem:$0x19640] =	vst v63  }
0xd7: {  	s10 =	simm.s32 $0x5AA0;
	s14 =	simm.s32 $0x13D30  }
0xd8: {  	[spmem:s2] =	stream.indirect.scatter.add.f32 [tilespmem:s14], [sflag:$0x3], $0x10, s10, s19, $0xb8;
	[tilespmem:$0x19640] =	vst v63  }
0xd9: {  	s16 =	simm.s32 $0x5AF0;
	s18 =	simm.s32 $0x14230  }
0xda: {  	[spmem:s2] =	stream.indirect.scatter.add.f32 [tilespmem:s18], [sflag:$0x3], $0x10, s16, s19, $0xb8;
	[tilespmem:$0x19640] =	vst v63  }
0xdb: {  	s25 =	simm.s32 $0x5B40;
	s30 =	simm.s32 $0x14730  }
0xdc: {  	[spmem:s2] =	stream.indirect.scatter.add.f32 [tilespmem:s30], [sflag:$0x3], $0x10, s25, s19, $0xb8;
	[tilespmem:$0x19640] =	vst v63  }
0xdd: {  	s6 =	simm.s32 $0x5B90;
	s25 =	simm.s32 $0x14C30  }
0xde: {  	[spmem:s2] =	stream.indirect.scatter.add.f32 [tilespmem:s25], [sflag:$0x3], $0x10, s6, s19, $0xb8;
	[tilespmem:$0x19640] =	vst v63  }
0xdf: {  	s7 =	simm.s32 $0x5BE0;
	s30 =	simm.s32 $0x15130  }
0xe0: {  	[spmem:s2] =	stream.indirect.scatter.add.f32 [tilespmem:s30], [sflag:$0x3], $0x10, s7, s19, $0xb8;
	[tilespmem:$0x19640] =	vst v63  }
0xe1: {  	s8 =	simm.s32 $0x5C30;
	s9 =	simm.s32 $0x15630  }
0xe2: {  	[spmem:s2] =	stream.indirect.scatter.add.f32 [tilespmem:s9], [sflag:$0x3], $0x10, s8, s19, $0xb8;
	[tilespmem:$0x19640] =	vst v63  }
0xe3: {  	s10 =	simm.s32 $0x5C80;
	s14 =	simm.s32 $0x15B30  }
0xe4: {  	[spmem:s2] =	stream.indirect.scatter.add.f32 [tilespmem:s14], [sflag:$0x3], $0x10, s10, s19, $0xb8;
	[tilespmem:$0x19640] =	vst v63  }
0xe5: {  	s16 =	simm.s32 $0x5CD0;
	s18 =	simm.s32 $0x16030  }
0xe6: {  	[spmem:s2] =	stream.indirect.scatter.add.f32 [tilespmem:s18], [sflag:$0x3], $0x10, s16, s19, $0xb8;
	[tilespmem:$0x19640] =	vst v63  }
0xe7: {  	s6 =	simm.s32 $0x5D20;
	s7 =	simm.s32 $0x16530  }
0xe8: {  	[spmem:s2] =	stream.indirect.scatter.add.f32 [tilespmem:s7], [sflag:$0x3], $0x10, s6, s19, $0xb8;
	[tilespmem:$0x19640] =	vst v63  }
0xe9: {  	s8 =	simm.s32 $0x5D70;
	s9 =	simm.s32 $0x16A30  }
0xea: {  	[spmem:s2] =	stream.indirect.scatter.add.f32 [tilespmem:s9], [sflag:$0x3], $0x10, s8, s19, $0xb8;
	[tilespmem:$0x19640] =	vst v63  }
0xeb: {  	_ =	swait.ge [sflag:s31], $0x500  }
0xec: {  	[sflag:s31] =	ssyncset.done $0x0  }
0xed: {  	[sflag:s31] =	ssyncadd.s32 $0xFFFFFB00  }
0xee: {  	_ =	swait.ge [sflag:s31], $0x500  }
0xef: {  	[sflag:s31] =	ssyncset.done $0x0  }
0xf0: {  	[sflag:s31] =	ssyncadd.s32 $0xFFFFFB00  }
0xf1: {  	_ =	swait.ge [sflag:s31], $0x500  }
0xf2: {  	[sflag:s31] =	ssyncset.done $0x0  }
0xf3: {  	[sflag:s31] =	ssyncadd.s32 $0xFFFFFB00  }
0xf4: {  	_ =	swait.ge [sflag:s31], $0x500  }
0xf5: {  	[sflag:s31] =	ssyncset.done $0x0  }
0xf6: {  	[sflag:s31] =	ssyncadd.s32 $0xFFFFFB00  }
0xf7: {  	_ =	swait.ge [sflag:s31], $0x500  }
0xf8: {  	[sflag:s31] =	ssyncset.done $0x0  }
0xf9: {  	[sflag:s31] =	ssyncadd.s32 $0xFFFFFB00  }
0xfa: {  	_ =	swait.ge [sflag:s31], $0x500  }
0xfb: {  	[sflag:s31] =	ssyncset.done $0x0  }
0xfc: {  	[sflag:s31] =	ssyncadd.s32 $0xFFFFFB00  }
0xfd: {  	_ =	swait.ge [sflag:s31], $0x500  }
0xfe: {  	[sflag:s31] =	ssyncset.done $0x0  }
0xff: {  	[sflag:s31] =	ssyncadd.s32 $0xFFFFFB00  }
0x100: {  	_ =	swait.ge [sflag:s31], $0x500  }
0x101: {  	[sflag:s31] =	ssyncset.done $0x0  }
0x102: {  	[sflag:s31] =	ssyncadd.s32 $0xFFFFFB00  }
0x103: {  	_ =	swait.ge [sflag:s31], $0x500  }
0x104: {  	[sflag:s31] =	ssyncset.done $0x0  }
0x105: {  	[sflag:s31] =	ssyncadd.s32 $0xFFFFFB00  }
0x106: {  	_ =	swait.ge [sflag:s31], $0x500  }
0x107: {  	[sflag:s31] =	ssyncset.done $0x0  }
0x108: {  	[sflag:s31] =	ssyncadd.s32 $0xFFFFFB00  }
0x109: {  	_ =	swait.ge [sflag:s31], $0x500  }
0x10a: {  	[sflag:s31] =	ssyncset.done $0x0  }
0x10b: {  	[sflag:s31] =	ssyncadd.s32 $0xFFFFFB00  }
0x10c: {  	_ =	swait.ge [sflag:s31], $0x500  }
0x10d: {  	[sflag:s31] =	ssyncset.done $0x0  }
0x10e: {  	[sflag:s31] =	ssyncadd.s32 $0xFFFFFB00  }
0x10f: {  	_ =	swait.ge [sflag:s31], $0x500  }
0x110: {  	[sflag:s31] =	ssyncset.done $0x0  }
0x111: {  	[sflag:s31] =	ssyncadd.s32 $0xFFFFFB00  }
0x112: {  	_ =	swait.ge [sflag:s31], $0x500  }
0x113: {  	[sflag:s31] =	ssyncset.done $0x0  }
0x114: {  	[sflag:s31] =	ssyncadd.s32 $0xFFFFFB00  }
0x115: {  	_ =	swait.ge [sflag:s31], $0x500  }
0x116: {  	[sflag:s31] =	ssyncset.done $0x0  }
0x117: {  	[sflag:s31] =	ssyncadd.s32 $0xFFFFFB00  }
0x118: {  	_ =	swait.ge [sflag:s31], $0x500  }
0x119: {  	[sflag:s31] =	ssyncset.done $0x0  }
0x11a: {  	[sflag:s31] =	ssyncadd.s32 $0xFFFFFB00  }
0x11b: {  	_ =	swait.ge [sflag:s31], $0x500  }
0x11c: {  	[sflag:s31] =	ssyncset.done $0x0  }
0x11d: {  	[sflag:s31] =	ssyncadd.s32 $0xFFFFFB00  }
0x11e: {  	_ =	swait.ge [sflag:s31], $0x500  }
0x11f: {  	[sflag:s31] =	ssyncset.done $0x0  }
0x120: {  	[sflag:s31] =	ssyncadd.s32 $0xFFFFFB00  }
0x121: {  	_ =	swait.ge [sflag:s31], $0x500  }
0x122: {  	[sflag:s31] =	ssyncset.done $0x0  }
0x123: {  	[sflag:s31] =	ssyncadd.s32 $0xFFFFFB00  }
0x124: {  	_ =	swait.ge [sflag:s31], $0x500  }
0x125: {  	[sflag:s31] =	ssyncset.done $0x0  }
0x126: {  	[sflag:s31] =	ssyncadd.s32 $0xFFFFFB00  }
0x127: {  	_ =	swait.ge [sflag:s31], $0x500  }
0x128: {  	[sflag:s31] =	ssyncset.done $0x0  }
0x129: {  	[sflag:s31] =	ssyncadd.s32 $0xFFFFFB00  }
0x12a: {  	_ =	swait.ge [sflag:s31], $0x500  }
0x12b: {  	[sflag:s31] =	ssyncset.done $0x0  }
0x12c: {  	[sflag:s31] =	ssyncadd.s32 $0xFFFFFB00  }
0x12d: {  	_ =	swait.ge [sflag:s31], $0x500  }
0x12e: {  	[sflag:s31] =	ssyncset.done $0x0  }
0x12f: {  	[sflag:s31] =	ssyncadd.s32 $0xFFFFFB00  }
0x130: {  	_ =	swait.ge [sflag:s31], $0x500  }
0x131: {  	[sflag:s31] =	ssyncset.done $0x0  }
0x132: {  	[sflag:s31] =	ssyncadd.s32 $0xFFFFFB00  }
0x133: {  	_ =	swait.ge [sflag:s31], $0x500  }
0x134: {  	[sflag:s31] =	ssyncset.done $0x0  }
0x135: {  	s10 =	simm.s32 $0x1770;
	[sflag:s31] =	ssyncadd.s32 $0xFFFFFB00  }
0x136: {  	[tilespmem:s11], [sflag:$0x2] =	stream.indirect.gather [hbm4b:s0+s15], $0x10, s10, s15, $0xb8;
	[tilespmem:$0x19640] =	vst v63  }
0x137: {  	_ =	swait.ge [sflag:s4], $0x7D00  }
0x138: {  	[sflag:s4] =	ssyncset.done $0x0  }
0x139: {  	s14 =	simm.s32 $0x5DC0;
	[sflag:s4] =	ssyncadd.s32 $0xFFFF8300  }
0x13a: {  	[spmem:s2] =	stream.indirect.scatter.add.f32 [tilespmem:s1], [sflag:$0x3], $0x10, s14, s19, $0xb8;
	[tilespmem:$0x19640] =	vst v63  }
0x13b: {  	s16 =	simm.s32 $0x5E10;
	s18 =	simm.s32 $0x7A30  }
0x13c: {  	[spmem:s2] =	stream.indirect.scatter.add.f32 [tilespmem:s18], [sflag:$0x3], $0x10, s16, s19, $0xb8;
	[tilespmem:$0x19640] =	vst v63  }
0x13d: {  	s5 =	simm.s32 $0x7F30;
	s6 =	simm.s32 $0x5E60  }
0x13e: {  	[spmem:s2] =	stream.indirect.scatter.add.f32 [tilespmem:s5], [sflag:$0x3], $0x10, s6, s19, $0xb8;
	[tilespmem:$0x19640] =	vst v63  }
0x13f: {  	s7 =	simm.s32 $0x5EB0;
	s6 =	simm.s32 $0x8430  }
0x140: {  	[spmem:s2] =	stream.indirect.scatter.add.f32 [tilespmem:s6], [sflag:$0x3], $0x10, s7, s19, $0xb8;
	[tilespmem:$0x19640] =	vst v63  }
0x141: {  	s8 =	simm.s32 $0x5F00;
	s6 =	simm.s32 $0x8930  }
0x142: {  	[spmem:s2] =	stream.indirect.scatter.add.f32 [tilespmem:s6], [sflag:$0x3], $0x10, s8, s19, $0xb8;
	[tilespmem:$0x19640] =	vst v63  }
0x143: {  	s9 =	simm.s32 $0x5F50;
	s7 =	simm.s32 $0x8E30  }
0x144: {  	[spmem:s2] =	stream.indirect.scatter.add.f32 [tilespmem:s7], [sflag:$0x3], $0x10, s9, s19, $0xb8;
	[tilespmem:$0x19640] =	vst v63  }
0x145: {  	s10 =	simm.s32 $0x5FA0;
	s7 =	simm.s32 $0x9330  }
0x146: {  	[spmem:s2] =	stream.indirect.scatter.add.f32 [tilespmem:s7], [sflag:$0x3], $0x10, s10, s19, $0xb8;
	[tilespmem:$0x19640] =	vst v63  }
0x147: {  	s14 =	simm.s32 $0x5FF0;
	s8 =	simm.s32 $0x9830  }
0x148: {  	[spmem:s2] =	stream.indirect.scatter.add.f32 [tilespmem:s8], [sflag:$0x3], $0x10, s14, s19, $0xb8;
	[tilespmem:$0x19640] =	vst v63  }
0x149: {  	s16 =	simm.s32 $0x6040;
	s8 =	simm.s32 $0x9D30  }
0x14a: {  	[spmem:s2] =	stream.indirect.scatter.add.f32 [tilespmem:s8], [sflag:$0x3], $0x10, s16, s19, $0xb8;
	[tilespmem:$0x19640] =	vst v63  }
0x14b: {  	s18 =	simm.s32 $0x6090;
	s9 =	simm.s32 $0xA230  }
0x14c: {  	[spmem:s2] =	stream.indirect.scatter.add.f32 [tilespmem:s9], [sflag:$0x3], $0x10, s18, s19, $0xb8;
	[tilespmem:$0x19640] =	vst v63  }
0x14d: {  	s10 =	simm.s32 $0x60E0;
	s9 =	simm.s32 $0xA730  }
0x14e: {  	[spmem:s2] =	stream.indirect.scatter.add.f32 [tilespmem:s9], [sflag:$0x3], $0x10, s10, s19, $0xb8;
	[tilespmem:$0x19640] =	vst v63  }
0x14f: {  	s14 =	simm.s32 $0x6130;
	s10 =	simm.s32 $0xAC30  }
0x150: {  	[spmem:s2] =	stream.indirect.scatter.add.f32 [tilespmem:s10], [sflag:$0x3], $0x10, s14, s19, $0xb8;
	[tilespmem:$0x19640] =	vst v63  }
0x151: {  	s16 =	simm.s32 $0x6180;
	s10 =	simm.s32 $0xB130  }
0x152: {  	[spmem:s2] =	stream.indirect.scatter.add.f32 [tilespmem:s10], [sflag:$0x3], $0x10, s16, s19, $0xb8;
	[tilespmem:$0x19640] =	vst v63  }
0x153: {  	s18 =	simm.s32 $0x61D0;
	s14 =	simm.s32 $0xB630  }
0x154: {  	[spmem:s2] =	stream.indirect.scatter.add.f32 [tilespmem:s14], [sflag:$0x3], $0x10, s18, s19, $0xb8;
	[tilespmem:$0x19640] =	vst v63  }
0x155: {  	s16 =	simm.s32 $0x6220;
	s14 =	simm.s32 $0xBB30  }
0x156: {  	[spmem:s2] =	stream.indirect.scatter.add.f32 [tilespmem:s14], [sflag:$0x3], $0x10, s16, s19, $0xb8;
	[tilespmem:$0x19640] =	vst v63  }
0x157: {  	s18 =	simm.s32 $0x6270;
	s16 =	simm.s32 $0xC030  }
0x158: {  	[spmem:s2] =	stream.indirect.scatter.add.f32 [tilespmem:s16], [sflag:$0x3], $0x10, s18, s19, $0xb8;
	[tilespmem:$0x19640] =	vst v63  }
0x159: {  	s18 =	simm.s32 $0x62C0;
	s16 =	simm.s32 $0xC530  }
0x15a: {  	[spmem:s2] =	stream.indirect.scatter.add.f32 [tilespmem:s16], [sflag:$0x3], $0x10, s18, s19, $0xb8;
	[tilespmem:$0x19640] =	vst v63  }
0x15b: {  	s17 =	simm.s32 $0xCA30;
	s18 =	simm.s32 $0x6310  }
0x15c: {  	[spmem:s2] =	stream.indirect.scatter.add.f32 [tilespmem:s17], [sflag:$0x3], $0x10, s18, s19, $0xb8;
	[tilespmem:$0x19640] =	vst v63  }
0x15d: {  	s17 =	simm.s32 $0x6360;
	s18 =	simm.s32 $0xCF30  }
0x15e: {  	[spmem:s2] =	stream.indirect.scatter.add.f32 [tilespmem:s18], [sflag:$0x3], $0x10, s17, s19, $0xb8;
	[tilespmem:$0x19640] =	vst v63  }
0x15f: {  	s17 =	simm.s32 $0x63B0;
	s18 =	simm.s32 $0xD430  }
0x160: {  	[spmem:s2] =	stream.indirect.scatter.add.f32 [tilespmem:s18], [sflag:$0x3], $0x10, s17, s19, $0xb8;
	[tilespmem:$0x19640] =	vst v63  }
0x161: {  	s17 =	simm.s32 $0x6400;
	s18 =	simm.s32 $0xD930  }
0x162: {  	[spmem:s2] =	stream.indirect.scatter.add.f32 [tilespmem:s18], [sflag:$0x3], $0x10, s17, s19, $0xb8;
	[tilespmem:$0x19640] =	vst v63  }
0x163: {  	s17 =	simm.s32 $0x6450;
	s18 =	simm.s32 $0xDE30  }
0x164: {  	[spmem:s2] =	stream.indirect.scatter.add.f32 [tilespmem:s18], [sflag:$0x3], $0x10, s17, s19, $0xb8;
	[tilespmem:$0x19640] =	vst v63  }
0x165: {  	s17 =	simm.s32 $0x64A0;
	s18 =	simm.s32 $0xE330  }
0x166: {  	[spmem:s2] =	stream.indirect.scatter.add.f32 [tilespmem:s18], [sflag:$0x3], $0x10, s17, s19, $0xb8;
	[tilespmem:$0x19640] =	vst v63  }
0x167: {  	s18 =	simm.s32 $0x64F0;
	s17 =	simm.s32 $0xE830  }
0x168: {  	[spmem:s2] =	stream.indirect.scatter.add.f32 [tilespmem:s17], [sflag:$0x3], $0x10, s18, s19, $0xb8;
	[tilespmem:$0x19640] =	vst v63  }
0x169: {  	s3 =	simm.s32 $0x6540;
	s18 =	simm.s32 $0xED30  }
0x16a: {  	[spmem:s2] =	stream.indirect.scatter.add.f32 [tilespmem:s18], [sflag:$0x3], $0x10, s3, s19, $0xb8;
	[tilespmem:$0x19640] =	vst v63  }
0x16b: {  	_ =	swait.ge [sflag:s31], $0x500  }
0x16c: {  	[sflag:s31] =	ssyncset.done $0x0  }
0x16d: {  	[sflag:s31] =	ssyncadd.s32 $0xFFFFFB00  }
0x16e: {  	_ =	swait.ge [sflag:s31], $0x500  }
0x16f: {  	[sflag:s31] =	ssyncset.done $0x0  }
0x170: {  	[sflag:s31] =	ssyncadd.s32 $0xFFFFFB00  }
0x171: {  	_ =	swait.ge [sflag:s31], $0x500  }
0x172: {  	[sflag:s31] =	ssyncset.done $0x0  }
0x173: {  	[sflag:s31] =	ssyncadd.s32 $0xFFFFFB00  }
0x174: {  	_ =	swait.ge [sflag:s31], $0x500  }
0x175: {  	[sflag:s31] =	ssyncset.done $0x0  }
0x176: {  	[sflag:s31] =	ssyncadd.s32 $0xFFFFFB00  }
0x177: {  	_ =	swait.ge [sflag:s31], $0x500  }
0x178: {  	[sflag:s31] =	ssyncset.done $0x0  }
0x179: {  	[sflag:s31] =	ssyncadd.s32 $0xFFFFFB00  }
0x17a: {  	_ =	swait.ge [sflag:s31], $0x500  }
0x17b: {  	[sflag:s31] =	ssyncset.done $0x0  }
0x17c: {  	[sflag:s31] =	ssyncadd.s32 $0xFFFFFB00  }
0x17d: {  	_ =	swait.ge [sflag:s31], $0x500  }
0x17e: {  	[sflag:s31] =	ssyncset.done $0x0  }
0x17f: {  	[sflag:s31] =	ssyncadd.s32 $0xFFFFFB00  }
0x180: {  	_ =	swait.ge [sflag:s31], $0x500  }
0x181: {  	[sflag:s31] =	ssyncset.done $0x0  }
0x182: {  	[sflag:s31] =	ssyncadd.s32 $0xFFFFFB00  }
0x183: {  	_ =	swait.ge [sflag:s31], $0x500  }
0x184: {  	[sflag:s31] =	ssyncset.done $0x0  }
0x185: {  	[sflag:s31] =	ssyncadd.s32 $0xFFFFFB00  }
0x186: {  	_ =	swait.ge [sflag:s31], $0x500  }
0x187: {  	[sflag:s31] =	ssyncset.done $0x0  }
0x188: {  	[sflag:s31] =	ssyncadd.s32 $0xFFFFFB00  }
0x189: {  	_ =	swait.ge [sflag:s31], $0x500  }
0x18a: {  	[sflag:s31] =	ssyncset.done $0x0  }
0x18b: {  	[sflag:s31] =	ssyncadd.s32 $0xFFFFFB00  }
0x18c: {  	_ =	swait.ge [sflag:s31], $0x500  }
0x18d: {  	[sflag:s31] =	ssyncset.done $0x0  }
0x18e: {  	[sflag:s31] =	ssyncadd.s32 $0xFFFFFB00  }
0x18f: {  	_ =	swait.ge [sflag:s31], $0x500  }
0x190: {  	[sflag:s31] =	ssyncset.done $0x0  }
0x191: {  	[sflag:s31] =	ssyncadd.s32 $0xFFFFFB00  }
0x192: {  	_ =	swait.ge [sflag:s31], $0x500  }
0x193: {  	[sflag:s31] =	ssyncset.done $0x0  }
0x194: {  	[sflag:s31] =	ssyncadd.s32 $0xFFFFFB00  }
0x195: {  	_ =	swait.ge [sflag:s31], $0x500  }
0x196: {  	[sflag:s31] =	ssyncset.done $0x0  }
0x197: {  	[sflag:s31] =	ssyncadd.s32 $0xFFFFFB00  }
0x198: {  	_ =	swait.ge [sflag:s31], $0x500  }
0x199: {  	[sflag:s31] =	ssyncset.done $0x0  }
0x19a: {  	[sflag:s31] =	ssyncadd.s32 $0xFFFFFB00  }
0x19b: {  	_ =	swait.ge [sflag:s31], $0x500  }
0x19c: {  	[sflag:s31] =	ssyncset.done $0x0  }
0x19d: {  	[sflag:s31] =	ssyncadd.s32 $0xFFFFFB00  }
0x19e: {  	_ =	swait.ge [sflag:s31], $0x500  }
0x19f: {  	[sflag:s31] =	ssyncset.done $0x0  }
0x1a0: {  	[sflag:s31] =	ssyncadd.s32 $0xFFFFFB00  }
0x1a1: {  	_ =	swait.ge [sflag:s31], $0x500  }
0x1a2: {  	[sflag:s31] =	ssyncset.done $0x0  }
0x1a3: {  	[sflag:s31] =	ssyncadd.s32 $0xFFFFFB00  }
0x1a4: {  	_ =	swait.ge [sflag:s31], $0x500  }
0x1a5: {  	[sflag:s31] =	ssyncset.done $0x0  }
0x1a6: {  	[sflag:s31] =	ssyncadd.s32 $0xFFFFFB00  }
0x1a7: {  	_ =	swait.ge [sflag:s31], $0x500  }
0x1a8: {  	[sflag:s31] =	ssyncset.done $0x0  }
0x1a9: {  	[sflag:s31] =	ssyncadd.s32 $0xFFFFFB00  }
0x1aa: {  	_ =	swait.ge [sflag:s31], $0x500  }
0x1ab: {  	[sflag:s31] =	ssyncset.done $0x0  }
0x1ac: {  	[sflag:s31] =	ssyncadd.s32 $0xFFFFFB00  }
0x1ad: {  	_ =	swait.ge [sflag:s31], $0x500  }
0x1ae: {  	[sflag:s31] =	ssyncset.done $0x0  }
0x1af: {  	[sflag:s31] =	ssyncadd.s32 $0xFFFFFB00  }
0x1b0: {  	_ =	swait.ge [sflag:s31], $0x500  }
0x1b1: {  	[sflag:s31] =	ssyncset.done $0x0  }
0x1b2: {  	[sflag:s31] =	ssyncadd.s32 $0xFFFFFB00  }
0x1b3: {  	_ =	swait.ge [sflag:s31], $0x500  }
0x1b4: {  	[sflag:s31] =	ssyncset.done $0x0  }
0x1b5: {  	s3 =	simm.s32 $0x1F40;
	[sflag:s31] =	ssyncadd.s32 $0xFFFFFB00  }
0x1b6: {  	[tilespmem:s1], [sflag:$0x1] =	stream.indirect.gather [hbm4b:s0+s15], $0x10, s3, s15, $0xb8;
	[tilespmem:$0x19640] =	vst v63  }
0x1b7: {  	_ =	swait.ge [sflag:s13], $0x7D00  }
0x1b8: {  	[sflag:s13] =	ssyncset.done $0x0  }
0x1b9: {  	[sflag:s13] =	ssyncadd.s32 $0xFFFF8300;
	s13 =	simm.s32 $0x6590  }
0x1ba: {  	[spmem:s2] =	stream.indirect.scatter.add.f32 [tilespmem:s11], [sflag:$0x3], $0x10, s13, s19, $0xb8;
	[tilespmem:$0x19640] =	vst v63  }
0x1bb: {  	s3 =	simm.s32 $0x65E0;
	s13 =	simm.s32 $0xF730  }
0x1bc: {  	[spmem:s2] =	stream.indirect.scatter.add.f32 [tilespmem:s13], [sflag:$0x3], $0x10, s3, s19, $0xb8;
	[tilespmem:$0x19640] =	vst v63  }
0x1bd: {  	s3 =	simm.s32 $0x6630;
	s13 =	simm.s32 $0xFC30  }
0x1be: {  	[spmem:s2] =	stream.indirect.scatter.add.f32 [tilespmem:s13], [sflag:$0x3], $0x10, s3, s19, $0xb8;
	[tilespmem:$0x19640] =	vst v63  }
0x1bf: {  	s3 =	simm.s32 $0x6680;
	s13 =	simm.s32 $0x10130  }
0x1c0: {  	[spmem:s2] =	stream.indirect.scatter.add.f32 [tilespmem:s13], [sflag:$0x3], $0x10, s3, s19, $0xb8;
	[tilespmem:$0x19640] =	vst v63  }
0x1c1: {  	s3 =	simm.s32 $0x66D0;
	s13 =	simm.s32 $0x10630  }
0x1c2: {  	[spmem:s2] =	stream.indirect.scatter.add.f32 [tilespmem:s13], [sflag:$0x3], $0x10, s3, s19, $0xb8;
	[tilespmem:$0x19640] =	vst v63  }
0x1c3: {  	s13 =	simm.s32 $0x6720  }
0x1c4: {  	[spmem:s2] =	stream.indirect.scatter.add.f32 [tilespmem:s21], [sflag:$0x3], $0x10, s13, s19, $0xb8;
	[tilespmem:$0x19640] =	vst v63  }
0x1c5: {  	s3 =	simm.s32 $0x6770  }
0x1c6: {  	[spmem:s2] =	stream.indirect.scatter.add.f32 [tilespmem:s22], [sflag:$0x3], $0x10, s3, s19, $0xb8;
	[tilespmem:$0x19640] =	vst v63  }
0x1c7: {  	s13 =	simm.s32 $0x67C0  }
0x1c8: {  	[spmem:s2] =	stream.indirect.scatter.add.f32 [tilespmem:s23], [sflag:$0x3], $0x10, s13, s19, $0xb8;
	[tilespmem:$0x19640] =	vst v63  }
0x1c9: {  	s3 =	simm.s32 $0x6810  }
0x1ca: {  	[spmem:s2] =	stream.indirect.scatter.add.f32 [tilespmem:s24], [sflag:$0x3], $0x10, s3, s19, $0xb8;
	[tilespmem:$0x19640] =	vst v63  }
0x1cb: {  	s13 =	simm.s32 $0x6860  }
0x1cc: {  	[spmem:s2] =	stream.indirect.scatter.add.f32 [tilespmem:s26], [sflag:$0x3], $0x10, s13, s19, $0xb8;
	[tilespmem:$0x19640] =	vst v63  }
0x1cd: {  	s3 =	simm.s32 $0x68B0  }
0x1ce: {  	[spmem:s2] =	stream.indirect.scatter.add.f32 [tilespmem:s28], [sflag:$0x3], $0x10, s3, s19, $0xb8;
	[tilespmem:$0x19640] =	vst v63  }
0x1cf: {  	s13 =	simm.s32 $0x6900  }
0x1d0: {  	[spmem:s2] =	stream.indirect.scatter.add.f32 [tilespmem:s29], [sflag:$0x3], $0x10, s13, s19, $0xb8;
	[tilespmem:$0x19640] =	vst v63  }
0x1d1: {  	s3 =	simm.s32 $0x6950;
	s13 =	simm.s32 $0x12E30  }
0x1d2: {  	[spmem:s2] =	stream.indirect.scatter.add.f32 [tilespmem:s13], [sflag:$0x3], $0x10, s3, s19, $0xb8;
	[tilespmem:$0x19640] =	vst v63  }
0x1d3: {  	s3 =	simm.s32 $0x69A0;
	s13 =	simm.s32 $0x13330  }
0x1d4: {  	[spmem:s2] =	stream.indirect.scatter.add.f32 [tilespmem:s13], [sflag:$0x3], $0x10, s3, s19, $0xb8;
	[tilespmem:$0x19640] =	vst v63  }
0x1d5: {  	s3 =	simm.s32 $0x69F0;
	s13 =	simm.s32 $0x13830  }
0x1d6: {  	[spmem:s2] =	stream.indirect.scatter.add.f32 [tilespmem:s13], [sflag:$0x3], $0x10, s3, s19, $0xb8;
	[tilespmem:$0x19640] =	vst v63  }
0x1d7: {  	s3 =	simm.s32 $0x6A40;
	s13 =	simm.s32 $0x13D30  }
0x1d8: {  	[spmem:s2] =	stream.indirect.scatter.add.f32 [tilespmem:s13], [sflag:$0x3], $0x10, s3, s19, $0xb8;
	[tilespmem:$0x19640] =	vst v63  }
0x1d9: {  	s3 =	simm.s32 $0x6A90;
	s13 =	simm.s32 $0x14230  }
0x1da: {  	[spmem:s2] =	stream.indirect.scatter.add.f32 [tilespmem:s13], [sflag:$0x3], $0x10, s3, s19, $0xb8;
	[tilespmem:$0x19640] =	vst v63  }
0x1db: {  	s3 =	simm.s32 $0x6AE0;
	s13 =	simm.s32 $0x14730  }
0x1dc: {  	[spmem:s2] =	stream.indirect.scatter.add.f32 [tilespmem:s13], [sflag:$0x3], $0x10, s3, s19, $0xb8;
	[tilespmem:$0x19640] =	vst v63  }
0x1dd: {  	s3 =	simm.s32 $0x6B30  }
0x1de: {  	[spmem:s2] =	stream.indirect.scatter.add.f32 [tilespmem:s25], [sflag:$0x3], $0x10, s3, s19, $0xb8;
	[tilespmem:$0x19640] =	vst v63  }
0x1df: {  	s13 =	simm.s32 $0x6B80  }
0x1e0: {  	[spmem:s2] =	stream.indirect.scatter.add.f32 [tilespmem:s30], [sflag:$0x3], $0x10, s13, s19, $0xb8;
	[tilespmem:$0x19640] =	vst v63  }
0x1e1: {  	s25 =	simm.s32 $0x6BD0;
	s30 =	simm.s32 $0x15630  }
0x1e2: {  	[spmem:s2] =	stream.indirect.scatter.add.f32 [tilespmem:s30], [sflag:$0x3], $0x10, s25, s19, $0xb8;
	[tilespmem:$0x19640] =	vst v63  }
0x1e3: {  	s3 =	simm.s32 $0x6C20;
	s13 =	simm.s32 $0x15B30  }
0x1e4: {  	[spmem:s2] =	stream.indirect.scatter.add.f32 [tilespmem:s13], [sflag:$0x3], $0x10, s3, s19, $0xb8;
	[tilespmem:$0x19640] =	vst v63  }
0x1e5: {  	s25 =	simm.s32 $0x6C70;
	s30 =	simm.s32 $0x16030  }
0x1e6: {  	[spmem:s2] =	stream.indirect.scatter.add.f32 [tilespmem:s30], [sflag:$0x3], $0x10, s25, s19, $0xb8;
	[tilespmem:$0x19640] =	vst v63  }
0x1e7: {  	s3 =	simm.s32 $0x6CC0;
	s13 =	simm.s32 $0x16530  }
0x1e8: {  	[spmem:s2] =	stream.indirect.scatter.add.f32 [tilespmem:s13], [sflag:$0x3], $0x10, s3, s19, $0xb8;
	[tilespmem:$0x19640] =	vst v63  }
0x1e9: {  	s25 =	simm.s32 $0x6D10;
	s30 =	simm.s32 $0x16A30  }
0x1ea: {  	[spmem:s2] =	stream.indirect.scatter.add.f32 [tilespmem:s30], [sflag:$0x3], $0x10, s25, s19, $0xb8;
	[tilespmem:$0x19640] =	vst v63  }
0x1eb: {  	_ =	swait.ge [sflag:s31], $0x500  }
0x1ec: {  	[sflag:s31] =	ssyncset.done $0x0  }
0x1ed: {  	[sflag:s31] =	ssyncadd.s32 $0xFFFFFB00  }
0x1ee: {  	_ =	swait.ge [sflag:s31], $0x500  }
0x1ef: {  	[sflag:s31] =	ssyncset.done $0x0  }
0x1f0: {  	[sflag:s31] =	ssyncadd.s32 $0xFFFFFB00  }
0x1f1: {  	_ =	swait.ge [sflag:s31], $0x500  }
0x1f2: {  	[sflag:s31] =	ssyncset.done $0x0  }
0x1f3: {  	[sflag:s31] =	ssyncadd.s32 $0xFFFFFB00  }
0x1f4: {  	_ =	swait.ge [sflag:s31], $0x500  }
0x1f5: {  	[sflag:s31] =	ssyncset.done $0x0  }
0x1f6: {  	[sflag:s31] =	ssyncadd.s32 $0xFFFFFB00  }
0x1f7: {  	_ =	swait.ge [sflag:s31], $0x500  }
0x1f8: {  	[sflag:s31] =	ssyncset.done $0x0  }
0x1f9: {  	[sflag:s31] =	ssyncadd.s32 $0xFFFFFB00  }
0x1fa: {  	_ =	swait.ge [sflag:s31], $0x500  }
0x1fb: {  	[sflag:s31] =	ssyncset.done $0x0  }
0x1fc: {  	[sflag:s31] =	ssyncadd.s32 $0xFFFFFB00  }
0x1fd: {  	_ =	swait.ge [sflag:s31], $0x500  }
0x1fe: {  	[sflag:s31] =	ssyncset.done $0x0  }
0x1ff: {  	[sflag:s31] =	ssyncadd.s32 $0xFFFFFB00  }
0x200: {  	_ =	swait.ge [sflag:s31], $0x500  }
0x201: {  	[sflag:s31] =	ssyncset.done $0x0  }
0x202: {  	[sflag:s31] =	ssyncadd.s32 $0xFFFFFB00  }
0x203: {  	_ =	swait.ge [sflag:s31], $0x500  }
0x204: {  	[sflag:s31] =	ssyncset.done $0x0  }
0x205: {  	[sflag:s31] =	ssyncadd.s32 $0xFFFFFB00  }
0x206: {  	_ =	swait.ge [sflag:s31], $0x500  }
0x207: {  	[sflag:s31] =	ssyncset.done $0x0  }
0x208: {  	[sflag:s31] =	ssyncadd.s32 $0xFFFFFB00  }
0x209: {  	_ =	swait.ge [sflag:s31], $0x500  }
0x20a: {  	[sflag:s31] =	ssyncset.done $0x0  }
0x20b: {  	[sflag:s31] =	ssyncadd.s32 $0xFFFFFB00  }
0x20c: {  	_ =	swait.ge [sflag:s31], $0x500  }
0x20d: {  	[sflag:s31] =	ssyncset.done $0x0  }
0x20e: {  	[sflag:s31] =	ssyncadd.s32 $0xFFFFFB00  }
0x20f: {  	_ =	swait.ge [sflag:s31], $0x500  }
0x210: {  	[sflag:s31] =	ssyncset.done $0x0  }
0x211: {  	[sflag:s31] =	ssyncadd.s32 $0xFFFFFB00  }
0x212: {  	_ =	swait.ge [sflag:s31], $0x500  }
0x213: {  	[sflag:s31] =	ssyncset.done $0x0  }
0x214: {  	[sflag:s31] =	ssyncadd.s32 $0xFFFFFB00  }
0x215: {  	_ =	swait.ge [sflag:s31], $0x500  }
0x216: {  	[sflag:s31] =	ssyncset.done $0x0  }
0x217: {  	[sflag:s31] =	ssyncadd.s32 $0xFFFFFB00  }
0x218: {  	_ =	swait.ge [sflag:s31], $0x500  }
0x219: {  	[sflag:s31] =	ssyncset.done $0x0  }
0x21a: {  	[sflag:s31] =	ssyncadd.s32 $0xFFFFFB00  }
0x21b: {  	_ =	swait.ge [sflag:s31], $0x500  }
0x21c: {  	[sflag:s31] =	ssyncset.done $0x0  }
0x21d: {  	[sflag:s31] =	ssyncadd.s32 $0xFFFFFB00  }
0x21e: {  	_ =	swait.ge [sflag:s31], $0x500  }
0x21f: {  	[sflag:s31] =	ssyncset.done $0x0  }
0x220: {  	[sflag:s31] =	ssyncadd.s32 $0xFFFFFB00  }
0x221: {  	_ =	swait.ge [sflag:s31], $0x500  }
0x222: {  	[sflag:s31] =	ssyncset.done $0x0  }
0x223: {  	[sflag:s31] =	ssyncadd.s32 $0xFFFFFB00  }
0x224: {  	_ =	swait.ge [sflag:s31], $0x500  }
0x225: {  	[sflag:s31] =	ssyncset.done $0x0  }
0x226: {  	[sflag:s31] =	ssyncadd.s32 $0xFFFFFB00  }
0x227: {  	_ =	swait.ge [sflag:s31], $0x500  }
0x228: {  	[sflag:s31] =	ssyncset.done $0x0  }
0x229: {  	[sflag:s31] =	ssyncadd.s32 $0xFFFFFB00  }
0x22a: {  	_ =	swait.ge [sflag:s31], $0x500  }
0x22b: {  	[sflag:s31] =	ssyncset.done $0x0  }
0x22c: {  	[sflag:s31] =	ssyncadd.s32 $0xFFFFFB00  }
0x22d: {  	_ =	swait.ge [sflag:s31], $0x500  }
0x22e: {  	[sflag:s31] =	ssyncset.done $0x0  }
0x22f: {  	[sflag:s31] =	ssyncadd.s32 $0xFFFFFB00  }
0x230: {  	_ =	swait.ge [sflag:s31], $0x500  }
0x231: {  	[sflag:s31] =	ssyncset.done $0x0  }
0x232: {  	[sflag:s31] =	ssyncadd.s32 $0xFFFFFB00  }
0x233: {  	_ =	swait.ge [sflag:s31], $0x500  }
0x234: {  	[sflag:s31] =	ssyncset.done $0x0  }
0x235: {  	[sflag:s31] =	ssyncadd.s32 $0xFFFFFB00  }
0x236: {  	_ =	swait.ge [sflag:s4], $0x7D00  }
0x237: {  	[sflag:s4] =	ssyncset.done $0x0  }
0x238: {  	s13 =	simm.s32 $0x6D60;
	[sflag:s4] =	ssyncadd.s32 $0xFFFF8300  }
0x239: {  	[spmem:s2] =	stream.indirect.scatter.add.f32 [tilespmem:s1], [sflag:$0x3], $0x10, s13, s19, $0xb8;
	[tilespmem:$0x19640] =	vst v63  }
0x23a: {  	s25 =	simm.s32 $0x6DB0;
	s30 =	simm.s32 $0x7A30  }
0x23b: {  	[spmem:s2] =	stream.indirect.scatter.add.f32 [tilespmem:s30], [sflag:$0x3], $0x10, s25, s19, $0xb8;
	[tilespmem:$0x19640] =	vst v63  }
0x23c: {  	s1 =	simm.s32 $0x6E00  }
0x23d: {  	[spmem:s2] =	stream.indirect.scatter.add.f32 [tilespmem:s5], [sflag:$0x3], $0x10, s1, s19, $0xb8;
	[tilespmem:$0x19640] =	vst v63  }
0x23e: {  	s3 =	simm.s32 $0x6E50;
	s5 =	simm.s32 $0x8430  }
0x23f: {  	[spmem:s2] =	stream.indirect.scatter.add.f32 [tilespmem:s5], [sflag:$0x3], $0x10, s3, s19, $0xb8;
	[tilespmem:$0x19640] =	vst v63  }
0x240: {  	s13 =	simm.s32 $0x6EA0  }
0x241: {  	[spmem:s2] =	stream.indirect.scatter.add.f32 [tilespmem:s6], [sflag:$0x3], $0x10, s13, s19, $0xb8;
	[tilespmem:$0x19640] =	vst v63  }
0x242: {  	s25 =	simm.s32 $0x6EF0;
	s30 =	simm.s32 $0x8E30  }
0x243: {  	[spmem:s2] =	stream.indirect.scatter.add.f32 [tilespmem:s30], [sflag:$0x3], $0x10, s25, s19, $0xb8;
	[tilespmem:$0x19640] =	vst v63  }
0x244: {  	s3 =	simm.s32 $0x6F40  }
0x245: {  	[spmem:s2] =	stream.indirect.scatter.add.f32 [tilespmem:s7], [sflag:$0x3], $0x10, s3, s19, $0xb8;
	[tilespmem:$0x19640] =	vst v63  }
0x246: {  	s5 =	simm.s32 $0x6F90;
	s6 =	simm.s32 $0x9830  }
0x247: {  	[spmem:s2] =	stream.indirect.scatter.add.f32 [tilespmem:s6], [sflag:$0x3], $0x10, s5, s19, $0xb8;
	[tilespmem:$0x19640] =	vst v63  }
0x248: {  	s7 =	simm.s32 $0x6FE0  }
0x249: {  	[spmem:s2] =	stream.indirect.scatter.add.f32 [tilespmem:s8], [sflag:$0x3], $0x10, s7, s19, $0xb8;
	[tilespmem:$0x19640] =	vst v63  }
0x24a: {  	s13 =	simm.s32 $0x7030;
	s25 =	simm.s32 $0xA230  }
0x24b: {  	[spmem:s2] =	stream.indirect.scatter.add.f32 [tilespmem:s25], [sflag:$0x3], $0x10, s13, s19, $0xb8;
	[tilespmem:$0x19640] =	vst v63  }
0x24c: {  	s30 =	simm.s32 $0x7080  }
0x24d: {  	[spmem:s2] =	stream.indirect.scatter.add.f32 [tilespmem:s9], [sflag:$0x3], $0x10, s30, s19, $0xb8;
	[tilespmem:$0x19640] =	vst v63  }
0x24e: {  	s1 =	simm.s32 $0x70D0;
	s3 =	simm.s32 $0xAC30  }
0x24f: {  	[spmem:s2] =	stream.indirect.scatter.add.f32 [tilespmem:s3], [sflag:$0x3], $0x10, s1, s19, $0xb8;
	[tilespmem:$0x19640] =	vst v63  }
0x250: {  	s5 =	simm.s32 $0x7120  }
0x251: {  	[spmem:s2] =	stream.indirect.scatter.add.f32 [tilespmem:s10], [sflag:$0x3], $0x10, s5, s19, $0xb8;
	[tilespmem:$0x19640] =	vst v63  }
0x252: {  	s6 =	simm.s32 $0x7170;
	s7 =	simm.s32 $0xB630  }
0x253: {  	[spmem:s2] =	stream.indirect.scatter.add.f32 [tilespmem:s7], [sflag:$0x3], $0x10, s6, s19, $0xb8;
	[tilespmem:$0x19640] =	vst v63  }
0x254: {  	s8 =	simm.s32 $0x71C0  }
0x255: {  	[spmem:s2] =	stream.indirect.scatter.add.f32 [tilespmem:s14], [sflag:$0x3], $0x10, s8, s19, $0xb8;
	[tilespmem:$0x19640] =	vst v63  }
0x256: {  	s9 =	simm.s32 $0x7210;
	s10 =	simm.s32 $0xC030  }
0x257: {  	[spmem:s2] =	stream.indirect.scatter.add.f32 [tilespmem:s10], [sflag:$0x3], $0x10, s9, s19, $0xb8;
	[tilespmem:$0x19640] =	vst v63  }
0x258: {  	s13 =	simm.s32 $0x7260  }
0x259: {  	[spmem:s2] =	stream.indirect.scatter.add.f32 [tilespmem:s16], [sflag:$0x3], $0x10, s13, s19, $0xb8;
	[tilespmem:$0x19640] =	vst v63  }
0x25a: {  	s14 =	simm.s32 $0x72B0;
	s16 =	simm.s32 $0xCA30  }
0x25b: {  	[spmem:s2] =	stream.indirect.scatter.add.f32 [tilespmem:s16], [sflag:$0x3], $0x10, s14, s19, $0xb8;
	[tilespmem:$0x19640] =	vst v63  }
0x25c: {  	s25 =	simm.s32 $0x7300;
	s30 =	simm.s32 $0xCF30  }
0x25d: {  	[spmem:s2] =	stream.indirect.scatter.add.f32 [tilespmem:s30], [sflag:$0x3], $0x10, s25, s19, $0xb8;
	[tilespmem:$0x19640] =	vst v63  }
0x25e: {  	s5 =	simm.s32 $0x7350;
	s6 =	simm.s32 $0xD430  }
0x25f: {  	[spmem:s2] =	stream.indirect.scatter.add.f32 [tilespmem:s6], [sflag:$0x3], $0x10, s5, s19, $0xb8;
	[tilespmem:$0x19640] =	vst v63  }
0x260: {  	s7 =	simm.s32 $0x73A0;
	s8 =	simm.s32 $0xD930  }
0x261: {  	[spmem:s2] =	stream.indirect.scatter.add.f32 [tilespmem:s8], [sflag:$0x3], $0x10, s7, s19, $0xb8;
	[tilespmem:$0x19640] =	vst v63  }
0x262: {  	s9 =	simm.s32 $0x73F0;
	s10 =	simm.s32 $0xDE30  }
0x263: {  	[spmem:s2] =	stream.indirect.scatter.add.f32 [tilespmem:s10], [sflag:$0x3], $0x10, s9, s19, $0xb8;
	[tilespmem:$0x19640] =	vst v63  }
0x264: {  	s13 =	simm.s32 $0x7440;
	s14 =	simm.s32 $0xE330  }
0x265: {  	[spmem:s2] =	stream.indirect.scatter.add.f32 [tilespmem:s14], [sflag:$0x3], $0x10, s13, s19, $0xb8;
	[tilespmem:$0x19640] =	vst v63  }
0x266: {  	s16 =	simm.s32 $0x7490  }
0x267: {  	[spmem:s2] =	stream.indirect.scatter.add.f32 [tilespmem:s17], [sflag:$0x3], $0x10, s16, s19, $0xb8;
	[tilespmem:$0x19640] =	vst v63  }
0x268: {  	s18 =	simm.s32 $0xED30;
	s17 =	simm.s32 $0x74E0  }
0x269: {  	[spmem:s2] =	stream.indirect.scatter.add.f32 [tilespmem:s18], [sflag:$0x3], $0x10, s17, s19, $0xb8;
	[tilespmem:$0x19640] =	vst v63  }
0x26a: {  	_ =	swait.ge [sflag:s31], $0x500  }
0x26b: {  	[sflag:s31] =	ssyncset.done $0x0  }
0x26c: {  	[sflag:s31] =	ssyncadd.s32 $0xFFFFFB00  }
0x26d: {  	_ =	swait.ge [sflag:s31], $0x500  }
0x26e: {  	[sflag:s31] =	ssyncset.done $0x0  }
0x26f: {  	[sflag:s31] =	ssyncadd.s32 $0xFFFFFB00  }
0x270: {  	_ =	swait.ge [sflag:s31], $0x500  }
0x271: {  	[sflag:s31] =	ssyncset.done $0x0  }
0x272: {  	[sflag:s31] =	ssyncadd.s32 $0xFFFFFB00  }
0x273: {  	_ =	swait.ge [sflag:s31], $0x500  }
0x274: {  	[sflag:s31] =	ssyncset.done $0x0  }
0x275: {  	[sflag:s31] =	ssyncadd.s32 $0xFFFFFB00  }
0x276: {  	_ =	swait.ge [sflag:s31], $0x500  }
0x277: {  	[sflag:s31] =	ssyncset.done $0x0  }
0x278: {  	[sflag:s31] =	ssyncadd.s32 $0xFFFFFB00  }
0x279: {  	_ =	swait.ge [sflag:s31], $0x500  }
0x27a: {  	[sflag:s31] =	ssyncset.done $0x0  }
0x27b: {  	[sflag:s31] =	ssyncadd.s32 $0xFFFFFB00  }
0x27c: {  	_ =	swait.ge [sflag:s31], $0x500  }
0x27d: {  	[sflag:s31] =	ssyncset.done $0x0  }
0x27e: {  	[sflag:s31] =	ssyncadd.s32 $0xFFFFFB00  }
0x27f: {  	_ =	swait.ge [sflag:s31], $0x500  }
0x280: {  	[sflag:s31] =	ssyncset.done $0x0  }
0x281: {  	[sflag:s31] =	ssyncadd.s32 $0xFFFFFB00  }
0x282: {  	_ =	swait.ge [sflag:s31], $0x500  }
0x283: {  	[sflag:s31] =	ssyncset.done $0x0  }
0x284: {  	[sflag:s31] =	ssyncadd.s32 $0xFFFFFB00  }
0x285: {  	_ =	swait.ge [sflag:s31], $0x500  }
0x286: {  	[sflag:s31] =	ssyncset.done $0x0  }
0x287: {  	[sflag:s31] =	ssyncadd.s32 $0xFFFFFB00  }
0x288: {  	_ =	swait.ge [sflag:s31], $0x500  }
0x289: {  	[sflag:s31] =	ssyncset.done $0x0  }
0x28a: {  	[sflag:s31] =	ssyncadd.s32 $0xFFFFFB00  }
0x28b: {  	_ =	swait.ge [sflag:s31], $0x500  }
0x28c: {  	[sflag:s31] =	ssyncset.done $0x0  }
0x28d: {  	[sflag:s31] =	ssyncadd.s32 $0xFFFFFB00  }
0x28e: {  	_ =	swait.ge [sflag:s31], $0x500  }
0x28f: {  	[sflag:s31] =	ssyncset.done $0x0  }
0x290: {  	[sflag:s31] =	ssyncadd.s32 $0xFFFFFB00  }
0x291: {  	_ =	swait.ge [sflag:s31], $0x500  }
0x292: {  	[sflag:s31] =	ssyncset.done $0x0  }
0x293: {  	[sflag:s31] =	ssyncadd.s32 $0xFFFFFB00  }
0x294: {  	_ =	swait.ge [sflag:s31], $0x500  }
0x295: {  	[sflag:s31] =	ssyncset.done $0x0  }
0x296: {  	[sflag:s31] =	ssyncadd.s32 $0xFFFFFB00  }
0x297: {  	_ =	swait.ge [sflag:s31], $0x500  }
0x298: {  	[sflag:s31] =	ssyncset.done $0x0  }
0x299: {  	[sflag:s31] =	ssyncadd.s32 $0xFFFFFB00  }
0x29a: {  	_ =	swait.ge [sflag:s31], $0x500  }
0x29b: {  	[sflag:s31] =	ssyncset.done $0x0  }
0x29c: {  	[sflag:s31] =	ssyncadd.s32 $0xFFFFFB00  }
0x29d: {  	_ =	swait.ge [sflag:s31], $0x500  }
0x29e: {  	[sflag:s31] =	ssyncset.done $0x0  }
0x29f: {  	[sflag:s31] =	ssyncadd.s32 $0xFFFFFB00  }
0x2a0: {  	_ =	swait.ge [sflag:s31], $0x500  }
0x2a1: {  	[sflag:s31] =	ssyncset.done $0x0  }
0x2a2: {  	[sflag:s31] =	ssyncadd.s32 $0xFFFFFB00  }
0x2a3: {  	_ =	swait.ge [sflag:s31], $0x500  }
0x2a4: {  	[sflag:s31] =	ssyncset.done $0x0  }
0x2a5: {  	[sflag:s31] =	ssyncadd.s32 $0xFFFFFB00  }
0x2a6: {  	_ =	swait.ge [sflag:s31], $0x500  }
0x2a7: {  	[sflag:s31] =	ssyncset.done $0x0  }
0x2a8: {  	[sflag:s31] =	ssyncadd.s32 $0xFFFFFB00  }
0x2a9: {  	_ =	swait.ge [sflag:s31], $0x500  }
0x2aa: {  	[sflag:s31] =	ssyncset.done $0x0  }
0x2ab: {  	[sflag:s31] =	ssyncadd.s32 $0xFFFFFB00  }
0x2ac: {  	_ =	swait.ge [sflag:s31], $0x500  }
0x2ad: {  	[sflag:s31] =	ssyncset.done $0x0  }
0x2ae: {  	[sflag:s31] =	ssyncadd.s32 $0xFFFFFB00  }
0x2af: {  	_ =	swait.ge [sflag:s31], $0x500  }
0x2b0: {  	[sflag:s31] =	ssyncset.done $0x0  }
0x2b1: {  	[sflag:s31] =	ssyncadd.s32 $0xFFFFFB00  }
0x2b2: {  	_ =	swait.ge [sflag:s31], $0x500  }
0x2b3: {  	[sflag:s31] =	ssyncset.done $0x0  }
0x2b4: {  	[sflag:s31] =	ssyncadd.s32 $0xFFFFFB00  }
0x2b5: {  	[bflag:$0x0] =	sbarrier.arrive $0xFFFF  }
0x2b6: {  	s25 =	rddreg [dreg:$0x9]  }
0x2b7: {  	s6 =	rddreg [dreg:$0xb]  }
0x2b8: {  	s1 =	rddreg [dreg:$0xa]  }
0x2b9: {  	[hbm:s25], [sflag:s6] =	dma.local [spmem:s1], $0x4E2  }
0x2ba: {  	_ =	swait.ge [sflag:s12], $0x4E2  }
0x2bb: {  	s20 =	sadd.s32 $0x1, s20;
	s30 =	rddreg [dreg:$0x8]  }
0x2bc: {  	p0 =	sne.s32 s20, s30  }
.Ltmp1:
0x2bd: {  	_ = 	snop;
	(pc) =	sbr.rel @p0 .LBB2_1-.Ltmp1, $3  }
0x2be: {  	_ =	sdelay $0x1  }
0x2bf: {  	[sflag:s12] =	ssyncset.done $0x0  }
0x2c0: {  	s3 =	simm.s32 $0x0;
	[sflag:s12] =	ssyncadd.s32 $0xFFFFFB1E  }
0x2c1: {  	_ =	sfence.sel $0x180000  }
0x2c2: {  	[bflag:$0x0] =	sbarrier.arrive $0xFFFF  }
0x2c3: {  	_ =	strace $0x90000047  }
0x2c4: {  	s0 =	stileid.u32;
	[bflag:$0x2] =	sbarrier.arrive $0xFFFF  }
0x2c5: {  	p0 =	sne.s32 s0, $0x0;
	s0 =	rddreg [dreg:$0x3]  }
0x2c6: {  	s0 =	sadd.s32 @!p0 $0x100000, s0  }
0x2c7: {  	[sflag:s0] =	ssyncadd.tile.s32 @!p0 $0x1;
	_ =	shalt  }
.Lfunc_end2:
_tile_overlayer_lowered:
.L_overlay_start_2:
0x2c8: {  	(tag) =	ssettag $0x2  }
0x2c9: {  	s0 =	rddreg [dreg:$0x0];
	s2 =	stileid.u32  }
0x2ca: {  	s1 =	rddreg [dreg:$0x1];
	p0 =	sne.s32 s2, $0x0  }
0x2cb: {  	s3 =	rddreg [dreg:$0x2];
	[bflag:$0x3] =	sbarrier.arrive $0xFFFF;
	s2 =	simm.s32 @!p0 $0x1C04  }
0x2cc: {  	[timem:s3], [sflag:s2] =	dma.local @!p0 [hbm:s0], s1  }
0x2cd: {  	s0 =	simm.s32 @!p0 $0x4  }
0x2ce: {  	_ =	swait.ge @!p0 [sflag:s0], s1  }
0x2cf: {  	s1 =	ssub.s32 @!p0 $0x0, s1;
	[sflag:s0] =	ssyncset.done @!p0 $0x0  }
0x2d0: {  	[sflag:s0] =	ssyncadd.s32 @!p0 s1  }
0x2d1: {  	[bflag:$0x3] =	sbarrier.arrive $0xFFFF  }
0x2d2: {  	_ =	shalt  }

</sc_bundles>
